<compile_context>
chip_gen: v7x
topology: tpu7x:2x2x1
jax: 0.10.2.dev20260603
libtpu: 0.0.44.dev20260713+nightly
codegen_flags: <defaults>
</compile_context>

<pallas_src>
import jax
import jax.numpy as jnp
from jax import lax
from jax.experimental import pallas as pl
from jax.experimental.pallas import tpu as pltpu
from jax.experimental.pallas import tpu_sc as plsc

B = 1024
HIST = 200
NEG = 199
D = 128

NW = 32
CHUNK = 128
R = 5
J = 3
UB_W = B * HIST // NW
NG_W = B * NEG // NW
NG_PAD_W = UB_W
N_CH = (UB_W + NG_PAD_W) // CHUNK
UB_CH = UB_W // CHUNK
NG_TAIL = NG_W - (NG_W // CHUNK) * CHUNK
PROF_W = B // NW


def _body(beh_hbm, negp_hbm, beht_hbm, ads_hbm, p0_hbm, p1_hbm,
          seq_hbm, f0_hbm, f1_hbm,
          qa_hbm, ub_hbm, mask_hbm, neg_hbm, nmask_hbm, pc0_hbm, pc1_hbm,
          idx_v, rows0, rows1, rows2, rows3, rows4,
          mbi_v, mbf_v,
          qidx_v, qrow_v, p0idx_v, p0row_v, p1idx_v, p1row_v,
          g0, g1, g2, g3, g4, o0, o1, o2, o3, o4, sq, s0, s1):
    cid = lax.axis_index("c")
    sid = lax.axis_index("s")
    wid = sid * 2 + cid

    rows = [rows0, rows1, rows2, rows3, rows4]
    gsem = [g0, g1, g2, g3, g4]
    osem = [o0, o1, o2, o3, o4]

    pbase = wid * PROF_W
    pltpu.sync_copy(ads_hbm.at[pl.ds(pbase, PROF_W)], qidx_v)
    pltpu.sync_copy(p0_hbm.at[pl.ds(pbase, PROF_W)], p0idx_v)
    pltpu.sync_copy(p1_hbm.at[pl.ds(pbase, PROF_W)], p1idx_v)
    qa_cp = pltpu.async_copy(seq_hbm.at[qidx_v], qrow_v, sq)
    p0_cp = pltpu.async_copy(f0_hbm.at[p0idx_v], p0row_v, s0)
    p1_cp = pltpu.async_copy(f1_hbm.at[p1idx_v], p1row_v, s1)

    pltpu.sync_copy(beh_hbm.at[pl.ds(wid * UB_W, UB_W)],
                    idx_v.at[pl.ds(0, UB_W)])
    pltpu.sync_copy(negp_hbm.at[pl.ds(wid * NG_PAD_W, NG_PAD_W)],
                    idx_v.at[pl.ds(UB_W, NG_PAD_W)])
    pltpu.sync_copy(beht_hbm.at[pl.ds(wid * UB_W, UB_W)], mbi_v)

    def g_start(c, s):
        return pltpu.async_copy(
            seq_hbm.at[idx_v.at[pl.ds(c * CHUNK, CHUNK)]], rows[s], gsem[s])

    def g_wait(c, s):
        pltpu.make_async_copy(
            seq_hbm.at[idx_v.at[pl.ds(c * CHUNK, CHUNK)]],
            rows[s], gsem[s]).wait()

    def drain_out(s, n=CHUNK):
        pltpu.make_async_copy(seq_hbm.at[pl.ds(0, n)],
                              rows[s].at[pl.ds(0, n)], osem[s]).wait()

    def compute_mask(c, ub_region, n=CHUNK):
        for j in range(n // 16):
            if ub_region:
                off = c * CHUNK + j * 16
                v = mbi_v[pl.ds(off, 16)]
                mbf_v[pl.ds(off, 16)] = jnp.where(v > 0, 1.0, 0.0)
            else:
                off = UB_W + (c - UB_CH) * CHUNK + j * 16
                v = idx_v[pl.ds(off, 16)]
                mbf_v[pl.ds(off, 16)] = jnp.where(v > 0, 1.0, 0.0)

    def o_start(c, s, drows, off, n=CHUNK):
        pltpu.async_copy(rows[s].at[pl.ds(0, n)],
                         drows.at[pl.ds(off, n)], osem[s])

    def visit(c, b, drows, off, ub_region, tail=False):
        c2 = c + J
        if not (tail and isinstance(c2, int) and c2 >= N_CH):
            drain_out((b + J) % R)
            g_start(c2, (b + J) % R)
        g_wait(c, b)
        compute_mask(c, ub_region,
                     n=NG_TAIL if isinstance(c, int) and c == N_CH - 1
                     else CHUNK)
        if isinstance(c, int) and c == N_CH - 1:
            o_start(c, b, drows, off, n=NG_TAIL)
        else:
            o_start(c, b, drows, off)

    ub_base = wid * UB_W
    ng_base = wid * NG_W

    for c in range(J):
        g_start(c, c % R)

    for b in range(R):
        c = b
        c2 = c + J
        if c2 >= R:
            drain_out(c2 % R)
        g_start(c2, c2 % R)
        g_wait(c, b)
        compute_mask(c, True)
        o_start(c, b, ub_hbm, ub_base + c * CHUNK)

    def ub_cycle(k, _):
        for b in range(R):
            c = k * R + b
            visit(c, b, ub_hbm, ub_base + c * CHUNK, True)
        return ()
    lax.fori_loop(1, UB_CH // R, ub_cycle, (), unroll=False)

    def ng_cycle(k, _):
        for b in range(R):
            c = k * R + b
            visit(c, b, neg_hbm, ng_base + (c - UB_CH) * CHUNK, False)
        return ()
    lax.fori_loop(UB_CH // R, N_CH // R - 1, ng_cycle, (), unroll=False)

    for b in range(R):
        c = (N_CH // R - 1) * R + b
        visit(c, b, neg_hbm, ng_base + (c - UB_CH) * CHUNK, False, tail=True)

    pltpu.sync_copy(mbf_v.at[pl.ds(0, UB_W)],
                    mask_hbm.at[pl.ds(wid * UB_W, UB_W)])
    pltpu.sync_copy(mbf_v.at[pl.ds(UB_W, NG_W)],
                    nmask_hbm.at[pl.ds(wid * NG_W, NG_W)])

    for b in range(R):
        c = (N_CH // R - 1) * R + b
        drain_out(b, n=NG_TAIL if c == N_CH - 1 else CHUNK)

    qa_cp.wait()
    p0_cp.wait()
    p1_cp.wait()
    pltpu.sync_copy(qrow_v, qa_hbm.at[pl.ds(pbase, PROF_W)])
    pltpu.sync_copy(p0row_v, pc0_hbm.at[pl.ds(pbase, PROF_W)])
    pltpu.sync_copy(p1row_v, pc1_hbm.at[pl.ds(pbase, PROF_W)])


@jax.jit
def _run(beh, negp, beh_t, ads, p0, p1, seq_table, feat_table0, feat_table1):
    mesh = plsc.VectorSubcoreMesh(core_axis_name="c", subcore_axis_name="s")
    f32 = jnp.float32
    kfn = pl.kernel(
        _body,
        mesh=mesh,
        out_type=(
            jax.ShapeDtypeStruct((B, D), f32),
            jax.ShapeDtypeStruct((B * HIST, D), f32),
            jax.ShapeDtypeStruct((B * HIST,), f32),
            jax.ShapeDtypeStruct((B * NEG, D), f32),
            jax.ShapeDtypeStruct((B * NEG,), f32),
            jax.ShapeDtypeStruct((B, D), f32),
            jax.ShapeDtypeStruct((B, D), f32),
        ),
        scratch_types=(
            [pltpu.VMEM((UB_W + NG_PAD_W,), jnp.int32)]
            + [pltpu.VMEM((CHUNK, D), f32) for _ in range(R)]
            + [pltpu.VMEM((UB_W,), jnp.int32),
               pltpu.VMEM((UB_W + NG_W,), f32)]
            + [pltpu.VMEM((PROF_W,), jnp.int32), pltpu.VMEM((PROF_W, D), f32)] * 3
            + [pltpu.SemaphoreType.DMA] * (2 * R + 3)
        ),
    )
    return kfn(beh, negp, beh_t, ads, p0, p1,
               seq_table, feat_table0, feat_table1)


def kernel(x, neg_x, seq_table, feat_table0, feat_table1):
    x = x.astype(jnp.int32)
    neg_x = neg_x.astype(jnp.int32)
    behaviors = x[:, 2:-1]
    beh = behaviors.reshape(-1)
    beh_t = behaviors.T.reshape(-1)
    neg_t = neg_x.T.reshape(-1)
    negp = jnp.pad(neg_t.reshape(NW, NG_W), ((0, 0), (0, NG_PAD_W - NG_W)))
    negp = negp.reshape(-1)
    qa, ub, mask, ng, nmask, pc0, pc1 = _run(
        beh, negp, beh_t, x[:, -1], x[:, 0], x[:, 1],
        seq_table, feat_table0, feat_table1)
    return (
        qa[:, None, :],
        ub.reshape(B, HIST, D),
        mask.reshape(HIST, B).T[:, :, None],
        ng.reshape(NEG, B, D).transpose(1, 0, 2),
        nmask.reshape(NEG, B).T[:, :, None],
        jnp.concatenate([pc0, pc1], axis=1),
    )

# --- scband reference (transcript-rebuilt; emitter-appended) ---
"""Pipeline reference for scband-embedding-layer-6700148981885 (READ-ONLY COPY).

The authoritative reference and input builder live on the scoring server;
editing this copy changes nothing except your own understanding.
"""

import jax, jax.numpy as jnp
import numpy as np

SEQ_SIZE = 100000
SEQ_DIM = 128
FEAT_VOCAB0 = 100000
FEAT_DIM0 = 128
FEAT_VOCAB1 = 100000
FEAT_DIM1 = 128
B = 1024
HIST = 200
NEG = 199


def setup_inputs(seed: int = 0) -> dict:
    key = jax.random.key(seed)
    k0, k1, k2, k3, k4 = jax.random.split(key, 5)
    x = jax.random.randint(k0, (B, 2 + HIST + 1), 0, SEQ_SIZE, dtype=jnp.int32).astype(jnp.int64)
    neg_x = jax.random.randint(k1, (B, NEG), 0, SEQ_SIZE, dtype=jnp.int32).astype(jnp.int64)
    # learned parameters: seq embedding table (seq_size+1 rows, mask_zero row 0) and per-feature tables
    seq_table = jax.random.normal(k2, (SEQ_SIZE + 1, SEQ_DIM), dtype=jnp.float32) * 0.02
    feat_table0 = jax.random.normal(k3, (FEAT_VOCAB0, FEAT_DIM0), dtype=jnp.float32) * 0.02
    feat_table1 = jax.random.normal(k4, (FEAT_VOCAB1, FEAT_DIM1), dtype=jnp.float32) * 0.02
    return {"x": x, "neg_x": neg_x, "seq_table": seq_table, "feat_table0": feat_table0, "feat_table1": feat_table1}


def reference(x, neg_x, seq_table, feat_table0, feat_table1):
    profile = x[:, :2]
    behaviors_x = x[:, 2:-1]
    ads_x = x[:, -1]
    # profile/context feature embeddings, concatenated along feature axis
    profile_context = jnp.concatenate(
        [jnp.take(feat_table0, profile[:, 0], axis=0),
         jnp.take(feat_table1, profile[:, 1], axis=0)], axis=1)
    # ad (query) embedding: (B, 1, D)
    query_ad = jnp.take(seq_table, ads_x, axis=0)[:, None, :]
    # behavior sequence embeddings: (B, HIST, D)
    user_behavior = jnp.take(seq_table, behaviors_x, axis=0)
    mask = (behaviors_x > 0).astype(jnp.float32)[..., None]
    # negative branch
    neg_mask = (neg_x > 0).astype(jnp.float32)[..., None]
    neg_user_behavior = jnp.take(seq_table, neg_x, axis=0)
    return (query_ad, user_behavior, mask, neg_user_behavior, neg_mask, profile_context)

if __name__ == "__main__":
    import jax
    _d = setup_inputs()
    print(jax.jit(kernel)(*tuple(_d.values())))

</pallas_src>

<mosaic_0001>
#map = affine_map<(d0, d1) -> (0)>
#map1 = affine_map<(d0, d1) -> (0, 0)>
module attributes {stable_mosaic.version = 14 : i64} {
  func.func @_body(%arg0: i32, %arg1: i32, %arg2: memref<204800xi32, #tpu.memory_space<hbm>>, %arg3: memref<204800xi32, #tpu.memory_space<hbm>>, %arg4: memref<204800xi32, #tpu.memory_space<hbm>>, %arg5: memref<1024xi32, #tpu.memory_space<hbm>>, %arg6: memref<1024xi32, #tpu.memory_space<hbm>>, %arg7: memref<1024xi32, #tpu.memory_space<hbm>>, %arg8: memref<100001x128xf32, #tpu.memory_space<hbm>>, %arg9: memref<100000x128xf32, #tpu.memory_space<hbm>>, %arg10: memref<100000x128xf32, #tpu.memory_space<hbm>>, %arg11: memref<1024x128xf32, #tpu.memory_space<hbm>>, %arg12: memref<204800x128xf32, #tpu.memory_space<hbm>>, %arg13: memref<204800xf32, #tpu.memory_space<hbm>>, %arg14: memref<203776x128xf32, #tpu.memory_space<hbm>>, %arg15: memref<203776xf32, #tpu.memory_space<hbm>>, %arg16: memref<1024x128xf32, #tpu.memory_space<hbm>>, %arg17: memref<1024x128xf32, #tpu.memory_space<hbm>>, %arg18: memref<12800xi32, #tpu.memory_space<vmem>>, %arg19: memref<128x128xf32, #tpu.memory_space<vmem>>, %arg20: memref<128x128xf32, #tpu.memory_space<vmem>>, %arg21: memref<128x128xf32, #tpu.memory_space<vmem>>, %arg22: memref<128x128xf32, #tpu.memory_space<vmem>>, %arg23: memref<128x128xf32, #tpu.memory_space<vmem>>, %arg24: memref<6400xi32, #tpu.memory_space<vmem>>, %arg25: memref<12768xf32, #tpu.memory_space<vmem>>, %arg26: memref<32xi32, #tpu.memory_space<vmem>>, %arg27: memref<32x128xf32, #tpu.memory_space<vmem>>, %arg28: memref<32xi32, #tpu.memory_space<vmem>>, %arg29: memref<32x128xf32, #tpu.memory_space<vmem>>, %arg30: memref<32xi32, #tpu.memory_space<vmem>>, %arg31: memref<32x128xf32, #tpu.memory_space<vmem>>, %arg32: memref<!tpu.dma_semaphore, #tpu.memory_space<semaphore_mem>>, %arg33: memref<!tpu.dma_semaphore, #tpu.memory_space<semaphore_mem>>, %arg34: memref<!tpu.dma_semaphore, #tpu.memory_space<semaphore_mem>>, %arg35: memref<!tpu.dma_semaphore, #tpu.memory_space<semaphore_mem>>, %arg36: memref<!tpu.dma_semaphore, #tpu.memory_space<semaphore_mem>>, %arg37: memref<!tpu.dma_semaphore, #tpu.memory_space<semaphore_mem>>, %arg38: memref<!tpu.dma_semaphore, #tpu.memory_space<semaphore_mem>>, %arg39: memref<!tpu.dma_semaphore, #tpu.memory_space<semaphore_mem>>, %arg40: memref<!tpu.dma_semaphore, #tpu.memory_space<semaphore_mem>>, %arg41: memref<!tpu.dma_semaphore, #tpu.memory_space<semaphore_mem>>, %arg42: memref<!tpu.dma_semaphore, #tpu.memory_space<semaphore_mem>>, %arg43: memref<!tpu.dma_semaphore, #tpu.memory_space<semaphore_mem>>, %arg44: memref<!tpu.dma_semaphore, #tpu.memory_space<semaphore_mem>>) attributes {dimension_semantics = [#tpu.dimension_semantics<core_parallel>, #tpu.dimension_semantics<subcore_parallel>], iteration_bounds = array<i64: 2, 16>, scalar_prefetch = 0 : i64, scratch_operands = 27 : i64, tpu.core_type = #tpu.core_type<sc_vector_subcore>, window_params = [{transform_indices = #map}, {transform_indices = #map}, {transform_indices = #map}, {transform_indices = #map}, {transform_indices = #map}, {transform_indices = #map}, {transform_indices = #map1}, {transform_indices = #map1}, {transform_indices = #map1}, {transform_indices = #map1}, {transform_indices = #map1}, {transform_indices = #map}, {transform_indices = #map1}, {transform_indices = #map}, {transform_indices = #map1}, {transform_indices = #map1}]} {
    %mul3A = arith.constant 2 : i32
    %mul3A_0 = arith.muli %arg1, %mul3A : i32
    %add3A = arith.addi %mul3A_0, %arg0 : i32
    %mul3A_1 = arith.constant 32 : i32
    %mul3A_2 = arith.muli %add3A, %mul3A_1 : i32
    "tpu.region"() ({
      %run_scoped3A = tpu.sem_alloc : memref<!tpu.dma_semaphore, #tpu.memory_space<semaphore_mem>>
      %dma_start3A_1546 = tpu.memref_slice %arg5[%mul3A_2] : memref<1024xi32, #tpu.memory_space<hbm>> -> memref<32xi32, #tpu.memory_space<hbm>>
      %dma_start3A_1547 = tpu.memref_slice %arg5[%mul3A_2] : memref<1024xi32, #tpu.memory_space<hbm>> -> memref<32xi32, #tpu.memory_space<hbm>>
      tpu.enqueue_dma source(%dma_start3A_1547 : memref<32xi32, #tpu.memory_space<hbm>>) target(%arg26 : memref<32xi32, #tpu.memory_space<vmem>>) target_semaphore(%run_scoped3A : memref<!tpu.dma_semaphore, #tpu.memory_space<semaphore_mem>>)
      %dma_wait3A_1548 = tpu.memref_slice %arg5[%mul3A_2] : memref<1024xi32, #tpu.memory_space<hbm>> -> memref<32xi32, #tpu.memory_space<hbm>>
      %dma_wait3A_1549 = tpu.memref_slice %arg5[%mul3A_2] : memref<1024xi32, #tpu.memory_space<hbm>> -> memref<32xi32, #tpu.memory_space<hbm>>
      tpu.wait_dma2 semaphore(%run_scoped3A : memref<!tpu.dma_semaphore, #tpu.memory_space<semaphore_mem>>) src(%dma_wait3A_1549 : memref<32xi32, #tpu.memory_space<hbm>>) dst(%arg26 : memref<32xi32, #tpu.memory_space<vmem>>)
      tpu.yield
    }) : () -> ()
    "tpu.region"() ({
      %run_scoped3A = tpu.sem_alloc : memref<!tpu.dma_semaphore, #tpu.memory_space<semaphore_mem>>
      %dma_start3A_1546 = tpu.memref_slice %arg6[%mul3A_2] : memref<1024xi32, #tpu.memory_space<hbm>> -> memref<32xi32, #tpu.memory_space<hbm>>
      %dma_start3A_1547 = tpu.memref_slice %arg6[%mul3A_2] : memref<1024xi32, #tpu.memory_space<hbm>> -> memref<32xi32, #tpu.memory_space<hbm>>
      tpu.enqueue_dma source(%dma_start3A_1547 : memref<32xi32, #tpu.memory_space<hbm>>) target(%arg28 : memref<32xi32, #tpu.memory_space<vmem>>) target_semaphore(%run_scoped3A : memref<!tpu.dma_semaphore, #tpu.memory_space<semaphore_mem>>)
      %dma_wait3A_1548 = tpu.memref_slice %arg6[%mul3A_2] : memref<1024xi32, #tpu.memory_space<hbm>> -> memref<32xi32, #tpu.memory_space<hbm>>
      %dma_wait3A_1549 = tpu.memref_slice %arg6[%mul3A_2] : memref<1024xi32, #tpu.memory_space<hbm>> -> memref<32xi32, #tpu.memory_space<hbm>>
      tpu.wait_dma2 semaphore(%run_scoped3A : memref<!tpu.dma_semaphore, #tpu.memory_space<semaphore_mem>>) src(%dma_wait3A_1549 : memref<32xi32, #tpu.memory_space<hbm>>) dst(%arg28 : memref<32xi32, #tpu.memory_space<vmem>>)
      tpu.yield
    }) : () -> ()
    "tpu.region"() ({
      %run_scoped3A = tpu.sem_alloc : memref<!tpu.dma_semaphore, #tpu.memory_space<semaphore_mem>>
      %dma_start3A_1546 = tpu.memref_slice %arg7[%mul3A_2] : memref<1024xi32, #tpu.memory_space<hbm>> -> memref<32xi32, #tpu.memory_space<hbm>>
      %dma_start3A_1547 = tpu.memref_slice %arg7[%mul3A_2] : memref<1024xi32, #tpu.memory_space<hbm>> -> memref<32xi32, #tpu.memory_space<hbm>>
      tpu.enqueue_dma source(%dma_start3A_1547 : memref<32xi32, #tpu.memory_space<hbm>>) target(%arg30 : memref<32xi32, #tpu.memory_space<vmem>>) target_semaphore(%run_scoped3A : memref<!tpu.dma_semaphore, #tpu.memory_space<semaphore_mem>>)
      %dma_wait3A_1548 = tpu.memref_slice %arg7[%mul3A_2] : memref<1024xi32, #tpu.memory_space<hbm>> -> memref<32xi32, #tpu.memory_space<hbm>>
      %dma_wait3A_1549 = tpu.memref_slice %arg7[%mul3A_2] : memref<1024xi32, #tpu.memory_space<hbm>> -> memref<32xi32, #tpu.memory_space<hbm>>
      tpu.wait_dma2 semaphore(%run_scoped3A : memref<!tpu.dma_semaphore, #tpu.memory_space<semaphore_mem>>) src(%dma_wait3A_1549 : memref<32xi32, #tpu.memory_space<hbm>>) dst(%arg30 : memref<32xi32, #tpu.memory_space<vmem>>)
      tpu.yield
    }) : () -> ()
    %dma_start3A = arith.constant 0 : i32
    %dma_start3A_3 = arith.constant 0 : i32
    %dma_start3A_4 = tpu.memref_slice %arg8[%dma_start3A, %dma_start3A_3] : memref<100001x128xf32, #tpu.memory_space<hbm>> -> memref<100001x128xf32, #tpu.memory_space<hbm>>
    tpu.enqueue_indirect_dma source(%dma_start3A_4 : memref<100001x128xf32, #tpu.memory_space<hbm>>) target(%arg27 : memref<32x128xf32, #tpu.memory_space<vmem>>) offsets(%arg26 : memref<32xi32, #tpu.memory_space<vmem>>) semaphore(%arg42 : memref<!tpu.dma_semaphore, #tpu.memory_space<semaphore_mem>>)
    %dma_start3A_5 = arith.constant 0 : i32
    %dma_start3A_6 = arith.constant 0 : i32
    %dma_start3A_7 = tpu.memref_slice %arg9[%dma_start3A_5, %dma_start3A_6] : memref<100000x128xf32, #tpu.memory_space<hbm>> -> memref<100000x128xf32, #tpu.memory_space<hbm>>
    tpu.enqueue_indirect_dma source(%dma_start3A_7 : memref<100000x128xf32, #tpu.memory_space<hbm>>) target(%arg29 : memref<32x128xf32, #tpu.memory_space<vmem>>) offsets(%arg28 : memref<32xi32, #tpu.memory_space<vmem>>) semaphore(%arg43 : memref<!tpu.dma_semaphore, #tpu.memory_space<semaphore_mem>>)
    %dma_start3A_8 = arith.constant 0 : i32
    %dma_start3A_9 = arith.constant 0 : i32
    %dma_start3A_10 = tpu.memref_slice %arg10[%dma_start3A_8, %dma_start3A_9] : memref<100000x128xf32, #tpu.memory_space<hbm>> -> memref<100000x128xf32, #tpu.memory_space<hbm>>
    tpu.enqueue_indirect_dma source(%dma_start3A_10 : memref<100000x128xf32, #tpu.memory_space<hbm>>) target(%arg31 : memref<32x128xf32, #tpu.memory_space<vmem>>) offsets(%arg30 : memref<32xi32, #tpu.memory_space<vmem>>) semaphore(%arg44 : memref<!tpu.dma_semaphore, #tpu.memory_space<semaphore_mem>>)
    %mul3A_11 = arith.constant 6400 : i32
    %mul3A_12 = arith.muli %add3A, %mul3A_11 : i32
    "tpu.region"() ({
      %run_scoped3A = tpu.sem_alloc : memref<!tpu.dma_semaphore, #tpu.memory_space<semaphore_mem>>
      %dma_start3A_1546 = arith.constant 0 : i32
      %dma_start3A_1547 = tpu.memref_slice %arg18[%dma_start3A_1546] : memref<12800xi32, #tpu.memory_space<vmem>> -> memref<6400xi32, #tpu.memory_space<vmem>>
      %dma_start3A_1548 = tpu.memref_slice %arg2[%mul3A_12] : memref<204800xi32, #tpu.memory_space<hbm>> -> memref<6400xi32, #tpu.memory_space<hbm>>
      %dma_start3A_1549 = arith.constant 0 : i32
      %dma_start3A_1550 = tpu.memref_slice %arg18[%dma_start3A_1549] : memref<12800xi32, #tpu.memory_space<vmem>> -> memref<6400xi32, #tpu.memory_space<vmem>>
      %dma_start3A_1551 = tpu.memref_slice %arg2[%mul3A_12] : memref<204800xi32, #tpu.memory_space<hbm>> -> memref<6400xi32, #tpu.memory_space<hbm>>
      tpu.enqueue_dma source(%dma_start3A_1551 : memref<6400xi32, #tpu.memory_space<hbm>>) target(%dma_start3A_1550 : memref<6400xi32, #tpu.memory_space<vmem>>) target_semaphore(%run_scoped3A : memref<!tpu.dma_semaphore, #tpu.memory_space<semaphore_mem>>)
      %dma_wait3A_1552 = arith.constant 0 : i32
      %dma_wait3A_1553 = tpu.memref_slice %arg18[%dma_wait3A_1552] : memref<12800xi32, #tpu.memory_space<vmem>> -> memref<6400xi32, #tpu.memory_space<vmem>>
      %dma_wait3A_1554 = tpu.memref_slice %arg2[%mul3A_12] : memref<204800xi32, #tpu.memory_space<hbm>> -> memref<6400xi32, #tpu.memory_space<hbm>>
      %dma_wait3A_1555 = arith.constant 0 : i32
      %dma_wait3A_1556 = tpu.memref_slice %arg18[%dma_wait3A_1555] : memref<12800xi32, #tpu.memory_space<vmem>> -> memref<6400xi32, #tpu.memory_space<vmem>>
      %dma_wait3A_1557 = tpu.memref_slice %arg2[%mul3A_12] : memref<204800xi32, #tpu.memory_space<hbm>> -> memref<6400xi32, #tpu.memory_space<hbm>>
      tpu.wait_dma2 semaphore(%run_scoped3A : memref<!tpu.dma_semaphore, #tpu.memory_space<semaphore_mem>>) src(%dma_wait3A_1557 : memref<6400xi32, #tpu.memory_space<hbm>>) dst(%dma_wait3A_1556 : memref<6400xi32, #tpu.memory_space<vmem>>)
      tpu.yield
    }) : () -> ()
    %mul3A_13 = arith.constant 6400 : i32
    %mul3A_14 = arith.muli %add3A, %mul3A_13 : i32
    "tpu.region"() ({
      %run_scoped3A = tpu.sem_alloc : memref<!tpu.dma_semaphore, #tpu.memory_space<semaphore_mem>>
      %dma_start3A_1546 = arith.constant 6400 : i32
      %dma_start3A_1547 = tpu.memref_slice %arg18[%dma_start3A_1546] : memref<12800xi32, #tpu.memory_space<vmem>> -> memref<6400xi32, #tpu.memory_space<vmem>>
      %dma_start3A_1548 = tpu.memref_slice %arg3[%mul3A_14] : memref<204800xi32, #tpu.memory_space<hbm>> -> memref<6400xi32, #tpu.memory_space<hbm>>
      %dma_start3A_1549 = arith.constant 6400 : i32
      %dma_start3A_1550 = tpu.memref_slice %arg18[%dma_start3A_1549] : memref<12800xi32, #tpu.memory_space<vmem>> -> memref<6400xi32, #tpu.memory_space<vmem>>
      %dma_start3A_1551 = tpu.memref_slice %arg3[%mul3A_14] : memref<204800xi32, #tpu.memory_space<hbm>> -> memref<6400xi32, #tpu.memory_space<hbm>>
      tpu.enqueue_dma source(%dma_start3A_1551 : memref<6400xi32, #tpu.memory_space<hbm>>) target(%dma_start3A_1550 : memref<6400xi32, #tpu.memory_space<vmem>>) target_semaphore(%run_scoped3A : memref<!tpu.dma_semaphore, #tpu.memory_space<semaphore_mem>>)
      %dma_wait3A_1552 = arith.constant 6400 : i32
      %dma_wait3A_1553 = tpu.memref_slice %arg18[%dma_wait3A_1552] : memref<12800xi32, #tpu.memory_space<vmem>> -> memref<6400xi32, #tpu.memory_space<vmem>>
      %dma_wait3A_1554 = tpu.memref_slice %arg3[%mul3A_14] : memref<204800xi32, #tpu.memory_space<hbm>> -> memref<6400xi32, #tpu.memory_space<hbm>>
      %dma_wait3A_1555 = arith.constant 6400 : i32
      %dma_wait3A_1556 = tpu.memref_slice %arg18[%dma_wait3A_1555] : memref<12800xi32, #tpu.memory_space<vmem>> -> memref<6400xi32, #tpu.memory_space<vmem>>
      %dma_wait3A_1557 = tpu.memref_slice %arg3[%mul3A_14] : memref<204800xi32, #tpu.memory_space<hbm>> -> memref<6400xi32, #tpu.memory_space<hbm>>
      tpu.wait_dma2 semaphore(%run_scoped3A : memref<!tpu.dma_semaphore, #tpu.memory_space<semaphore_mem>>) src(%dma_wait3A_1557 : memref<6400xi32, #tpu.memory_space<hbm>>) dst(%dma_wait3A_1556 : memref<6400xi32, #tpu.memory_space<vmem>>)
      tpu.yield
    }) : () -> ()
    %mul3A_15 = arith.constant 6400 : i32
    %mul3A_16 = arith.muli %add3A, %mul3A_15 : i32
    "tpu.region"() ({
      %run_scoped3A = tpu.sem_alloc : memref<!tpu.dma_semaphore, #tpu.memory_space<semaphore_mem>>
      %dma_start3A_1546 = tpu.memref_slice %arg4[%mul3A_16] : memref<204800xi32, #tpu.memory_space<hbm>> -> memref<6400xi32, #tpu.memory_space<hbm>>
      %dma_start3A_1547 = tpu.memref_slice %arg4[%mul3A_16] : memref<204800xi32, #tpu.memory_space<hbm>> -> memref<6400xi32, #tpu.memory_space<hbm>>
      tpu.enqueue_dma source(%dma_start3A_1547 : memref<6400xi32, #tpu.memory_space<hbm>>) target(%arg24 : memref<6400xi32, #tpu.memory_space<vmem>>) target_semaphore(%run_scoped3A : memref<!tpu.dma_semaphore, #tpu.memory_space<semaphore_mem>>)
      %dma_wait3A_1548 = tpu.memref_slice %arg4[%mul3A_16] : memref<204800xi32, #tpu.memory_space<hbm>> -> memref<6400xi32, #tpu.memory_space<hbm>>
      %dma_wait3A_1549 = tpu.memref_slice %arg4[%mul3A_16] : memref<204800xi32, #tpu.memory_space<hbm>> -> memref<6400xi32, #tpu.memory_space<hbm>>
      tpu.wait_dma2 semaphore(%run_scoped3A : memref<!tpu.dma_semaphore, #tpu.memory_space<semaphore_mem>>) src(%dma_wait3A_1549 : memref<6400xi32, #tpu.memory_space<hbm>>) dst(%arg24 : memref<6400xi32, #tpu.memory_space<vmem>>)
      tpu.yield
    }) : () -> ()
    %mul3A_17 = arith.constant 6400 : i32
    %mul3A_18 = arith.muli %add3A, %mul3A_17 : i32
    %mul3A_19 = arith.constant 6368 : i32
    %mul3A_20 = arith.muli %add3A, %mul3A_19 : i32
    %dma_start3A_21 = arith.constant 0 : i32
    %dma_start3A_22 = tpu.memref_slice %arg18[%dma_start3A_21] : memref<12800xi32, #tpu.memory_space<vmem>> -> memref<128xi32, #tpu.memory_space<vmem>>
    %dma_start3A_23 = arith.constant 0 : i32
    %dma_start3A_24 = arith.constant 0 : i32
    %dma_start3A_25 = tpu.memref_slice %arg8[%dma_start3A_23, %dma_start3A_24] : memref<100001x128xf32, #tpu.memory_space<hbm>> -> memref<100001x128xf32, #tpu.memory_space<hbm>>
    tpu.enqueue_indirect_dma source(%dma_start3A_25 : memref<100001x128xf32, #tpu.memory_space<hbm>>) target(%arg19 : memref<128x128xf32, #tpu.memory_space<vmem>>) offsets(%dma_start3A_22 : memref<128xi32, #tpu.memory_space<vmem>>) semaphore(%arg32 : memref<!tpu.dma_semaphore, #tpu.memory_space<semaphore_mem>>)
    %dma_start3A_26 = arith.constant 128 : i32
    %dma_start3A_27 = tpu.memref_slice %arg18[%dma_start3A_26] : memref<12800xi32, #tpu.memory_space<vmem>> -> memref<128xi32, #tpu.memory_space<vmem>>
    %dma_start3A_28 = arith.constant 0 : i32
    %dma_start3A_29 = arith.constant 0 : i32
    %dma_start3A_30 = tpu.memref_slice %arg8[%dma_start3A_28, %dma_start3A_29] : memref<100001x128xf32, #tpu.memory_space<hbm>> -> memref<100001x128xf32, #tpu.memory_space<hbm>>
    tpu.enqueue_indirect_dma source(%dma_start3A_30 : memref<100001x128xf32, #tpu.memory_space<hbm>>) target(%arg20 : memref<128x128xf32, #tpu.memory_space<vmem>>) offsets(%dma_start3A_27 : memref<128xi32, #tpu.memory_space<vmem>>) semaphore(%arg33 : memref<!tpu.dma_semaphore, #tpu.memory_space<semaphore_mem>>)
    %dma_start3A_31 = arith.constant 256 : i32
    %dma_start3A_32 = tpu.memref_slice %arg18[%dma_start3A_31] : memref<12800xi32, #tpu.memory_space<vmem>> -> memref<128xi32, #tpu.memory_space<vmem>>
    %dma_start3A_33 = arith.constant 0 : i32
    %dma_start3A_34 = arith.constant 0 : i32
    %dma_start3A_35 = tpu.memref_slice %arg8[%dma_start3A_33, %dma_start3A_34] : memref<100001x128xf32, #tpu.memory_space<hbm>> -> memref<100001x128xf32, #tpu.memory_space<hbm>>
    tpu.enqueue_indirect_dma source(%dma_start3A_35 : memref<100001x128xf32, #tpu.memory_space<hbm>>) target(%arg21 : memref<128x128xf32, #tpu.memory_space<vmem>>) offsets(%dma_start3A_32 : memref<128xi32, #tpu.memory_space<vmem>>) semaphore(%arg34 : memref<!tpu.dma_semaphore, #tpu.memory_space<semaphore_mem>>)
    %dma_start3A_36 = arith.constant 384 : i32
    %dma_start3A_37 = tpu.memref_slice %arg18[%dma_start3A_36] : memref<12800xi32, #tpu.memory_space<vmem>> -> memref<128xi32, #tpu.memory_space<vmem>>
    %dma_start3A_38 = arith.constant 0 : i32
    %dma_start3A_39 = arith.constant 0 : i32
    %dma_start3A_40 = tpu.memref_slice %arg8[%dma_start3A_38, %dma_start3A_39] : memref<100001x128xf32, #tpu.memory_space<hbm>> -> memref<100001x128xf32, #tpu.memory_space<hbm>>
    tpu.enqueue_indirect_dma source(%dma_start3A_40 : memref<100001x128xf32, #tpu.memory_space<hbm>>) target(%arg22 : memref<128x128xf32, #tpu.memory_space<vmem>>) offsets(%dma_start3A_37 : memref<128xi32, #tpu.memory_space<vmem>>) semaphore(%arg35 : memref<!tpu.dma_semaphore, #tpu.memory_space<semaphore_mem>>)
    %dma_wait3A = arith.constant 0 : i32
    %dma_wait3A_41 = tpu.memref_slice %arg18[%dma_wait3A] : memref<12800xi32, #tpu.memory_space<vmem>> -> memref<128xi32, #tpu.memory_space<vmem>>
    %dma_wait3A_42 = arith.constant 0 : i32
    %dma_wait3A_43 = arith.constant 0 : i32
    %dma_wait3A_44 = tpu.memref_slice %arg8[%dma_wait3A_42, %dma_wait3A_43] : memref<100001x128xf32, #tpu.memory_space<hbm>> -> memref<100001x128xf32, #tpu.memory_space<hbm>>
    tpu.wait_indirect_dma semaphore(%arg32 : memref<!tpu.dma_semaphore, #tpu.memory_space<semaphore_mem>>) src(%dma_wait3A_44 : memref<100001x128xf32, #tpu.memory_space<hbm>>) dst(%arg19 : memref<128x128xf32, #tpu.memory_space<vmem>>)
    %get3A = arith.constant 0 : index
    %get3A_45 = tpu.vector_load %arg24[%get3A] {strides = array<i32>} : memref<6400xi32, #tpu.memory_space<vmem>>, vector<16xi32>,
    %get3A_46 = vector.shape_cast %get3A_45 : vector<16xi32> to vector<16xi32>
    %gt3A = arith.constant 0 : i32
    %gt3A_47 = vector.broadcast %gt3A : i32 to vector<16xi32>
    %gt3A_48 = arith.cmpi sgt, %get3A_46, %gt3A_47 : vector<16xi32>
    %jit3A = arith.constant 1.000000e+00 : f32
    %jit3A_49 = arith.constant 0.000000e+00 : f32
    %broadcast_in_dim3A = vector.broadcast %jit3A : f32 to vector<16xf32>
    %broadcast_in_dim3A_50 = vector.broadcast %jit3A_49 : f32 to vector<16xf32>
    %select_n3A = arith.select %gt3A_48, %broadcast_in_dim3A, %broadcast_in_dim3A_50 : vector<16xi1>, vector<16xf32>
    %swap3A = arith.constant 0 : index
    %swap3A_51 = tpu.vector_load %arg25[%swap3A] {strides = array<i32>} : memref<12768xf32, #tpu.memory_space<vmem>>, vector<16xf32>,
    %swap3A_52 = vector.shape_cast %swap3A_51 : vector<16xf32> to vector<16xf32>
    %swap3A_53 = vector.shape_cast %select_n3A : vector<16xf32> to vector<16xf32>
    tpu.vector_store %arg25[%swap3A], %swap3A_53 {strides = array<i32>} : memref<12768xf32, #tpu.memory_space<vmem>>, vector<16xf32>,
    %get3A_54 = arith.constant 16 : index
    %get3A_55 = tpu.vector_load %arg24[%get3A_54] {strides = array<i32>} : memref<6400xi32, #tpu.memory_space<vmem>>, vector<16xi32>,
    %get3A_56 = vector.shape_cast %get3A_55 : vector<16xi32> to vector<16xi32>
    %gt3A_57 = arith.constant 0 : i32
    %gt3A_58 = vector.broadcast %gt3A_57 : i32 to vector<16xi32>
    %gt3A_59 = arith.cmpi sgt, %get3A_56, %gt3A_58 : vector<16xi32>
    %jit3A_60 = arith.constant 1.000000e+00 : f32
    %jit3A_61 = arith.constant 0.000000e+00 : f32
    %broadcast_in_dim3A_62 = vector.broadcast %jit3A_60 : f32 to vector<16xf32>
    %broadcast_in_dim3A_63 = vector.broadcast %jit3A_61 : f32 to vector<16xf32>
    %select_n3A_64 = arith.select %gt3A_59, %broadcast_in_dim3A_62, %broadcast_in_dim3A_63 : vector<16xi1>, vector<16xf32>
    %swap3A_65 = arith.constant 16 : index
    %swap3A_66 = tpu.vector_load %arg25[%swap3A_65] {strides = array<i32>} : memref<12768xf32, #tpu.memory_space<vmem>>, vector<16xf32>,
    %swap3A_67 = vector.shape_cast %swap3A_66 : vector<16xf32> to vector<16xf32>
    %swap3A_68 = vector.shape_cast %select_n3A_64 : vector<16xf32> to vector<16xf32>
    tpu.vector_store %arg25[%swap3A_65], %swap3A_68 {strides = array<i32>} : memref<12768xf32, #tpu.memory_space<vmem>>, vector<16xf32>,
    %get3A_69 = arith.constant 32 : index
    %get3A_70 = tpu.vector_load %arg24[%get3A_69] {strides = array<i32>} : memref<6400xi32, #tpu.memory_space<vmem>>, vector<16xi32>,
    %get3A_71 = vector.shape_cast %get3A_70 : vector<16xi32> to vector<16xi32>
    %gt3A_72 = arith.constant 0 : i32
    %gt3A_73 = vector.broadcast %gt3A_72 : i32 to vector<16xi32>
    %gt3A_74 = arith.cmpi sgt, %get3A_71, %gt3A_73 : vector<16xi32>
    %jit3A_75 = arith.constant 1.000000e+00 : f32
    %jit3A_76 = arith.constant 0.000000e+00 : f32
    %broadcast_in_dim3A_77 = vector.broadcast %jit3A_75 : f32 to vector<16xf32>
    %broadcast_in_dim3A_78 = vector.broadcast %jit3A_76 : f32 to vector<16xf32>
    %select_n3A_79 = arith.select %gt3A_74, %broadcast_in_dim3A_77, %broadcast_in_dim3A_78 : vector<16xi1>, vector<16xf32>
    %swap3A_80 = arith.constant 32 : index
    %swap3A_81 = tpu.vector_load %arg25[%swap3A_80] {strides = array<i32>} : memref<12768xf32, #tpu.memory_space<vmem>>, vector<16xf32>,
    %swap3A_82 = vector.shape_cast %swap3A_81 : vector<16xf32> to vector<16xf32>
    %swap3A_83 = vector.shape_cast %select_n3A_79 : vector<16xf32> to vector<16xf32>
    tpu.vector_store %arg25[%swap3A_80], %swap3A_83 {strides = array<i32>} : memref<12768xf32, #tpu.memory_space<vmem>>, vector<16xf32>,
    %get3A_84 = arith.constant 48 : index
    %get3A_85 = tpu.vector_load %arg24[%get3A_84] {strides = array<i32>} : memref<6400xi32, #tpu.memory_space<vmem>>, vector<16xi32>,
    %get3A_86 = vector.shape_cast %get3A_85 : vector<16xi32> to vector<16xi32>
    %gt3A_87 = arith.constant 0 : i32
    %gt3A_88 = vector.broadcast %gt3A_87 : i32 to vector<16xi32>
    %gt3A_89 = arith.cmpi sgt, %get3A_86, %gt3A_88 : vector<16xi32>
    %jit3A_90 = arith.constant 1.000000e+00 : f32
    %jit3A_91 = arith.constant 0.000000e+00 : f32
    %broadcast_in_dim3A_92 = vector.broadcast %jit3A_90 : f32 to vector<16xf32>
    %broadcast_in_dim3A_93 = vector.broadcast %jit3A_91 : f32 to vector<16xf32>
    %select_n3A_94 = arith.select %gt3A_89, %broadcast_in_dim3A_92, %broadcast_in_dim3A_93 : vector<16xi1>, vector<16xf32>
    %swap3A_95 = arith.constant 48 : index
    %swap3A_96 = tpu.vector_load %arg25[%swap3A_95] {strides = array<i32>} : memref<12768xf32, #tpu.memory_space<vmem>>, vector<16xf32>,
    %swap3A_97 = vector.shape_cast %swap3A_96 : vector<16xf32> to vector<16xf32>
    %swap3A_98 = vector.shape_cast %select_n3A_94 : vector<16xf32> to vector<16xf32>
    tpu.vector_store %arg25[%swap3A_95], %swap3A_98 {strides = array<i32>} : memref<12768xf32, #tpu.memory_space<vmem>>, vector<16xf32>,
    %get3A_99 = arith.constant 64 : index
    %get3A_100 = tpu.vector_load %arg24[%get3A_99] {strides = array<i32>} : memref<6400xi32, #tpu.memory_space<vmem>>, vector<16xi32>,
    %get3A_101 = vector.shape_cast %get3A_100 : vector<16xi32> to vector<16xi32>
    %gt3A_102 = arith.constant 0 : i32
    %gt3A_103 = vector.broadcast %gt3A_102 : i32 to vector<16xi32>
    %gt3A_104 = arith.cmpi sgt, %get3A_101, %gt3A_103 : vector<16xi32>
    %jit3A_105 = arith.constant 1.000000e+00 : f32
    %jit3A_106 = arith.constant 0.000000e+00 : f32
    %broadcast_in_dim3A_107 = vector.broadcast %jit3A_105 : f32 to vector<16xf32>
    %broadcast_in_dim3A_108 = vector.broadcast %jit3A_106 : f32 to vector<16xf32>
    %select_n3A_109 = arith.select %gt3A_104, %broadcast_in_dim3A_107, %broadcast_in_dim3A_108 : vector<16xi1>, vector<16xf32>
    %swap3A_110 = arith.constant 64 : index
    %swap3A_111 = tpu.vector_load %arg25[%swap3A_110] {strides = array<i32>} : memref<12768xf32, #tpu.memory_space<vmem>>, vector<16xf32>,
    %swap3A_112 = vector.shape_cast %swap3A_111 : vector<16xf32> to vector<16xf32>
    %swap3A_113 = vector.shape_cast %select_n3A_109 : vector<16xf32> to vector<16xf32>
    tpu.vector_store %arg25[%swap3A_110], %swap3A_113 {strides = array<i32>} : memref<12768xf32, #tpu.memory_space<vmem>>, vector<16xf32>,
    %get3A_114 = arith.constant 80 : index
    %get3A_115 = tpu.vector_load %arg24[%get3A_114] {strides = array<i32>} : memref<6400xi32, #tpu.memory_space<vmem>>, vector<16xi32>,
    %get3A_116 = vector.shape_cast %get3A_115 : vector<16xi32> to vector<16xi32>
    %gt3A_117 = arith.constant 0 : i32
    %gt3A_118 = vector.broadcast %gt3A_117 : i32 to vector<16xi32>
    %gt3A_119 = arith.cmpi sgt, %get3A_116, %gt3A_118 : vector<16xi32>
    %jit3A_120 = arith.constant 1.000000e+00 : f32
    %jit3A_121 = arith.constant 0.000000e+00 : f32
    %broadcast_in_dim3A_122 = vector.broadcast %jit3A_120 : f32 to vector<16xf32>
    %broadcast_in_dim3A_123 = vector.broadcast %jit3A_121 : f32 to vector<16xf32>
    %select_n3A_124 = arith.select %gt3A_119, %broadcast_in_dim3A_122, %broadcast_in_dim3A_123 : vector<16xi1>, vector<16xf32>
    %swap3A_125 = arith.constant 80 : index
    %swap3A_126 = tpu.vector_load %arg25[%swap3A_125] {strides = array<i32>} : memref<12768xf32, #tpu.memory_space<vmem>>, vector<16xf32>,
    %swap3A_127 = vector.shape_cast %swap3A_126 : vector<16xf32> to vector<16xf32>
    %swap3A_128 = vector.shape_cast %select_n3A_124 : vector<16xf32> to vector<16xf32>
    tpu.vector_store %arg25[%swap3A_125], %swap3A_128 {strides = array<i32>} : memref<12768xf32, #tpu.memory_space<vmem>>, vector<16xf32>,
    %get3A_129 = arith.constant 96 : index
    %get3A_130 = tpu.vector_load %arg24[%get3A_129] {strides = array<i32>} : memref<6400xi32, #tpu.memory_space<vmem>>, vector<16xi32>,
    %get3A_131 = vector.shape_cast %get3A_130 : vector<16xi32> to vector<16xi32>
    %gt3A_132 = arith.constant 0 : i32
    %gt3A_133 = vector.broadcast %gt3A_132 : i32 to vector<16xi32>
    %gt3A_134 = arith.cmpi sgt, %get3A_131, %gt3A_133 : vector<16xi32>
    %jit3A_135 = arith.constant 1.000000e+00 : f32
    %jit3A_136 = arith.constant 0.000000e+00 : f32
    %broadcast_in_dim3A_137 = vector.broadcast %jit3A_135 : f32 to vector<16xf32>
    %broadcast_in_dim3A_138 = vector.broadcast %jit3A_136 : f32 to vector<16xf32>
    %select_n3A_139 = arith.select %gt3A_134, %broadcast_in_dim3A_137, %broadcast_in_dim3A_138 : vector<16xi1>, vector<16xf32>
    %swap3A_140 = arith.constant 96 : index
    %swap3A_141 = tpu.vector_load %arg25[%swap3A_140] {strides = array<i32>} : memref<12768xf32, #tpu.memory_space<vmem>>, vector<16xf32>,
    %swap3A_142 = vector.shape_cast %swap3A_141 : vector<16xf32> to vector<16xf32>
    %swap3A_143 = vector.shape_cast %select_n3A_139 : vector<16xf32> to vector<16xf32>
    tpu.vector_store %arg25[%swap3A_140], %swap3A_143 {strides = array<i32>} : memref<12768xf32, #tpu.memory_space<vmem>>, vector<16xf32>,
    %get3A_144 = arith.constant 112 : index
    %get3A_145 = tpu.vector_load %arg24[%get3A_144] {strides = array<i32>} : memref<6400xi32, #tpu.memory_space<vmem>>, vector<16xi32>,
    %get3A_146 = vector.shape_cast %get3A_145 : vector<16xi32> to vector<16xi32>
    %gt3A_147 = arith.constant 0 : i32
    %gt3A_148 = vector.broadcast %gt3A_147 : i32 to vector<16xi32>
    %gt3A_149 = arith.cmpi sgt, %get3A_146, %gt3A_148 : vector<16xi32>
    %jit3A_150 = arith.constant 1.000000e+00 : f32
    %jit3A_151 = arith.constant 0.000000e+00 : f32
    %broadcast_in_dim3A_152 = vector.broadcast %jit3A_150 : f32 to vector<16xf32>
    %broadcast_in_dim3A_153 = vector.broadcast %jit3A_151 : f32 to vector<16xf32>
    %select_n3A_154 = arith.select %gt3A_149, %broadcast_in_dim3A_152, %broadcast_in_dim3A_153 : vector<16xi1>, vector<16xf32>
    %swap3A_155 = arith.constant 112 : index
    %swap3A_156 = tpu.vector_load %arg25[%swap3A_155] {strides = array<i32>} : memref<12768xf32, #tpu.memory_space<vmem>>, vector<16xf32>,
    %swap3A_157 = vector.shape_cast %swap3A_156 : vector<16xf32> to vector<16xf32>
    %swap3A_158 = vector.shape_cast %select_n3A_154 : vector<16xf32> to vector<16xf32>
    tpu.vector_store %arg25[%swap3A_155], %swap3A_158 {strides = array<i32>} : memref<12768xf32, #tpu.memory_space<vmem>>, vector<16xf32>,
    %add3A_159 = arith.constant 0 : i32
    %add3A_160 = arith.addi %mul3A_18, %add3A_159 : i32
    %dma_start3A_161 = arith.constant 0 : i32
    %dma_start3A_162 = arith.constant 0 : i32
    %dma_start3A_163 = tpu.memref_slice %arg19[%dma_start3A_161, %dma_start3A_162] : memref<128x128xf32, #tpu.memory_space<vmem>> -> memref<128x128xf32, #tpu.memory_space<vmem>>
    %dma_start3A_164 = arith.constant 0 : i32
    %dma_start3A_165 = tpu.memref_slice %arg12[%add3A_160, %dma_start3A_164] : memref<204800x128xf32, #tpu.memory_space<hbm>> -> memref<128x128xf32, #tpu.memory_space<hbm>>
    %dma_start3A_166 = arith.constant 0 : i32
    %dma_start3A_167 = tpu.memref_slice %arg12[%add3A_160, %dma_start3A_166] : memref<204800x128xf32, #tpu.memory_space<hbm>> -> memref<128x128xf32, #tpu.memory_space<hbm>>
    %dma_start3A_168 = arith.constant 0 : i32
    %dma_start3A_169 = arith.constant 0 : i32
    %dma_start3A_170 = tpu.memref_slice %arg19[%dma_start3A_168, %dma_start3A_169] : memref<128x128xf32, #tpu.memory_space<vmem>> -> memref<128x128xf32, #tpu.memory_space<vmem>>
    tpu.enqueue_dma source(%dma_start3A_170 : memref<128x128xf32, #tpu.memory_space<vmem>>) target(%dma_start3A_167 : memref<128x128xf32, #tpu.memory_space<hbm>>) target_semaphore(%arg37 : memref<!tpu.dma_semaphore, #tpu.memory_space<semaphore_mem>>)
    %dma_start3A_171 = arith.constant 512 : i32
    %dma_start3A_172 = tpu.memref_slice %arg18[%dma_start3A_171] : memref<12800xi32, #tpu.memory_space<vmem>> -> memref<128xi32, #tpu.memory_space<vmem>>
    %dma_start3A_173 = arith.constant 0 : i32
    %dma_start3A_174 = arith.constant 0 : i32
    %dma_start3A_175 = tpu.memref_slice %arg8[%dma_start3A_173, %dma_start3A_174] : memref<100001x128xf32, #tpu.memory_space<hbm>> -> memref<100001x128xf32, #tpu.memory_space<hbm>>
    tpu.enqueue_indirect_dma source(%dma_start3A_175 : memref<100001x128xf32, #tpu.memory_space<hbm>>) target(%arg23 : memref<128x128xf32, #tpu.memory_space<vmem>>) offsets(%dma_start3A_172 : memref<128xi32, #tpu.memory_space<vmem>>) semaphore(%arg36 : memref<!tpu.dma_semaphore, #tpu.memory_space<semaphore_mem>>)
    %dma_wait3A_176 = arith.constant 128 : i32
    %dma_wait3A_177 = tpu.memref_slice %arg18[%dma_wait3A_176] : memref<12800xi32, #tpu.memory_space<vmem>> -> memref<128xi32, #tpu.memory_space<vmem>>
    %dma_wait3A_178 = arith.constant 0 : i32
    %dma_wait3A_179 = arith.constant 0 : i32
    %dma_wait3A_180 = tpu.memref_slice %arg8[%dma_wait3A_178, %dma_wait3A_179] : memref<100001x128xf32, #tpu.memory_space<hbm>> -> memref<100001x128xf32, #tpu.memory_space<hbm>>
    tpu.wait_indirect_dma semaphore(%arg33 : memref<!tpu.dma_semaphore, #tpu.memory_space<semaphore_mem>>) src(%dma_wait3A_180 : memref<100001x128xf32, #tpu.memory_space<hbm>>) dst(%arg20 : memref<128x128xf32, #tpu.memory_space<vmem>>)
    %get3A_181 = arith.constant 128 : index
    %get3A_182 = tpu.vector_load %arg24[%get3A_181] {strides = array<i32>} : memref<6400xi32, #tpu.memory_space<vmem>>, vector<16xi32>,
    %get3A_183 = vector.shape_cast %get3A_182 : vector<16xi32> to vector<16xi32>
    %gt3A_184 = arith.constant 0 : i32
    %gt3A_185 = vector.broadcast %gt3A_184 : i32 to vector<16xi32>
    %gt3A_186 = arith.cmpi sgt, %get3A_183, %gt3A_185 : vector<16xi32>
    %jit3A_187 = arith.constant 1.000000e+00 : f32
    %jit3A_188 = arith.constant 0.000000e+00 : f32
    %broadcast_in_dim3A_189 = vector.broadcast %jit3A_187 : f32 to vector<16xf32>
    %broadcast_in_dim3A_190 = vector.broadcast %jit3A_188 : f32 to vector<16xf32>
    %select_n3A_191 = arith.select %gt3A_186, %broadcast_in_dim3A_189, %broadcast_in_dim3A_190 : vector<16xi1>, vector<16xf32>
    %swap3A_192 = arith.constant 128 : index
    %swap3A_193 = tpu.vector_load %arg25[%swap3A_192] {strides = array<i32>} : memref<12768xf32, #tpu.memory_space<vmem>>, vector<16xf32>,
    %swap3A_194 = vector.shape_cast %swap3A_193 : vector<16xf32> to vector<16xf32>
    %swap3A_195 = vector.shape_cast %select_n3A_191 : vector<16xf32> to vector<16xf32>
    tpu.vector_store %arg25[%swap3A_192], %swap3A_195 {strides = array<i32>} : memref<12768xf32, #tpu.memory_space<vmem>>, vector<16xf32>,
    %get3A_196 = arith.constant 144 : index
    %get3A_197 = tpu.vector_load %arg24[%get3A_196] {strides = array<i32>} : memref<6400xi32, #tpu.memory_space<vmem>>, vector<16xi32>,
    %get3A_198 = vector.shape_cast %get3A_197 : vector<16xi32> to vector<16xi32>
    %gt3A_199 = arith.constant 0 : i32
    %gt3A_200 = vector.broadcast %gt3A_199 : i32 to vector<16xi32>
    %gt3A_201 = arith.cmpi sgt, %get3A_198, %gt3A_200 : vector<16xi32>
    %jit3A_202 = arith.constant 1.000000e+00 : f32
    %jit3A_203 = arith.constant 0.000000e+00 : f32
    %broadcast_in_dim3A_204 = vector.broadcast %jit3A_202 : f32 to vector<16xf32>
    %broadcast_in_dim3A_205 = vector.broadcast %jit3A_203 : f32 to vector<16xf32>
    %select_n3A_206 = arith.select %gt3A_201, %broadcast_in_dim3A_204, %broadcast_in_dim3A_205 : vector<16xi1>, vector<16xf32>
    %swap3A_207 = arith.constant 144 : index
    %swap3A_208 = tpu.vector_load %arg25[%swap3A_207] {strides = array<i32>} : memref<12768xf32, #tpu.memory_space<vmem>>, vector<16xf32>,
    %swap3A_209 = vector.shape_cast %swap3A_208 : vector<16xf32> to vector<16xf32>
    %swap3A_210 = vector.shape_cast %select_n3A_206 : vector<16xf32> to vector<16xf32>
    tpu.vector_store %arg25[%swap3A_207], %swap3A_210 {strides = array<i32>} : memref<12768xf32, #tpu.memory_space<vmem>>, vector<16xf32>,
    %get3A_211 = arith.constant 160 : index
    %get3A_212 = tpu.vector_load %arg24[%get3A_211] {strides = array<i32>} : memref<6400xi32, #tpu.memory_space<vmem>>, vector<16xi32>,
    %get3A_213 = vector.shape_cast %get3A_212 : vector<16xi32> to vector<16xi32>
    %gt3A_214 = arith.constant 0 : i32
    %gt3A_215 = vector.broadcast %gt3A_214 : i32 to vector<16xi32>
    %gt3A_216 = arith.cmpi sgt, %get3A_213, %gt3A_215 : vector<16xi32>
    %jit3A_217 = arith.constant 1.000000e+00 : f32
    %jit3A_218 = arith.constant 0.000000e+00 : f32
    %broadcast_in_dim3A_219 = vector.broadcast %jit3A_217 : f32 to vector<16xf32>
    %broadcast_in_dim3A_220 = vector.broadcast %jit3A_218 : f32 to vector<16xf32>
    %select_n3A_221 = arith.select %gt3A_216, %broadcast_in_dim3A_219, %broadcast_in_dim3A_220 : vector<16xi1>, vector<16xf32>
    %swap3A_222 = arith.constant 160 : index
    %swap3A_223 = tpu.vector_load %arg25[%swap3A_222] {strides = array<i32>} : memref<12768xf32, #tpu.memory_space<vmem>>, vector<16xf32>,
    %swap3A_224 = vector.shape_cast %swap3A_223 : vector<16xf32> to vector<16xf32>
    %swap3A_225 = vector.shape_cast %select_n3A_221 : vector<16xf32> to vector<16xf32>
    tpu.vector_store %arg25[%swap3A_222], %swap3A_225 {strides = array<i32>} : memref<12768xf32, #tpu.memory_space<vmem>>, vector<16xf32>,
    %get3A_226 = arith.constant 176 : index
    %get3A_227 = tpu.vector_load %arg24[%get3A_226] {strides = array<i32>} : memref<6400xi32, #tpu.memory_space<vmem>>, vector<16xi32>,
    %get3A_228 = vector.shape_cast %get3A_227 : vector<16xi32> to vector<16xi32>
    %gt3A_229 = arith.constant 0 : i32
    %gt3A_230 = vector.broadcast %gt3A_229 : i32 to vector<16xi32>
    %gt3A_231 = arith.cmpi sgt, %get3A_228, %gt3A_230 : vector<16xi32>
    %jit3A_232 = arith.constant 1.000000e+00 : f32
    %jit3A_233 = arith.constant 0.000000e+00 : f32
    %broadcast_in_dim3A_234 = vector.broadcast %jit3A_232 : f32 to vector<16xf32>
    %broadcast_in_dim3A_235 = vector.broadcast %jit3A_233 : f32 to vector<16xf32>
    %select_n3A_236 = arith.select %gt3A_231, %broadcast_in_dim3A_234, %broadcast_in_dim3A_235 : vector<16xi1>, vector<16xf32>
    %swap3A_237 = arith.constant 176 : index
    %swap3A_238 = tpu.vector_load %arg25[%swap3A_237] {strides = array<i32>} : memref<12768xf32, #tpu.memory_space<vmem>>, vector<16xf32>,
    %swap3A_239 = vector.shape_cast %swap3A_238 : vector<16xf32> to vector<16xf32>
    %swap3A_240 = vector.shape_cast %select_n3A_236 : vector<16xf32> to vector<16xf32>
    tpu.vector_store %arg25[%swap3A_237], %swap3A_240 {strides = array<i32>} : memref<12768xf32, #tpu.memory_space<vmem>>, vector<16xf32>,
    %get3A_241 = arith.constant 192 : index
    %get3A_242 = tpu.vector_load %arg24[%get3A_241] {strides = array<i32>} : memref<6400xi32, #tpu.memory_space<vmem>>, vector<16xi32>,
    %get3A_243 = vector.shape_cast %get3A_242 : vector<16xi32> to vector<16xi32>
    %gt3A_244 = arith.constant 0 : i32
    %gt3A_245 = vector.broadcast %gt3A_244 : i32 to vector<16xi32>
    %gt3A_246 = arith.cmpi sgt, %get3A_243, %gt3A_245 : vector<16xi32>
    %jit3A_247 = arith.constant 1.000000e+00 : f32
    %jit3A_248 = arith.constant 0.000000e+00 : f32
    %broadcast_in_dim3A_249 = vector.broadcast %jit3A_247 : f32 to vector<16xf32>
    %broadcast_in_dim3A_250 = vector.broadcast %jit3A_248 : f32 to vector<16xf32>
    %select_n3A_251 = arith.select %gt3A_246, %broadcast_in_dim3A_249, %broadcast_in_dim3A_250 : vector<16xi1>, vector<16xf32>
    %swap3A_252 = arith.constant 192 : index
    %swap3A_253 = tpu.vector_load %arg25[%swap3A_252] {strides = array<i32>} : memref<12768xf32, #tpu.memory_space<vmem>>, vector<16xf32>,
    %swap3A_254 = vector.shape_cast %swap3A_253 : vector<16xf32> to vector<16xf32>
    %swap3A_255 = vector.shape_cast %select_n3A_251 : vector<16xf32> to vector<16xf32>
    tpu.vector_store %arg25[%swap3A_252], %swap3A_255 {strides = array<i32>} : memref<12768xf32, #tpu.memory_space<vmem>>, vector<16xf32>,
    %get3A_256 = arith.constant 208 : index
    %get3A_257 = tpu.vector_load %arg24[%get3A_256] {strides = array<i32>} : memref<6400xi32, #tpu.memory_space<vmem>>, vector<16xi32>,
    %get3A_258 = vector.shape_cast %get3A_257 : vector<16xi32> to vector<16xi32>
    %gt3A_259 = arith.constant 0 : i32
    %gt3A_260 = vector.broadcast %gt3A_259 : i32 to vector<16xi32>
    %gt3A_261 = arith.cmpi sgt, %get3A_258, %gt3A_260 : vector<16xi32>
    %jit3A_262 = arith.constant 1.000000e+00 : f32
    %jit3A_263 = arith.constant 0.000000e+00 : f32
    %broadcast_in_dim3A_264 = vector.broadcast %jit3A_262 : f32 to vector<16xf32>
    %broadcast_in_dim3A_265 = vector.broadcast %jit3A_263 : f32 to vector<16xf32>
    %select_n3A_266 = arith.select %gt3A_261, %broadcast_in_dim3A_264, %broadcast_in_dim3A_265 : vector<16xi1>, vector<16xf32>
    %swap3A_267 = arith.constant 208 : index
    %swap3A_268 = tpu.vector_load %arg25[%swap3A_267] {strides = array<i32>} : memref<12768xf32, #tpu.memory_space<vmem>>, vector<16xf32>,
    %swap3A_269 = vector.shape_cast %swap3A_268 : vector<16xf32> to vector<16xf32>
    %swap3A_270 = vector.shape_cast %select_n3A_266 : vector<16xf32> to vector<16xf32>
    tpu.vector_store %arg25[%swap3A_267], %swap3A_270 {strides = array<i32>} : memref<12768xf32, #tpu.memory_space<vmem>>, vector<16xf32>,
    %get3A_271 = arith.constant 224 : index
    %get3A_272 = tpu.vector_load %arg24[%get3A_271] {strides = array<i32>} : memref<6400xi32, #tpu.memory_space<vmem>>, vector<16xi32>,
    %get3A_273 = vector.shape_cast %get3A_272 : vector<16xi32> to vector<16xi32>
    %gt3A_274 = arith.constant 0 : i32
    %gt3A_275 = vector.broadcast %gt3A_274 : i32 to vector<16xi32>
    %gt3A_276 = arith.cmpi sgt, %get3A_273, %gt3A_275 : vector<16xi32>
    %jit3A_277 = arith.constant 1.000000e+00 : f32
    %jit3A_278 = arith.constant 0.000000e+00 : f32
    %broadcast_in_dim3A_279 = vector.broadcast %jit3A_277 : f32 to vector<16xf32>
    %broadcast_in_dim3A_280 = vector.broadcast %jit3A_278 : f32 to vector<16xf32>
    %select_n3A_281 = arith.select %gt3A_276, %broadcast_in_dim3A_279, %broadcast_in_dim3A_280 : vector<16xi1>, vector<16xf32>
    %swap3A_282 = arith.constant 224 : index
    %swap3A_283 = tpu.vector_load %arg25[%swap3A_282] {strides = array<i32>} : memref<12768xf32, #tpu.memory_space<vmem>>, vector<16xf32>,
    %swap3A_284 = vector.shape_cast %swap3A_283 : vector<16xf32> to vector<16xf32>
    %swap3A_285 = vector.shape_cast %select_n3A_281 : vector<16xf32> to vector<16xf32>
    tpu.vector_store %arg25[%swap3A_282], %swap3A_285 {strides = array<i32>} : memref<12768xf32, #tpu.memory_space<vmem>>, vector<16xf32>,
    %get3A_286 = arith.constant 240 : index
    %get3A_287 = tpu.vector_load %arg24[%get3A_286] {strides = array<i32>} : memref<6400xi32, #tpu.memory_space<vmem>>, vector<16xi32>,
    %get3A_288 = vector.shape_cast %get3A_287 : vector<16xi32> to vector<16xi32>
    %gt3A_289 = arith.constant 0 : i32
    %gt3A_290 = vector.broadcast %gt3A_289 : i32 to vector<16xi32>
    %gt3A_291 = arith.cmpi sgt, %get3A_288, %gt3A_290 : vector<16xi32>
    %jit3A_292 = arith.constant 1.000000e+00 : f32
    %jit3A_293 = arith.constant 0.000000e+00 : f32
    %broadcast_in_dim3A_294 = vector.broadcast %jit3A_292 : f32 to vector<16xf32>
    %broadcast_in_dim3A_295 = vector.broadcast %jit3A_293 : f32 to vector<16xf32>
    %select_n3A_296 = arith.select %gt3A_291, %broadcast_in_dim3A_294, %broadcast_in_dim3A_295 : vector<16xi1>, vector<16xf32>
    %swap3A_297 = arith.constant 240 : index
    %swap3A_298 = tpu.vector_load %arg25[%swap3A_297] {strides = array<i32>} : memref<12768xf32, #tpu.memory_space<vmem>>, vector<16xf32>,
    %swap3A_299 = vector.shape_cast %swap3A_298 : vector<16xf32> to vector<16xf32>
    %swap3A_300 = vector.shape_cast %select_n3A_296 : vector<16xf32> to vector<16xf32>
    tpu.vector_store %arg25[%swap3A_297], %swap3A_300 {strides = array<i32>} : memref<12768xf32, #tpu.memory_space<vmem>>, vector<16xf32>,
    %add3A_301 = arith.constant 128 : i32
    %add3A_302 = arith.addi %mul3A_18, %add3A_301 : i32
    %dma_start3A_303 = arith.constant 0 : i32
    %dma_start3A_304 = arith.constant 0 : i32
    %dma_start3A_305 = tpu.memref_slice %arg20[%dma_start3A_303, %dma_start3A_304] : memref<128x128xf32, #tpu.memory_space<vmem>> -> memref<128x128xf32, #tpu.memory_space<vmem>>
    %dma_start3A_306 = arith.constant 0 : i32
    %dma_start3A_307 = tpu.memref_slice %arg12[%add3A_302, %dma_start3A_306] : memref<204800x128xf32, #tpu.memory_space<hbm>> -> memref<128x128xf32, #tpu.memory_space<hbm>>
    %dma_start3A_308 = arith.constant 0 : i32
    %dma_start3A_309 = tpu.memref_slice %arg12[%add3A_302, %dma_start3A_308] : memref<204800x128xf32, #tpu.memory_space<hbm>> -> memref<128x128xf32, #tpu.memory_space<hbm>>
    %dma_start3A_310 = arith.constant 0 : i32
    %dma_start3A_311 = arith.constant 0 : i32
    %dma_start3A_312 = tpu.memref_slice %arg20[%dma_start3A_310, %dma_start3A_311] : memref<128x128xf32, #tpu.memory_space<vmem>> -> memref<128x128xf32, #tpu.memory_space<vmem>>
    tpu.enqueue_dma source(%dma_start3A_312 : memref<128x128xf32, #tpu.memory_space<vmem>>) target(%dma_start3A_309 : memref<128x128xf32, #tpu.memory_space<hbm>>) target_semaphore(%arg38 : memref<!tpu.dma_semaphore, #tpu.memory_space<semaphore_mem>>)
    %dma_wait3A_313 = arith.constant 0 : i32
    %dma_wait3A_314 = arith.constant 0 : i32
    %dma_wait3A_315 = tpu.memref_slice %arg19[%dma_wait3A_313, %dma_wait3A_314] : memref<128x128xf32, #tpu.memory_space<vmem>> -> memref<128x128xf32, #tpu.memory_space<vmem>>
    %dma_wait3A_316 = arith.constant 0 : i32
    %dma_wait3A_317 = arith.constant 0 : i32
    %dma_wait3A_318 = tpu.memref_slice %arg8[%dma_wait3A_316, %dma_wait3A_317] : memref<100001x128xf32, #tpu.memory_space<hbm>> -> memref<128x128xf32, #tpu.memory_space<hbm>>
    %dma_wait3A_319 = arith.constant 0 : i32
    %dma_wait3A_320 = arith.constant 0 : i32
    %dma_wait3A_321 = tpu.memref_slice %arg19[%dma_wait3A_319, %dma_wait3A_320] : memref<128x128xf32, #tpu.memory_space<vmem>> -> memref<128x128xf32, #tpu.memory_space<vmem>>
    %dma_wait3A_322 = arith.constant 0 : i32
    %dma_wait3A_323 = arith.constant 0 : i32
    %dma_wait3A_324 = tpu.memref_slice %arg8[%dma_wait3A_322, %dma_wait3A_323] : memref<100001x128xf32, #tpu.memory_space<hbm>> -> memref<128x128xf32, #tpu.memory_space<hbm>>
    tpu.wait_dma2 semaphore(%arg37 : memref<!tpu.dma_semaphore, #tpu.memory_space<semaphore_mem>>) src(%dma_wait3A_324 : memref<128x128xf32, #tpu.memory_space<hbm>>) dst(%dma_wait3A_321 : memref<128x128xf32, #tpu.memory_space<vmem>>)
    %dma_start3A_325 = arith.constant 640 : i32
    %dma_start3A_326 = tpu.memref_slice %arg18[%dma_start3A_325] : memref<12800xi32, #tpu.memory_space<vmem>> -> memref<128xi32, #tpu.memory_space<vmem>>
    %dma_start3A_327 = arith.constant 0 : i32
    %dma_start3A_328 = arith.constant 0 : i32
    %dma_start3A_329 = tpu.memref_slice %arg8[%dma_start3A_327, %dma_start3A_328] : memref<100001x128xf32, #tpu.memory_space<hbm>> -> memref<100001x128xf32, #tpu.memory_space<hbm>>
    tpu.enqueue_indirect_dma source(%dma_start3A_329 : memref<100001x128xf32, #tpu.memory_space<hbm>>) target(%arg19 : memref<128x128xf32, #tpu.memory_space<vmem>>) offsets(%dma_start3A_326 : memref<128xi32, #tpu.memory_space<vmem>>) semaphore(%arg32 : memref<!tpu.dma_semaphore, #tpu.memory_space<semaphore_mem>>)
    %dma_wait3A_330 = arith.constant 256 : i32
    %dma_wait3A_331 = tpu.memref_slice %arg18[%dma_wait3A_330] : memref<12800xi32, #tpu.memory_space<vmem>> -> memref<128xi32, #tpu.memory_space<vmem>>
    %dma_wait3A_332 = arith.constant 0 : i32
    %dma_wait3A_333 = arith.constant 0 : i32
    %dma_wait3A_334 = tpu.memref_slice %arg8[%dma_wait3A_332, %dma_wait3A_333] : memref<100001x128xf32, #tpu.memory_space<hbm>> -> memref<100001x128xf32, #tpu.memory_space<hbm>>
    tpu.wait_indirect_dma semaphore(%arg34 : memref<!tpu.dma_semaphore, #tpu.memory_space<semaphore_mem>>) src(%dma_wait3A_334 : memref<100001x128xf32, #tpu.memory_space<hbm>>) dst(%arg21 : memref<128x128xf32, #tpu.memory_space<vmem>>)
    %get3A_335 = arith.constant 256 : index
    %get3A_336 = tpu.vector_load %arg24[%get3A_335] {strides = array<i32>} : memref<6400xi32, #tpu.memory_space<vmem>>, vector<16xi32>,
    %get3A_337 = vector.shape_cast %get3A_336 : vector<16xi32> to vector<16xi32>
    %gt3A_338 = arith.constant 0 : i32
    %gt3A_339 = vector.broadcast %gt3A_338 : i32 to vector<16xi32>
    %gt3A_340 = arith.cmpi sgt, %get3A_337, %gt3A_339 : vector<16xi32>
    %jit3A_341 = arith.constant 1.000000e+00 : f32
    %jit3A_342 = arith.constant 0.000000e+00 : f32
    %broadcast_in_dim3A_343 = vector.broadcast %jit3A_341 : f32 to vector<16xf32>
    %broadcast_in_dim3A_344 = vector.broadcast %jit3A_342 : f32 to vector<16xf32>
    %select_n3A_345 = arith.select %gt3A_340, %broadcast_in_dim3A_343, %broadcast_in_dim3A_344 : vector<16xi1>, vector<16xf32>
    %swap3A_346 = arith.constant 256 : index
    %swap3A_347 = tpu.vector_load %arg25[%swap3A_346] {strides = array<i32>} : memref<12768xf32, #tpu.memory_space<vmem>>, vector<16xf32>,
    %swap3A_348 = vector.shape_cast %swap3A_347 : vector<16xf32> to vector<16xf32>
    %swap3A_349 = vector.shape_cast %select_n3A_345 : vector<16xf32> to vector<16xf32>
    tpu.vector_store %arg25[%swap3A_346], %swap3A_349 {strides = array<i32>} : memref<12768xf32, #tpu.memory_space<vmem>>, vector<16xf32>,
    %get3A_350 = arith.constant 272 : index
    %get3A_351 = tpu.vector_load %arg24[%get3A_350] {strides = array<i32>} : memref<6400xi32, #tpu.memory_space<vmem>>, vector<16xi32>,
    %get3A_352 = vector.shape_cast %get3A_351 : vector<16xi32> to vector<16xi32>
    %gt3A_353 = arith.constant 0 : i32
    %gt3A_354 = vector.broadcast %gt3A_353 : i32 to vector<16xi32>
    %gt3A_355 = arith.cmpi sgt, %get3A_352, %gt3A_354 : vector<16xi32>
    %jit3A_356 = arith.constant 1.000000e+00 : f32
    %jit3A_357 = arith.constant 0.000000e+00 : f32
    %broadcast_in_dim3A_358 = vector.broadcast %jit3A_356 : f32 to vector<16xf32>
    %broadcast_in_dim3A_359 = vector.broadcast %jit3A_357 : f32 to vector<16xf32>
    %select_n3A_360 = arith.select %gt3A_355, %broadcast_in_dim3A_358, %broadcast_in_dim3A_359 : vector<16xi1>, vector<16xf32>
    %swap3A_361 = arith.constant 272 : index
    %swap3A_362 = tpu.vector_load %arg25[%swap3A_361] {strides = array<i32>} : memref<12768xf32, #tpu.memory_space<vmem>>, vector<16xf32>,
    %swap3A_363 = vector.shape_cast %swap3A_362 : vector<16xf32> to vector<16xf32>
    %swap3A_364 = vector.shape_cast %select_n3A_360 : vector<16xf32> to vector<16xf32>
    tpu.vector_store %arg25[%swap3A_361], %swap3A_364 {strides = array<i32>} : memref<12768xf32, #tpu.memory_space<vmem>>, vector<16xf32>,
    %get3A_365 = arith.constant 288 : index
    %get3A_366 = tpu.vector_load %arg24[%get3A_365] {strides = array<i32>} : memref<6400xi32, #tpu.memory_space<vmem>>, vector<16xi32>,
    %get3A_367 = vector.shape_cast %get3A_366 : vector<16xi32> to vector<16xi32>
    %gt3A_368 = arith.constant 0 : i32
    %gt3A_369 = vector.broadcast %gt3A_368 : i32 to vector<16xi32>
    %gt3A_370 = arith.cmpi sgt, %get3A_367, %gt3A_369 : vector<16xi32>
    %jit3A_371 = arith.constant 1.000000e+00 : f32
    %jit3A_372 = arith.constant 0.000000e+00 : f32
    %broadcast_in_dim3A_373 = vector.broadcast %jit3A_371 : f32 to vector<16xf32>
    %broadcast_in_dim3A_374 = vector.broadcast %jit3A_372 : f32 to vector<16xf32>
    %select_n3A_375 = arith.select %gt3A_370, %broadcast_in_dim3A_373, %broadcast_in_dim3A_374 : vector<16xi1>, vector<16xf32>
    %swap3A_376 = arith.constant 288 : index
    %swap3A_377 = tpu.vector_load %arg25[%swap3A_376] {strides = array<i32>} : memref<12768xf32, #tpu.memory_space<vmem>>, vector<16xf32>,
    %swap3A_378 = vector.shape_cast %swap3A_377 : vector<16xf32> to vector<16xf32>
    %swap3A_379 = vector.shape_cast %select_n3A_375 : vector<16xf32> to vector<16xf32>
    tpu.vector_store %arg25[%swap3A_376], %swap3A_379 {strides = array<i32>} : memref<12768xf32, #tpu.memory_space<vmem>>, vector<16xf32>,
    %get3A_380 = arith.constant 304 : index
    %get3A_381 = tpu.vector_load %arg24[%get3A_380] {strides = array<i32>} : memref<6400xi32, #tpu.memory_space<vmem>>, vector<16xi32>,
    %get3A_382 = vector.shape_cast %get3A_381 : vector<16xi32> to vector<16xi32>
    %gt3A_383 = arith.constant 0 : i32
    %gt3A_384 = vector.broadcast %gt3A_383 : i32 to vector<16xi32>
    %gt3A_385 = arith.cmpi sgt, %get3A_382, %gt3A_384 : vector<16xi32>
    %jit3A_386 = arith.constant 1.000000e+00 : f32
    %jit3A_387 = arith.constant 0.000000e+00 : f32
    %broadcast_in_dim3A_388 = vector.broadcast %jit3A_386 : f32 to vector<16xf32>
    %broadcast_in_dim3A_389 = vector.broadcast %jit3A_387 : f32 to vector<16xf32>
    %select_n3A_390 = arith.select %gt3A_385, %broadcast_in_dim3A_388, %broadcast_in_dim3A_389 : vector<16xi1>, vector<16xf32>
    %swap3A_391 = arith.constant 304 : index
    %swap3A_392 = tpu.vector_load %arg25[%swap3A_391] {strides = array<i32>} : memref<12768xf32, #tpu.memory_space<vmem>>, vector<16xf32>,
    %swap3A_393 = vector.shape_cast %swap3A_392 : vector<16xf32> to vector<16xf32>
    %swap3A_394 = vector.shape_cast %select_n3A_390 : vector<16xf32> to vector<16xf32>
    tpu.vector_store %arg25[%swap3A_391], %swap3A_394 {strides = array<i32>} : memref<12768xf32, #tpu.memory_space<vmem>>, vector<16xf32>,
    %get3A_395 = arith.constant 320 : index
    %get3A_396 = tpu.vector_load %arg24[%get3A_395] {strides = array<i32>} : memref<6400xi32, #tpu.memory_space<vmem>>, vector<16xi32>,
    %get3A_397 = vector.shape_cast %get3A_396 : vector<16xi32> to vector<16xi32>
    %gt3A_398 = arith.constant 0 : i32
    %gt3A_399 = vector.broadcast %gt3A_398 : i32 to vector<16xi32>
    %gt3A_400 = arith.cmpi sgt, %get3A_397, %gt3A_399 : vector<16xi32>
    %jit3A_401 = arith.constant 1.000000e+00 : f32
    %jit3A_402 = arith.constant 0.000000e+00 : f32
    %broadcast_in_dim3A_403 = vector.broadcast %jit3A_401 : f32 to vector<16xf32>
    %broadcast_in_dim3A_404 = vector.broadcast %jit3A_402 : f32 to vector<16xf32>
    %select_n3A_405 = arith.select %gt3A_400, %broadcast_in_dim3A_403, %broadcast_in_dim3A_404 : vector<16xi1>, vector<16xf32>
    %swap3A_406 = arith.constant 320 : index
    %swap3A_407 = tpu.vector_load %arg25[%swap3A_406] {strides = array<i32>} : memref<12768xf32, #tpu.memory_space<vmem>>, vector<16xf32>,
    %swap3A_408 = vector.shape_cast %swap3A_407 : vector<16xf32> to vector<16xf32>
    %swap3A_409 = vector.shape_cast %select_n3A_405 : vector<16xf32> to vector<16xf32>
    tpu.vector_store %arg25[%swap3A_406], %swap3A_409 {strides = array<i32>} : memref<12768xf32, #tpu.memory_space<vmem>>, vector<16xf32>,
    %get3A_410 = arith.constant 336 : index
    %get3A_411 = tpu.vector_load %arg24[%get3A_410] {strides = array<i32>} : memref<6400xi32, #tpu.memory_space<vmem>>, vector<16xi32>,
    %get3A_412 = vector.shape_cast %get3A_411 : vector<16xi32> to vector<16xi32>
    %gt3A_413 = arith.constant 0 : i32
    %gt3A_414 = vector.broadcast %gt3A_413 : i32 to vector<16xi32>
    %gt3A_415 = arith.cmpi sgt, %get3A_412, %gt3A_414 : vector<16xi32>
    %jit3A_416 = arith.constant 1.000000e+00 : f32
    %jit3A_417 = arith.constant 0.000000e+00 : f32
    %broadcast_in_dim3A_418 = vector.broadcast %jit3A_416 : f32 to vector<16xf32>
    %broadcast_in_dim3A_419 = vector.broadcast %jit3A_417 : f32 to vector<16xf32>
    %select_n3A_420 = arith.select %gt3A_415, %broadcast_in_dim3A_418, %broadcast_in_dim3A_419 : vector<16xi1>, vector<16xf32>
    %swap3A_421 = arith.constant 336 : index
    %swap3A_422 = tpu.vector_load %arg25[%swap3A_421] {strides = array<i32>} : memref<12768xf32, #tpu.memory_space<vmem>>, vector<16xf32>,
    %swap3A_423 = vector.shape_cast %swap3A_422 : vector<16xf32> to vector<16xf32>
    %swap3A_424 = vector.shape_cast %select_n3A_420 : vector<16xf32> to vector<16xf32>
    tpu.vector_store %arg25[%swap3A_421], %swap3A_424 {strides = array<i32>} : memref<12768xf32, #tpu.memory_space<vmem>>, vector<16xf32>,
    %get3A_425 = arith.constant 352 : index
    %get3A_426 = tpu.vector_load %arg24[%get3A_425] {strides = array<i32>} : memref<6400xi32, #tpu.memory_space<vmem>>, vector<16xi32>,
    %get3A_427 = vector.shape_cast %get3A_426 : vector<16xi32> to vector<16xi32>
    %gt3A_428 = arith.constant 0 : i32
    %gt3A_429 = vector.broadcast %gt3A_428 : i32 to vector<16xi32>
    %gt3A_430 = arith.cmpi sgt, %get3A_427, %gt3A_429 : vector<16xi32>
    %jit3A_431 = arith.constant 1.000000e+00 : f32
    %jit3A_432 = arith.constant 0.000000e+00 : f32
    %broadcast_in_dim3A_433 = vector.broadcast %jit3A_431 : f32 to vector<16xf32>
    %broadcast_in_dim3A_434 = vector.broadcast %jit3A_432 : f32 to vector<16xf32>
    %select_n3A_435 = arith.select %gt3A_430, %broadcast_in_dim3A_433, %broadcast_in_dim3A_434 : vector<16xi1>, vector<16xf32>
    %swap3A_436 = arith.constant 352 : index
    %swap3A_437 = tpu.vector_load %arg25[%swap3A_436] {strides = array<i32>} : memref<12768xf32, #tpu.memory_space<vmem>>, vector<16xf32>,
    %swap3A_438 = vector.shape_cast %swap3A_437 : vector<16xf32> to vector<16xf32>
    %swap3A_439 = vector.shape_cast %select_n3A_435 : vector<16xf32> to vector<16xf32>
    tpu.vector_store %arg25[%swap3A_436], %swap3A_439 {strides = array<i32>} : memref<12768xf32, #tpu.memory_space<vmem>>, vector<16xf32>,
    %get3A_440 = arith.constant 368 : index
    %get3A_441 = tpu.vector_load %arg24[%get3A_440] {strides = array<i32>} : memref<6400xi32, #tpu.memory_space<vmem>>, vector<16xi32>,
    %get3A_442 = vector.shape_cast %get3A_441 : vector<16xi32> to vector<16xi32>
    %gt3A_443 = arith.constant 0 : i32
    %gt3A_444 = vector.broadcast %gt3A_443 : i32 to vector<16xi32>
    %gt3A_445 = arith.cmpi sgt, %get3A_442, %gt3A_444 : vector<16xi32>
    %jit3A_446 = arith.constant 1.000000e+00 : f32
    %jit3A_447 = arith.constant 0.000000e+00 : f32
    %broadcast_in_dim3A_448 = vector.broadcast %jit3A_446 : f32 to vector<16xf32>
    %broadcast_in_dim3A_449 = vector.broadcast %jit3A_447 : f32 to vector<16xf32>
    %select_n3A_450 = arith.select %gt3A_445, %broadcast_in_dim3A_448, %broadcast_in_dim3A_449 : vector<16xi1>, vector<16xf32>
    %swap3A_451 = arith.constant 368 : index
    %swap3A_452 = tpu.vector_load %arg25[%swap3A_451] {strides = array<i32>} : memref<12768xf32, #tpu.memory_space<vmem>>, vector<16xf32>,
    %swap3A_453 = vector.shape_cast %swap3A_452 : vector<16xf32> to vector<16xf32>
    %swap3A_454 = vector.shape_cast %select_n3A_450 : vector<16xf32> to vector<16xf32>
    tpu.vector_store %arg25[%swap3A_451], %swap3A_454 {strides = array<i32>} : memref<12768xf32, #tpu.memory_space<vmem>>, vector<16xf32>,
    %add3A_455 = arith.constant 256 : i32
    %add3A_456 = arith.addi %mul3A_18, %add3A_455 : i32
    %dma_start3A_457 = arith.constant 0 : i32
    %dma_start3A_458 = arith.constant 0 : i32
    %dma_start3A_459 = tpu.memref_slice %arg21[%dma_start3A_457, %dma_start3A_458] : memref<128x128xf32, #tpu.memory_space<vmem>> -> memref<128x128xf32, #tpu.memory_space<vmem>>
    %dma_start3A_460 = arith.constant 0 : i32
    %dma_start3A_461 = tpu.memref_slice %arg12[%add3A_456, %dma_start3A_460] : memref<204800x128xf32, #tpu.memory_space<hbm>> -> memref<128x128xf32, #tpu.memory_space<hbm>>
    %dma_start3A_462 = arith.constant 0 : i32
    %dma_start3A_463 = tpu.memref_slice %arg12[%add3A_456, %dma_start3A_462] : memref<204800x128xf32, #tpu.memory_space<hbm>> -> memref<128x128xf32, #tpu.memory_space<hbm>>
    %dma_start3A_464 = arith.constant 0 : i32
    %dma_start3A_465 = arith.constant 0 : i32
    %dma_start3A_466 = tpu.memref_slice %arg21[%dma_start3A_464, %dma_start3A_465] : memref<128x128xf32, #tpu.memory_space<vmem>> -> memref<128x128xf32, #tpu.memory_space<vmem>>
    tpu.enqueue_dma source(%dma_start3A_466 : memref<128x128xf32, #tpu.memory_space<vmem>>) target(%dma_start3A_463 : memref<128x128xf32, #tpu.memory_space<hbm>>) target_semaphore(%arg39 : memref<!tpu.dma_semaphore, #tpu.memory_space<semaphore_mem>>)
    %dma_wait3A_467 = arith.constant 0 : i32
    %dma_wait3A_468 = arith.constant 0 : i32
    %dma_wait3A_469 = tpu.memref_slice %arg20[%dma_wait3A_467, %dma_wait3A_468] : memref<128x128xf32, #tpu.memory_space<vmem>> -> memref<128x128xf32, #tpu.memory_space<vmem>>
    %dma_wait3A_470 = arith.constant 0 : i32
    %dma_wait3A_471 = arith.constant 0 : i32
    %dma_wait3A_472 = tpu.memref_slice %arg8[%dma_wait3A_470, %dma_wait3A_471] : memref<100001x128xf32, #tpu.memory_space<hbm>> -> memref<128x128xf32, #tpu.memory_space<hbm>>
    %dma_wait3A_473 = arith.constant 0 : i32
    %dma_wait3A_474 = arith.constant 0 : i32
    %dma_wait3A_475 = tpu.memref_slice %arg20[%dma_wait3A_473, %dma_wait3A_474] : memref<128x128xf32, #tpu.memory_space<vmem>> -> memref<128x128xf32, #tpu.memory_space<vmem>>
    %dma_wait3A_476 = arith.constant 0 : i32
    %dma_wait3A_477 = arith.constant 0 : i32
    %dma_wait3A_478 = tpu.memref_slice %arg8[%dma_wait3A_476, %dma_wait3A_477] : memref<100001x128xf32, #tpu.memory_space<hbm>> -> memref<128x128xf32, #tpu.memory_space<hbm>>
    tpu.wait_dma2 semaphore(%arg38 : memref<!tpu.dma_semaphore, #tpu.memory_space<semaphore_mem>>) src(%dma_wait3A_478 : memref<128x128xf32, #tpu.memory_space<hbm>>) dst(%dma_wait3A_475 : memref<128x128xf32, #tpu.memory_space<vmem>>)
    %dma_start3A_479 = arith.constant 768 : i32
    %dma_start3A_480 = tpu.memref_slice %arg18[%dma_start3A_479] : memref<12800xi32, #tpu.memory_space<vmem>> -> memref<128xi32, #tpu.memory_space<vmem>>
    %dma_start3A_481 = arith.constant 0 : i32
    %dma_start3A_482 = arith.constant 0 : i32
    %dma_start3A_483 = tpu.memref_slice %arg8[%dma_start3A_481, %dma_start3A_482] : memref<100001x128xf32, #tpu.memory_space<hbm>> -> memref<100001x128xf32, #tpu.memory_space<hbm>>
    tpu.enqueue_indirect_dma source(%dma_start3A_483 : memref<100001x128xf32, #tpu.memory_space<hbm>>) target(%arg20 : memref<128x128xf32, #tpu.memory_space<vmem>>) offsets(%dma_start3A_480 : memref<128xi32, #tpu.memory_space<vmem>>) semaphore(%arg33 : memref<!tpu.dma_semaphore, #tpu.memory_space<semaphore_mem>>)
    %dma_wait3A_484 = arith.constant 384 : i32
    %dma_wait3A_485 = tpu.memref_slice %arg18[%dma_wait3A_484] : memref<12800xi32, #tpu.memory_space<vmem>> -> memref<128xi32, #tpu.memory_space<vmem>>
    %dma_wait3A_486 = arith.constant 0 : i32
    %dma_wait3A_487 = arith.constant 0 : i32
    %dma_wait3A_488 = tpu.memref_slice %arg8[%dma_wait3A_486, %dma_wait3A_487] : memref<100001x128xf32, #tpu.memory_space<hbm>> -> memref<100001x128xf32, #tpu.memory_space<hbm>>
    tpu.wait_indirect_dma semaphore(%arg35 : memref<!tpu.dma_semaphore, #tpu.memory_space<semaphore_mem>>) src(%dma_wait3A_488 : memref<100001x128xf32, #tpu.memory_space<hbm>>) dst(%arg22 : memref<128x128xf32, #tpu.memory_space<vmem>>)
    %get3A_489 = arith.constant 384 : index
    %get3A_490 = tpu.vector_load %arg24[%get3A_489] {strides = array<i32>} : memref<6400xi32, #tpu.memory_space<vmem>>, vector<16xi32>,
    %get3A_491 = vector.shape_cast %get3A_490 : vector<16xi32> to vector<16xi32>
    %gt3A_492 = arith.constant 0 : i32
    %gt3A_493 = vector.broadcast %gt3A_492 : i32 to vector<16xi32>
    %gt3A_494 = arith.cmpi sgt, %get3A_491, %gt3A_493 : vector<16xi32>
    %jit3A_495 = arith.constant 1.000000e+00 : f32
    %jit3A_496 = arith.constant 0.000000e+00 : f32
    %broadcast_in_dim3A_497 = vector.broadcast %jit3A_495 : f32 to vector<16xf32>
    %broadcast_in_dim3A_498 = vector.broadcast %jit3A_496 : f32 to vector<16xf32>
    %select_n3A_499 = arith.select %gt3A_494, %broadcast_in_dim3A_497, %broadcast_in_dim3A_498 : vector<16xi1>, vector<16xf32>
    %swap3A_500 = arith.constant 384 : index
    %swap3A_501 = tpu.vector_load %arg25[%swap3A_500] {strides = array<i32>} : memref<12768xf32, #tpu.memory_space<vmem>>, vector<16xf32>,
    %swap3A_502 = vector.shape_cast %swap3A_501 : vector<16xf32> to vector<16xf32>
    %swap3A_503 = vector.shape_cast %select_n3A_499 : vector<16xf32> to vector<16xf32>
    tpu.vector_store %arg25[%swap3A_500], %swap3A_503 {strides = array<i32>} : memref<12768xf32, #tpu.memory_space<vmem>>, vector<16xf32>,
    %get3A_504 = arith.constant 400 : index
    %get3A_505 = tpu.vector_load %arg24[%get3A_504] {strides = array<i32>} : memref<6400xi32, #tpu.memory_space<vmem>>, vector<16xi32>,
    %get3A_506 = vector.shape_cast %get3A_505 : vector<16xi32> to vector<16xi32>
    %gt3A_507 = arith.constant 0 : i32
    %gt3A_508 = vector.broadcast %gt3A_507 : i32 to vector<16xi32>
    %gt3A_509 = arith.cmpi sgt, %get3A_506, %gt3A_508 : vector<16xi32>
    %jit3A_510 = arith.constant 1.000000e+00 : f32
    %jit3A_511 = arith.constant 0.000000e+00 : f32
    %broadcast_in_dim3A_512 = vector.broadcast %jit3A_510 : f32 to vector<16xf32>
    %broadcast_in_dim3A_513 = vector.broadcast %jit3A_511 : f32 to vector<16xf32>
    %select_n3A_514 = arith.select %gt3A_509, %broadcast_in_dim3A_512, %broadcast_in_dim3A_513 : vector<16xi1>, vector<16xf32>
    %swap3A_515 = arith.constant 400 : index
    %swap3A_516 = tpu.vector_load %arg25[%swap3A_515] {strides = array<i32>} : memref<12768xf32, #tpu.memory_space<vmem>>, vector<16xf32>,
    %swap3A_517 = vector.shape_cast %swap3A_516 : vector<16xf32> to vector<16xf32>
    %swap3A_518 = vector.shape_cast %select_n3A_514 : vector<16xf32> to vector<16xf32>
    tpu.vector_store %arg25[%swap3A_515], %swap3A_518 {strides = array<i32>} : memref<12768xf32, #tpu.memory_space<vmem>>, vector<16xf32>,
    %get3A_519 = arith.constant 416 : index
    %get3A_520 = tpu.vector_load %arg24[%get3A_519] {strides = array<i32>} : memref<6400xi32, #tpu.memory_space<vmem>>, vector<16xi32>,
    %get3A_521 = vector.shape_cast %get3A_520 : vector<16xi32> to vector<16xi32>
    %gt3A_522 = arith.constant 0 : i32
    %gt3A_523 = vector.broadcast %gt3A_522 : i32 to vector<16xi32>
    %gt3A_524 = arith.cmpi sgt, %get3A_521, %gt3A_523 : vector<16xi32>
    %jit3A_525 = arith.constant 1.000000e+00 : f32
    %jit3A_526 = arith.constant 0.000000e+00 : f32
    %broadcast_in_dim3A_527 = vector.broadcast %jit3A_525 : f32 to vector<16xf32>
    %broadcast_in_dim3A_528 = vector.broadcast %jit3A_526 : f32 to vector<16xf32>
    %select_n3A_529 = arith.select %gt3A_524, %broadcast_in_dim3A_527, %broadcast_in_dim3A_528 : vector<16xi1>, vector<16xf32>
    %swap3A_530 = arith.constant 416 : index
    %swap3A_531 = tpu.vector_load %arg25[%swap3A_530] {strides = array<i32>} : memref<12768xf32, #tpu.memory_space<vmem>>, vector<16xf32>,
    %swap3A_532 = vector.shape_cast %swap3A_531 : vector<16xf32> to vector<16xf32>
    %swap3A_533 = vector.shape_cast %select_n3A_529 : vector<16xf32> to vector<16xf32>
    tpu.vector_store %arg25[%swap3A_530], %swap3A_533 {strides = array<i32>} : memref<12768xf32, #tpu.memory_space<vmem>>, vector<16xf32>,
    %get3A_534 = arith.constant 432 : index
    %get3A_535 = tpu.vector_load %arg24[%get3A_534] {strides = array<i32>} : memref<6400xi32, #tpu.memory_space<vmem>>, vector<16xi32>,
    %get3A_536 = vector.shape_cast %get3A_535 : vector<16xi32> to vector<16xi32>
    %gt3A_537 = arith.constant 0 : i32
    %gt3A_538 = vector.broadcast %gt3A_537 : i32 to vector<16xi32>
    %gt3A_539 = arith.cmpi sgt, %get3A_536, %gt3A_538 : vector<16xi32>
    %jit3A_540 = arith.constant 1.000000e+00 : f32
    %jit3A_541 = arith.constant 0.000000e+00 : f32
    %broadcast_in_dim3A_542 = vector.broadcast %jit3A_540 : f32 to vector<16xf32>
    %broadcast_in_dim3A_543 = vector.broadcast %jit3A_541 : f32 to vector<16xf32>
    %select_n3A_544 = arith.select %gt3A_539, %broadcast_in_dim3A_542, %broadcast_in_dim3A_543 : vector<16xi1>, vector<16xf32>
    %swap3A_545 = arith.constant 432 : index
    %swap3A_546 = tpu.vector_load %arg25[%swap3A_545] {strides = array<i32>} : memref<12768xf32, #tpu.memory_space<vmem>>, vector<16xf32>,
    %swap3A_547 = vector.shape_cast %swap3A_546 : vector<16xf32> to vector<16xf32>
    %swap3A_548 = vector.shape_cast %select_n3A_544 : vector<16xf32> to vector<16xf32>
    tpu.vector_store %arg25[%swap3A_545], %swap3A_548 {strides = array<i32>} : memref<12768xf32, #tpu.memory_space<vmem>>, vector<16xf32>,
    %get3A_549 = arith.constant 448 : index
    %get3A_550 = tpu.vector_load %arg24[%get3A_549] {strides = array<i32>} : memref<6400xi32, #tpu.memory_space<vmem>>, vector<16xi32>,
    %get3A_551 = vector.shape_cast %get3A_550 : vector<16xi32> to vector<16xi32>
    %gt3A_552 = arith.constant 0 : i32
    %gt3A_553 = vector.broadcast %gt3A_552 : i32 to vector<16xi32>
    %gt3A_554 = arith.cmpi sgt, %get3A_551, %gt3A_553 : vector<16xi32>
    %jit3A_555 = arith.constant 1.000000e+00 : f32
    %jit3A_556 = arith.constant 0.000000e+00 : f32
    %broadcast_in_dim3A_557 = vector.broadcast %jit3A_555 : f32 to vector<16xf32>
    %broadcast_in_dim3A_558 = vector.broadcast %jit3A_556 : f32 to vector<16xf32>
    %select_n3A_559 = arith.select %gt3A_554, %broadcast_in_dim3A_557, %broadcast_in_dim3A_558 : vector<16xi1>, vector<16xf32>
    %swap3A_560 = arith.constant 448 : index
    %swap3A_561 = tpu.vector_load %arg25[%swap3A_560] {strides = array<i32>} : memref<12768xf32, #tpu.memory_space<vmem>>, vector<16xf32>,
    %swap3A_562 = vector.shape_cast %swap3A_561 : vector<16xf32> to vector<16xf32>
    %swap3A_563 = vector.shape_cast %select_n3A_559 : vector<16xf32> to vector<16xf32>
    tpu.vector_store %arg25[%swap3A_560], %swap3A_563 {strides = array<i32>} : memref<12768xf32, #tpu.memory_space<vmem>>, vector<16xf32>,
    %get3A_564 = arith.constant 464 : index
    %get3A_565 = tpu.vector_load %arg24[%get3A_564] {strides = array<i32>} : memref<6400xi32, #tpu.memory_space<vmem>>, vector<16xi32>,
    %get3A_566 = vector.shape_cast %get3A_565 : vector<16xi32> to vector<16xi32>
    %gt3A_567 = arith.constant 0 : i32
    %gt3A_568 = vector.broadcast %gt3A_567 : i32 to vector<16xi32>
    %gt3A_569 = arith.cmpi sgt, %get3A_566, %gt3A_568 : vector<16xi32>
    %jit3A_570 = arith.constant 1.000000e+00 : f32
    %jit3A_571 = arith.constant 0.000000e+00 : f32
    %broadcast_in_dim3A_572 = vector.broadcast %jit3A_570 : f32 to vector<16xf32>
    %broadcast_in_dim3A_573 = vector.broadcast %jit3A_571 : f32 to vector<16xf32>
    %select_n3A_574 = arith.select %gt3A_569, %broadcast_in_dim3A_572, %broadcast_in_dim3A_573 : vector<16xi1>, vector<16xf32>
    %swap3A_575 = arith.constant 464 : index
    %swap3A_576 = tpu.vector_load %arg25[%swap3A_575] {strides = array<i32>} : memref<12768xf32, #tpu.memory_space<vmem>>, vector<16xf32>,
    %swap3A_577 = vector.shape_cast %swap3A_576 : vector<16xf32> to vector<16xf32>
    %swap3A_578 = vector.shape_cast %select_n3A_574 : vector<16xf32> to vector<16xf32>
    tpu.vector_store %arg25[%swap3A_575], %swap3A_578 {strides = array<i32>} : memref<12768xf32, #tpu.memory_space<vmem>>, vector<16xf32>,
    %get3A_579 = arith.constant 480 : index
    %get3A_580 = tpu.vector_load %arg24[%get3A_579] {strides = array<i32>} : memref<6400xi32, #tpu.memory_space<vmem>>, vector<16xi32>,
    %get3A_581 = vector.shape_cast %get3A_580 : vector<16xi32> to vector<16xi32>
    %gt3A_582 = arith.constant 0 : i32
    %gt3A_583 = vector.broadcast %gt3A_582 : i32 to vector<16xi32>
    %gt3A_584 = arith.cmpi sgt, %get3A_581, %gt3A_583 : vector<16xi32>
    %jit3A_585 = arith.constant 1.000000e+00 : f32
    %jit3A_586 = arith.constant 0.000000e+00 : f32
    %broadcast_in_dim3A_587 = vector.broadcast %jit3A_585 : f32 to vector<16xf32>
    %broadcast_in_dim3A_588 = vector.broadcast %jit3A_586 : f32 to vector<16xf32>
    %select_n3A_589 = arith.select %gt3A_584, %broadcast_in_dim3A_587, %broadcast_in_dim3A_588 : vector<16xi1>, vector<16xf32>
    %swap3A_590 = arith.constant 480 : index
    %swap3A_591 = tpu.vector_load %arg25[%swap3A_590] {strides = array<i32>} : memref<12768xf32, #tpu.memory_space<vmem>>, vector<16xf32>,
    %swap3A_592 = vector.shape_cast %swap3A_591 : vector<16xf32> to vector<16xf32>
    %swap3A_593 = vector.shape_cast %select_n3A_589 : vector<16xf32> to vector<16xf32>
    tpu.vector_store %arg25[%swap3A_590], %swap3A_593 {strides = array<i32>} : memref<12768xf32, #tpu.memory_space<vmem>>, vector<16xf32>,
    %get3A_594 = arith.constant 496 : index
    %get3A_595 = tpu.vector_load %arg24[%get3A_594] {strides = array<i32>} : memref<6400xi32, #tpu.memory_space<vmem>>, vector<16xi32>,
    %get3A_596 = vector.shape_cast %get3A_595 : vector<16xi32> to vector<16xi32>
    %gt3A_597 = arith.constant 0 : i32
    %gt3A_598 = vector.broadcast %gt3A_597 : i32 to vector<16xi32>
    %gt3A_599 = arith.cmpi sgt, %get3A_596, %gt3A_598 : vector<16xi32>
    %jit3A_600 = arith.constant 1.000000e+00 : f32
    %jit3A_601 = arith.constant 0.000000e+00 : f32
    %broadcast_in_dim3A_602 = vector.broadcast %jit3A_600 : f32 to vector<16xf32>
    %broadcast_in_dim3A_603 = vector.broadcast %jit3A_601 : f32 to vector<16xf32>
    %select_n3A_604 = arith.select %gt3A_599, %broadcast_in_dim3A_602, %broadcast_in_dim3A_603 : vector<16xi1>, vector<16xf32>
    %swap3A_605 = arith.constant 496 : index
    %swap3A_606 = tpu.vector_load %arg25[%swap3A_605] {strides = array<i32>} : memref<12768xf32, #tpu.memory_space<vmem>>, vector<16xf32>,
    %swap3A_607 = vector.shape_cast %swap3A_606 : vector<16xf32> to vector<16xf32>
    %swap3A_608 = vector.shape_cast %select_n3A_604 : vector<16xf32> to vector<16xf32>
    tpu.vector_store %arg25[%swap3A_605], %swap3A_608 {strides = array<i32>} : memref<12768xf32, #tpu.memory_space<vmem>>, vector<16xf32>,
    %add3A_609 = arith.constant 384 : i32
    %add3A_610 = arith.addi %mul3A_18, %add3A_609 : i32
    %dma_start3A_611 = arith.constant 0 : i32
    %dma_start3A_612 = arith.constant 0 : i32
    %dma_start3A_613 = tpu.memref_slice %arg22[%dma_start3A_611, %dma_start3A_612] : memref<128x128xf32, #tpu.memory_space<vmem>> -> memref<128x128xf32, #tpu.memory_space<vmem>>
    %dma_start3A_614 = arith.constant 0 : i32
    %dma_start3A_615 = tpu.memref_slice %arg12[%add3A_610, %dma_start3A_614] : memref<204800x128xf32, #tpu.memory_space<hbm>> -> memref<128x128xf32, #tpu.memory_space<hbm>>
    %dma_start3A_616 = arith.constant 0 : i32
    %dma_start3A_617 = tpu.memref_slice %arg12[%add3A_610, %dma_start3A_616] : memref<204800x128xf32, #tpu.memory_space<hbm>> -> memref<128x128xf32, #tpu.memory_space<hbm>>
    %dma_start3A_618 = arith.constant 0 : i32
    %dma_start3A_619 = arith.constant 0 : i32
    %dma_start3A_620 = tpu.memref_slice %arg22[%dma_start3A_618, %dma_start3A_619] : memref<128x128xf32, #tpu.memory_space<vmem>> -> memref<128x128xf32, #tpu.memory_space<vmem>>
    tpu.enqueue_dma source(%dma_start3A_620 : memref<128x128xf32, #tpu.memory_space<vmem>>) target(%dma_start3A_617 : memref<128x128xf32, #tpu.memory_space<hbm>>) target_semaphore(%arg40 : memref<!tpu.dma_semaphore, #tpu.memory_space<semaphore_mem>>)
    %dma_wait3A_621 = arith.constant 0 : i32
    %dma_wait3A_622 = arith.constant 0 : i32
    %dma_wait3A_623 = tpu.memref_slice %arg21[%dma_wait3A_621, %dma_wait3A_622] : memref<128x128xf32, #tpu.memory_space<vmem>> -> memref<128x128xf32, #tpu.memory_space<vmem>>
    %dma_wait3A_624 = arith.constant 0 : i32
    %dma_wait3A_625 = arith.constant 0 : i32
    %dma_wait3A_626 = tpu.memref_slice %arg8[%dma_wait3A_624, %dma_wait3A_625] : memref<100001x128xf32, #tpu.memory_space<hbm>> -> memref<128x128xf32, #tpu.memory_space<hbm>>
    %dma_wait3A_627 = arith.constant 0 : i32
    %dma_wait3A_628 = arith.constant 0 : i32
    %dma_wait3A_629 = tpu.memref_slice %arg21[%dma_wait3A_627, %dma_wait3A_628] : memref<128x128xf32, #tpu.memory_space<vmem>> -> memref<128x128xf32, #tpu.memory_space<vmem>>
    %dma_wait3A_630 = arith.constant 0 : i32
    %dma_wait3A_631 = arith.constant 0 : i32
    %dma_wait3A_632 = tpu.memref_slice %arg8[%dma_wait3A_630, %dma_wait3A_631] : memref<100001x128xf32, #tpu.memory_space<hbm>> -> memref<128x128xf32, #tpu.memory_space<hbm>>
    tpu.wait_dma2 semaphore(%arg39 : memref<!tpu.dma_semaphore, #tpu.memory_space<semaphore_mem>>) src(%dma_wait3A_632 : memref<128x128xf32, #tpu.memory_space<hbm>>) dst(%dma_wait3A_629 : memref<128x128xf32, #tpu.memory_space<vmem>>)
    %dma_start3A_633 = arith.constant 896 : i32
    %dma_start3A_634 = tpu.memref_slice %arg18[%dma_start3A_633] : memref<12800xi32, #tpu.memory_space<vmem>> -> memref<128xi32, #tpu.memory_space<vmem>>
    %dma_start3A_635 = arith.constant 0 : i32
    %dma_start3A_636 = arith.constant 0 : i32
    %dma_start3A_637 = tpu.memref_slice %arg8[%dma_start3A_635, %dma_start3A_636] : memref<100001x128xf32, #tpu.memory_space<hbm>> -> memref<100001x128xf32, #tpu.memory_space<hbm>>
    tpu.enqueue_indirect_dma source(%dma_start3A_637 : memref<100001x128xf32, #tpu.memory_space<hbm>>) target(%arg21 : memref<128x128xf32, #tpu.memory_space<vmem>>) offsets(%dma_start3A_634 : memref<128xi32, #tpu.memory_space<vmem>>) semaphore(%arg34 : memref<!tpu.dma_semaphore, #tpu.memory_space<semaphore_mem>>)
    %dma_wait3A_638 = arith.constant 512 : i32
    %dma_wait3A_639 = tpu.memref_slice %arg18[%dma_wait3A_638] : memref<12800xi32, #tpu.memory_space<vmem>> -> memref<128xi32, #tpu.memory_space<vmem>>
    %dma_wait3A_640 = arith.constant 0 : i32
    %dma_wait3A_641 = arith.constant 0 : i32
    %dma_wait3A_642 = tpu.memref_slice %arg8[%dma_wait3A_640, %dma_wait3A_641] : memref<100001x128xf32, #tpu.memory_space<hbm>> -> memref<100001x128xf32, #tpu.memory_space<hbm>>
    tpu.wait_indirect_dma semaphore(%arg36 : memref<!tpu.dma_semaphore, #tpu.memory_space<semaphore_mem>>) src(%dma_wait3A_642 : memref<100001x128xf32, #tpu.memory_space<hbm>>) dst(%arg23 : memref<128x128xf32, #tpu.memory_space<vmem>>)
    %get3A_643 = arith.constant 512 : index
    %get3A_644 = tpu.vector_load %arg24[%get3A_643] {strides = array<i32>} : memref<6400xi32, #tpu.memory_space<vmem>>, vector<16xi32>,
    %get3A_645 = vector.shape_cast %get3A_644 : vector<16xi32> to vector<16xi32>
    %gt3A_646 = arith.constant 0 : i32
    %gt3A_647 = vector.broadcast %gt3A_646 : i32 to vector<16xi32>
    %gt3A_648 = arith.cmpi sgt, %get3A_645, %gt3A_647 : vector<16xi32>
    %jit3A_649 = arith.constant 1.000000e+00 : f32
    %jit3A_650 = arith.constant 0.000000e+00 : f32
    %broadcast_in_dim3A_651 = vector.broadcast %jit3A_649 : f32 to vector<16xf32>
    %broadcast_in_dim3A_652 = vector.broadcast %jit3A_650 : f32 to vector<16xf32>
    %select_n3A_653 = arith.select %gt3A_648, %broadcast_in_dim3A_651, %broadcast_in_dim3A_652 : vector<16xi1>, vector<16xf32>
    %swap3A_654 = arith.constant 512 : index
    %swap3A_655 = tpu.vector_load %arg25[%swap3A_654] {strides = array<i32>} : memref<12768xf32, #tpu.memory_space<vmem>>, vector<16xf32>,
    %swap3A_656 = vector.shape_cast %swap3A_655 : vector<16xf32> to vector<16xf32>
    %swap3A_657 = vector.shape_cast %select_n3A_653 : vector<16xf32> to vector<16xf32>
    tpu.vector_store %arg25[%swap3A_654], %swap3A_657 {strides = array<i32>} : memref<12768xf32, #tpu.memory_space<vmem>>, vector<16xf32>,
    %get3A_658 = arith.constant 528 : index
    %get3A_659 = tpu.vector_load %arg24[%get3A_658] {strides = array<i32>} : memref<6400xi32, #tpu.memory_space<vmem>>, vector<16xi32>,
    %get3A_660 = vector.shape_cast %get3A_659 : vector<16xi32> to vector<16xi32>
    %gt3A_661 = arith.constant 0 : i32
    %gt3A_662 = vector.broadcast %gt3A_661 : i32 to vector<16xi32>
    %gt3A_663 = arith.cmpi sgt, %get3A_660, %gt3A_662 : vector<16xi32>
    %jit3A_664 = arith.constant 1.000000e+00 : f32
    %jit3A_665 = arith.constant 0.000000e+00 : f32
    %broadcast_in_dim3A_666 = vector.broadcast %jit3A_664 : f32 to vector<16xf32>
    %broadcast_in_dim3A_667 = vector.broadcast %jit3A_665 : f32 to vector<16xf32>
    %select_n3A_668 = arith.select %gt3A_663, %broadcast_in_dim3A_666, %broadcast_in_dim3A_667 : vector<16xi1>, vector<16xf32>
    %swap3A_669 = arith.constant 528 : index
    %swap3A_670 = tpu.vector_load %arg25[%swap3A_669] {strides = array<i32>} : memref<12768xf32, #tpu.memory_space<vmem>>, vector<16xf32>,
    %swap3A_671 = vector.shape_cast %swap3A_670 : vector<16xf32> to vector<16xf32>
    %swap3A_672 = vector.shape_cast %select_n3A_668 : vector<16xf32> to vector<16xf32>
    tpu.vector_store %arg25[%swap3A_669], %swap3A_672 {strides = array<i32>} : memref<12768xf32, #tpu.memory_space<vmem>>, vector<16xf32>,
    %get3A_673 = arith.constant 544 : index
    %get3A_674 = tpu.vector_load %arg24[%get3A_673] {strides = array<i32>} : memref<6400xi32, #tpu.memory_space<vmem>>, vector<16xi32>,
    %get3A_675 = vector.shape_cast %get3A_674 : vector<16xi32> to vector<16xi32>
    %gt3A_676 = arith.constant 0 : i32
    %gt3A_677 = vector.broadcast %gt3A_676 : i32 to vector<16xi32>
    %gt3A_678 = arith.cmpi sgt, %get3A_675, %gt3A_677 : vector<16xi32>
    %jit3A_679 = arith.constant 1.000000e+00 : f32
    %jit3A_680 = arith.constant 0.000000e+00 : f32
    %broadcast_in_dim3A_681 = vector.broadcast %jit3A_679 : f32 to vector<16xf32>
    %broadcast_in_dim3A_682 = vector.broadcast %jit3A_680 : f32 to vector<16xf32>
    %select_n3A_683 = arith.select %gt3A_678, %broadcast_in_dim3A_681, %broadcast_in_dim3A_682 : vector<16xi1>, vector<16xf32>
    %swap3A_684 = arith.constant 544 : index
    %swap3A_685 = tpu.vector_load %arg25[%swap3A_684] {strides = array<i32>} : memref<12768xf32, #tpu.memory_space<vmem>>, vector<16xf32>,
    %swap3A_686 = vector.shape_cast %swap3A_685 : vector<16xf32> to vector<16xf32>
    %swap3A_687 = vector.shape_cast %select_n3A_683 : vector<16xf32> to vector<16xf32>
    tpu.vector_store %arg25[%swap3A_684], %swap3A_687 {strides = array<i32>} : memref<12768xf32, #tpu.memory_space<vmem>>, vector<16xf32>,
    %get3A_688 = arith.constant 560 : index
    %get3A_689 = tpu.vector_load %arg24[%get3A_688] {strides = array<i32>} : memref<6400xi32, #tpu.memory_space<vmem>>, vector<16xi32>,
    %get3A_690 = vector.shape_cast %get3A_689 : vector<16xi32> to vector<16xi32>
    %gt3A_691 = arith.constant 0 : i32
    %gt3A_692 = vector.broadcast %gt3A_691 : i32 to vector<16xi32>
    %gt3A_693 = arith.cmpi sgt, %get3A_690, %gt3A_692 : vector<16xi32>
    %jit3A_694 = arith.constant 1.000000e+00 : f32
    %jit3A_695 = arith.constant 0.000000e+00 : f32
    %broadcast_in_dim3A_696 = vector.broadcast %jit3A_694 : f32 to vector<16xf32>
    %broadcast_in_dim3A_697 = vector.broadcast %jit3A_695 : f32 to vector<16xf32>
    %select_n3A_698 = arith.select %gt3A_693, %broadcast_in_dim3A_696, %broadcast_in_dim3A_697 : vector<16xi1>, vector<16xf32>
    %swap3A_699 = arith.constant 560 : index
    %swap3A_700 = tpu.vector_load %arg25[%swap3A_699] {strides = array<i32>} : memref<12768xf32, #tpu.memory_space<vmem>>, vector<16xf32>,
    %swap3A_701 = vector.shape_cast %swap3A_700 : vector<16xf32> to vector<16xf32>
    %swap3A_702 = vector.shape_cast %select_n3A_698 : vector<16xf32> to vector<16xf32>
    tpu.vector_store %arg25[%swap3A_699], %swap3A_702 {strides = array<i32>} : memref<12768xf32, #tpu.memory_space<vmem>>, vector<16xf32>,
    %get3A_703 = arith.constant 576 : index
    %get3A_704 = tpu.vector_load %arg24[%get3A_703] {strides = array<i32>} : memref<6400xi32, #tpu.memory_space<vmem>>, vector<16xi32>,
    %get3A_705 = vector.shape_cast %get3A_704 : vector<16xi32> to vector<16xi32>
    %gt3A_706 = arith.constant 0 : i32
    %gt3A_707 = vector.broadcast %gt3A_706 : i32 to vector<16xi32>
    %gt3A_708 = arith.cmpi sgt, %get3A_705, %gt3A_707 : vector<16xi32>
    %jit3A_709 = arith.constant 1.000000e+00 : f32
    %jit3A_710 = arith.constant 0.000000e+00 : f32
    %broadcast_in_dim3A_711 = vector.broadcast %jit3A_709 : f32 to vector<16xf32>
    %broadcast_in_dim3A_712 = vector.broadcast %jit3A_710 : f32 to vector<16xf32>
    %select_n3A_713 = arith.select %gt3A_708, %broadcast_in_dim3A_711, %broadcast_in_dim3A_712 : vector<16xi1>, vector<16xf32>
    %swap3A_714 = arith.constant 576 : index
    %swap3A_715 = tpu.vector_load %arg25[%swap3A_714] {strides = array<i32>} : memref<12768xf32, #tpu.memory_space<vmem>>, vector<16xf32>,
    %swap3A_716 = vector.shape_cast %swap3A_715 : vector<16xf32> to vector<16xf32>
    %swap3A_717 = vector.shape_cast %select_n3A_713 : vector<16xf32> to vector<16xf32>
    tpu.vector_store %arg25[%swap3A_714], %swap3A_717 {strides = array<i32>} : memref<12768xf32, #tpu.memory_space<vmem>>, vector<16xf32>,
    %get3A_718 = arith.constant 592 : index
    %get3A_719 = tpu.vector_load %arg24[%get3A_718] {strides = array<i32>} : memref<6400xi32, #tpu.memory_space<vmem>>, vector<16xi32>,
    %get3A_720 = vector.shape_cast %get3A_719 : vector<16xi32> to vector<16xi32>
    %gt3A_721 = arith.constant 0 : i32
    %gt3A_722 = vector.broadcast %gt3A_721 : i32 to vector<16xi32>
    %gt3A_723 = arith.cmpi sgt, %get3A_720, %gt3A_722 : vector<16xi32>
    %jit3A_724 = arith.constant 1.000000e+00 : f32
    %jit3A_725 = arith.constant 0.000000e+00 : f32
    %broadcast_in_dim3A_726 = vector.broadcast %jit3A_724 : f32 to vector<16xf32>
    %broadcast_in_dim3A_727 = vector.broadcast %jit3A_725 : f32 to vector<16xf32>
    %select_n3A_728 = arith.select %gt3A_723, %broadcast_in_dim3A_726, %broadcast_in_dim3A_727 : vector<16xi1>, vector<16xf32>
    %swap3A_729 = arith.constant 592 : index
    %swap3A_730 = tpu.vector_load %arg25[%swap3A_729] {strides = array<i32>} : memref<12768xf32, #tpu.memory_space<vmem>>, vector<16xf32>,
    %swap3A_731 = vector.shape_cast %swap3A_730 : vector<16xf32> to vector<16xf32>
    %swap3A_732 = vector.shape_cast %select_n3A_728 : vector<16xf32> to vector<16xf32>
    tpu.vector_store %arg25[%swap3A_729], %swap3A_732 {strides = array<i32>} : memref<12768xf32, #tpu.memory_space<vmem>>, vector<16xf32>,
    %get3A_733 = arith.constant 608 : index
    %get3A_734 = tpu.vector_load %arg24[%get3A_733] {strides = array<i32>} : memref<6400xi32, #tpu.memory_space<vmem>>, vector<16xi32>,
    %get3A_735 = vector.shape_cast %get3A_734 : vector<16xi32> to vector<16xi32>
    %gt3A_736 = arith.constant 0 : i32
    %gt3A_737 = vector.broadcast %gt3A_736 : i32 to vector<16xi32>
    %gt3A_738 = arith.cmpi sgt, %get3A_735, %gt3A_737 : vector<16xi32>
    %jit3A_739 = arith.constant 1.000000e+00 : f32
    %jit3A_740 = arith.constant 0.000000e+00 : f32
    %broadcast_in_dim3A_741 = vector.broadcast %jit3A_739 : f32 to vector<16xf32>
    %broadcast_in_dim3A_742 = vector.broadcast %jit3A_740 : f32 to vector<16xf32>
    %select_n3A_743 = arith.select %gt3A_738, %broadcast_in_dim3A_741, %broadcast_in_dim3A_742 : vector<16xi1>, vector<16xf32>
    %swap3A_744 = arith.constant 608 : index
    %swap3A_745 = tpu.vector_load %arg25[%swap3A_744] {strides = array<i32>} : memref<12768xf32, #tpu.memory_space<vmem>>, vector<16xf32>,
    %swap3A_746 = vector.shape_cast %swap3A_745 : vector<16xf32> to vector<16xf32>
    %swap3A_747 = vector.shape_cast %select_n3A_743 : vector<16xf32> to vector<16xf32>
    tpu.vector_store %arg25[%swap3A_744], %swap3A_747 {strides = array<i32>} : memref<12768xf32, #tpu.memory_space<vmem>>, vector<16xf32>,
    %get3A_748 = arith.constant 624 : index
    %get3A_749 = tpu.vector_load %arg24[%get3A_748] {strides = array<i32>} : memref<6400xi32, #tpu.memory_space<vmem>>, vector<16xi32>,
    %get3A_750 = vector.shape_cast %get3A_749 : vector<16xi32> to vector<16xi32>
    %gt3A_751 = arith.constant 0 : i32
    %gt3A_752 = vector.broadcast %gt3A_751 : i32 to vector<16xi32>
    %gt3A_753 = arith.cmpi sgt, %get3A_750, %gt3A_752 : vector<16xi32>
    %jit3A_754 = arith.constant 1.000000e+00 : f32
    %jit3A_755 = arith.constant 0.000000e+00 : f32
    %broadcast_in_dim3A_756 = vector.broadcast %jit3A_754 : f32 to vector<16xf32>
    %broadcast_in_dim3A_757 = vector.broadcast %jit3A_755 : f32 to vector<16xf32>
    %select_n3A_758 = arith.select %gt3A_753, %broadcast_in_dim3A_756, %broadcast_in_dim3A_757 : vector<16xi1>, vector<16xf32>
    %swap3A_759 = arith.constant 624 : index
    %swap3A_760 = tpu.vector_load %arg25[%swap3A_759] {strides = array<i32>} : memref<12768xf32, #tpu.memory_space<vmem>>, vector<16xf32>,
    %swap3A_761 = vector.shape_cast %swap3A_760 : vector<16xf32> to vector<16xf32>
    %swap3A_762 = vector.shape_cast %select_n3A_758 : vector<16xf32> to vector<16xf32>
    tpu.vector_store %arg25[%swap3A_759], %swap3A_762 {strides = array<i32>} : memref<12768xf32, #tpu.memory_space<vmem>>, vector<16xf32>,
    %add3A_763 = arith.constant 512 : i32
    %add3A_764 = arith.addi %mul3A_18, %add3A_763 : i32
    %dma_start3A_765 = arith.constant 0 : i32
    %dma_start3A_766 = arith.constant 0 : i32
    %dma_start3A_767 = tpu.memref_slice %arg23[%dma_start3A_765, %dma_start3A_766] : memref<128x128xf32, #tpu.memory_space<vmem>> -> memref<128x128xf32, #tpu.memory_space<vmem>>
    %dma_start3A_768 = arith.constant 0 : i32
    %dma_start3A_769 = tpu.memref_slice %arg12[%add3A_764, %dma_start3A_768] : memref<204800x128xf32, #tpu.memory_space<hbm>> -> memref<128x128xf32, #tpu.memory_space<hbm>>
    %dma_start3A_770 = arith.constant 0 : i32
    %dma_start3A_771 = tpu.memref_slice %arg12[%add3A_764, %dma_start3A_770] : memref<204800x128xf32, #tpu.memory_space<hbm>> -> memref<128x128xf32, #tpu.memory_space<hbm>>
    %dma_start3A_772 = arith.constant 0 : i32
    %dma_start3A_773 = arith.constant 0 : i32
    %dma_start3A_774 = tpu.memref_slice %arg23[%dma_start3A_772, %dma_start3A_773] : memref<128x128xf32, #tpu.memory_space<vmem>> -> memref<128x128xf32, #tpu.memory_space<vmem>>
    tpu.enqueue_dma source(%dma_start3A_774 : memref<128x128xf32, #tpu.memory_space<vmem>>) target(%dma_start3A_771 : memref<128x128xf32, #tpu.memory_space<hbm>>) target_semaphore(%arg41 : memref<!tpu.dma_semaphore, #tpu.memory_space<semaphore_mem>>)
    %scan3A = arith.constant 1 : i32
    %scan3A_775 = arith.constant 9 : i32
    %scan3A_776 = arith.addi %scan3A, %scan3A_775 : i32
    %scan3A_777 = arith.constant 1 : i32
    scf.for %scan3A_1546 = %scan3A to %scan3A_776 step %scan3A_777  : i32 {
      %mul3A_1547 = arith.constant 5 : i32
      %mul3A_1548 = arith.muli %scan3A_1546, %mul3A_1547 : i32
      %add3A_1549 = arith.constant 0 : i32
      %add3A_1550 = arith.addi %mul3A_1548, %add3A_1549 : i32
      %mul3A_1551 = arith.constant 128 : i32
      %mul3A_1552 = arith.muli %add3A_1550, %mul3A_1551 : i32
      %add3A_1553 = arith.addi %mul3A_18, %mul3A_1552 : i32
      %add3A_1554 = arith.constant 3 : i32
      %add3A_1555 = arith.addi %add3A_1550, %add3A_1554 : i32
      %dma_wait3A_1556 = arith.constant 0 : i32
      %dma_wait3A_1557 = arith.constant 0 : i32
      %dma_wait3A_1558 = tpu.memref_slice %arg22[%dma_wait3A_1556, %dma_wait3A_1557] : memref<128x128xf32, #tpu.memory_space<vmem>> -> memref<128x128xf32, #tpu.memory_space<vmem>>
      %dma_wait3A_1559 = arith.constant 0 : i32
      %dma_wait3A_1560 = arith.constant 0 : i32
      %dma_wait3A_1561 = tpu.memref_slice %arg8[%dma_wait3A_1559, %dma_wait3A_1560] : memref<100001x128xf32, #tpu.memory_space<hbm>> -> memref<128x128xf32, #tpu.memory_space<hbm>>
      %dma_wait3A_1562 = arith.constant 0 : i32
      %dma_wait3A_1563 = arith.constant 0 : i32
      %dma_wait3A_1564 = tpu.memref_slice %arg22[%dma_wait3A_1562, %dma_wait3A_1563] : memref<128x128xf32, #tpu.memory_space<vmem>> -> memref<128x128xf32, #tpu.memory_space<vmem>>
      %dma_wait3A_1565 = arith.constant 0 : i32
      %dma_wait3A_1566 = arith.constant 0 : i32
      %dma_wait3A_1567 = tpu.memref_slice %arg8[%dma_wait3A_1565, %dma_wait3A_1566] : memref<100001x128xf32, #tpu.memory_space<hbm>> -> memref<128x128xf32, #tpu.memory_space<hbm>>
      tpu.wait_dma2 semaphore(%arg40 : memref<!tpu.dma_semaphore, #tpu.memory_space<semaphore_mem>>) src(%dma_wait3A_1567 : memref<128x128xf32, #tpu.memory_space<hbm>>) dst(%dma_wait3A_1564 : memref<128x128xf32, #tpu.memory_space<vmem>>)
      %mul3A_1568 = arith.constant 128 : i32
      %mul3A_1569 = arith.muli %add3A_1555, %mul3A_1568 : i32
      %dma_start3A_1570 = tpu.memref_slice %arg18[%mul3A_1569] : memref<12800xi32, #tpu.memory_space<vmem>> -> memref<128xi32, #tpu.memory_space<vmem>>
      %dma_start3A_1571 = arith.constant 0 : i32
      %dma_start3A_1572 = arith.constant 0 : i32
      %dma_start3A_1573 = tpu.memref_slice %arg8[%dma_start3A_1571, %dma_start3A_1572] : memref<100001x128xf32, #tpu.memory_space<hbm>> -> memref<100001x128xf32, #tpu.memory_space<hbm>>
      tpu.enqueue_indirect_dma source(%dma_start3A_1573 : memref<100001x128xf32, #tpu.memory_space<hbm>>) target(%arg22 : memref<128x128xf32, #tpu.memory_space<vmem>>) offsets(%dma_start3A_1570 : memref<128xi32, #tpu.memory_space<vmem>>) semaphore(%arg35 : memref<!tpu.dma_semaphore, #tpu.memory_space<semaphore_mem>>)
      %mul3A_1574 = arith.constant 128 : i32
      %mul3A_1575 = arith.muli %add3A_1550, %mul3A_1574 : i32
      %dma_wait3A_1576 = tpu.memref_slice %arg18[%mul3A_1575] : memref<12800xi32, #tpu.memory_space<vmem>> -> memref<128xi32, #tpu.memory_space<vmem>>
      %dma_wait3A_1577 = arith.constant 0 : i32
      %dma_wait3A_1578 = arith.constant 0 : i32
      %dma_wait3A_1579 = tpu.memref_slice %arg8[%dma_wait3A_1577, %dma_wait3A_1578] : memref<100001x128xf32, #tpu.memory_space<hbm>> -> memref<100001x128xf32, #tpu.memory_space<hbm>>
      tpu.wait_indirect_dma semaphore(%arg32 : memref<!tpu.dma_semaphore, #tpu.memory_space<semaphore_mem>>) src(%dma_wait3A_1579 : memref<100001x128xf32, #tpu.memory_space<hbm>>) dst(%arg19 : memref<128x128xf32, #tpu.memory_space<vmem>>)
      %mul3A_1580 = arith.constant 128 : i32
      %mul3A_1581 = arith.muli %add3A_1550, %mul3A_1580 : i32
      %add3A_1582 = arith.constant 0 : i32
      %add3A_1583 = arith.addi %mul3A_1581, %add3A_1582 : i32
      %get3A_1584 = arith.index_cast %add3A_1583 : i32 to index
      %get3A_1585 = tpu.vector_load %arg24[%get3A_1584] {strides = array<i32>} : memref<6400xi32, #tpu.memory_space<vmem>>, vector<16xi32>,
      %get3A_1586 = vector.shape_cast %get3A_1585 : vector<16xi32> to vector<16xi32>
      %gt3A_1587 = arith.constant 0 : i32
      %gt3A_1588 = vector.broadcast %gt3A_1587 : i32 to vector<16xi32>
      %gt3A_1589 = arith.cmpi sgt, %get3A_1586, %gt3A_1588 : vector<16xi32>
      %jit3A_1590 = arith.constant 1.000000e+00 : f32
      %jit3A_1591 = arith.constant 0.000000e+00 : f32
      %broadcast_in_dim3A_1592 = vector.broadcast %jit3A_1590 : f32 to vector<16xf32>
      %broadcast_in_dim3A_1593 = vector.broadcast %jit3A_1591 : f32 to vector<16xf32>
      %select_n3A_1594 = arith.select %gt3A_1589, %broadcast_in_dim3A_1592, %broadcast_in_dim3A_1593 : vector<16xi1>, vector<16xf32>
      %swap3A_1595 = arith.index_cast %add3A_1583 : i32 to index
      %swap3A_1596 = tpu.vector_load %arg25[%swap3A_1595] {strides = array<i32>} : memref<12768xf32, #tpu.memory_space<vmem>>, vector<16xf32>,
      %swap3A_1597 = vector.shape_cast %swap3A_1596 : vector<16xf32> to vector<16xf32>
      %swap3A_1598 = vector.shape_cast %select_n3A_1594 : vector<16xf32> to vector<16xf32>
      tpu.vector_store %arg25[%swap3A_1595], %swap3A_1598 {strides = array<i32>} : memref<12768xf32, #tpu.memory_space<vmem>>, vector<16xf32>,
      %mul3A_1599 = arith.constant 128 : i32
      %mul3A_1600 = arith.muli %add3A_1550, %mul3A_1599 : i32
      %add3A_1601 = arith.constant 16 : i32
      %add3A_1602 = arith.addi %mul3A_1600, %add3A_1601 : i32
      %get3A_1603 = arith.index_cast %add3A_1602 : i32 to index
      %get3A_1604 = tpu.vector_load %arg24[%get3A_1603] {strides = array<i32>} : memref<6400xi32, #tpu.memory_space<vmem>>, vector<16xi32>,
      %get3A_1605 = vector.shape_cast %get3A_1604 : vector<16xi32> to vector<16xi32>
      %gt3A_1606 = arith.constant 0 : i32
      %gt3A_1607 = vector.broadcast %gt3A_1606 : i32 to vector<16xi32>
      %gt3A_1608 = arith.cmpi sgt, %get3A_1605, %gt3A_1607 : vector<16xi32>
      %jit3A_1609 = arith.constant 1.000000e+00 : f32
      %jit3A_1610 = arith.constant 0.000000e+00 : f32
      %broadcast_in_dim3A_1611 = vector.broadcast %jit3A_1609 : f32 to vector<16xf32>
      %broadcast_in_dim3A_1612 = vector.broadcast %jit3A_1610 : f32 to vector<16xf32>
      %select_n3A_1613 = arith.select %gt3A_1608, %broadcast_in_dim3A_1611, %broadcast_in_dim3A_1612 : vector<16xi1>, vector<16xf32>
      %swap3A_1614 = arith.index_cast %add3A_1602 : i32 to index
      %swap3A_1615 = tpu.vector_load %arg25[%swap3A_1614] {strides = array<i32>} : memref<12768xf32, #tpu.memory_space<vmem>>, vector<16xf32>,
      %swap3A_1616 = vector.shape_cast %swap3A_1615 : vector<16xf32> to vector<16xf32>
      %swap3A_1617 = vector.shape_cast %select_n3A_1613 : vector<16xf32> to vector<16xf32>
      tpu.vector_store %arg25[%swap3A_1614], %swap3A_1617 {strides = array<i32>} : memref<12768xf32, #tpu.memory_space<vmem>>, vector<16xf32>,
      %mul3A_1618 = arith.constant 128 : i32
      %mul3A_1619 = arith.muli %add3A_1550, %mul3A_1618 : i32
      %add3A_1620 = arith.constant 32 : i32
      %add3A_1621 = arith.addi %mul3A_1619, %add3A_1620 : i32
      %get3A_1622 = arith.index_cast %add3A_1621 : i32 to index
      %get3A_1623 = tpu.vector_load %arg24[%get3A_1622] {strides = array<i32>} : memref<6400xi32, #tpu.memory_space<vmem>>, vector<16xi32>,
      %get3A_1624 = vector.shape_cast %get3A_1623 : vector<16xi32> to vector<16xi32>
      %gt3A_1625 = arith.constant 0 : i32
      %gt3A_1626 = vector.broadcast %gt3A_1625 : i32 to vector<16xi32>
      %gt3A_1627 = arith.cmpi sgt, %get3A_1624, %gt3A_1626 : vector<16xi32>
      %jit3A_1628 = arith.constant 1.000000e+00 : f32
      %jit3A_1629 = arith.constant 0.000000e+00 : f32
      %broadcast_in_dim3A_1630 = vector.broadcast %jit3A_1628 : f32 to vector<16xf32>
      %broadcast_in_dim3A_1631 = vector.broadcast %jit3A_1629 : f32 to vector<16xf32>
      %select_n3A_1632 = arith.select %gt3A_1627, %broadcast_in_dim3A_1630, %broadcast_in_dim3A_1631 : vector<16xi1>, vector<16xf32>
      %swap3A_1633 = arith.index_cast %add3A_1621 : i32 to index
      %swap3A_1634 = tpu.vector_load %arg25[%swap3A_1633] {strides = array<i32>} : memref<12768xf32, #tpu.memory_space<vmem>>, vector<16xf32>,
      %swap3A_1635 = vector.shape_cast %swap3A_1634 : vector<16xf32> to vector<16xf32>
      %swap3A_1636 = vector.shape_cast %select_n3A_1632 : vector<16xf32> to vector<16xf32>
      tpu.vector_store %arg25[%swap3A_1633], %swap3A_1636 {strides = array<i32>} : memref<12768xf32, #tpu.memory_space<vmem>>, vector<16xf32>,
      %mul3A_1637 = arith.constant 128 : i32
      %mul3A_1638 = arith.muli %add3A_1550, %mul3A_1637 : i32
      %add3A_1639 = arith.constant 48 : i32
      %add3A_1640 = arith.addi %mul3A_1638, %add3A_1639 : i32
      %get3A_1641 = arith.index_cast %add3A_1640 : i32 to index
      %get3A_1642 = tpu.vector_load %arg24[%get3A_1641] {strides = array<i32>} : memref<6400xi32, #tpu.memory_space<vmem>>, vector<16xi32>,
      %get3A_1643 = vector.shape_cast %get3A_1642 : vector<16xi32> to vector<16xi32>
      %gt3A_1644 = arith.constant 0 : i32
      %gt3A_1645 = vector.broadcast %gt3A_1644 : i32 to vector<16xi32>
      %gt3A_1646 = arith.cmpi sgt, %get3A_1643, %gt3A_1645 : vector<16xi32>
      %jit3A_1647 = arith.constant 1.000000e+00 : f32
      %jit3A_1648 = arith.constant 0.000000e+00 : f32
      %broadcast_in_dim3A_1649 = vector.broadcast %jit3A_1647 : f32 to vector<16xf32>
      %broadcast_in_dim3A_1650 = vector.broadcast %jit3A_1648 : f32 to vector<16xf32>
      %select_n3A_1651 = arith.select %gt3A_1646, %broadcast_in_dim3A_1649, %broadcast_in_dim3A_1650 : vector<16xi1>, vector<16xf32>
      %swap3A_1652 = arith.index_cast %add3A_1640 : i32 to index
      %swap3A_1653 = tpu.vector_load %arg25[%swap3A_1652] {strides = array<i32>} : memref<12768xf32, #tpu.memory_space<vmem>>, vector<16xf32>,
      %swap3A_1654 = vector.shape_cast %swap3A_1653 : vector<16xf32> to vector<16xf32>
      %swap3A_1655 = vector.shape_cast %select_n3A_1651 : vector<16xf32> to vector<16xf32>
      tpu.vector_store %arg25[%swap3A_1652], %swap3A_1655 {strides = array<i32>} : memref<12768xf32, #tpu.memory_space<vmem>>, vector<16xf32>,
      %mul3A_1656 = arith.constant 128 : i32
      %mul3A_1657 = arith.muli %add3A_1550, %mul3A_1656 : i32
      %add3A_1658 = arith.constant 64 : i32
      %add3A_1659 = arith.addi %mul3A_1657, %add3A_1658 : i32
      %get3A_1660 = arith.index_cast %add3A_1659 : i32 to index
      %get3A_1661 = tpu.vector_load %arg24[%get3A_1660] {strides = array<i32>} : memref<6400xi32, #tpu.memory_space<vmem>>, vector<16xi32>,
      %get3A_1662 = vector.shape_cast %get3A_1661 : vector<16xi32> to vector<16xi32>
      %gt3A_1663 = arith.constant 0 : i32
      %gt3A_1664 = vector.broadcast %gt3A_1663 : i32 to vector<16xi32>
      %gt3A_1665 = arith.cmpi sgt, %get3A_1662, %gt3A_1664 : vector<16xi32>
      %jit3A_1666 = arith.constant 1.000000e+00 : f32
      %jit3A_1667 = arith.constant 0.000000e+00 : f32
      %broadcast_in_dim3A_1668 = vector.broadcast %jit3A_1666 : f32 to vector<16xf32>
      %broadcast_in_dim3A_1669 = vector.broadcast %jit3A_1667 : f32 to vector<16xf32>
      %select_n3A_1670 = arith.select %gt3A_1665, %broadcast_in_dim3A_1668, %broadcast_in_dim3A_1669 : vector<16xi1>, vector<16xf32>
      %swap3A_1671 = arith.index_cast %add3A_1659 : i32 to index
      %swap3A_1672 = tpu.vector_load %arg25[%swap3A_1671] {strides = array<i32>} : memref<12768xf32, #tpu.memory_space<vmem>>, vector<16xf32>,
      %swap3A_1673 = vector.shape_cast %swap3A_1672 : vector<16xf32> to vector<16xf32>
      %swap3A_1674 = vector.shape_cast %select_n3A_1670 : vector<16xf32> to vector<16xf32>
      tpu.vector_store %arg25[%swap3A_1671], %swap3A_1674 {strides = array<i32>} : memref<12768xf32, #tpu.memory_space<vmem>>, vector<16xf32>,
      %mul3A_1675 = arith.constant 128 : i32
      %mul3A_1676 = arith.muli %add3A_1550, %mul3A_1675 : i32
      %add3A_1677 = arith.constant 80 : i32
      %add3A_1678 = arith.addi %mul3A_1676, %add3A_1677 : i32
      %get3A_1679 = arith.index_cast %add3A_1678 : i32 to index
      %get3A_1680 = tpu.vector_load %arg24[%get3A_1679] {strides = array<i32>} : memref<6400xi32, #tpu.memory_space<vmem>>, vector<16xi32>,
      %get3A_1681 = vector.shape_cast %get3A_1680 : vector<16xi32> to vector<16xi32>
      %gt3A_1682 = arith.constant 0 : i32
      %gt3A_1683 = vector.broadcast %gt3A_1682 : i32 to vector<16xi32>
      %gt3A_1684 = arith.cmpi sgt, %get3A_1681, %gt3A_1683 : vector<16xi32>
      %jit3A_1685 = arith.constant 1.000000e+00 : f32
      %jit3A_1686 = arith.constant 0.000000e+00 : f32
      %broadcast_in_dim3A_1687 = vector.broadcast %jit3A_1685 : f32 to vector<16xf32>
      %broadcast_in_dim3A_1688 = vector.broadcast %jit3A_1686 : f32 to vector<16xf32>
      %select_n3A_1689 = arith.select %gt3A_1684, %broadcast_in_dim3A_1687, %broadcast_in_dim3A_1688 : vector<16xi1>, vector<16xf32>
      %swap3A_1690 = arith.index_cast %add3A_1678 : i32 to index
      %swap3A_1691 = tpu.vector_load %arg25[%swap3A_1690] {strides = array<i32>} : memref<12768xf32, #tpu.memory_space<vmem>>, vector<16xf32>,
      %swap3A_1692 = vector.shape_cast %swap3A_1691 : vector<16xf32> to vector<16xf32>
      %swap3A_1693 = vector.shape_cast %select_n3A_1689 : vector<16xf32> to vector<16xf32>
      tpu.vector_store %arg25[%swap3A_1690], %swap3A_1693 {strides = array<i32>} : memref<12768xf32, #tpu.memory_space<vmem>>, vector<16xf32>,
      %mul3A_1694 = arith.constant 128 : i32
      %mul3A_1695 = arith.muli %add3A_1550, %mul3A_1694 : i32
      %add3A_1696 = arith.constant 96 : i32
      %add3A_1697 = arith.addi %mul3A_1695, %add3A_1696 : i32
      %get3A_1698 = arith.index_cast %add3A_1697 : i32 to index
      %get3A_1699 = tpu.vector_load %arg24[%get3A_1698] {strides = array<i32>} : memref<6400xi32, #tpu.memory_space<vmem>>, vector<16xi32>,
      %get3A_1700 = vector.shape_cast %get3A_1699 : vector<16xi32> to vector<16xi32>
      %gt3A_1701 = arith.constant 0 : i32
      %gt3A_1702 = vector.broadcast %gt3A_1701 : i32 to vector<16xi32>
      %gt3A_1703 = arith.cmpi sgt, %get3A_1700, %gt3A_1702 : vector<16xi32>
      %jit3A_1704 = arith.constant 1.000000e+00 : f32
      %jit3A_1705 = arith.constant 0.000000e+00 : f32
      %broadcast_in_dim3A_1706 = vector.broadcast %jit3A_1704 : f32 to vector<16xf32>
      %broadcast_in_dim3A_1707 = vector.broadcast %jit3A_1705 : f32 to vector<16xf32>
      %select_n3A_1708 = arith.select %gt3A_1703, %broadcast_in_dim3A_1706, %broadcast_in_dim3A_1707 : vector<16xi1>, vector<16xf32>
      %swap3A_1709 = arith.index_cast %add3A_1697 : i32 to index
      %swap3A_1710 = tpu.vector_load %arg25[%swap3A_1709] {strides = array<i32>} : memref<12768xf32, #tpu.memory_space<vmem>>, vector<16xf32>,
      %swap3A_1711 = vector.shape_cast %swap3A_1710 : vector<16xf32> to vector<16xf32>
      %swap3A_1712 = vector.shape_cast %select_n3A_1708 : vector<16xf32> to vector<16xf32>
      tpu.vector_store %arg25[%swap3A_1709], %swap3A_1712 {strides = array<i32>} : memref<12768xf32, #tpu.memory_space<vmem>>, vector<16xf32>,
      %mul3A_1713 = arith.constant 128 : i32
      %mul3A_1714 = arith.muli %add3A_1550, %mul3A_1713 : i32
      %add3A_1715 = arith.constant 112 : i32
      %add3A_1716 = arith.addi %mul3A_1714, %add3A_1715 : i32
      %get3A_1717 = arith.index_cast %add3A_1716 : i32 to index
      %get3A_1718 = tpu.vector_load %arg24[%get3A_1717] {strides = array<i32>} : memref<6400xi32, #tpu.memory_space<vmem>>, vector<16xi32>,
      %get3A_1719 = vector.shape_cast %get3A_1718 : vector<16xi32> to vector<16xi32>
      %gt3A_1720 = arith.constant 0 : i32
      %gt3A_1721 = vector.broadcast %gt3A_1720 : i32 to vector<16xi32>
      %gt3A_1722 = arith.cmpi sgt, %get3A_1719, %gt3A_1721 : vector<16xi32>
      %jit3A_1723 = arith.constant 1.000000e+00 : f32
      %jit3A_1724 = arith.constant 0.000000e+00 : f32
      %broadcast_in_dim3A_1725 = vector.broadcast %jit3A_1723 : f32 to vector<16xf32>
      %broadcast_in_dim3A_1726 = vector.broadcast %jit3A_1724 : f32 to vector<16xf32>
      %select_n3A_1727 = arith.select %gt3A_1722, %broadcast_in_dim3A_1725, %broadcast_in_dim3A_1726 : vector<16xi1>, vector<16xf32>
      %swap3A_1728 = arith.index_cast %add3A_1716 : i32 to index
      %swap3A_1729 = tpu.vector_load %arg25[%swap3A_1728] {strides = array<i32>} : memref<12768xf32, #tpu.memory_space<vmem>>, vector<16xf32>,
      %swap3A_1730 = vector.shape_cast %swap3A_1729 : vector<16xf32> to vector<16xf32>
      %swap3A_1731 = vector.shape_cast %select_n3A_1727 : vector<16xf32> to vector<16xf32>
      tpu.vector_store %arg25[%swap3A_1728], %swap3A_1731 {strides = array<i32>} : memref<12768xf32, #tpu.memory_space<vmem>>, vector<16xf32>,
      %dma_start3A_1732 = arith.constant 0 : i32
      %dma_start3A_1733 = arith.constant 0 : i32
      %dma_start3A_1734 = tpu.memref_slice %arg19[%dma_start3A_1732, %dma_start3A_1733] : memref<128x128xf32, #tpu.memory_space<vmem>> -> memref<128x128xf32, #tpu.memory_space<vmem>>
      %dma_start3A_1735 = arith.constant 0 : i32
      %dma_start3A_1736 = tpu.memref_slice %arg12[%add3A_1553, %dma_start3A_1735] : memref<204800x128xf32, #tpu.memory_space<hbm>> -> memref<128x128xf32, #tpu.memory_space<hbm>>
      %dma_start3A_1737 = arith.constant 0 : i32
      %dma_start3A_1738 = tpu.memref_slice %arg12[%add3A_1553, %dma_start3A_1737] : memref<204800x128xf32, #tpu.memory_space<hbm>> -> memref<128x128xf32, #tpu.memory_space<hbm>>
      %dma_start3A_1739 = arith.constant 0 : i32
      %dma_start3A_1740 = arith.constant 0 : i32
      %dma_start3A_1741 = tpu.memref_slice %arg19[%dma_start3A_1739, %dma_start3A_1740] : memref<128x128xf32, #tpu.memory_space<vmem>> -> memref<128x128xf32, #tpu.memory_space<vmem>>
      tpu.enqueue_dma source(%dma_start3A_1741 : memref<128x128xf32, #tpu.memory_space<vmem>>) target(%dma_start3A_1738 : memref<128x128xf32, #tpu.memory_space<hbm>>) target_semaphore(%arg37 : memref<!tpu.dma_semaphore, #tpu.memory_space<semaphore_mem>>)
      %mul3A_1742 = arith.constant 5 : i32
      %mul3A_1743 = arith.muli %scan3A_1546, %mul3A_1742 : i32
      %add3A_1744 = arith.constant 1 : i32
      %add3A_1745 = arith.addi %mul3A_1743, %add3A_1744 : i32
      %mul3A_1746 = arith.constant 128 : i32
      %mul3A_1747 = arith.muli %add3A_1745, %mul3A_1746 : i32
      %add3A_1748 = arith.addi %mul3A_18, %mul3A_1747 : i32
      %add3A_1749 = arith.constant 3 : i32
      %add3A_1750 = arith.addi %add3A_1745, %add3A_1749 : i32
      %dma_wait3A_1751 = arith.constant 0 : i32
      %dma_wait3A_1752 = arith.constant 0 : i32
      %dma_wait3A_1753 = tpu.memref_slice %arg23[%dma_wait3A_1751, %dma_wait3A_1752] : memref<128x128xf32, #tpu.memory_space<vmem>> -> memref<128x128xf32, #tpu.memory_space<vmem>>
      %dma_wait3A_1754 = arith.constant 0 : i32
      %dma_wait3A_1755 = arith.constant 0 : i32
      %dma_wait3A_1756 = tpu.memref_slice %arg8[%dma_wait3A_1754, %dma_wait3A_1755] : memref<100001x128xf32, #tpu.memory_space<hbm>> -> memref<128x128xf32, #tpu.memory_space<hbm>>
      %dma_wait3A_1757 = arith.constant 0 : i32
      %dma_wait3A_1758 = arith.constant 0 : i32
      %dma_wait3A_1759 = tpu.memref_slice %arg23[%dma_wait3A_1757, %dma_wait3A_1758] : memref<128x128xf32, #tpu.memory_space<vmem>> -> memref<128x128xf32, #tpu.memory_space<vmem>>
      %dma_wait3A_1760 = arith.constant 0 : i32
      %dma_wait3A_1761 = arith.constant 0 : i32
      %dma_wait3A_1762 = tpu.memref_slice %arg8[%dma_wait3A_1760, %dma_wait3A_1761] : memref<100001x128xf32, #tpu.memory_space<hbm>> -> memref<128x128xf32, #tpu.memory_space<hbm>>
      tpu.wait_dma2 semaphore(%arg41 : memref<!tpu.dma_semaphore, #tpu.memory_space<semaphore_mem>>) src(%dma_wait3A_1762 : memref<128x128xf32, #tpu.memory_space<hbm>>) dst(%dma_wait3A_1759 : memref<128x128xf32, #tpu.memory_space<vmem>>)
      %mul3A_1763 = arith.constant 128 : i32
      %mul3A_1764 = arith.muli %add3A_1750, %mul3A_1763 : i32
      %dma_start3A_1765 = tpu.memref_slice %arg18[%mul3A_1764] : memref<12800xi32, #tpu.memory_space<vmem>> -> memref<128xi32, #tpu.memory_space<vmem>>
      %dma_start3A_1766 = arith.constant 0 : i32
      %dma_start3A_1767 = arith.constant 0 : i32
      %dma_start3A_1768 = tpu.memref_slice %arg8[%dma_start3A_1766, %dma_start3A_1767] : memref<100001x128xf32, #tpu.memory_space<hbm>> -> memref<100001x128xf32, #tpu.memory_space<hbm>>
      tpu.enqueue_indirect_dma source(%dma_start3A_1768 : memref<100001x128xf32, #tpu.memory_space<hbm>>) target(%arg23 : memref<128x128xf32, #tpu.memory_space<vmem>>) offsets(%dma_start3A_1765 : memref<128xi32, #tpu.memory_space<vmem>>) semaphore(%arg36 : memref<!tpu.dma_semaphore, #tpu.memory_space<semaphore_mem>>)
      %mul3A_1769 = arith.constant 128 : i32
      %mul3A_1770 = arith.muli %add3A_1745, %mul3A_1769 : i32
      %dma_wait3A_1771 = tpu.memref_slice %arg18[%mul3A_1770] : memref<12800xi32, #tpu.memory_space<vmem>> -> memref<128xi32, #tpu.memory_space<vmem>>
      %dma_wait3A_1772 = arith.constant 0 : i32
      %dma_wait3A_1773 = arith.constant 0 : i32
      %dma_wait3A_1774 = tpu.memref_slice %arg8[%dma_wait3A_1772, %dma_wait3A_1773] : memref<100001x128xf32, #tpu.memory_space<hbm>> -> memref<100001x128xf32, #tpu.memory_space<hbm>>
      tpu.wait_indirect_dma semaphore(%arg33 : memref<!tpu.dma_semaphore, #tpu.memory_space<semaphore_mem>>) src(%dma_wait3A_1774 : memref<100001x128xf32, #tpu.memory_space<hbm>>) dst(%arg20 : memref<128x128xf32, #tpu.memory_space<vmem>>)
      %mul3A_1775 = arith.constant 128 : i32
      %mul3A_1776 = arith.muli %add3A_1745, %mul3A_1775 : i32
      %add3A_1777 = arith.constant 0 : i32
      %add3A_1778 = arith.addi %mul3A_1776, %add3A_1777 : i32
      %get3A_1779 = arith.index_cast %add3A_1778 : i32 to index
      %get3A_1780 = tpu.vector_load %arg24[%get3A_1779] {strides = array<i32>} : memref<6400xi32, #tpu.memory_space<vmem>>, vector<16xi32>,
      %get3A_1781 = vector.shape_cast %get3A_1780 : vector<16xi32> to vector<16xi32>
      %gt3A_1782 = arith.constant 0 : i32
      %gt3A_1783 = vector.broadcast %gt3A_1782 : i32 to vector<16xi32>
      %gt3A_1784 = arith.cmpi sgt, %get3A_1781, %gt3A_1783 : vector<16xi32>
      %jit3A_1785 = arith.constant 1.000000e+00 : f32
      %jit3A_1786 = arith.constant 0.000000e+00 : f32
      %broadcast_in_dim3A_1787 = vector.broadcast %jit3A_1785 : f32 to vector<16xf32>
      %broadcast_in_dim3A_1788 = vector.broadcast %jit3A_1786 : f32 to vector<16xf32>
      %select_n3A_1789 = arith.select %gt3A_1784, %broadcast_in_dim3A_1787, %broadcast_in_dim3A_1788 : vector<16xi1>, vector<16xf32>
      %swap3A_1790 = arith.index_cast %add3A_1778 : i32 to index
      %swap3A_1791 = tpu.vector_load %arg25[%swap3A_1790] {strides = array<i32>} : memref<12768xf32, #tpu.memory_space<vmem>>, vector<16xf32>,
      %swap3A_1792 = vector.shape_cast %swap3A_1791 : vector<16xf32> to vector<16xf32>
      %swap3A_1793 = vector.shape_cast %select_n3A_1789 : vector<16xf32> to vector<16xf32>
      tpu.vector_store %arg25[%swap3A_1790], %swap3A_1793 {strides = array<i32>} : memref<12768xf32, #tpu.memory_space<vmem>>, vector<16xf32>,
      %mul3A_1794 = arith.constant 128 : i32
      %mul3A_1795 = arith.muli %add3A_1745, %mul3A_1794 : i32
      %add3A_1796 = arith.constant 16 : i32
      %add3A_1797 = arith.addi %mul3A_1795, %add3A_1796 : i32
      %get3A_1798 = arith.index_cast %add3A_1797 : i32 to index
      %get3A_1799 = tpu.vector_load %arg24[%get3A_1798] {strides = array<i32>} : memref<6400xi32, #tpu.memory_space<vmem>>, vector<16xi32>,
      %get3A_1800 = vector.shape_cast %get3A_1799 : vector<16xi32> to vector<16xi32>
      %gt3A_1801 = arith.constant 0 : i32
      %gt3A_1802 = vector.broadcast %gt3A_1801 : i32 to vector<16xi32>
      %gt3A_1803 = arith.cmpi sgt, %get3A_1800, %gt3A_1802 : vector<16xi32>
      %jit3A_1804 = arith.constant 1.000000e+00 : f32
      %jit3A_1805 = arith.constant 0.000000e+00 : f32
      %broadcast_in_dim3A_1806 = vector.broadcast %jit3A_1804 : f32 to vector<16xf32>
      %broadcast_in_dim3A_1807 = vector.broadcast %jit3A_1805 : f32 to vector<16xf32>
      %select_n3A_1808 = arith.select %gt3A_1803, %broadcast_in_dim3A_1806, %broadcast_in_dim3A_1807 : vector<16xi1>, vector<16xf32>
      %swap3A_1809 = arith.index_cast %add3A_1797 : i32 to index
      %swap3A_1810 = tpu.vector_load %arg25[%swap3A_1809] {strides = array<i32>} : memref<12768xf32, #tpu.memory_space<vmem>>, vector<16xf32>,
      %swap3A_1811 = vector.shape_cast %swap3A_1810 : vector<16xf32> to vector<16xf32>
      %swap3A_1812 = vector.shape_cast %select_n3A_1808 : vector<16xf32> to vector<16xf32>
      tpu.vector_store %arg25[%swap3A_1809], %swap3A_1812 {strides = array<i32>} : memref<12768xf32, #tpu.memory_space<vmem>>, vector<16xf32>,
      %mul3A_1813 = arith.constant 128 : i32
      %mul3A_1814 = arith.muli %add3A_1745, %mul3A_1813 : i32
      %add3A_1815 = arith.constant 32 : i32
      %add3A_1816 = arith.addi %mul3A_1814, %add3A_1815 : i32
      %get3A_1817 = arith.index_cast %add3A_1816 : i32 to index
      %get3A_1818 = tpu.vector_load %arg24[%get3A_1817] {strides = array<i32>} : memref<6400xi32, #tpu.memory_space<vmem>>, vector<16xi32>,
      %get3A_1819 = vector.shape_cast %get3A_1818 : vector<16xi32> to vector<16xi32>
      %gt3A_1820 = arith.constant 0 : i32
      %gt3A_1821 = vector.broadcast %gt3A_1820 : i32 to vector<16xi32>
      %gt3A_1822 = arith.cmpi sgt, %get3A_1819, %gt3A_1821 : vector<16xi32>
      %jit3A_1823 = arith.constant 1.000000e+00 : f32
      %jit3A_1824 = arith.constant 0.000000e+00 : f32
      %broadcast_in_dim3A_1825 = vector.broadcast %jit3A_1823 : f32 to vector<16xf32>
      %broadcast_in_dim3A_1826 = vector.broadcast %jit3A_1824 : f32 to vector<16xf32>
      %select_n3A_1827 = arith.select %gt3A_1822, %broadcast_in_dim3A_1825, %broadcast_in_dim3A_1826 : vector<16xi1>, vector<16xf32>
      %swap3A_1828 = arith.index_cast %add3A_1816 : i32 to index
      %swap3A_1829 = tpu.vector_load %arg25[%swap3A_1828] {strides = array<i32>} : memref<12768xf32, #tpu.memory_space<vmem>>, vector<16xf32>,
      %swap3A_1830 = vector.shape_cast %swap3A_1829 : vector<16xf32> to vector<16xf32>
      %swap3A_1831 = vector.shape_cast %select_n3A_1827 : vector<16xf32> to vector<16xf32>
      tpu.vector_store %arg25[%swap3A_1828], %swap3A_1831 {strides = array<i32>} : memref<12768xf32, #tpu.memory_space<vmem>>, vector<16xf32>,
      %mul3A_1832 = arith.constant 128 : i32
      %mul3A_1833 = arith.muli %add3A_1745, %mul3A_1832 : i32
      %add3A_1834 = arith.constant 48 : i32
      %add3A_1835 = arith.addi %mul3A_1833, %add3A_1834 : i32
      %get3A_1836 = arith.index_cast %add3A_1835 : i32 to index
      %get3A_1837 = tpu.vector_load %arg24[%get3A_1836] {strides = array<i32>} : memref<6400xi32, #tpu.memory_space<vmem>>, vector<16xi32>,
      %get3A_1838 = vector.shape_cast %get3A_1837 : vector<16xi32> to vector<16xi32>
      %gt3A_1839 = arith.constant 0 : i32
      %gt3A_1840 = vector.broadcast %gt3A_1839 : i32 to vector<16xi32>
      %gt3A_1841 = arith.cmpi sgt, %get3A_1838, %gt3A_1840 : vector<16xi32>
      %jit3A_1842 = arith.constant 1.000000e+00 : f32
      %jit3A_1843 = arith.constant 0.000000e+00 : f32
      %broadcast_in_dim3A_1844 = vector.broadcast %jit3A_1842 : f32 to vector<16xf32>
      %broadcast_in_dim3A_1845 = vector.broadcast %jit3A_1843 : f32 to vector<16xf32>
      %select_n3A_1846 = arith.select %gt3A_1841, %broadcast_in_dim3A_1844, %broadcast_in_dim3A_1845 : vector<16xi1>, vector<16xf32>
      %swap3A_1847 = arith.index_cast %add3A_1835 : i32 to index
      %swap3A_1848 = tpu.vector_load %arg25[%swap3A_1847] {strides = array<i32>} : memref<12768xf32, #tpu.memory_space<vmem>>, vector<16xf32>,
      %swap3A_1849 = vector.shape_cast %swap3A_1848 : vector<16xf32> to vector<16xf32>
      %swap3A_1850 = vector.shape_cast %select_n3A_1846 : vector<16xf32> to vector<16xf32>
      tpu.vector_store %arg25[%swap3A_1847], %swap3A_1850 {strides = array<i32>} : memref<12768xf32, #tpu.memory_space<vmem>>, vector<16xf32>,
      %mul3A_1851 = arith.constant 128 : i32
      %mul3A_1852 = arith.muli %add3A_1745, %mul3A_1851 : i32
      %add3A_1853 = arith.constant 64 : i32
      %add3A_1854 = arith.addi %mul3A_1852, %add3A_1853 : i32
      %get3A_1855 = arith.index_cast %add3A_1854 : i32 to index
      %get3A_1856 = tpu.vector_load %arg24[%get3A_1855] {strides = array<i32>} : memref<6400xi32, #tpu.memory_space<vmem>>, vector<16xi32>,
      %get3A_1857 = vector.shape_cast %get3A_1856 : vector<16xi32> to vector<16xi32>
      %gt3A_1858 = arith.constant 0 : i32
      %gt3A_1859 = vector.broadcast %gt3A_1858 : i32 to vector<16xi32>
      %gt3A_1860 = arith.cmpi sgt, %get3A_1857, %gt3A_1859 : vector<16xi32>
      %jit3A_1861 = arith.constant 1.000000e+00 : f32
      %jit3A_1862 = arith.constant 0.000000e+00 : f32
      %broadcast_in_dim3A_1863 = vector.broadcast %jit3A_1861 : f32 to vector<16xf32>
      %broadcast_in_dim3A_1864 = vector.broadcast %jit3A_1862 : f32 to vector<16xf32>
      %select_n3A_1865 = arith.select %gt3A_1860, %broadcast_in_dim3A_1863, %broadcast_in_dim3A_1864 : vector<16xi1>, vector<16xf32>
      %swap3A_1866 = arith.index_cast %add3A_1854 : i32 to index
      %swap3A_1867 = tpu.vector_load %arg25[%swap3A_1866] {strides = array<i32>} : memref<12768xf32, #tpu.memory_space<vmem>>, vector<16xf32>,
      %swap3A_1868 = vector.shape_cast %swap3A_1867 : vector<16xf32> to vector<16xf32>
      %swap3A_1869 = vector.shape_cast %select_n3A_1865 : vector<16xf32> to vector<16xf32>
      tpu.vector_store %arg25[%swap3A_1866], %swap3A_1869 {strides = array<i32>} : memref<12768xf32, #tpu.memory_space<vmem>>, vector<16xf32>,
      %mul3A_1870 = arith.constant 128 : i32
      %mul3A_1871 = arith.muli %add3A_1745, %mul3A_1870 : i32
      %add3A_1872 = arith.constant 80 : i32
      %add3A_1873 = arith.addi %mul3A_1871, %add3A_1872 : i32
      %get3A_1874 = arith.index_cast %add3A_1873 : i32 to index
      %get3A_1875 = tpu.vector_load %arg24[%get3A_1874] {strides = array<i32>} : memref<6400xi32, #tpu.memory_space<vmem>>, vector<16xi32>,
      %get3A_1876 = vector.shape_cast %get3A_1875 : vector<16xi32> to vector<16xi32>
      %gt3A_1877 = arith.constant 0 : i32
      %gt3A_1878 = vector.broadcast %gt3A_1877 : i32 to vector<16xi32>
      %gt3A_1879 = arith.cmpi sgt, %get3A_1876, %gt3A_1878 : vector<16xi32>
      %jit3A_1880 = arith.constant 1.000000e+00 : f32
      %jit3A_1881 = arith.constant 0.000000e+00 : f32
      %broadcast_in_dim3A_1882 = vector.broadcast %jit3A_1880 : f32 to vector<16xf32>
      %broadcast_in_dim3A_1883 = vector.broadcast %jit3A_1881 : f32 to vector<16xf32>
      %select_n3A_1884 = arith.select %gt3A_1879, %broadcast_in_dim3A_1882, %broadcast_in_dim3A_1883 : vector<16xi1>, vector<16xf32>
      %swap3A_1885 = arith.index_cast %add3A_1873 : i32 to index
      %swap3A_1886 = tpu.vector_load %arg25[%swap3A_1885] {strides = array<i32>} : memref<12768xf32, #tpu.memory_space<vmem>>, vector<16xf32>,
      %swap3A_1887 = vector.shape_cast %swap3A_1886 : vector<16xf32> to vector<16xf32>
      %swap3A_1888 = vector.shape_cast %select_n3A_1884 : vector<16xf32> to vector<16xf32>
      tpu.vector_store %arg25[%swap3A_1885], %swap3A_1888 {strides = array<i32>} : memref<12768xf32, #tpu.memory_space<vmem>>, vector<16xf32>,
      %mul3A_1889 = arith.constant 128 : i32
      %mul3A_1890 = arith.muli %add3A_1745, %mul3A_1889 : i32
      %add3A_1891 = arith.constant 96 : i32
      %add3A_1892 = arith.addi %mul3A_1890, %add3A_1891 : i32
      %get3A_1893 = arith.index_cast %add3A_1892 : i32 to index
      %get3A_1894 = tpu.vector_load %arg24[%get3A_1893] {strides = array<i32>} : memref<6400xi32, #tpu.memory_space<vmem>>, vector<16xi32>,
      %get3A_1895 = vector.shape_cast %get3A_1894 : vector<16xi32> to vector<16xi32>
      %gt3A_1896 = arith.constant 0 : i32
      %gt3A_1897 = vector.broadcast %gt3A_1896 : i32 to vector<16xi32>
      %gt3A_1898 = arith.cmpi sgt, %get3A_1895, %gt3A_1897 : vector<16xi32>
      %jit3A_1899 = arith.constant 1.000000e+00 : f32
      %jit3A_1900 = arith.constant 0.000000e+00 : f32
      %broadcast_in_dim3A_1901 = vector.broadcast %jit3A_1899 : f32 to vector<16xf32>
      %broadcast_in_dim3A_1902 = vector.broadcast %jit3A_1900 : f32 to vector<16xf32>
      %select_n3A_1903 = arith.select %gt3A_1898, %broadcast_in_dim3A_1901, %broadcast_in_dim3A_1902 : vector<16xi1>, vector<16xf32>
      %swap3A_1904 = arith.index_cast %add3A_1892 : i32 to index
      %swap3A_1905 = tpu.vector_load %arg25[%swap3A_1904] {strides = array<i32>} : memref<12768xf32, #tpu.memory_space<vmem>>, vector<16xf32>,
      %swap3A_1906 = vector.shape_cast %swap3A_1905 : vector<16xf32> to vector<16xf32>
      %swap3A_1907 = vector.shape_cast %select_n3A_1903 : vector<16xf32> to vector<16xf32>
      tpu.vector_store %arg25[%swap3A_1904], %swap3A_1907 {strides = array<i32>} : memref<12768xf32, #tpu.memory_space<vmem>>, vector<16xf32>,
      %mul3A_1908 = arith.constant 128 : i32
      %mul3A_1909 = arith.muli %add3A_1745, %mul3A_1908 : i32
      %add3A_1910 = arith.constant 112 : i32
      %add3A_1911 = arith.addi %mul3A_1909, %add3A_1910 : i32
      %get3A_1912 = arith.index_cast %add3A_1911 : i32 to index
      %get3A_1913 = tpu.vector_load %arg24[%get3A_1912] {strides = array<i32>} : memref<6400xi32, #tpu.memory_space<vmem>>, vector<16xi32>,
      %get3A_1914 = vector.shape_cast %get3A_1913 : vector<16xi32> to vector<16xi32>
      %gt3A_1915 = arith.constant 0 : i32
      %gt3A_1916 = vector.broadcast %gt3A_1915 : i32 to vector<16xi32>
      %gt3A_1917 = arith.cmpi sgt, %get3A_1914, %gt3A_1916 : vector<16xi32>
      %jit3A_1918 = arith.constant 1.000000e+00 : f32
      %jit3A_1919 = arith.constant 0.000000e+00 : f32
      %broadcast_in_dim3A_1920 = vector.broadcast %jit3A_1918 : f32 to vector<16xf32>
      %broadcast_in_dim3A_1921 = vector.broadcast %jit3A_1919 : f32 to vector<16xf32>
      %select_n3A_1922 = arith.select %gt3A_1917, %broadcast_in_dim3A_1920, %broadcast_in_dim3A_1921 : vector<16xi1>, vector<16xf32>
      %swap3A_1923 = arith.index_cast %add3A_1911 : i32 to index
      %swap3A_1924 = tpu.vector_load %arg25[%swap3A_1923] {strides = array<i32>} : memref<12768xf32, #tpu.memory_space<vmem>>, vector<16xf32>,
      %swap3A_1925 = vector.shape_cast %swap3A_1924 : vector<16xf32> to vector<16xf32>
      %swap3A_1926 = vector.shape_cast %select_n3A_1922 : vector<16xf32> to vector<16xf32>
      tpu.vector_store %arg25[%swap3A_1923], %swap3A_1926 {strides = array<i32>} : memref<12768xf32, #tpu.memory_space<vmem>>, vector<16xf32>,
      %dma_start3A_1927 = arith.constant 0 : i32
      %dma_start3A_1928 = arith.constant 0 : i32
      %dma_start3A_1929 = tpu.memref_slice %arg20[%dma_start3A_1927, %dma_start3A_1928] : memref<128x128xf32, #tpu.memory_space<vmem>> -> memref<128x128xf32, #tpu.memory_space<vmem>>
      %dma_start3A_1930 = arith.constant 0 : i32
      %dma_start3A_1931 = tpu.memref_slice %arg12[%add3A_1748, %dma_start3A_1930] : memref<204800x128xf32, #tpu.memory_space<hbm>> -> memref<128x128xf32, #tpu.memory_space<hbm>>
      %dma_start3A_1932 = arith.constant 0 : i32
      %dma_start3A_1933 = tpu.memref_slice %arg12[%add3A_1748, %dma_start3A_1932] : memref<204800x128xf32, #tpu.memory_space<hbm>> -> memref<128x128xf32, #tpu.memory_space<hbm>>
      %dma_start3A_1934 = arith.constant 0 : i32
      %dma_start3A_1935 = arith.constant 0 : i32
      %dma_start3A_1936 = tpu.memref_slice %arg20[%dma_start3A_1934, %dma_start3A_1935] : memref<128x128xf32, #tpu.memory_space<vmem>> -> memref<128x128xf32, #tpu.memory_space<vmem>>
      tpu.enqueue_dma source(%dma_start3A_1936 : memref<128x128xf32, #tpu.memory_space<vmem>>) target(%dma_start3A_1933 : memref<128x128xf32, #tpu.memory_space<hbm>>) target_semaphore(%arg38 : memref<!tpu.dma_semaphore, #tpu.memory_space<semaphore_mem>>)
      %mul3A_1937 = arith.constant 5 : i32
      %mul3A_1938 = arith.muli %scan3A_1546, %mul3A_1937 : i32
      %add3A_1939 = arith.constant 2 : i32
      %add3A_1940 = arith.addi %mul3A_1938, %add3A_1939 : i32
      %mul3A_1941 = arith.constant 128 : i32
      %mul3A_1942 = arith.muli %add3A_1940, %mul3A_1941 : i32
      %add3A_1943 = arith.addi %mul3A_18, %mul3A_1942 : i32
      %add3A_1944 = arith.constant 3 : i32
      %add3A_1945 = arith.addi %add3A_1940, %add3A_1944 : i32
      %dma_wait3A_1946 = arith.constant 0 : i32
      %dma_wait3A_1947 = arith.constant 0 : i32
      %dma_wait3A_1948 = tpu.memref_slice %arg19[%dma_wait3A_1946, %dma_wait3A_1947] : memref<128x128xf32, #tpu.memory_space<vmem>> -> memref<128x128xf32, #tpu.memory_space<vmem>>
      %dma_wait3A_1949 = arith.constant 0 : i32
      %dma_wait3A_1950 = arith.constant 0 : i32
      %dma_wait3A_1951 = tpu.memref_slice %arg8[%dma_wait3A_1949, %dma_wait3A_1950] : memref<100001x128xf32, #tpu.memory_space<hbm>> -> memref<128x128xf32, #tpu.memory_space<hbm>>
      %dma_wait3A_1952 = arith.constant 0 : i32
      %dma_wait3A_1953 = arith.constant 0 : i32
      %dma_wait3A_1954 = tpu.memref_slice %arg19[%dma_wait3A_1952, %dma_wait3A_1953] : memref<128x128xf32, #tpu.memory_space<vmem>> -> memref<128x128xf32, #tpu.memory_space<vmem>>
      %dma_wait3A_1955 = arith.constant 0 : i32
      %dma_wait3A_1956 = arith.constant 0 : i32
      %dma_wait3A_1957 = tpu.memref_slice %arg8[%dma_wait3A_1955, %dma_wait3A_1956] : memref<100001x128xf32, #tpu.memory_space<hbm>> -> memref<128x128xf32, #tpu.memory_space<hbm>>
      tpu.wait_dma2 semaphore(%arg37 : memref<!tpu.dma_semaphore, #tpu.memory_space<semaphore_mem>>) src(%dma_wait3A_1957 : memref<128x128xf32, #tpu.memory_space<hbm>>) dst(%dma_wait3A_1954 : memref<128x128xf32, #tpu.memory_space<vmem>>)
      %mul3A_1958 = arith.constant 128 : i32
      %mul3A_1959 = arith.muli %add3A_1945, %mul3A_1958 : i32
      %dma_start3A_1960 = tpu.memref_slice %arg18[%mul3A_1959] : memref<12800xi32, #tpu.memory_space<vmem>> -> memref<128xi32, #tpu.memory_space<vmem>>
      %dma_start3A_1961 = arith.constant 0 : i32
      %dma_start3A_1962 = arith.constant 0 : i32
      %dma_start3A_1963 = tpu.memref_slice %arg8[%dma_start3A_1961, %dma_start3A_1962] : memref<100001x128xf32, #tpu.memory_space<hbm>> -> memref<100001x128xf32, #tpu.memory_space<hbm>>
      tpu.enqueue_indirect_dma source(%dma_start3A_1963 : memref<100001x128xf32, #tpu.memory_space<hbm>>) target(%arg19 : memref<128x128xf32, #tpu.memory_space<vmem>>) offsets(%dma_start3A_1960 : memref<128xi32, #tpu.memory_space<vmem>>) semaphore(%arg32 : memref<!tpu.dma_semaphore, #tpu.memory_space<semaphore_mem>>)
      %mul3A_1964 = arith.constant 128 : i32
      %mul3A_1965 = arith.muli %add3A_1940, %mul3A_1964 : i32
      %dma_wait3A_1966 = tpu.memref_slice %arg18[%mul3A_1965] : memref<12800xi32, #tpu.memory_space<vmem>> -> memref<128xi32, #tpu.memory_space<vmem>>
      %dma_wait3A_1967 = arith.constant 0 : i32
      %dma_wait3A_1968 = arith.constant 0 : i32
      %dma_wait3A_1969 = tpu.memref_slice %arg8[%dma_wait3A_1967, %dma_wait3A_1968] : memref<100001x128xf32, #tpu.memory_space<hbm>> -> memref<100001x128xf32, #tpu.memory_space<hbm>>
      tpu.wait_indirect_dma semaphore(%arg34 : memref<!tpu.dma_semaphore, #tpu.memory_space<semaphore_mem>>) src(%dma_wait3A_1969 : memref<100001x128xf32, #tpu.memory_space<hbm>>) dst(%arg21 : memref<128x128xf32, #tpu.memory_space<vmem>>)
      %mul3A_1970 = arith.constant 128 : i32
      %mul3A_1971 = arith.muli %add3A_1940, %mul3A_1970 : i32
      %add3A_1972 = arith.constant 0 : i32
      %add3A_1973 = arith.addi %mul3A_1971, %add3A_1972 : i32
      %get3A_1974 = arith.index_cast %add3A_1973 : i32 to index
      %get3A_1975 = tpu.vector_load %arg24[%get3A_1974] {strides = array<i32>} : memref<6400xi32, #tpu.memory_space<vmem>>, vector<16xi32>,
      %get3A_1976 = vector.shape_cast %get3A_1975 : vector<16xi32> to vector<16xi32>
      %gt3A_1977 = arith.constant 0 : i32
      %gt3A_1978 = vector.broadcast %gt3A_1977 : i32 to vector<16xi32>
      %gt3A_1979 = arith.cmpi sgt, %get3A_1976, %gt3A_1978 : vector<16xi32>
      %jit3A_1980 = arith.constant 1.000000e+00 : f32
      %jit3A_1981 = arith.constant 0.000000e+00 : f32
      %broadcast_in_dim3A_1982 = vector.broadcast %jit3A_1980 : f32 to vector<16xf32>
      %broadcast_in_dim3A_1983 = vector.broadcast %jit3A_1981 : f32 to vector<16xf32>
      %select_n3A_1984 = arith.select %gt3A_1979, %broadcast_in_dim3A_1982, %broadcast_in_dim3A_1983 : vector<16xi1>, vector<16xf32>
      %swap3A_1985 = arith.index_cast %add3A_1973 : i32 to index
      %swap3A_1986 = tpu.vector_load %arg25[%swap3A_1985] {strides = array<i32>} : memref<12768xf32, #tpu.memory_space<vmem>>, vector<16xf32>,
      %swap3A_1987 = vector.shape_cast %swap3A_1986 : vector<16xf32> to vector<16xf32>
      %swap3A_1988 = vector.shape_cast %select_n3A_1984 : vector<16xf32> to vector<16xf32>
      tpu.vector_store %arg25[%swap3A_1985], %swap3A_1988 {strides = array<i32>} : memref<12768xf32, #tpu.memory_space<vmem>>, vector<16xf32>,
      %mul3A_1989 = arith.constant 128 : i32
      %mul3A_1990 = arith.muli %add3A_1940, %mul3A_1989 : i32
      %add3A_1991 = arith.constant 16 : i32
      %add3A_1992 = arith.addi %mul3A_1990, %add3A_1991 : i32
      %get3A_1993 = arith.index_cast %add3A_1992 : i32 to index
      %get3A_1994 = tpu.vector_load %arg24[%get3A_1993] {strides = array<i32>} : memref<6400xi32, #tpu.memory_space<vmem>>, vector<16xi32>,
      %get3A_1995 = vector.shape_cast %get3A_1994 : vector<16xi32> to vector<16xi32>
      %gt3A_1996 = arith.constant 0 : i32
      %gt3A_1997 = vector.broadcast %gt3A_1996 : i32 to vector<16xi32>
      %gt3A_1998 = arith.cmpi sgt, %get3A_1995, %gt3A_1997 : vector<16xi32>
      %jit3A_1999 = arith.constant 1.000000e+00 : f32
      %jit3A_2000 = arith.constant 0.000000e+00 : f32
      %broadcast_in_dim3A_2001 = vector.broadcast %jit3A_1999 : f32 to vector<16xf32>
      %broadcast_in_dim3A_2002 = vector.broadcast %jit3A_2000 : f32 to vector<16xf32>
      %select_n3A_2003 = arith.select %gt3A_1998, %broadcast_in_dim3A_2001, %broadcast_in_dim3A_2002 : vector<16xi1>, vector<16xf32>
      %swap3A_2004 = arith.index_cast %add3A_1992 : i32 to index
      %swap3A_2005 = tpu.vector_load %arg25[%swap3A_2004] {strides = array<i32>} : memref<12768xf32, #tpu.memory_space<vmem>>, vector<16xf32>,
      %swap3A_2006 = vector.shape_cast %swap3A_2005 : vector<16xf32> to vector<16xf32>
      %swap3A_2007 = vector.shape_cast %select_n3A_2003 : vector<16xf32> to vector<16xf32>
      tpu.vector_store %arg25[%swap3A_2004], %swap3A_2007 {strides = array<i32>} : memref<12768xf32, #tpu.memory_space<vmem>>, vector<16xf32>,
      %mul3A_2008 = arith.constant 128 : i32
      %mul3A_2009 = arith.muli %add3A_1940, %mul3A_2008 : i32
      %add3A_2010 = arith.constant 32 : i32
      %add3A_2011 = arith.addi %mul3A_2009, %add3A_2010 : i32
      %get3A_2012 = arith.index_cast %add3A_2011 : i32 to index
      %get3A_2013 = tpu.vector_load %arg24[%get3A_2012] {strides = array<i32>} : memref<6400xi32, #tpu.memory_space<vmem>>, vector<16xi32>,
      %get3A_2014 = vector.shape_cast %get3A_2013 : vector<16xi32> to vector<16xi32>
      %gt3A_2015 = arith.constant 0 : i32
      %gt3A_2016 = vector.broadcast %gt3A_2015 : i32 to vector<16xi32>
      %gt3A_2017 = arith.cmpi sgt, %get3A_2014, %gt3A_2016 : vector<16xi32>
      %jit3A_2018 = arith.constant 1.000000e+00 : f32
      %jit3A_2019 = arith.constant 0.000000e+00 : f32
      %broadcast_in_dim3A_2020 = vector.broadcast %jit3A_2018 : f32 to vector<16xf32>
      %broadcast_in_dim3A_2021 = vector.broadcast %jit3A_2019 : f32 to vector<16xf32>
      %select_n3A_2022 = arith.select %gt3A_2017, %broadcast_in_dim3A_2020, %broadcast_in_dim3A_2021 : vector<16xi1>, vector<16xf32>
      %swap3A_2023 = arith.index_cast %add3A_2011 : i32 to index
      %swap3A_2024 = tpu.vector_load %arg25[%swap3A_2023] {strides = array<i32>} : memref<12768xf32, #tpu.memory_space<vmem>>, vector<16xf32>,
      %swap3A_2025 = vector.shape_cast %swap3A_2024 : vector<16xf32> to vector<16xf32>
      %swap3A_2026 = vector.shape_cast %select_n3A_2022 : vector<16xf32> to vector<16xf32>
      tpu.vector_store %arg25[%swap3A_2023], %swap3A_2026 {strides = array<i32>} : memref<12768xf32, #tpu.memory_space<vmem>>, vector<16xf32>,
      %mul3A_2027 = arith.constant 128 : i32
      %mul3A_2028 = arith.muli %add3A_1940, %mul3A_2027 : i32
      %add3A_2029 = arith.constant 48 : i32
      %add3A_2030 = arith.addi %mul3A_2028, %add3A_2029 : i32
      %get3A_2031 = arith.index_cast %add3A_2030 : i32 to index
      %get3A_2032 = tpu.vector_load %arg24[%get3A_2031] {strides = array<i32>} : memref<6400xi32, #tpu.memory_space<vmem>>, vector<16xi32>,
      %get3A_2033 = vector.shape_cast %get3A_2032 : vector<16xi32> to vector<16xi32>
      %gt3A_2034 = arith.constant 0 : i32
      %gt3A_2035 = vector.broadcast %gt3A_2034 : i32 to vector<16xi32>
      %gt3A_2036 = arith.cmpi sgt, %get3A_2033, %gt3A_2035 : vector<16xi32>
      %jit3A_2037 = arith.constant 1.000000e+00 : f32
      %jit3A_2038 = arith.constant 0.000000e+00 : f32
      %broadcast_in_dim3A_2039 = vector.broadcast %jit3A_2037 : f32 to vector<16xf32>
      %broadcast_in_dim3A_2040 = vector.broadcast %jit3A_2038 : f32 to vector<16xf32>
      %select_n3A_2041 = arith.select %gt3A_2036, %broadcast_in_dim3A_2039, %broadcast_in_dim3A_2040 : vector<16xi1>, vector<16xf32>
      %swap3A_2042 = arith.index_cast %add3A_2030 : i32 to index
      %swap3A_2043 = tpu.vector_load %arg25[%swap3A_2042] {strides = array<i32>} : memref<12768xf32, #tpu.memory_space<vmem>>, vector<16xf32>,
      %swap3A_2044 = vector.shape_cast %swap3A_2043 : vector<16xf32> to vector<16xf32>
      %swap3A_2045 = vector.shape_cast %select_n3A_2041 : vector<16xf32> to vector<16xf32>
      tpu.vector_store %arg25[%swap3A_2042], %swap3A_2045 {strides = array<i32>} : memref<12768xf32, #tpu.memory_space<vmem>>, vector<16xf32>,
      %mul3A_2046 = arith.constant 128 : i32
      %mul3A_2047 = arith.muli %add3A_1940, %mul3A_2046 : i32
      %add3A_2048 = arith.constant 64 : i32
      %add3A_2049 = arith.addi %mul3A_2047, %add3A_2048 : i32
      %get3A_2050 = arith.index_cast %add3A_2049 : i32 to index
      %get3A_2051 = tpu.vector_load %arg24[%get3A_2050] {strides = array<i32>} : memref<6400xi32, #tpu.memory_space<vmem>>, vector<16xi32>,
      %get3A_2052 = vector.shape_cast %get3A_2051 : vector<16xi32> to vector<16xi32>
      %gt3A_2053 = arith.constant 0 : i32
      %gt3A_2054 = vector.broadcast %gt3A_2053 : i32 to vector<16xi32>
      %gt3A_2055 = arith.cmpi sgt, %get3A_2052, %gt3A_2054 : vector<16xi32>
      %jit3A_2056 = arith.constant 1.000000e+00 : f32
      %jit3A_2057 = arith.constant 0.000000e+00 : f32
      %broadcast_in_dim3A_2058 = vector.broadcast %jit3A_2056 : f32 to vector<16xf32>
      %broadcast_in_dim3A_2059 = vector.broadcast %jit3A_2057 : f32 to vector<16xf32>
      %select_n3A_2060 = arith.select %gt3A_2055, %broadcast_in_dim3A_2058, %broadcast_in_dim3A_2059 : vector<16xi1>, vector<16xf32>
      %swap3A_2061 = arith.index_cast %add3A_2049 : i32 to index
      %swap3A_2062 = tpu.vector_load %arg25[%swap3A_2061] {strides = array<i32>} : memref<12768xf32, #tpu.memory_space<vmem>>, vector<16xf32>,
      %swap3A_2063 = vector.shape_cast %swap3A_2062 : vector<16xf32> to vector<16xf32>
      %swap3A_2064 = vector.shape_cast %select_n3A_2060 : vector<16xf32> to vector<16xf32>
      tpu.vector_store %arg25[%swap3A_2061], %swap3A_2064 {strides = array<i32>} : memref<12768xf32, #tpu.memory_space<vmem>>, vector<16xf32>,
      %mul3A_2065 = arith.constant 128 : i32
      %mul3A_2066 = arith.muli %add3A_1940, %mul3A_2065 : i32
      %add3A_2067 = arith.constant 80 : i32
      %add3A_2068 = arith.addi %mul3A_2066, %add3A_2067 : i32
      %get3A_2069 = arith.index_cast %add3A_2068 : i32 to index
      %get3A_2070 = tpu.vector_load %arg24[%get3A_2069] {strides = array<i32>} : memref<6400xi32, #tpu.memory_space<vmem>>, vector<16xi32>,
      %get3A_2071 = vector.shape_cast %get3A_2070 : vector<16xi32> to vector<16xi32>
      %gt3A_2072 = arith.constant 0 : i32
      %gt3A_2073 = vector.broadcast %gt3A_2072 : i32 to vector<16xi32>
      %gt3A_2074 = arith.cmpi sgt, %get3A_2071, %gt3A_2073 : vector<16xi32>
      %jit3A_2075 = arith.constant 1.000000e+00 : f32
      %jit3A_2076 = arith.constant 0.000000e+00 : f32
      %broadcast_in_dim3A_2077 = vector.broadcast %jit3A_2075 : f32 to vector<16xf32>
      %broadcast_in_dim3A_2078 = vector.broadcast %jit3A_2076 : f32 to vector<16xf32>
      %select_n3A_2079 = arith.select %gt3A_2074, %broadcast_in_dim3A_2077, %broadcast_in_dim3A_2078 : vector<16xi1>, vector<16xf32>
      %swap3A_2080 = arith.index_cast %add3A_2068 : i32 to index
      %swap3A_2081 = tpu.vector_load %arg25[%swap3A_2080] {strides = array<i32>} : memref<12768xf32, #tpu.memory_space<vmem>>, vector<16xf32>,
      %swap3A_2082 = vector.shape_cast %swap3A_2081 : vector<16xf32> to vector<16xf32>
      %swap3A_2083 = vector.shape_cast %select_n3A_2079 : vector<16xf32> to vector<16xf32>
      tpu.vector_store %arg25[%swap3A_2080], %swap3A_2083 {strides = array<i32>} : memref<12768xf32, #tpu.memory_space<vmem>>, vector<16xf32>,
      %mul3A_2084 = arith.constant 128 : i32
      %mul3A_2085 = arith.muli %add3A_1940, %mul3A_2084 : i32
      %add3A_2086 = arith.constant 96 : i32
      %add3A_2087 = arith.addi %mul3A_2085, %add3A_2086 : i32
      %get3A_2088 = arith.index_cast %add3A_2087 : i32 to index
      %get3A_2089 = tpu.vector_load %arg24[%get3A_2088] {strides = array<i32>} : memref<6400xi32, #tpu.memory_space<vmem>>, vector<16xi32>,
      %get3A_2090 = vector.shape_cast %get3A_2089 : vector<16xi32> to vector<16xi32>
      %gt3A_2091 = arith.constant 0 : i32
      %gt3A_2092 = vector.broadcast %gt3A_2091 : i32 to vector<16xi32>
      %gt3A_2093 = arith.cmpi sgt, %get3A_2090, %gt3A_2092 : vector<16xi32>
      %jit3A_2094 = arith.constant 1.000000e+00 : f32
      %jit3A_2095 = arith.constant 0.000000e+00 : f32
      %broadcast_in_dim3A_2096 = vector.broadcast %jit3A_2094 : f32 to vector<16xf32>
      %broadcast_in_dim3A_2097 = vector.broadcast %jit3A_2095 : f32 to vector<16xf32>
      %select_n3A_2098 = arith.select %gt3A_2093, %broadcast_in_dim3A_2096, %broadcast_in_dim3A_2097 : vector<16xi1>, vector<16xf32>
      %swap3A_2099 = arith.index_cast %add3A_2087 : i32 to index
      %swap3A_2100 = tpu.vector_load %arg25[%swap3A_2099] {strides = array<i32>} : memref<12768xf32, #tpu.memory_space<vmem>>, vector<16xf32>,
      %swap3A_2101 = vector.shape_cast %swap3A_2100 : vector<16xf32> to vector<16xf32>
      %swap3A_2102 = vector.shape_cast %select_n3A_2098 : vector<16xf32> to vector<16xf32>
      tpu.vector_store %arg25[%swap3A_2099], %swap3A_2102 {strides = array<i32>} : memref<12768xf32, #tpu.memory_space<vmem>>, vector<16xf32>,
      %mul3A_2103 = arith.constant 128 : i32
      %mul3A_2104 = arith.muli %add3A_1940, %mul3A_2103 : i32
      %add3A_2105 = arith.constant 112 : i32
      %add3A_2106 = arith.addi %mul3A_2104, %add3A_2105 : i32
      %get3A_2107 = arith.index_cast %add3A_2106 : i32 to index
      %get3A_2108 = tpu.vector_load %arg24[%get3A_2107] {strides = array<i32>} : memref<6400xi32, #tpu.memory_space<vmem>>, vector<16xi32>,
      %get3A_2109 = vector.shape_cast %get3A_2108 : vector<16xi32> to vector<16xi32>
      %gt3A_2110 = arith.constant 0 : i32
      %gt3A_2111 = vector.broadcast %gt3A_2110 : i32 to vector<16xi32>
      %gt3A_2112 = arith.cmpi sgt, %get3A_2109, %gt3A_2111 : vector<16xi32>
      %jit3A_2113 = arith.constant 1.000000e+00 : f32
      %jit3A_2114 = arith.constant 0.000000e+00 : f32
      %broadcast_in_dim3A_2115 = vector.broadcast %jit3A_2113 : f32 to vector<16xf32>
      %broadcast_in_dim3A_2116 = vector.broadcast %jit3A_2114 : f32 to vector<16xf32>
      %select_n3A_2117 = arith.select %gt3A_2112, %broadcast_in_dim3A_2115, %broadcast_in_dim3A_2116 : vector<16xi1>, vector<16xf32>
      %swap3A_2118 = arith.index_cast %add3A_2106 : i32 to index
      %swap3A_2119 = tpu.vector_load %arg25[%swap3A_2118] {strides = array<i32>} : memref<12768xf32, #tpu.memory_space<vmem>>, vector<16xf32>,
      %swap3A_2120 = vector.shape_cast %swap3A_2119 : vector<16xf32> to vector<16xf32>
      %swap3A_2121 = vector.shape_cast %select_n3A_2117 : vector<16xf32> to vector<16xf32>
      tpu.vector_store %arg25[%swap3A_2118], %swap3A_2121 {strides = array<i32>} : memref<12768xf32, #tpu.memory_space<vmem>>, vector<16xf32>,
      %dma_start3A_2122 = arith.constant 0 : i32
      %dma_start3A_2123 = arith.constant 0 : i32
      %dma_start3A_2124 = tpu.memref_slice %arg21[%dma_start3A_2122, %dma_start3A_2123] : memref<128x128xf32, #tpu.memory_space<vmem>> -> memref<128x128xf32, #tpu.memory_space<vmem>>
      %dma_start3A_2125 = arith.constant 0 : i32
      %dma_start3A_2126 = tpu.memref_slice %arg12[%add3A_1943, %dma_start3A_2125] : memref<204800x128xf32, #tpu.memory_space<hbm>> -> memref<128x128xf32, #tpu.memory_space<hbm>>
      %dma_start3A_2127 = arith.constant 0 : i32
      %dma_start3A_2128 = tpu.memref_slice %arg12[%add3A_1943, %dma_start3A_2127] : memref<204800x128xf32, #tpu.memory_space<hbm>> -> memref<128x128xf32, #tpu.memory_space<hbm>>
      %dma_start3A_2129 = arith.constant 0 : i32
      %dma_start3A_2130 = arith.constant 0 : i32
      %dma_start3A_2131 = tpu.memref_slice %arg21[%dma_start3A_2129, %dma_start3A_2130] : memref<128x128xf32, #tpu.memory_space<vmem>> -> memref<128x128xf32, #tpu.memory_space<vmem>>
      tpu.enqueue_dma source(%dma_start3A_2131 : memref<128x128xf32, #tpu.memory_space<vmem>>) target(%dma_start3A_2128 : memref<128x128xf32, #tpu.memory_space<hbm>>) target_semaphore(%arg39 : memref<!tpu.dma_semaphore, #tpu.memory_space<semaphore_mem>>)
      %mul3A_2132 = arith.constant 5 : i32
      %mul3A_2133 = arith.muli %scan3A_1546, %mul3A_2132 : i32
      %add3A_2134 = arith.constant 3 : i32
      %add3A_2135 = arith.addi %mul3A_2133, %add3A_2134 : i32
      %mul3A_2136 = arith.constant 128 : i32
      %mul3A_2137 = arith.muli %add3A_2135, %mul3A_2136 : i32
      %add3A_2138 = arith.addi %mul3A_18, %mul3A_2137 : i32
      %add3A_2139 = arith.constant 3 : i32
      %add3A_2140 = arith.addi %add3A_2135, %add3A_2139 : i32
      %dma_wait3A_2141 = arith.constant 0 : i32
      %dma_wait3A_2142 = arith.constant 0 : i32
      %dma_wait3A_2143 = tpu.memref_slice %arg20[%dma_wait3A_2141, %dma_wait3A_2142] : memref<128x128xf32, #tpu.memory_space<vmem>> -> memref<128x128xf32, #tpu.memory_space<vmem>>
      %dma_wait3A_2144 = arith.constant 0 : i32
      %dma_wait3A_2145 = arith.constant 0 : i32
      %dma_wait3A_2146 = tpu.memref_slice %arg8[%dma_wait3A_2144, %dma_wait3A_2145] : memref<100001x128xf32, #tpu.memory_space<hbm>> -> memref<128x128xf32, #tpu.memory_space<hbm>>
      %dma_wait3A_2147 = arith.constant 0 : i32
      %dma_wait3A_2148 = arith.constant 0 : i32
      %dma_wait3A_2149 = tpu.memref_slice %arg20[%dma_wait3A_2147, %dma_wait3A_2148] : memref<128x128xf32, #tpu.memory_space<vmem>> -> memref<128x128xf32, #tpu.memory_space<vmem>>
      %dma_wait3A_2150 = arith.constant 0 : i32
      %dma_wait3A_2151 = arith.constant 0 : i32
      %dma_wait3A_2152 = tpu.memref_slice %arg8[%dma_wait3A_2150, %dma_wait3A_2151] : memref<100001x128xf32, #tpu.memory_space<hbm>> -> memref<128x128xf32, #tpu.memory_space<hbm>>
      tpu.wait_dma2 semaphore(%arg38 : memref<!tpu.dma_semaphore, #tpu.memory_space<semaphore_mem>>) src(%dma_wait3A_2152 : memref<128x128xf32, #tpu.memory_space<hbm>>) dst(%dma_wait3A_2149 : memref<128x128xf32, #tpu.memory_space<vmem>>)
      %mul3A_2153 = arith.constant 128 : i32
      %mul3A_2154 = arith.muli %add3A_2140, %mul3A_2153 : i32
      %dma_start3A_2155 = tpu.memref_slice %arg18[%mul3A_2154] : memref<12800xi32, #tpu.memory_space<vmem>> -> memref<128xi32, #tpu.memory_space<vmem>>
      %dma_start3A_2156 = arith.constant 0 : i32
      %dma_start3A_2157 = arith.constant 0 : i32
      %dma_start3A_2158 = tpu.memref_slice %arg8[%dma_start3A_2156, %dma_start3A_2157] : memref<100001x128xf32, #tpu.memory_space<hbm>> -> memref<100001x128xf32, #tpu.memory_space<hbm>>
      tpu.enqueue_indirect_dma source(%dma_start3A_2158 : memref<100001x128xf32, #tpu.memory_space<hbm>>) target(%arg20 : memref<128x128xf32, #tpu.memory_space<vmem>>) offsets(%dma_start3A_2155 : memref<128xi32, #tpu.memory_space<vmem>>) semaphore(%arg33 : memref<!tpu.dma_semaphore, #tpu.memory_space<semaphore_mem>>)
      %mul3A_2159 = arith.constant 128 : i32
      %mul3A_2160 = arith.muli %add3A_2135, %mul3A_2159 : i32
      %dma_wait3A_2161 = tpu.memref_slice %arg18[%mul3A_2160] : memref<12800xi32, #tpu.memory_space<vmem>> -> memref<128xi32, #tpu.memory_space<vmem>>
      %dma_wait3A_2162 = arith.constant 0 : i32
      %dma_wait3A_2163 = arith.constant 0 : i32
      %dma_wait3A_2164 = tpu.memref_slice %arg8[%dma_wait3A_2162, %dma_wait3A_2163] : memref<100001x128xf32, #tpu.memory_space<hbm>> -> memref<100001x128xf32, #tpu.memory_space<hbm>>
      tpu.wait_indirect_dma semaphore(%arg35 : memref<!tpu.dma_semaphore, #tpu.memory_space<semaphore_mem>>) src(%dma_wait3A_2164 : memref<100001x128xf32, #tpu.memory_space<hbm>>) dst(%arg22 : memref<128x128xf32, #tpu.memory_space<vmem>>)
      %mul3A_2165 = arith.constant 128 : i32
      %mul3A_2166 = arith.muli %add3A_2135, %mul3A_2165 : i32
      %add3A_2167 = arith.constant 0 : i32
      %add3A_2168 = arith.addi %mul3A_2166, %add3A_2167 : i32
      %get3A_2169 = arith.index_cast %add3A_2168 : i32 to index
      %get3A_2170 = tpu.vector_load %arg24[%get3A_2169] {strides = array<i32>} : memref<6400xi32, #tpu.memory_space<vmem>>, vector<16xi32>,
      %get3A_2171 = vector.shape_cast %get3A_2170 : vector<16xi32> to vector<16xi32>
      %gt3A_2172 = arith.constant 0 : i32
      %gt3A_2173 = vector.broadcast %gt3A_2172 : i32 to vector<16xi32>
      %gt3A_2174 = arith.cmpi sgt, %get3A_2171, %gt3A_2173 : vector<16xi32>
      %jit3A_2175 = arith.constant 1.000000e+00 : f32
      %jit3A_2176 = arith.constant 0.000000e+00 : f32
      %broadcast_in_dim3A_2177 = vector.broadcast %jit3A_2175 : f32 to vector<16xf32>
      %broadcast_in_dim3A_2178 = vector.broadcast %jit3A_2176 : f32 to vector<16xf32>
      %select_n3A_2179 = arith.select %gt3A_2174, %broadcast_in_dim3A_2177, %broadcast_in_dim3A_2178 : vector<16xi1>, vector<16xf32>
      %swap3A_2180 = arith.index_cast %add3A_2168 : i32 to index
      %swap3A_2181 = tpu.vector_load %arg25[%swap3A_2180] {strides = array<i32>} : memref<12768xf32, #tpu.memory_space<vmem>>, vector<16xf32>,
      %swap3A_2182 = vector.shape_cast %swap3A_2181 : vector<16xf32> to vector<16xf32>
      %swap3A_2183 = vector.shape_cast %select_n3A_2179 : vector<16xf32> to vector<16xf32>
      tpu.vector_store %arg25[%swap3A_2180], %swap3A_2183 {strides = array<i32>} : memref<12768xf32, #tpu.memory_space<vmem>>, vector<16xf32>,
      %mul3A_2184 = arith.constant 128 : i32
      %mul3A_2185 = arith.muli %add3A_2135, %mul3A_2184 : i32
      %add3A_2186 = arith.constant 16 : i32
      %add3A_2187 = arith.addi %mul3A_2185, %add3A_2186 : i32
      %get3A_2188 = arith.index_cast %add3A_2187 : i32 to index
      %get3A_2189 = tpu.vector_load %arg24[%get3A_2188] {strides = array<i32>} : memref<6400xi32, #tpu.memory_space<vmem>>, vector<16xi32>,
      %get3A_2190 = vector.shape_cast %get3A_2189 : vector<16xi32> to vector<16xi32>
      %gt3A_2191 = arith.constant 0 : i32
      %gt3A_2192 = vector.broadcast %gt3A_2191 : i32 to vector<16xi32>
      %gt3A_2193 = arith.cmpi sgt, %get3A_2190, %gt3A_2192 : vector<16xi32>
      %jit3A_2194 = arith.constant 1.000000e+00 : f32
      %jit3A_2195 = arith.constant 0.000000e+00 : f32
      %broadcast_in_dim3A_2196 = vector.broadcast %jit3A_2194 : f32 to vector<16xf32>
      %broadcast_in_dim3A_2197 = vector.broadcast %jit3A_2195 : f32 to vector<16xf32>
      %select_n3A_2198 = arith.select %gt3A_2193, %broadcast_in_dim3A_2196, %broadcast_in_dim3A_2197 : vector<16xi1>, vector<16xf32>
      %swap3A_2199 = arith.index_cast %add3A_2187 : i32 to index
      %swap3A_2200 = tpu.vector_load %arg25[%swap3A_2199] {strides = array<i32>} : memref<12768xf32, #tpu.memory_space<vmem>>, vector<16xf32>,
      %swap3A_2201 = vector.shape_cast %swap3A_2200 : vector<16xf32> to vector<16xf32>
      %swap3A_2202 = vector.shape_cast %select_n3A_2198 : vector<16xf32> to vector<16xf32>
      tpu.vector_store %arg25[%swap3A_2199], %swap3A_2202 {strides = array<i32>} : memref<12768xf32, #tpu.memory_space<vmem>>, vector<16xf32>,
      %mul3A_2203 = arith.constant 128 : i32
      %mul3A_2204 = arith.muli %add3A_2135, %mul3A_2203 : i32
      %add3A_2205 = arith.constant 32 : i32
      %add3A_2206 = arith.addi %mul3A_2204, %add3A_2205 : i32
      %get3A_2207 = arith.index_cast %add3A_2206 : i32 to index
      %get3A_2208 = tpu.vector_load %arg24[%get3A_2207] {strides = array<i32>} : memref<6400xi32, #tpu.memory_space<vmem>>, vector<16xi32>,
      %get3A_2209 = vector.shape_cast %get3A_2208 : vector<16xi32> to vector<16xi32>
      %gt3A_2210 = arith.constant 0 : i32
      %gt3A_2211 = vector.broadcast %gt3A_2210 : i32 to vector<16xi32>
      %gt3A_2212 = arith.cmpi sgt, %get3A_2209, %gt3A_2211 : vector<16xi32>
      %jit3A_2213 = arith.constant 1.000000e+00 : f32
      %jit3A_2214 = arith.constant 0.000000e+00 : f32
      %broadcast_in_dim3A_2215 = vector.broadcast %jit3A_2213 : f32 to vector<16xf32>
      %broadcast_in_dim3A_2216 = vector.broadcast %jit3A_2214 : f32 to vector<16xf32>
      %select_n3A_2217 = arith.select %gt3A_2212, %broadcast_in_dim3A_2215, %broadcast_in_dim3A_2216 : vector<16xi1>, vector<16xf32>
      %swap3A_2218 = arith.index_cast %add3A_2206 : i32 to index
      %swap3A_2219 = tpu.vector_load %arg25[%swap3A_2218] {strides = array<i32>} : memref<12768xf32, #tpu.memory_space<vmem>>, vector<16xf32>,
      %swap3A_2220 = vector.shape_cast %swap3A_2219 : vector<16xf32> to vector<16xf32>
      %swap3A_2221 = vector.shape_cast %select_n3A_2217 : vector<16xf32> to vector<16xf32>
      tpu.vector_store %arg25[%swap3A_2218], %swap3A_2221 {strides = array<i32>} : memref<12768xf32, #tpu.memory_space<vmem>>, vector<16xf32>,
      %mul3A_2222 = arith.constant 128 : i32
      %mul3A_2223 = arith.muli %add3A_2135, %mul3A_2222 : i32
      %add3A_2224 = arith.constant 48 : i32
      %add3A_2225 = arith.addi %mul3A_2223, %add3A_2224 : i32
      %get3A_2226 = arith.index_cast %add3A_2225 : i32 to index
      %get3A_2227 = tpu.vector_load %arg24[%get3A_2226] {strides = array<i32>} : memref<6400xi32, #tpu.memory_space<vmem>>, vector<16xi32>,
      %get3A_2228 = vector.shape_cast %get3A_2227 : vector<16xi32> to vector<16xi32>
      %gt3A_2229 = arith.constant 0 : i32
      %gt3A_2230 = vector.broadcast %gt3A_2229 : i32 to vector<16xi32>
      %gt3A_2231 = arith.cmpi sgt, %get3A_2228, %gt3A_2230 : vector<16xi32>
      %jit3A_2232 = arith.constant 1.000000e+00 : f32
      %jit3A_2233 = arith.constant 0.000000e+00 : f32
      %broadcast_in_dim3A_2234 = vector.broadcast %jit3A_2232 : f32 to vector<16xf32>
      %broadcast_in_dim3A_2235 = vector.broadcast %jit3A_2233 : f32 to vector<16xf32>
      %select_n3A_2236 = arith.select %gt3A_2231, %broadcast_in_dim3A_2234, %broadcast_in_dim3A_2235 : vector<16xi1>, vector<16xf32>
      %swap3A_2237 = arith.index_cast %add3A_2225 : i32 to index
      %swap3A_2238 = tpu.vector_load %arg25[%swap3A_2237] {strides = array<i32>} : memref<12768xf32, #tpu.memory_space<vmem>>, vector<16xf32>,
      %swap3A_2239 = vector.shape_cast %swap3A_2238 : vector<16xf32> to vector<16xf32>
      %swap3A_2240 = vector.shape_cast %select_n3A_2236 : vector<16xf32> to vector<16xf32>
      tpu.vector_store %arg25[%swap3A_2237], %swap3A_2240 {strides = array<i32>} : memref<12768xf32, #tpu.memory_space<vmem>>, vector<16xf32>,
      %mul3A_2241 = arith.constant 128 : i32
      %mul3A_2242 = arith.muli %add3A_2135, %mul3A_2241 : i32
      %add3A_2243 = arith.constant 64 : i32
      %add3A_2244 = arith.addi %mul3A_2242, %add3A_2243 : i32
      %get3A_2245 = arith.index_cast %add3A_2244 : i32 to index
      %get3A_2246 = tpu.vector_load %arg24[%get3A_2245] {strides = array<i32>} : memref<6400xi32, #tpu.memory_space<vmem>>, vector<16xi32>,
      %get3A_2247 = vector.shape_cast %get3A_2246 : vector<16xi32> to vector<16xi32>
      %gt3A_2248 = arith.constant 0 : i32
      %gt3A_2249 = vector.broadcast %gt3A_2248 : i32 to vector<16xi32>
      %gt3A_2250 = arith.cmpi sgt, %get3A_2247, %gt3A_2249 : vector<16xi32>
      %jit3A_2251 = arith.constant 1.000000e+00 : f32
      %jit3A_2252 = arith.constant 0.000000e+00 : f32
      %broadcast_in_dim3A_2253 = vector.broadcast %jit3A_2251 : f32 to vector<16xf32>
      %broadcast_in_dim3A_2254 = vector.broadcast %jit3A_2252 : f32 to vector<16xf32>
      %select_n3A_2255 = arith.select %gt3A_2250, %broadcast_in_dim3A_2253, %broadcast_in_dim3A_2254 : vector<16xi1>, vector<16xf32>
      %swap3A_2256 = arith.index_cast %add3A_2244 : i32 to index
      %swap3A_2257 = tpu.vector_load %arg25[%swap3A_2256] {strides = array<i32>} : memref<12768xf32, #tpu.memory_space<vmem>>, vector<16xf32>,
      %swap3A_2258 = vector.shape_cast %swap3A_2257 : vector<16xf32> to vector<16xf32>
      %swap3A_2259 = vector.shape_cast %select_n3A_2255 : vector<16xf32> to vector<16xf32>
      tpu.vector_store %arg25[%swap3A_2256], %swap3A_2259 {strides = array<i32>} : memref<12768xf32, #tpu.memory_space<vmem>>, vector<16xf32>,
      %mul3A_2260 = arith.constant 128 : i32
      %mul3A_2261 = arith.muli %add3A_2135, %mul3A_2260 : i32
      %add3A_2262 = arith.constant 80 : i32
      %add3A_2263 = arith.addi %mul3A_2261, %add3A_2262 : i32
      %get3A_2264 = arith.index_cast %add3A_2263 : i32 to index
      %get3A_2265 = tpu.vector_load %arg24[%get3A_2264] {strides = array<i32>} : memref<6400xi32, #tpu.memory_space<vmem>>, vector<16xi32>,
      %get3A_2266 = vector.shape_cast %get3A_2265 : vector<16xi32> to vector<16xi32>
      %gt3A_2267 = arith.constant 0 : i32
      %gt3A_2268 = vector.broadcast %gt3A_2267 : i32 to vector<16xi32>
      %gt3A_2269 = arith.cmpi sgt, %get3A_2266, %gt3A_2268 : vector<16xi32>
      %jit3A_2270 = arith.constant 1.000000e+00 : f32
      %jit3A_2271 = arith.constant 0.000000e+00 : f32
      %broadcast_in_dim3A_2272 = vector.broadcast %jit3A_2270 : f32 to vector<16xf32>
      %broadcast_in_dim3A_2273 = vector.broadcast %jit3A_2271 : f32 to vector<16xf32>
      %select_n3A_2274 = arith.select %gt3A_2269, %broadcast_in_dim3A_2272, %broadcast_in_dim3A_2273 : vector<16xi1>, vector<16xf32>
      %swap3A_2275 = arith.index_cast %add3A_2263 : i32 to index
      %swap3A_2276 = tpu.vector_load %arg25[%swap3A_2275] {strides = array<i32>} : memref<12768xf32, #tpu.memory_space<vmem>>, vector<16xf32>,
      %swap3A_2277 = vector.shape_cast %swap3A_2276 : vector<16xf32> to vector<16xf32>
      %swap3A_2278 = vector.shape_cast %select_n3A_2274 : vector<16xf32> to vector<16xf32>
      tpu.vector_store %arg25[%swap3A_2275], %swap3A_2278 {strides = array<i32>} : memref<12768xf32, #tpu.memory_space<vmem>>, vector<16xf32>,
      %mul3A_2279 = arith.constant 128 : i32
      %mul3A_2280 = arith.muli %add3A_2135, %mul3A_2279 : i32
      %add3A_2281 = arith.constant 96 : i32
      %add3A_2282 = arith.addi %mul3A_2280, %add3A_2281 : i32
      %get3A_2283 = arith.index_cast %add3A_2282 : i32 to index
      %get3A_2284 = tpu.vector_load %arg24[%get3A_2283] {strides = array<i32>} : memref<6400xi32, #tpu.memory_space<vmem>>, vector<16xi32>,
      %get3A_2285 = vector.shape_cast %get3A_2284 : vector<16xi32> to vector<16xi32>
      %gt3A_2286 = arith.constant 0 : i32
      %gt3A_2287 = vector.broadcast %gt3A_2286 : i32 to vector<16xi32>
      %gt3A_2288 = arith.cmpi sgt, %get3A_2285, %gt3A_2287 : vector<16xi32>
      %jit3A_2289 = arith.constant 1.000000e+00 : f32
      %jit3A_2290 = arith.constant 0.000000e+00 : f32
      %broadcast_in_dim3A_2291 = vector.broadcast %jit3A_2289 : f32 to vector<16xf32>
      %broadcast_in_dim3A_2292 = vector.broadcast %jit3A_2290 : f32 to vector<16xf32>
      %select_n3A_2293 = arith.select %gt3A_2288, %broadcast_in_dim3A_2291, %broadcast_in_dim3A_2292 : vector<16xi1>, vector<16xf32>
      %swap3A_2294 = arith.index_cast %add3A_2282 : i32 to index
      %swap3A_2295 = tpu.vector_load %arg25[%swap3A_2294] {strides = array<i32>} : memref<12768xf32, #tpu.memory_space<vmem>>, vector<16xf32>,
      %swap3A_2296 = vector.shape_cast %swap3A_2295 : vector<16xf32> to vector<16xf32>
      %swap3A_2297 = vector.shape_cast %select_n3A_2293 : vector<16xf32> to vector<16xf32>
      tpu.vector_store %arg25[%swap3A_2294], %swap3A_2297 {strides = array<i32>} : memref<12768xf32, #tpu.memory_space<vmem>>, vector<16xf32>,
      %mul3A_2298 = arith.constant 128 : i32
      %mul3A_2299 = arith.muli %add3A_2135, %mul3A_2298 : i32
      %add3A_2300 = arith.constant 112 : i32
      %add3A_2301 = arith.addi %mul3A_2299, %add3A_2300 : i32
      %get3A_2302 = arith.index_cast %add3A_2301 : i32 to index
      %get3A_2303 = tpu.vector_load %arg24[%get3A_2302] {strides = array<i32>} : memref<6400xi32, #tpu.memory_space<vmem>>, vector<16xi32>,
      %get3A_2304 = vector.shape_cast %get3A_2303 : vector<16xi32> to vector<16xi32>
      %gt3A_2305 = arith.constant 0 : i32
      %gt3A_2306 = vector.broadcast %gt3A_2305 : i32 to vector<16xi32>
      %gt3A_2307 = arith.cmpi sgt, %get3A_2304, %gt3A_2306 : vector<16xi32>
      %jit3A_2308 = arith.constant 1.000000e+00 : f32
      %jit3A_2309 = arith.constant 0.000000e+00 : f32
      %broadcast_in_dim3A_2310 = vector.broadcast %jit3A_2308 : f32 to vector<16xf32>
      %broadcast_in_dim3A_2311 = vector.broadcast %jit3A_2309 : f32 to vector<16xf32>
      %select_n3A_2312 = arith.select %gt3A_2307, %broadcast_in_dim3A_2310, %broadcast_in_dim3A_2311 : vector<16xi1>, vector<16xf32>
      %swap3A_2313 = arith.index_cast %add3A_2301 : i32 to index
      %swap3A_2314 = tpu.vector_load %arg25[%swap3A_2313] {strides = array<i32>} : memref<12768xf32, #tpu.memory_space<vmem>>, vector<16xf32>,
      %swap3A_2315 = vector.shape_cast %swap3A_2314 : vector<16xf32> to vector<16xf32>
      %swap3A_2316 = vector.shape_cast %select_n3A_2312 : vector<16xf32> to vector<16xf32>
      tpu.vector_store %arg25[%swap3A_2313], %swap3A_2316 {strides = array<i32>} : memref<12768xf32, #tpu.memory_space<vmem>>, vector<16xf32>,
      %dma_start3A_2317 = arith.constant 0 : i32
      %dma_start3A_2318 = arith.constant 0 : i32
      %dma_start3A_2319 = tpu.memref_slice %arg22[%dma_start3A_2317, %dma_start3A_2318] : memref<128x128xf32, #tpu.memory_space<vmem>> -> memref<128x128xf32, #tpu.memory_space<vmem>>
      %dma_start3A_2320 = arith.constant 0 : i32
      %dma_start3A_2321 = tpu.memref_slice %arg12[%add3A_2138, %dma_start3A_2320] : memref<204800x128xf32, #tpu.memory_space<hbm>> -> memref<128x128xf32, #tpu.memory_space<hbm>>
      %dma_start3A_2322 = arith.constant 0 : i32
      %dma_start3A_2323 = tpu.memref_slice %arg12[%add3A_2138, %dma_start3A_2322] : memref<204800x128xf32, #tpu.memory_space<hbm>> -> memref<128x128xf32, #tpu.memory_space<hbm>>
      %dma_start3A_2324 = arith.constant 0 : i32
      %dma_start3A_2325 = arith.constant 0 : i32
      %dma_start3A_2326 = tpu.memref_slice %arg22[%dma_start3A_2324, %dma_start3A_2325] : memref<128x128xf32, #tpu.memory_space<vmem>> -> memref<128x128xf32, #tpu.memory_space<vmem>>
      tpu.enqueue_dma source(%dma_start3A_2326 : memref<128x128xf32, #tpu.memory_space<vmem>>) target(%dma_start3A_2323 : memref<128x128xf32, #tpu.memory_space<hbm>>) target_semaphore(%arg40 : memref<!tpu.dma_semaphore, #tpu.memory_space<semaphore_mem>>)
      %mul3A_2327 = arith.constant 5 : i32
      %mul3A_2328 = arith.muli %scan3A_1546, %mul3A_2327 : i32
      %add3A_2329 = arith.constant 4 : i32
      %add3A_2330 = arith.addi %mul3A_2328, %add3A_2329 : i32
      %mul3A_2331 = arith.constant 128 : i32
      %mul3A_2332 = arith.muli %add3A_2330, %mul3A_2331 : i32
      %add3A_2333 = arith.addi %mul3A_18, %mul3A_2332 : i32
      %add3A_2334 = arith.constant 3 : i32
      %add3A_2335 = arith.addi %add3A_2330, %add3A_2334 : i32
      %dma_wait3A_2336 = arith.constant 0 : i32
      %dma_wait3A_2337 = arith.constant 0 : i32
      %dma_wait3A_2338 = tpu.memref_slice %arg21[%dma_wait3A_2336, %dma_wait3A_2337] : memref<128x128xf32, #tpu.memory_space<vmem>> -> memref<128x128xf32, #tpu.memory_space<vmem>>
      %dma_wait3A_2339 = arith.constant 0 : i32
      %dma_wait3A_2340 = arith.constant 0 : i32
      %dma_wait3A_2341 = tpu.memref_slice %arg8[%dma_wait3A_2339, %dma_wait3A_2340] : memref<100001x128xf32, #tpu.memory_space<hbm>> -> memref<128x128xf32, #tpu.memory_space<hbm>>
      %dma_wait3A_2342 = arith.constant 0 : i32
      %dma_wait3A_2343 = arith.constant 0 : i32
      %dma_wait3A_2344 = tpu.memref_slice %arg21[%dma_wait3A_2342, %dma_wait3A_2343] : memref<128x128xf32, #tpu.memory_space<vmem>> -> memref<128x128xf32, #tpu.memory_space<vmem>>
      %dma_wait3A_2345 = arith.constant 0 : i32
      %dma_wait3A_2346 = arith.constant 0 : i32
      %dma_wait3A_2347 = tpu.memref_slice %arg8[%dma_wait3A_2345, %dma_wait3A_2346] : memref<100001x128xf32, #tpu.memory_space<hbm>> -> memref<128x128xf32, #tpu.memory_space<hbm>>
      tpu.wait_dma2 semaphore(%arg39 : memref<!tpu.dma_semaphore, #tpu.memory_space<semaphore_mem>>) src(%dma_wait3A_2347 : memref<128x128xf32, #tpu.memory_space<hbm>>) dst(%dma_wait3A_2344 : memref<128x128xf32, #tpu.memory_space<vmem>>)
      %mul3A_2348 = arith.constant 128 : i32
      %mul3A_2349 = arith.muli %add3A_2335, %mul3A_2348 : i32
      %dma_start3A_2350 = tpu.memref_slice %arg18[%mul3A_2349] : memref<12800xi32, #tpu.memory_space<vmem>> -> memref<128xi32, #tpu.memory_space<vmem>>
      %dma_start3A_2351 = arith.constant 0 : i32
      %dma_start3A_2352 = arith.constant 0 : i32
      %dma_start3A_2353 = tpu.memref_slice %arg8[%dma_start3A_2351, %dma_start3A_2352] : memref<100001x128xf32, #tpu.memory_space<hbm>> -> memref<100001x128xf32, #tpu.memory_space<hbm>>
      tpu.enqueue_indirect_dma source(%dma_start3A_2353 : memref<100001x128xf32, #tpu.memory_space<hbm>>) target(%arg21 : memref<128x128xf32, #tpu.memory_space<vmem>>) offsets(%dma_start3A_2350 : memref<128xi32, #tpu.memory_space<vmem>>) semaphore(%arg34 : memref<!tpu.dma_semaphore, #tpu.memory_space<semaphore_mem>>)
      %mul3A_2354 = arith.constant 128 : i32
      %mul3A_2355 = arith.muli %add3A_2330, %mul3A_2354 : i32
      %dma_wait3A_2356 = tpu.memref_slice %arg18[%mul3A_2355] : memref<12800xi32, #tpu.memory_space<vmem>> -> memref<128xi32, #tpu.memory_space<vmem>>
      %dma_wait3A_2357 = arith.constant 0 : i32
      %dma_wait3A_2358 = arith.constant 0 : i32
      %dma_wait3A_2359 = tpu.memref_slice %arg8[%dma_wait3A_2357, %dma_wait3A_2358] : memref<100001x128xf32, #tpu.memory_space<hbm>> -> memref<100001x128xf32, #tpu.memory_space<hbm>>
      tpu.wait_indirect_dma semaphore(%arg36 : memref<!tpu.dma_semaphore, #tpu.memory_space<semaphore_mem>>) src(%dma_wait3A_2359 : memref<100001x128xf32, #tpu.memory_space<hbm>>) dst(%arg23 : memref<128x128xf32, #tpu.memory_space<vmem>>)
      %mul3A_2360 = arith.constant 128 : i32
      %mul3A_2361 = arith.muli %add3A_2330, %mul3A_2360 : i32
      %add3A_2362 = arith.constant 0 : i32
      %add3A_2363 = arith.addi %mul3A_2361, %add3A_2362 : i32
      %get3A_2364 = arith.index_cast %add3A_2363 : i32 to index
      %get3A_2365 = tpu.vector_load %arg24[%get3A_2364] {strides = array<i32>} : memref<6400xi32, #tpu.memory_space<vmem>>, vector<16xi32>,
      %get3A_2366 = vector.shape_cast %get3A_2365 : vector<16xi32> to vector<16xi32>
      %gt3A_2367 = arith.constant 0 : i32
      %gt3A_2368 = vector.broadcast %gt3A_2367 : i32 to vector<16xi32>
      %gt3A_2369 = arith.cmpi sgt, %get3A_2366, %gt3A_2368 : vector<16xi32>
      %jit3A_2370 = arith.constant 1.000000e+00 : f32
      %jit3A_2371 = arith.constant 0.000000e+00 : f32
      %broadcast_in_dim3A_2372 = vector.broadcast %jit3A_2370 : f32 to vector<16xf32>
      %broadcast_in_dim3A_2373 = vector.broadcast %jit3A_2371 : f32 to vector<16xf32>
      %select_n3A_2374 = arith.select %gt3A_2369, %broadcast_in_dim3A_2372, %broadcast_in_dim3A_2373 : vector<16xi1>, vector<16xf32>
      %swap3A_2375 = arith.index_cast %add3A_2363 : i32 to index
      %swap3A_2376 = tpu.vector_load %arg25[%swap3A_2375] {strides = array<i32>} : memref<12768xf32, #tpu.memory_space<vmem>>, vector<16xf32>,
      %swap3A_2377 = vector.shape_cast %swap3A_2376 : vector<16xf32> to vector<16xf32>
      %swap3A_2378 = vector.shape_cast %select_n3A_2374 : vector<16xf32> to vector<16xf32>
      tpu.vector_store %arg25[%swap3A_2375], %swap3A_2378 {strides = array<i32>} : memref<12768xf32, #tpu.memory_space<vmem>>, vector<16xf32>,
      %mul3A_2379 = arith.constant 128 : i32
      %mul3A_2380 = arith.muli %add3A_2330, %mul3A_2379 : i32
      %add3A_2381 = arith.constant 16 : i32
      %add3A_2382 = arith.addi %mul3A_2380, %add3A_2381 : i32
      %get3A_2383 = arith.index_cast %add3A_2382 : i32 to index
      %get3A_2384 = tpu.vector_load %arg24[%get3A_2383] {strides = array<i32>} : memref<6400xi32, #tpu.memory_space<vmem>>, vector<16xi32>,
      %get3A_2385 = vector.shape_cast %get3A_2384 : vector<16xi32> to vector<16xi32>
      %gt3A_2386 = arith.constant 0 : i32
      %gt3A_2387 = vector.broadcast %gt3A_2386 : i32 to vector<16xi32>
      %gt3A_2388 = arith.cmpi sgt, %get3A_2385, %gt3A_2387 : vector<16xi32>
      %jit3A_2389 = arith.constant 1.000000e+00 : f32
      %jit3A_2390 = arith.constant 0.000000e+00 : f32
      %broadcast_in_dim3A_2391 = vector.broadcast %jit3A_2389 : f32 to vector<16xf32>
      %broadcast_in_dim3A_2392 = vector.broadcast %jit3A_2390 : f32 to vector<16xf32>
      %select_n3A_2393 = arith.select %gt3A_2388, %broadcast_in_dim3A_2391, %broadcast_in_dim3A_2392 : vector<16xi1>, vector<16xf32>
      %swap3A_2394 = arith.index_cast %add3A_2382 : i32 to index
      %swap3A_2395 = tpu.vector_load %arg25[%swap3A_2394] {strides = array<i32>} : memref<12768xf32, #tpu.memory_space<vmem>>, vector<16xf32>,
      %swap3A_2396 = vector.shape_cast %swap3A_2395 : vector<16xf32> to vector<16xf32>
      %swap3A_2397 = vector.shape_cast %select_n3A_2393 : vector<16xf32> to vector<16xf32>
      tpu.vector_store %arg25[%swap3A_2394], %swap3A_2397 {strides = array<i32>} : memref<12768xf32, #tpu.memory_space<vmem>>, vector<16xf32>,
      %mul3A_2398 = arith.constant 128 : i32
      %mul3A_2399 = arith.muli %add3A_2330, %mul3A_2398 : i32
      %add3A_2400 = arith.constant 32 : i32
      %add3A_2401 = arith.addi %mul3A_2399, %add3A_2400 : i32
      %get3A_2402 = arith.index_cast %add3A_2401 : i32 to index
      %get3A_2403 = tpu.vector_load %arg24[%get3A_2402] {strides = array<i32>} : memref<6400xi32, #tpu.memory_space<vmem>>, vector<16xi32>,
      %get3A_2404 = vector.shape_cast %get3A_2403 : vector<16xi32> to vector<16xi32>
      %gt3A_2405 = arith.constant 0 : i32
      %gt3A_2406 = vector.broadcast %gt3A_2405 : i32 to vector<16xi32>
      %gt3A_2407 = arith.cmpi sgt, %get3A_2404, %gt3A_2406 : vector<16xi32>
      %jit3A_2408 = arith.constant 1.000000e+00 : f32
      %jit3A_2409 = arith.constant 0.000000e+00 : f32
      %broadcast_in_dim3A_2410 = vector.broadcast %jit3A_2408 : f32 to vector<16xf32>
      %broadcast_in_dim3A_2411 = vector.broadcast %jit3A_2409 : f32 to vector<16xf32>
      %select_n3A_2412 = arith.select %gt3A_2407, %broadcast_in_dim3A_2410, %broadcast_in_dim3A_2411 : vector<16xi1>, vector<16xf32>
      %swap3A_2413 = arith.index_cast %add3A_2401 : i32 to index
      %swap3A_2414 = tpu.vector_load %arg25[%swap3A_2413] {strides = array<i32>} : memref<12768xf32, #tpu.memory_space<vmem>>, vector<16xf32>,
      %swap3A_2415 = vector.shape_cast %swap3A_2414 : vector<16xf32> to vector<16xf32>
      %swap3A_2416 = vector.shape_cast %select_n3A_2412 : vector<16xf32> to vector<16xf32>
      tpu.vector_store %arg25[%swap3A_2413], %swap3A_2416 {strides = array<i32>} : memref<12768xf32, #tpu.memory_space<vmem>>, vector<16xf32>,
      %mul3A_2417 = arith.constant 128 : i32
      %mul3A_2418 = arith.muli %add3A_2330, %mul3A_2417 : i32
      %add3A_2419 = arith.constant 48 : i32
      %add3A_2420 = arith.addi %mul3A_2418, %add3A_2419 : i32
      %get3A_2421 = arith.index_cast %add3A_2420 : i32 to index
      %get3A_2422 = tpu.vector_load %arg24[%get3A_2421] {strides = array<i32>} : memref<6400xi32, #tpu.memory_space<vmem>>, vector<16xi32>,
      %get3A_2423 = vector.shape_cast %get3A_2422 : vector<16xi32> to vector<16xi32>
      %gt3A_2424 = arith.constant 0 : i32
      %gt3A_2425 = vector.broadcast %gt3A_2424 : i32 to vector<16xi32>
      %gt3A_2426 = arith.cmpi sgt, %get3A_2423, %gt3A_2425 : vector<16xi32>
      %jit3A_2427 = arith.constant 1.000000e+00 : f32
      %jit3A_2428 = arith.constant 0.000000e+00 : f32
      %broadcast_in_dim3A_2429 = vector.broadcast %jit3A_2427 : f32 to vector<16xf32>
      %broadcast_in_dim3A_2430 = vector.broadcast %jit3A_2428 : f32 to vector<16xf32>
      %select_n3A_2431 = arith.select %gt3A_2426, %broadcast_in_dim3A_2429, %broadcast_in_dim3A_2430 : vector<16xi1>, vector<16xf32>
      %swap3A_2432 = arith.index_cast %add3A_2420 : i32 to index
      %swap3A_2433 = tpu.vector_load %arg25[%swap3A_2432] {strides = array<i32>} : memref<12768xf32, #tpu.memory_space<vmem>>, vector<16xf32>,
      %swap3A_2434 = vector.shape_cast %swap3A_2433 : vector<16xf32> to vector<16xf32>
      %swap3A_2435 = vector.shape_cast %select_n3A_2431 : vector<16xf32> to vector<16xf32>
      tpu.vector_store %arg25[%swap3A_2432], %swap3A_2435 {strides = array<i32>} : memref<12768xf32, #tpu.memory_space<vmem>>, vector<16xf32>,
      %mul3A_2436 = arith.constant 128 : i32
      %mul3A_2437 = arith.muli %add3A_2330, %mul3A_2436 : i32
      %add3A_2438 = arith.constant 64 : i32
      %add3A_2439 = arith.addi %mul3A_2437, %add3A_2438 : i32
      %get3A_2440 = arith.index_cast %add3A_2439 : i32 to index
      %get3A_2441 = tpu.vector_load %arg24[%get3A_2440] {strides = array<i32>} : memref<6400xi32, #tpu.memory_space<vmem>>, vector<16xi32>,
      %get3A_2442 = vector.shape_cast %get3A_2441 : vector<16xi32> to vector<16xi32>
      %gt3A_2443 = arith.constant 0 : i32
      %gt3A_2444 = vector.broadcast %gt3A_2443 : i32 to vector<16xi32>
      %gt3A_2445 = arith.cmpi sgt, %get3A_2442, %gt3A_2444 : vector<16xi32>
      %jit3A_2446 = arith.constant 1.000000e+00 : f32
      %jit3A_2447 = arith.constant 0.000000e+00 : f32
      %broadcast_in_dim3A_2448 = vector.broadcast %jit3A_2446 : f32 to vector<16xf32>
      %broadcast_in_dim3A_2449 = vector.broadcast %jit3A_2447 : f32 to vector<16xf32>
      %select_n3A_2450 = arith.select %gt3A_2445, %broadcast_in_dim3A_2448, %broadcast_in_dim3A_2449 : vector<16xi1>, vector<16xf32>
      %swap3A_2451 = arith.index_cast %add3A_2439 : i32 to index
      %swap3A_2452 = tpu.vector_load %arg25[%swap3A_2451] {strides = array<i32>} : memref<12768xf32, #tpu.memory_space<vmem>>, vector<16xf32>,
      %swap3A_2453 = vector.shape_cast %swap3A_2452 : vector<16xf32> to vector<16xf32>
      %swap3A_2454 = vector.shape_cast %select_n3A_2450 : vector<16xf32> to vector<16xf32>
      tpu.vector_store %arg25[%swap3A_2451], %swap3A_2454 {strides = array<i32>} : memref<12768xf32, #tpu.memory_space<vmem>>, vector<16xf32>,
      %mul3A_2455 = arith.constant 128 : i32
      %mul3A_2456 = arith.muli %add3A_2330, %mul3A_2455 : i32
      %add3A_2457 = arith.constant 80 : i32
      %add3A_2458 = arith.addi %mul3A_2456, %add3A_2457 : i32
      %get3A_2459 = arith.index_cast %add3A_2458 : i32 to index
      %get3A_2460 = tpu.vector_load %arg24[%get3A_2459] {strides = array<i32>} : memref<6400xi32, #tpu.memory_space<vmem>>, vector<16xi32>,
      %get3A_2461 = vector.shape_cast %get3A_2460 : vector<16xi32> to vector<16xi32>
      %gt3A_2462 = arith.constant 0 : i32
      %gt3A_2463 = vector.broadcast %gt3A_2462 : i32 to vector<16xi32>
      %gt3A_2464 = arith.cmpi sgt, %get3A_2461, %gt3A_2463 : vector<16xi32>
      %jit3A_2465 = arith.constant 1.000000e+00 : f32
      %jit3A_2466 = arith.constant 0.000000e+00 : f32
      %broadcast_in_dim3A_2467 = vector.broadcast %jit3A_2465 : f32 to vector<16xf32>
      %broadcast_in_dim3A_2468 = vector.broadcast %jit3A_2466 : f32 to vector<16xf32>
      %select_n3A_2469 = arith.select %gt3A_2464, %broadcast_in_dim3A_2467, %broadcast_in_dim3A_2468 : vector<16xi1>, vector<16xf32>
      %swap3A_2470 = arith.index_cast %add3A_2458 : i32 to index
      %swap3A_2471 = tpu.vector_load %arg25[%swap3A_2470] {strides = array<i32>} : memref<12768xf32, #tpu.memory_space<vmem>>, vector<16xf32>,
      %swap3A_2472 = vector.shape_cast %swap3A_2471 : vector<16xf32> to vector<16xf32>
      %swap3A_2473 = vector.shape_cast %select_n3A_2469 : vector<16xf32> to vector<16xf32>
      tpu.vector_store %arg25[%swap3A_2470], %swap3A_2473 {strides = array<i32>} : memref<12768xf32, #tpu.memory_space<vmem>>, vector<16xf32>,
      %mul3A_2474 = arith.constant 128 : i32
      %mul3A_2475 = arith.muli %add3A_2330, %mul3A_2474 : i32
      %add3A_2476 = arith.constant 96 : i32
      %add3A_2477 = arith.addi %mul3A_2475, %add3A_2476 : i32
      %get3A_2478 = arith.index_cast %add3A_2477 : i32 to index
      %get3A_2479 = tpu.vector_load %arg24[%get3A_2478] {strides = array<i32>} : memref<6400xi32, #tpu.memory_space<vmem>>, vector<16xi32>,
      %get3A_2480 = vector.shape_cast %get3A_2479 : vector<16xi32> to vector<16xi32>
      %gt3A_2481 = arith.constant 0 : i32
      %gt3A_2482 = vector.broadcast %gt3A_2481 : i32 to vector<16xi32>
      %gt3A_2483 = arith.cmpi sgt, %get3A_2480, %gt3A_2482 : vector<16xi32>
      %jit3A_2484 = arith.constant 1.000000e+00 : f32
      %jit3A_2485 = arith.constant 0.000000e+00 : f32
      %broadcast_in_dim3A_2486 = vector.broadcast %jit3A_2484 : f32 to vector<16xf32>
      %broadcast_in_dim3A_2487 = vector.broadcast %jit3A_2485 : f32 to vector<16xf32>
      %select_n3A_2488 = arith.select %gt3A_2483, %broadcast_in_dim3A_2486, %broadcast_in_dim3A_2487 : vector<16xi1>, vector<16xf32>
      %swap3A_2489 = arith.index_cast %add3A_2477 : i32 to index
      %swap3A_2490 = tpu.vector_load %arg25[%swap3A_2489] {strides = array<i32>} : memref<12768xf32, #tpu.memory_space<vmem>>, vector<16xf32>,
      %swap3A_2491 = vector.shape_cast %swap3A_2490 : vector<16xf32> to vector<16xf32>
      %swap3A_2492 = vector.shape_cast %select_n3A_2488 : vector<16xf32> to vector<16xf32>
      tpu.vector_store %arg25[%swap3A_2489], %swap3A_2492 {strides = array<i32>} : memref<12768xf32, #tpu.memory_space<vmem>>, vector<16xf32>,
      %mul3A_2493 = arith.constant 128 : i32
      %mul3A_2494 = arith.muli %add3A_2330, %mul3A_2493 : i32
      %add3A_2495 = arith.constant 112 : i32
      %add3A_2496 = arith.addi %mul3A_2494, %add3A_2495 : i32
      %get3A_2497 = arith.index_cast %add3A_2496 : i32 to index
      %get3A_2498 = tpu.vector_load %arg24[%get3A_2497] {strides = array<i32>} : memref<6400xi32, #tpu.memory_space<vmem>>, vector<16xi32>,
      %get3A_2499 = vector.shape_cast %get3A_2498 : vector<16xi32> to vector<16xi32>
      %gt3A_2500 = arith.constant 0 : i32
      %gt3A_2501 = vector.broadcast %gt3A_2500 : i32 to vector<16xi32>
      %gt3A_2502 = arith.cmpi sgt, %get3A_2499, %gt3A_2501 : vector<16xi32>
      %jit3A_2503 = arith.constant 1.000000e+00 : f32
      %jit3A_2504 = arith.constant 0.000000e+00 : f32
      %broadcast_in_dim3A_2505 = vector.broadcast %jit3A_2503 : f32 to vector<16xf32>
      %broadcast_in_dim3A_2506 = vector.broadcast %jit3A_2504 : f32 to vector<16xf32>
      %select_n3A_2507 = arith.select %gt3A_2502, %broadcast_in_dim3A_2505, %broadcast_in_dim3A_2506 : vector<16xi1>, vector<16xf32>
      %swap3A_2508 = arith.index_cast %add3A_2496 : i32 to index
      %swap3A_2509 = tpu.vector_load %arg25[%swap3A_2508] {strides = array<i32>} : memref<12768xf32, #tpu.memory_space<vmem>>, vector<16xf32>,
      %swap3A_2510 = vector.shape_cast %swap3A_2509 : vector<16xf32> to vector<16xf32>
      %swap3A_2511 = vector.shape_cast %select_n3A_2507 : vector<16xf32> to vector<16xf32>
      tpu.vector_store %arg25[%swap3A_2508], %swap3A_2511 {strides = array<i32>} : memref<12768xf32, #tpu.memory_space<vmem>>, vector<16xf32>,
      %dma_start3A_2512 = arith.constant 0 : i32
      %dma_start3A_2513 = arith.constant 0 : i32
      %dma_start3A_2514 = tpu.memref_slice %arg23[%dma_start3A_2512, %dma_start3A_2513] : memref<128x128xf32, #tpu.memory_space<vmem>> -> memref<128x128xf32, #tpu.memory_space<vmem>>
      %dma_start3A_2515 = arith.constant 0 : i32
      %dma_start3A_2516 = tpu.memref_slice %arg12[%add3A_2333, %dma_start3A_2515] : memref<204800x128xf32, #tpu.memory_space<hbm>> -> memref<128x128xf32, #tpu.memory_space<hbm>>
      %dma_start3A_2517 = arith.constant 0 : i32
      %dma_start3A_2518 = tpu.memref_slice %arg12[%add3A_2333, %dma_start3A_2517] : memref<204800x128xf32, #tpu.memory_space<hbm>> -> memref<128x128xf32, #tpu.memory_space<hbm>>
      %dma_start3A_2519 = arith.constant 0 : i32
      %dma_start3A_2520 = arith.constant 0 : i32
      %dma_start3A_2521 = tpu.memref_slice %arg23[%dma_start3A_2519, %dma_start3A_2520] : memref<128x128xf32, #tpu.memory_space<vmem>> -> memref<128x128xf32, #tpu.memory_space<vmem>>
      tpu.enqueue_dma source(%dma_start3A_2521 : memref<128x128xf32, #tpu.memory_space<vmem>>) target(%dma_start3A_2518 : memref<128x128xf32, #tpu.memory_space<hbm>>) target_semaphore(%arg41 : memref<!tpu.dma_semaphore, #tpu.memory_space<semaphore_mem>>)
    }
    %scan3A_778 = arith.constant 9 : i32
    %scan3A_779 = arith.constant 10 : i32
    %scan3A_780 = arith.constant 9 : i32
    %scan3A_781 = arith.addi %scan3A_779, %scan3A_780 : i32
    %scan3A_782 = arith.constant 1 : i32
    scf.for %scan3A_1546 = %scan3A_779 to %scan3A_781 step %scan3A_782  : i32 {
      %mul3A_1547 = arith.constant 5 : i32
      %mul3A_1548 = arith.muli %scan3A_1546, %mul3A_1547 : i32
      %add3A_1549 = arith.constant 0 : i32
      %add3A_1550 = arith.addi %mul3A_1548, %add3A_1549 : i32
      %sub3A = arith.constant 50 : i32
      %sub3A_1551 = arith.subi %add3A_1550, %sub3A : i32
      %mul3A_1552 = arith.constant 128 : i32
      %mul3A_1553 = arith.muli %sub3A_1551, %mul3A_1552 : i32
      %add3A_1554 = arith.addi %mul3A_20, %mul3A_1553 : i32
      %add3A_1555 = arith.constant 3 : i32
      %add3A_1556 = arith.addi %add3A_1550, %add3A_1555 : i32
      %dma_wait3A_1557 = arith.constant 0 : i32
      %dma_wait3A_1558 = arith.constant 0 : i32
      %dma_wait3A_1559 = tpu.memref_slice %arg22[%dma_wait3A_1557, %dma_wait3A_1558] : memref<128x128xf32, #tpu.memory_space<vmem>> -> memref<128x128xf32, #tpu.memory_space<vmem>>
      %dma_wait3A_1560 = arith.constant 0 : i32
      %dma_wait3A_1561 = arith.constant 0 : i32
      %dma_wait3A_1562 = tpu.memref_slice %arg8[%dma_wait3A_1560, %dma_wait3A_1561] : memref<100001x128xf32, #tpu.memory_space<hbm>> -> memref<128x128xf32, #tpu.memory_space<hbm>>
      %dma_wait3A_1563 = arith.constant 0 : i32
      %dma_wait3A_1564 = arith.constant 0 : i32
      %dma_wait3A_1565 = tpu.memref_slice %arg22[%dma_wait3A_1563, %dma_wait3A_1564] : memref<128x128xf32, #tpu.memory_space<vmem>> -> memref<128x128xf32, #tpu.memory_space<vmem>>
      %dma_wait3A_1566 = arith.constant 0 : i32
      %dma_wait3A_1567 = arith.constant 0 : i32
      %dma_wait3A_1568 = tpu.memref_slice %arg8[%dma_wait3A_1566, %dma_wait3A_1567] : memref<100001x128xf32, #tpu.memory_space<hbm>> -> memref<128x128xf32, #tpu.memory_space<hbm>>
      tpu.wait_dma2 semaphore(%arg40 : memref<!tpu.dma_semaphore, #tpu.memory_space<semaphore_mem>>) src(%dma_wait3A_1568 : memref<128x128xf32, #tpu.memory_space<hbm>>) dst(%dma_wait3A_1565 : memref<128x128xf32, #tpu.memory_space<vmem>>)
      %mul3A_1569 = arith.constant 128 : i32
      %mul3A_1570 = arith.muli %add3A_1556, %mul3A_1569 : i32
      %dma_start3A_1571 = tpu.memref_slice %arg18[%mul3A_1570] : memref<12800xi32, #tpu.memory_space<vmem>> -> memref<128xi32, #tpu.memory_space<vmem>>
      %dma_start3A_1572 = arith.constant 0 : i32
      %dma_start3A_1573 = arith.constant 0 : i32
      %dma_start3A_1574 = tpu.memref_slice %arg8[%dma_start3A_1572, %dma_start3A_1573] : memref<100001x128xf32, #tpu.memory_space<hbm>> -> memref<100001x128xf32, #tpu.memory_space<hbm>>
      tpu.enqueue_indirect_dma source(%dma_start3A_1574 : memref<100001x128xf32, #tpu.memory_space<hbm>>) target(%arg22 : memref<128x128xf32, #tpu.memory_space<vmem>>) offsets(%dma_start3A_1571 : memref<128xi32, #tpu.memory_space<vmem>>) semaphore(%arg35 : memref<!tpu.dma_semaphore, #tpu.memory_space<semaphore_mem>>)
      %mul3A_1575 = arith.constant 128 : i32
      %mul3A_1576 = arith.muli %add3A_1550, %mul3A_1575 : i32
      %dma_wait3A_1577 = tpu.memref_slice %arg18[%mul3A_1576] : memref<12800xi32, #tpu.memory_space<vmem>> -> memref<128xi32, #tpu.memory_space<vmem>>
      %dma_wait3A_1578 = arith.constant 0 : i32
      %dma_wait3A_1579 = arith.constant 0 : i32
      %dma_wait3A_1580 = tpu.memref_slice %arg8[%dma_wait3A_1578, %dma_wait3A_1579] : memref<100001x128xf32, #tpu.memory_space<hbm>> -> memref<100001x128xf32, #tpu.memory_space<hbm>>
      tpu.wait_indirect_dma semaphore(%arg32 : memref<!tpu.dma_semaphore, #tpu.memory_space<semaphore_mem>>) src(%dma_wait3A_1580 : memref<100001x128xf32, #tpu.memory_space<hbm>>) dst(%arg19 : memref<128x128xf32, #tpu.memory_space<vmem>>)
      %sub3A_1581 = arith.constant 50 : i32
      %sub3A_1582 = arith.subi %add3A_1550, %sub3A_1581 : i32
      %mul3A_1583 = arith.constant 128 : i32
      %mul3A_1584 = arith.muli %sub3A_1582, %mul3A_1583 : i32
      %add3A_1585 = arith.constant 6400 : i32
      %add3A_1586 = arith.addi %add3A_1585, %mul3A_1584 : i32
      %add3A_1587 = arith.constant 0 : i32
      %add3A_1588 = arith.addi %add3A_1586, %add3A_1587 : i32
      %get3A_1589 = arith.index_cast %add3A_1588 : i32 to index
      %get3A_1590 = tpu.vector_load %arg18[%get3A_1589] {strides = array<i32>} : memref<12800xi32, #tpu.memory_space<vmem>>, vector<16xi32>,
      %get3A_1591 = vector.shape_cast %get3A_1590 : vector<16xi32> to vector<16xi32>
      %gt3A_1592 = arith.constant 0 : i32
      %gt3A_1593 = vector.broadcast %gt3A_1592 : i32 to vector<16xi32>
      %gt3A_1594 = arith.cmpi sgt, %get3A_1591, %gt3A_1593 : vector<16xi32>
      %jit3A_1595 = arith.constant 1.000000e+00 : f32
      %jit3A_1596 = arith.constant 0.000000e+00 : f32
      %broadcast_in_dim3A_1597 = vector.broadcast %jit3A_1595 : f32 to vector<16xf32>
      %broadcast_in_dim3A_1598 = vector.broadcast %jit3A_1596 : f32 to vector<16xf32>
      %select_n3A_1599 = arith.select %gt3A_1594, %broadcast_in_dim3A_1597, %broadcast_in_dim3A_1598 : vector<16xi1>, vector<16xf32>
      %swap3A_1600 = arith.index_cast %add3A_1588 : i32 to index
      %swap3A_1601 = tpu.vector_load %arg25[%swap3A_1600] {strides = array<i32>} : memref<12768xf32, #tpu.memory_space<vmem>>, vector<16xf32>,
      %swap3A_1602 = vector.shape_cast %swap3A_1601 : vector<16xf32> to vector<16xf32>
      %swap3A_1603 = vector.shape_cast %select_n3A_1599 : vector<16xf32> to vector<16xf32>
      tpu.vector_store %arg25[%swap3A_1600], %swap3A_1603 {strides = array<i32>} : memref<12768xf32, #tpu.memory_space<vmem>>, vector<16xf32>,
      %sub3A_1604 = arith.constant 50 : i32
      %sub3A_1605 = arith.subi %add3A_1550, %sub3A_1604 : i32
      %mul3A_1606 = arith.constant 128 : i32
      %mul3A_1607 = arith.muli %sub3A_1605, %mul3A_1606 : i32
      %add3A_1608 = arith.constant 6400 : i32
      %add3A_1609 = arith.addi %add3A_1608, %mul3A_1607 : i32
      %add3A_1610 = arith.constant 16 : i32
      %add3A_1611 = arith.addi %add3A_1609, %add3A_1610 : i32
      %get3A_1612 = arith.index_cast %add3A_1611 : i32 to index
      %get3A_1613 = tpu.vector_load %arg18[%get3A_1612] {strides = array<i32>} : memref<12800xi32, #tpu.memory_space<vmem>>, vector<16xi32>,
      %get3A_1614 = vector.shape_cast %get3A_1613 : vector<16xi32> to vector<16xi32>
      %gt3A_1615 = arith.constant 0 : i32
      %gt3A_1616 = vector.broadcast %gt3A_1615 : i32 to vector<16xi32>
      %gt3A_1617 = arith.cmpi sgt, %get3A_1614, %gt3A_1616 : vector<16xi32>
      %jit3A_1618 = arith.constant 1.000000e+00 : f32
      %jit3A_1619 = arith.constant 0.000000e+00 : f32
      %broadcast_in_dim3A_1620 = vector.broadcast %jit3A_1618 : f32 to vector<16xf32>
      %broadcast_in_dim3A_1621 = vector.broadcast %jit3A_1619 : f32 to vector<16xf32>
      %select_n3A_1622 = arith.select %gt3A_1617, %broadcast_in_dim3A_1620, %broadcast_in_dim3A_1621 : vector<16xi1>, vector<16xf32>
      %swap3A_1623 = arith.index_cast %add3A_1611 : i32 to index
      %swap3A_1624 = tpu.vector_load %arg25[%swap3A_1623] {strides = array<i32>} : memref<12768xf32, #tpu.memory_space<vmem>>, vector<16xf32>,
      %swap3A_1625 = vector.shape_cast %swap3A_1624 : vector<16xf32> to vector<16xf32>
      %swap3A_1626 = vector.shape_cast %select_n3A_1622 : vector<16xf32> to vector<16xf32>
      tpu.vector_store %arg25[%swap3A_1623], %swap3A_1626 {strides = array<i32>} : memref<12768xf32, #tpu.memory_space<vmem>>, vector<16xf32>,
      %sub3A_1627 = arith.constant 50 : i32
      %sub3A_1628 = arith.subi %add3A_1550, %sub3A_1627 : i32
      %mul3A_1629 = arith.constant 128 : i32
      %mul3A_1630 = arith.muli %sub3A_1628, %mul3A_1629 : i32
      %add3A_1631 = arith.constant 6400 : i32
      %add3A_1632 = arith.addi %add3A_1631, %mul3A_1630 : i32
      %add3A_1633 = arith.constant 32 : i32
      %add3A_1634 = arith.addi %add3A_1632, %add3A_1633 : i32
      %get3A_1635 = arith.index_cast %add3A_1634 : i32 to index
      %get3A_1636 = tpu.vector_load %arg18[%get3A_1635] {strides = array<i32>} : memref<12800xi32, #tpu.memory_space<vmem>>, vector<16xi32>,
      %get3A_1637 = vector.shape_cast %get3A_1636 : vector<16xi32> to vector<16xi32>
      %gt3A_1638 = arith.constant 0 : i32
      %gt3A_1639 = vector.broadcast %gt3A_1638 : i32 to vector<16xi32>
      %gt3A_1640 = arith.cmpi sgt, %get3A_1637, %gt3A_1639 : vector<16xi32>
      %jit3A_1641 = arith.constant 1.000000e+00 : f32
      %jit3A_1642 = arith.constant 0.000000e+00 : f32
      %broadcast_in_dim3A_1643 = vector.broadcast %jit3A_1641 : f32 to vector<16xf32>
      %broadcast_in_dim3A_1644 = vector.broadcast %jit3A_1642 : f32 to vector<16xf32>
      %select_n3A_1645 = arith.select %gt3A_1640, %broadcast_in_dim3A_1643, %broadcast_in_dim3A_1644 : vector<16xi1>, vector<16xf32>
      %swap3A_1646 = arith.index_cast %add3A_1634 : i32 to index
      %swap3A_1647 = tpu.vector_load %arg25[%swap3A_1646] {strides = array<i32>} : memref<12768xf32, #tpu.memory_space<vmem>>, vector<16xf32>,
      %swap3A_1648 = vector.shape_cast %swap3A_1647 : vector<16xf32> to vector<16xf32>
      %swap3A_1649 = vector.shape_cast %select_n3A_1645 : vector<16xf32> to vector<16xf32>
      tpu.vector_store %arg25[%swap3A_1646], %swap3A_1649 {strides = array<i32>} : memref<12768xf32, #tpu.memory_space<vmem>>, vector<16xf32>,
      %sub3A_1650 = arith.constant 50 : i32
      %sub3A_1651 = arith.subi %add3A_1550, %sub3A_1650 : i32
      %mul3A_1652 = arith.constant 128 : i32
      %mul3A_1653 = arith.muli %sub3A_1651, %mul3A_1652 : i32
      %add3A_1654 = arith.constant 6400 : i32
      %add3A_1655 = arith.addi %add3A_1654, %mul3A_1653 : i32
      %add3A_1656 = arith.constant 48 : i32
      %add3A_1657 = arith.addi %add3A_1655, %add3A_1656 : i32
      %get3A_1658 = arith.index_cast %add3A_1657 : i32 to index
      %get3A_1659 = tpu.vector_load %arg18[%get3A_1658] {strides = array<i32>} : memref<12800xi32, #tpu.memory_space<vmem>>, vector<16xi32>,
      %get3A_1660 = vector.shape_cast %get3A_1659 : vector<16xi32> to vector<16xi32>
      %gt3A_1661 = arith.constant 0 : i32
      %gt3A_1662 = vector.broadcast %gt3A_1661 : i32 to vector<16xi32>
      %gt3A_1663 = arith.cmpi sgt, %get3A_1660, %gt3A_1662 : vector<16xi32>
      %jit3A_1664 = arith.constant 1.000000e+00 : f32
      %jit3A_1665 = arith.constant 0.000000e+00 : f32
      %broadcast_in_dim3A_1666 = vector.broadcast %jit3A_1664 : f32 to vector<16xf32>
      %broadcast_in_dim3A_1667 = vector.broadcast %jit3A_1665 : f32 to vector<16xf32>
      %select_n3A_1668 = arith.select %gt3A_1663, %broadcast_in_dim3A_1666, %broadcast_in_dim3A_1667 : vector<16xi1>, vector<16xf32>
      %swap3A_1669 = arith.index_cast %add3A_1657 : i32 to index
      %swap3A_1670 = tpu.vector_load %arg25[%swap3A_1669] {strides = array<i32>} : memref<12768xf32, #tpu.memory_space<vmem>>, vector<16xf32>,
      %swap3A_1671 = vector.shape_cast %swap3A_1670 : vector<16xf32> to vector<16xf32>
      %swap3A_1672 = vector.shape_cast %select_n3A_1668 : vector<16xf32> to vector<16xf32>
      tpu.vector_store %arg25[%swap3A_1669], %swap3A_1672 {strides = array<i32>} : memref<12768xf32, #tpu.memory_space<vmem>>, vector<16xf32>,
      %sub3A_1673 = arith.constant 50 : i32
      %sub3A_1674 = arith.subi %add3A_1550, %sub3A_1673 : i32
      %mul3A_1675 = arith.constant 128 : i32
      %mul3A_1676 = arith.muli %sub3A_1674, %mul3A_1675 : i32
      %add3A_1677 = arith.constant 6400 : i32
      %add3A_1678 = arith.addi %add3A_1677, %mul3A_1676 : i32
      %add3A_1679 = arith.constant 64 : i32
      %add3A_1680 = arith.addi %add3A_1678, %add3A_1679 : i32
      %get3A_1681 = arith.index_cast %add3A_1680 : i32 to index
      %get3A_1682 = tpu.vector_load %arg18[%get3A_1681] {strides = array<i32>} : memref<12800xi32, #tpu.memory_space<vmem>>, vector<16xi32>,
      %get3A_1683 = vector.shape_cast %get3A_1682 : vector<16xi32> to vector<16xi32>
      %gt3A_1684 = arith.constant 0 : i32
      %gt3A_1685 = vector.broadcast %gt3A_1684 : i32 to vector<16xi32>
      %gt3A_1686 = arith.cmpi sgt, %get3A_1683, %gt3A_1685 : vector<16xi32>
      %jit3A_1687 = arith.constant 1.000000e+00 : f32
      %jit3A_1688 = arith.constant 0.000000e+00 : f32
      %broadcast_in_dim3A_1689 = vector.broadcast %jit3A_1687 : f32 to vector<16xf32>
      %broadcast_in_dim3A_1690 = vector.broadcast %jit3A_1688 : f32 to vector<16xf32>
      %select_n3A_1691 = arith.select %gt3A_1686, %broadcast_in_dim3A_1689, %broadcast_in_dim3A_1690 : vector<16xi1>, vector<16xf32>
      %swap3A_1692 = arith.index_cast %add3A_1680 : i32 to index
      %swap3A_1693 = tpu.vector_load %arg25[%swap3A_1692] {strides = array<i32>} : memref<12768xf32, #tpu.memory_space<vmem>>, vector<16xf32>,
      %swap3A_1694 = vector.shape_cast %swap3A_1693 : vector<16xf32> to vector<16xf32>
      %swap3A_1695 = vector.shape_cast %select_n3A_1691 : vector<16xf32> to vector<16xf32>
      tpu.vector_store %arg25[%swap3A_1692], %swap3A_1695 {strides = array<i32>} : memref<12768xf32, #tpu.memory_space<vmem>>, vector<16xf32>,
      %sub3A_1696 = arith.constant 50 : i32
      %sub3A_1697 = arith.subi %add3A_1550, %sub3A_1696 : i32
      %mul3A_1698 = arith.constant 128 : i32
      %mul3A_1699 = arith.muli %sub3A_1697, %mul3A_1698 : i32
      %add3A_1700 = arith.constant 6400 : i32
      %add3A_1701 = arith.addi %add3A_1700, %mul3A_1699 : i32
      %add3A_1702 = arith.constant 80 : i32
      %add3A_1703 = arith.addi %add3A_1701, %add3A_1702 : i32
      %get3A_1704 = arith.index_cast %add3A_1703 : i32 to index
      %get3A_1705 = tpu.vector_load %arg18[%get3A_1704] {strides = array<i32>} : memref<12800xi32, #tpu.memory_space<vmem>>, vector<16xi32>,
      %get3A_1706 = vector.shape_cast %get3A_1705 : vector<16xi32> to vector<16xi32>
      %gt3A_1707 = arith.constant 0 : i32
      %gt3A_1708 = vector.broadcast %gt3A_1707 : i32 to vector<16xi32>
      %gt3A_1709 = arith.cmpi sgt, %get3A_1706, %gt3A_1708 : vector<16xi32>
      %jit3A_1710 = arith.constant 1.000000e+00 : f32
      %jit3A_1711 = arith.constant 0.000000e+00 : f32
      %broadcast_in_dim3A_1712 = vector.broadcast %jit3A_1710 : f32 to vector<16xf32>
      %broadcast_in_dim3A_1713 = vector.broadcast %jit3A_1711 : f32 to vector<16xf32>
      %select_n3A_1714 = arith.select %gt3A_1709, %broadcast_in_dim3A_1712, %broadcast_in_dim3A_1713 : vector<16xi1>, vector<16xf32>
      %swap3A_1715 = arith.index_cast %add3A_1703 : i32 to index
      %swap3A_1716 = tpu.vector_load %arg25[%swap3A_1715] {strides = array<i32>} : memref<12768xf32, #tpu.memory_space<vmem>>, vector<16xf32>,
      %swap3A_1717 = vector.shape_cast %swap3A_1716 : vector<16xf32> to vector<16xf32>
      %swap3A_1718 = vector.shape_cast %select_n3A_1714 : vector<16xf32> to vector<16xf32>
      tpu.vector_store %arg25[%swap3A_1715], %swap3A_1718 {strides = array<i32>} : memref<12768xf32, #tpu.memory_space<vmem>>, vector<16xf32>,
      %sub3A_1719 = arith.constant 50 : i32
      %sub3A_1720 = arith.subi %add3A_1550, %sub3A_1719 : i32
      %mul3A_1721 = arith.constant 128 : i32
      %mul3A_1722 = arith.muli %sub3A_1720, %mul3A_1721 : i32
      %add3A_1723 = arith.constant 6400 : i32
      %add3A_1724 = arith.addi %add3A_1723, %mul3A_1722 : i32
      %add3A_1725 = arith.constant 96 : i32
      %add3A_1726 = arith.addi %add3A_1724, %add3A_1725 : i32
      %get3A_1727 = arith.index_cast %add3A_1726 : i32 to index
      %get3A_1728 = tpu.vector_load %arg18[%get3A_1727] {strides = array<i32>} : memref<12800xi32, #tpu.memory_space<vmem>>, vector<16xi32>,
      %get3A_1729 = vector.shape_cast %get3A_1728 : vector<16xi32> to vector<16xi32>
      %gt3A_1730 = arith.constant 0 : i32
      %gt3A_1731 = vector.broadcast %gt3A_1730 : i32 to vector<16xi32>
      %gt3A_1732 = arith.cmpi sgt, %get3A_1729, %gt3A_1731 : vector<16xi32>
      %jit3A_1733 = arith.constant 1.000000e+00 : f32
      %jit3A_1734 = arith.constant 0.000000e+00 : f32
      %broadcast_in_dim3A_1735 = vector.broadcast %jit3A_1733 : f32 to vector<16xf32>
      %broadcast_in_dim3A_1736 = vector.broadcast %jit3A_1734 : f32 to vector<16xf32>
      %select_n3A_1737 = arith.select %gt3A_1732, %broadcast_in_dim3A_1735, %broadcast_in_dim3A_1736 : vector<16xi1>, vector<16xf32>
      %swap3A_1738 = arith.index_cast %add3A_1726 : i32 to index
      %swap3A_1739 = tpu.vector_load %arg25[%swap3A_1738] {strides = array<i32>} : memref<12768xf32, #tpu.memory_space<vmem>>, vector<16xf32>,
      %swap3A_1740 = vector.shape_cast %swap3A_1739 : vector<16xf32> to vector<16xf32>
      %swap3A_1741 = vector.shape_cast %select_n3A_1737 : vector<16xf32> to vector<16xf32>
      tpu.vector_store %arg25[%swap3A_1738], %swap3A_1741 {strides = array<i32>} : memref<12768xf32, #tpu.memory_space<vmem>>, vector<16xf32>,
      %sub3A_1742 = arith.constant 50 : i32
      %sub3A_1743 = arith.subi %add3A_1550, %sub3A_1742 : i32
      %mul3A_1744 = arith.constant 128 : i32
      %mul3A_1745 = arith.muli %sub3A_1743, %mul3A_1744 : i32
      %add3A_1746 = arith.constant 6400 : i32
      %add3A_1747 = arith.addi %add3A_1746, %mul3A_1745 : i32
      %add3A_1748 = arith.constant 112 : i32
      %add3A_1749 = arith.addi %add3A_1747, %add3A_1748 : i32
      %get3A_1750 = arith.index_cast %add3A_1749 : i32 to index
      %get3A_1751 = tpu.vector_load %arg18[%get3A_1750] {strides = array<i32>} : memref<12800xi32, #tpu.memory_space<vmem>>, vector<16xi32>,
      %get3A_1752 = vector.shape_cast %get3A_1751 : vector<16xi32> to vector<16xi32>
      %gt3A_1753 = arith.constant 0 : i32
      %gt3A_1754 = vector.broadcast %gt3A_1753 : i32 to vector<16xi32>
      %gt3A_1755 = arith.cmpi sgt, %get3A_1752, %gt3A_1754 : vector<16xi32>
      %jit3A_1756 = arith.constant 1.000000e+00 : f32
      %jit3A_1757 = arith.constant 0.000000e+00 : f32
      %broadcast_in_dim3A_1758 = vector.broadcast %jit3A_1756 : f32 to vector<16xf32>
      %broadcast_in_dim3A_1759 = vector.broadcast %jit3A_1757 : f32 to vector<16xf32>
      %select_n3A_1760 = arith.select %gt3A_1755, %broadcast_in_dim3A_1758, %broadcast_in_dim3A_1759 : vector<16xi1>, vector<16xf32>
      %swap3A_1761 = arith.index_cast %add3A_1749 : i32 to index
      %swap3A_1762 = tpu.vector_load %arg25[%swap3A_1761] {strides = array<i32>} : memref<12768xf32, #tpu.memory_space<vmem>>, vector<16xf32>,
      %swap3A_1763 = vector.shape_cast %swap3A_1762 : vector<16xf32> to vector<16xf32>
      %swap3A_1764 = vector.shape_cast %select_n3A_1760 : vector<16xf32> to vector<16xf32>
      tpu.vector_store %arg25[%swap3A_1761], %swap3A_1764 {strides = array<i32>} : memref<12768xf32, #tpu.memory_space<vmem>>, vector<16xf32>,
      %dma_start3A_1765 = arith.constant 0 : i32
      %dma_start3A_1766 = arith.constant 0 : i32
      %dma_start3A_1767 = tpu.memref_slice %arg19[%dma_start3A_1765, %dma_start3A_1766] : memref<128x128xf32, #tpu.memory_space<vmem>> -> memref<128x128xf32, #tpu.memory_space<vmem>>
      %dma_start3A_1768 = arith.constant 0 : i32
      %dma_start3A_1769 = tpu.memref_slice %arg14[%add3A_1554, %dma_start3A_1768] : memref<203776x128xf32, #tpu.memory_space<hbm>> -> memref<128x128xf32, #tpu.memory_space<hbm>>
      %dma_start3A_1770 = arith.constant 0 : i32
      %dma_start3A_1771 = tpu.memref_slice %arg14[%add3A_1554, %dma_start3A_1770] : memref<203776x128xf32, #tpu.memory_space<hbm>> -> memref<128x128xf32, #tpu.memory_space<hbm>>
      %dma_start3A_1772 = arith.constant 0 : i32
      %dma_start3A_1773 = arith.constant 0 : i32
      %dma_start3A_1774 = tpu.memref_slice %arg19[%dma_start3A_1772, %dma_start3A_1773] : memref<128x128xf32, #tpu.memory_space<vmem>> -> memref<128x128xf32, #tpu.memory_space<vmem>>
      tpu.enqueue_dma source(%dma_start3A_1774 : memref<128x128xf32, #tpu.memory_space<vmem>>) target(%dma_start3A_1771 : memref<128x128xf32, #tpu.memory_space<hbm>>) target_semaphore(%arg37 : memref<!tpu.dma_semaphore, #tpu.memory_space<semaphore_mem>>)
      %mul3A_1775 = arith.constant 5 : i32
      %mul3A_1776 = arith.muli %scan3A_1546, %mul3A_1775 : i32
      %add3A_1777 = arith.constant 1 : i32
      %add3A_1778 = arith.addi %mul3A_1776, %add3A_1777 : i32
      %sub3A_1779 = arith.constant 50 : i32
      %sub3A_1780 = arith.subi %add3A_1778, %sub3A_1779 : i32
      %mul3A_1781 = arith.constant 128 : i32
      %mul3A_1782 = arith.muli %sub3A_1780, %mul3A_1781 : i32
      %add3A_1783 = arith.addi %mul3A_20, %mul3A_1782 : i32
      %add3A_1784 = arith.constant 3 : i32
      %add3A_1785 = arith.addi %add3A_1778, %add3A_1784 : i32
      %dma_wait3A_1786 = arith.constant 0 : i32
      %dma_wait3A_1787 = arith.constant 0 : i32
      %dma_wait3A_1788 = tpu.memref_slice %arg23[%dma_wait3A_1786, %dma_wait3A_1787] : memref<128x128xf32, #tpu.memory_space<vmem>> -> memref<128x128xf32, #tpu.memory_space<vmem>>
      %dma_wait3A_1789 = arith.constant 0 : i32
      %dma_wait3A_1790 = arith.constant 0 : i32
      %dma_wait3A_1791 = tpu.memref_slice %arg8[%dma_wait3A_1789, %dma_wait3A_1790] : memref<100001x128xf32, #tpu.memory_space<hbm>> -> memref<128x128xf32, #tpu.memory_space<hbm>>
      %dma_wait3A_1792 = arith.constant 0 : i32
      %dma_wait3A_1793 = arith.constant 0 : i32
      %dma_wait3A_1794 = tpu.memref_slice %arg23[%dma_wait3A_1792, %dma_wait3A_1793] : memref<128x128xf32, #tpu.memory_space<vmem>> -> memref<128x128xf32, #tpu.memory_space<vmem>>
      %dma_wait3A_1795 = arith.constant 0 : i32
      %dma_wait3A_1796 = arith.constant 0 : i32
      %dma_wait3A_1797 = tpu.memref_slice %arg8[%dma_wait3A_1795, %dma_wait3A_1796] : memref<100001x128xf32, #tpu.memory_space<hbm>> -> memref<128x128xf32, #tpu.memory_space<hbm>>
      tpu.wait_dma2 semaphore(%arg41 : memref<!tpu.dma_semaphore, #tpu.memory_space<semaphore_mem>>) src(%dma_wait3A_1797 : memref<128x128xf32, #tpu.memory_space<hbm>>) dst(%dma_wait3A_1794 : memref<128x128xf32, #tpu.memory_space<vmem>>)
      %mul3A_1798 = arith.constant 128 : i32
      %mul3A_1799 = arith.muli %add3A_1785, %mul3A_1798 : i32
      %dma_start3A_1800 = tpu.memref_slice %arg18[%mul3A_1799] : memref<12800xi32, #tpu.memory_space<vmem>> -> memref<128xi32, #tpu.memory_space<vmem>>
      %dma_start3A_1801 = arith.constant 0 : i32
      %dma_start3A_1802 = arith.constant 0 : i32
      %dma_start3A_1803 = tpu.memref_slice %arg8[%dma_start3A_1801, %dma_start3A_1802] : memref<100001x128xf32, #tpu.memory_space<hbm>> -> memref<100001x128xf32, #tpu.memory_space<hbm>>
      tpu.enqueue_indirect_dma source(%dma_start3A_1803 : memref<100001x128xf32, #tpu.memory_space<hbm>>) target(%arg23 : memref<128x128xf32, #tpu.memory_space<vmem>>) offsets(%dma_start3A_1800 : memref<128xi32, #tpu.memory_space<vmem>>) semaphore(%arg36 : memref<!tpu.dma_semaphore, #tpu.memory_space<semaphore_mem>>)
      %mul3A_1804 = arith.constant 128 : i32
      %mul3A_1805 = arith.muli %add3A_1778, %mul3A_1804 : i32
      %dma_wait3A_1806 = tpu.memref_slice %arg18[%mul3A_1805] : memref<12800xi32, #tpu.memory_space<vmem>> -> memref<128xi32, #tpu.memory_space<vmem>>
      %dma_wait3A_1807 = arith.constant 0 : i32
      %dma_wait3A_1808 = arith.constant 0 : i32
      %dma_wait3A_1809 = tpu.memref_slice %arg8[%dma_wait3A_1807, %dma_wait3A_1808] : memref<100001x128xf32, #tpu.memory_space<hbm>> -> memref<100001x128xf32, #tpu.memory_space<hbm>>
      tpu.wait_indirect_dma semaphore(%arg33 : memref<!tpu.dma_semaphore, #tpu.memory_space<semaphore_mem>>) src(%dma_wait3A_1809 : memref<100001x128xf32, #tpu.memory_space<hbm>>) dst(%arg20 : memref<128x128xf32, #tpu.memory_space<vmem>>)
      %sub3A_1810 = arith.constant 50 : i32
      %sub3A_1811 = arith.subi %add3A_1778, %sub3A_1810 : i32
      %mul3A_1812 = arith.constant 128 : i32
      %mul3A_1813 = arith.muli %sub3A_1811, %mul3A_1812 : i32
      %add3A_1814 = arith.constant 6400 : i32
      %add3A_1815 = arith.addi %add3A_1814, %mul3A_1813 : i32
      %add3A_1816 = arith.constant 0 : i32
      %add3A_1817 = arith.addi %add3A_1815, %add3A_1816 : i32
      %get3A_1818 = arith.index_cast %add3A_1817 : i32 to index
      %get3A_1819 = tpu.vector_load %arg18[%get3A_1818] {strides = array<i32>} : memref<12800xi32, #tpu.memory_space<vmem>>, vector<16xi32>,
      %get3A_1820 = vector.shape_cast %get3A_1819 : vector<16xi32> to vector<16xi32>
      %gt3A_1821 = arith.constant 0 : i32
      %gt3A_1822 = vector.broadcast %gt3A_1821 : i32 to vector<16xi32>
      %gt3A_1823 = arith.cmpi sgt, %get3A_1820, %gt3A_1822 : vector<16xi32>
      %jit3A_1824 = arith.constant 1.000000e+00 : f32
      %jit3A_1825 = arith.constant 0.000000e+00 : f32
      %broadcast_in_dim3A_1826 = vector.broadcast %jit3A_1824 : f32 to vector<16xf32>
      %broadcast_in_dim3A_1827 = vector.broadcast %jit3A_1825 : f32 to vector<16xf32>
      %select_n3A_1828 = arith.select %gt3A_1823, %broadcast_in_dim3A_1826, %broadcast_in_dim3A_1827 : vector<16xi1>, vector<16xf32>
      %swap3A_1829 = arith.index_cast %add3A_1817 : i32 to index
      %swap3A_1830 = tpu.vector_load %arg25[%swap3A_1829] {strides = array<i32>} : memref<12768xf32, #tpu.memory_space<vmem>>, vector<16xf32>,
      %swap3A_1831 = vector.shape_cast %swap3A_1830 : vector<16xf32> to vector<16xf32>
      %swap3A_1832 = vector.shape_cast %select_n3A_1828 : vector<16xf32> to vector<16xf32>
      tpu.vector_store %arg25[%swap3A_1829], %swap3A_1832 {strides = array<i32>} : memref<12768xf32, #tpu.memory_space<vmem>>, vector<16xf32>,
      %sub3A_1833 = arith.constant 50 : i32
      %sub3A_1834 = arith.subi %add3A_1778, %sub3A_1833 : i32
      %mul3A_1835 = arith.constant 128 : i32
      %mul3A_1836 = arith.muli %sub3A_1834, %mul3A_1835 : i32
      %add3A_1837 = arith.constant 6400 : i32
      %add3A_1838 = arith.addi %add3A_1837, %mul3A_1836 : i32
      %add3A_1839 = arith.constant 16 : i32
      %add3A_1840 = arith.addi %add3A_1838, %add3A_1839 : i32
      %get3A_1841 = arith.index_cast %add3A_1840 : i32 to index
      %get3A_1842 = tpu.vector_load %arg18[%get3A_1841] {strides = array<i32>} : memref<12800xi32, #tpu.memory_space<vmem>>, vector<16xi32>,
      %get3A_1843 = vector.shape_cast %get3A_1842 : vector<16xi32> to vector<16xi32>
      %gt3A_1844 = arith.constant 0 : i32
      %gt3A_1845 = vector.broadcast %gt3A_1844 : i32 to vector<16xi32>
      %gt3A_1846 = arith.cmpi sgt, %get3A_1843, %gt3A_1845 : vector<16xi32>
      %jit3A_1847 = arith.constant 1.000000e+00 : f32
      %jit3A_1848 = arith.constant 0.000000e+00 : f32
      %broadcast_in_dim3A_1849 = vector.broadcast %jit3A_1847 : f32 to vector<16xf32>
      %broadcast_in_dim3A_1850 = vector.broadcast %jit3A_1848 : f32 to vector<16xf32>
      %select_n3A_1851 = arith.select %gt3A_1846, %broadcast_in_dim3A_1849, %broadcast_in_dim3A_1850 : vector<16xi1>, vector<16xf32>
      %swap3A_1852 = arith.index_cast %add3A_1840 : i32 to index
      %swap3A_1853 = tpu.vector_load %arg25[%swap3A_1852] {strides = array<i32>} : memref<12768xf32, #tpu.memory_space<vmem>>, vector<16xf32>,
      %swap3A_1854 = vector.shape_cast %swap3A_1853 : vector<16xf32> to vector<16xf32>
      %swap3A_1855 = vector.shape_cast %select_n3A_1851 : vector<16xf32> to vector<16xf32>
      tpu.vector_store %arg25[%swap3A_1852], %swap3A_1855 {strides = array<i32>} : memref<12768xf32, #tpu.memory_space<vmem>>, vector<16xf32>,
      %sub3A_1856 = arith.constant 50 : i32
      %sub3A_1857 = arith.subi %add3A_1778, %sub3A_1856 : i32
      %mul3A_1858 = arith.constant 128 : i32
      %mul3A_1859 = arith.muli %sub3A_1857, %mul3A_1858 : i32
      %add3A_1860 = arith.constant 6400 : i32
      %add3A_1861 = arith.addi %add3A_1860, %mul3A_1859 : i32
      %add3A_1862 = arith.constant 32 : i32
      %add3A_1863 = arith.addi %add3A_1861, %add3A_1862 : i32
      %get3A_1864 = arith.index_cast %add3A_1863 : i32 to index
      %get3A_1865 = tpu.vector_load %arg18[%get3A_1864] {strides = array<i32>} : memref<12800xi32, #tpu.memory_space<vmem>>, vector<16xi32>,
      %get3A_1866 = vector.shape_cast %get3A_1865 : vector<16xi32> to vector<16xi32>
      %gt3A_1867 = arith.constant 0 : i32
      %gt3A_1868 = vector.broadcast %gt3A_1867 : i32 to vector<16xi32>
      %gt3A_1869 = arith.cmpi sgt, %get3A_1866, %gt3A_1868 : vector<16xi32>
      %jit3A_1870 = arith.constant 1.000000e+00 : f32
      %jit3A_1871 = arith.constant 0.000000e+00 : f32
      %broadcast_in_dim3A_1872 = vector.broadcast %jit3A_1870 : f32 to vector<16xf32>
      %broadcast_in_dim3A_1873 = vector.broadcast %jit3A_1871 : f32 to vector<16xf32>
      %select_n3A_1874 = arith.select %gt3A_1869, %broadcast_in_dim3A_1872, %broadcast_in_dim3A_1873 : vector<16xi1>, vector<16xf32>
      %swap3A_1875 = arith.index_cast %add3A_1863 : i32 to index
      %swap3A_1876 = tpu.vector_load %arg25[%swap3A_1875] {strides = array<i32>} : memref<12768xf32, #tpu.memory_space<vmem>>, vector<16xf32>,
      %swap3A_1877 = vector.shape_cast %swap3A_1876 : vector<16xf32> to vector<16xf32>
      %swap3A_1878 = vector.shape_cast %select_n3A_1874 : vector<16xf32> to vector<16xf32>
      tpu.vector_store %arg25[%swap3A_1875], %swap3A_1878 {strides = array<i32>} : memref<12768xf32, #tpu.memory_space<vmem>>, vector<16xf32>,
      %sub3A_1879 = arith.constant 50 : i32
      %sub3A_1880 = arith.subi %add3A_1778, %sub3A_1879 : i32
      %mul3A_1881 = arith.constant 128 : i32
      %mul3A_1882 = arith.muli %sub3A_1880, %mul3A_1881 : i32
      %add3A_1883 = arith.constant 6400 : i32
      %add3A_1884 = arith.addi %add3A_1883, %mul3A_1882 : i32
      %add3A_1885 = arith.constant 48 : i32
      %add3A_1886 = arith.addi %add3A_1884, %add3A_1885 : i32
      %get3A_1887 = arith.index_cast %add3A_1886 : i32 to index
      %get3A_1888 = tpu.vector_load %arg18[%get3A_1887] {strides = array<i32>} : memref<12800xi32, #tpu.memory_space<vmem>>, vector<16xi32>,
      %get3A_1889 = vector.shape_cast %get3A_1888 : vector<16xi32> to vector<16xi32>
      %gt3A_1890 = arith.constant 0 : i32
      %gt3A_1891 = vector.broadcast %gt3A_1890 : i32 to vector<16xi32>
      %gt3A_1892 = arith.cmpi sgt, %get3A_1889, %gt3A_1891 : vector<16xi32>
      %jit3A_1893 = arith.constant 1.000000e+00 : f32
      %jit3A_1894 = arith.constant 0.000000e+00 : f32
      %broadcast_in_dim3A_1895 = vector.broadcast %jit3A_1893 : f32 to vector<16xf32>
      %broadcast_in_dim3A_1896 = vector.broadcast %jit3A_1894 : f32 to vector<16xf32>
      %select_n3A_1897 = arith.select %gt3A_1892, %broadcast_in_dim3A_1895, %broadcast_in_dim3A_1896 : vector<16xi1>, vector<16xf32>
      %swap3A_1898 = arith.index_cast %add3A_1886 : i32 to index
      %swap3A_1899 = tpu.vector_load %arg25[%swap3A_1898] {strides = array<i32>} : memref<12768xf32, #tpu.memory_space<vmem>>, vector<16xf32>,
      %swap3A_1900 = vector.shape_cast %swap3A_1899 : vector<16xf32> to vector<16xf32>
      %swap3A_1901 = vector.shape_cast %select_n3A_1897 : vector<16xf32> to vector<16xf32>
      tpu.vector_store %arg25[%swap3A_1898], %swap3A_1901 {strides = array<i32>} : memref<12768xf32, #tpu.memory_space<vmem>>, vector<16xf32>,
      %sub3A_1902 = arith.constant 50 : i32
      %sub3A_1903 = arith.subi %add3A_1778, %sub3A_1902 : i32
      %mul3A_1904 = arith.constant 128 : i32
      %mul3A_1905 = arith.muli %sub3A_1903, %mul3A_1904 : i32
      %add3A_1906 = arith.constant 6400 : i32
      %add3A_1907 = arith.addi %add3A_1906, %mul3A_1905 : i32
      %add3A_1908 = arith.constant 64 : i32
      %add3A_1909 = arith.addi %add3A_1907, %add3A_1908 : i32
      %get3A_1910 = arith.index_cast %add3A_1909 : i32 to index
      %get3A_1911 = tpu.vector_load %arg18[%get3A_1910] {strides = array<i32>} : memref<12800xi32, #tpu.memory_space<vmem>>, vector<16xi32>,
      %get3A_1912 = vector.shape_cast %get3A_1911 : vector<16xi32> to vector<16xi32>
      %gt3A_1913 = arith.constant 0 : i32
      %gt3A_1914 = vector.broadcast %gt3A_1913 : i32 to vector<16xi32>
      %gt3A_1915 = arith.cmpi sgt, %get3A_1912, %gt3A_1914 : vector<16xi32>
      %jit3A_1916 = arith.constant 1.000000e+00 : f32
      %jit3A_1917 = arith.constant 0.000000e+00 : f32
      %broadcast_in_dim3A_1918 = vector.broadcast %jit3A_1916 : f32 to vector<16xf32>
      %broadcast_in_dim3A_1919 = vector.broadcast %jit3A_1917 : f32 to vector<16xf32>
      %select_n3A_1920 = arith.select %gt3A_1915, %broadcast_in_dim3A_1918, %broadcast_in_dim3A_1919 : vector<16xi1>, vector<16xf32>
      %swap3A_1921 = arith.index_cast %add3A_1909 : i32 to index
      %swap3A_1922 = tpu.vector_load %arg25[%swap3A_1921] {strides = array<i32>} : memref<12768xf32, #tpu.memory_space<vmem>>, vector<16xf32>,
      %swap3A_1923 = vector.shape_cast %swap3A_1922 : vector<16xf32> to vector<16xf32>
      %swap3A_1924 = vector.shape_cast %select_n3A_1920 : vector<16xf32> to vector<16xf32>
      tpu.vector_store %arg25[%swap3A_1921], %swap3A_1924 {strides = array<i32>} : memref<12768xf32, #tpu.memory_space<vmem>>, vector<16xf32>,
      %sub3A_1925 = arith.constant 50 : i32
      %sub3A_1926 = arith.subi %add3A_1778, %sub3A_1925 : i32
      %mul3A_1927 = arith.constant 128 : i32
      %mul3A_1928 = arith.muli %sub3A_1926, %mul3A_1927 : i32
      %add3A_1929 = arith.constant 6400 : i32
      %add3A_1930 = arith.addi %add3A_1929, %mul3A_1928 : i32
      %add3A_1931 = arith.constant 80 : i32
      %add3A_1932 = arith.addi %add3A_1930, %add3A_1931 : i32
      %get3A_1933 = arith.index_cast %add3A_1932 : i32 to index
      %get3A_1934 = tpu.vector_load %arg18[%get3A_1933] {strides = array<i32>} : memref<12800xi32, #tpu.memory_space<vmem>>, vector<16xi32>,
      %get3A_1935 = vector.shape_cast %get3A_1934 : vector<16xi32> to vector<16xi32>
      %gt3A_1936 = arith.constant 0 : i32
      %gt3A_1937 = vector.broadcast %gt3A_1936 : i32 to vector<16xi32>
      %gt3A_1938 = arith.cmpi sgt, %get3A_1935, %gt3A_1937 : vector<16xi32>
      %jit3A_1939 = arith.constant 1.000000e+00 : f32
      %jit3A_1940 = arith.constant 0.000000e+00 : f32
      %broadcast_in_dim3A_1941 = vector.broadcast %jit3A_1939 : f32 to vector<16xf32>
      %broadcast_in_dim3A_1942 = vector.broadcast %jit3A_1940 : f32 to vector<16xf32>
      %select_n3A_1943 = arith.select %gt3A_1938, %broadcast_in_dim3A_1941, %broadcast_in_dim3A_1942 : vector<16xi1>, vector<16xf32>
      %swap3A_1944 = arith.index_cast %add3A_1932 : i32 to index
      %swap3A_1945 = tpu.vector_load %arg25[%swap3A_1944] {strides = array<i32>} : memref<12768xf32, #tpu.memory_space<vmem>>, vector<16xf32>,
      %swap3A_1946 = vector.shape_cast %swap3A_1945 : vector<16xf32> to vector<16xf32>
      %swap3A_1947 = vector.shape_cast %select_n3A_1943 : vector<16xf32> to vector<16xf32>
      tpu.vector_store %arg25[%swap3A_1944], %swap3A_1947 {strides = array<i32>} : memref<12768xf32, #tpu.memory_space<vmem>>, vector<16xf32>,
      %sub3A_1948 = arith.constant 50 : i32
      %sub3A_1949 = arith.subi %add3A_1778, %sub3A_1948 : i32
      %mul3A_1950 = arith.constant 128 : i32
      %mul3A_1951 = arith.muli %sub3A_1949, %mul3A_1950 : i32
      %add3A_1952 = arith.constant 6400 : i32
      %add3A_1953 = arith.addi %add3A_1952, %mul3A_1951 : i32
      %add3A_1954 = arith.constant 96 : i32
      %add3A_1955 = arith.addi %add3A_1953, %add3A_1954 : i32
      %get3A_1956 = arith.index_cast %add3A_1955 : i32 to index
      %get3A_1957 = tpu.vector_load %arg18[%get3A_1956] {strides = array<i32>} : memref<12800xi32, #tpu.memory_space<vmem>>, vector<16xi32>,
      %get3A_1958 = vector.shape_cast %get3A_1957 : vector<16xi32> to vector<16xi32>
      %gt3A_1959 = arith.constant 0 : i32
      %gt3A_1960 = vector.broadcast %gt3A_1959 : i32 to vector<16xi32>
      %gt3A_1961 = arith.cmpi sgt, %get3A_1958, %gt3A_1960 : vector<16xi32>
      %jit3A_1962 = arith.constant 1.000000e+00 : f32
      %jit3A_1963 = arith.constant 0.000000e+00 : f32
      %broadcast_in_dim3A_1964 = vector.broadcast %jit3A_1962 : f32 to vector<16xf32>
      %broadcast_in_dim3A_1965 = vector.broadcast %jit3A_1963 : f32 to vector<16xf32>
      %select_n3A_1966 = arith.select %gt3A_1961, %broadcast_in_dim3A_1964, %broadcast_in_dim3A_1965 : vector<16xi1>, vector<16xf32>
      %swap3A_1967 = arith.index_cast %add3A_1955 : i32 to index
      %swap3A_1968 = tpu.vector_load %arg25[%swap3A_1967] {strides = array<i32>} : memref<12768xf32, #tpu.memory_space<vmem>>, vector<16xf32>,
      %swap3A_1969 = vector.shape_cast %swap3A_1968 : vector<16xf32> to vector<16xf32>
      %swap3A_1970 = vector.shape_cast %select_n3A_1966 : vector<16xf32> to vector<16xf32>
      tpu.vector_store %arg25[%swap3A_1967], %swap3A_1970 {strides = array<i32>} : memref<12768xf32, #tpu.memory_space<vmem>>, vector<16xf32>,
      %sub3A_1971 = arith.constant 50 : i32
      %sub3A_1972 = arith.subi %add3A_1778, %sub3A_1971 : i32
      %mul3A_1973 = arith.constant 128 : i32
      %mul3A_1974 = arith.muli %sub3A_1972, %mul3A_1973 : i32
      %add3A_1975 = arith.constant 6400 : i32
      %add3A_1976 = arith.addi %add3A_1975, %mul3A_1974 : i32
      %add3A_1977 = arith.constant 112 : i32
      %add3A_1978 = arith.addi %add3A_1976, %add3A_1977 : i32
      %get3A_1979 = arith.index_cast %add3A_1978 : i32 to index
      %get3A_1980 = tpu.vector_load %arg18[%get3A_1979] {strides = array<i32>} : memref<12800xi32, #tpu.memory_space<vmem>>, vector<16xi32>,
      %get3A_1981 = vector.shape_cast %get3A_1980 : vector<16xi32> to vector<16xi32>
      %gt3A_1982 = arith.constant 0 : i32
      %gt3A_1983 = vector.broadcast %gt3A_1982 : i32 to vector<16xi32>
      %gt3A_1984 = arith.cmpi sgt, %get3A_1981, %gt3A_1983 : vector<16xi32>
      %jit3A_1985 = arith.constant 1.000000e+00 : f32
      %jit3A_1986 = arith.constant 0.000000e+00 : f32
      %broadcast_in_dim3A_1987 = vector.broadcast %jit3A_1985 : f32 to vector<16xf32>
      %broadcast_in_dim3A_1988 = vector.broadcast %jit3A_1986 : f32 to vector<16xf32>
      %select_n3A_1989 = arith.select %gt3A_1984, %broadcast_in_dim3A_1987, %broadcast_in_dim3A_1988 : vector<16xi1>, vector<16xf32>
      %swap3A_1990 = arith.index_cast %add3A_1978 : i32 to index
      %swap3A_1991 = tpu.vector_load %arg25[%swap3A_1990] {strides = array<i32>} : memref<12768xf32, #tpu.memory_space<vmem>>, vector<16xf32>,
      %swap3A_1992 = vector.shape_cast %swap3A_1991 : vector<16xf32> to vector<16xf32>
      %swap3A_1993 = vector.shape_cast %select_n3A_1989 : vector<16xf32> to vector<16xf32>
      tpu.vector_store %arg25[%swap3A_1990], %swap3A_1993 {strides = array<i32>} : memref<12768xf32, #tpu.memory_space<vmem>>, vector<16xf32>,
      %dma_start3A_1994 = arith.constant 0 : i32
      %dma_start3A_1995 = arith.constant 0 : i32
      %dma_start3A_1996 = tpu.memref_slice %arg20[%dma_start3A_1994, %dma_start3A_1995] : memref<128x128xf32, #tpu.memory_space<vmem>> -> memref<128x128xf32, #tpu.memory_space<vmem>>
      %dma_start3A_1997 = arith.constant 0 : i32
      %dma_start3A_1998 = tpu.memref_slice %arg14[%add3A_1783, %dma_start3A_1997] : memref<203776x128xf32, #tpu.memory_space<hbm>> -> memref<128x128xf32, #tpu.memory_space<hbm>>
      %dma_start3A_1999 = arith.constant 0 : i32
      %dma_start3A_2000 = tpu.memref_slice %arg14[%add3A_1783, %dma_start3A_1999] : memref<203776x128xf32, #tpu.memory_space<hbm>> -> memref<128x128xf32, #tpu.memory_space<hbm>>
      %dma_start3A_2001 = arith.constant 0 : i32
      %dma_start3A_2002 = arith.constant 0 : i32
      %dma_start3A_2003 = tpu.memref_slice %arg20[%dma_start3A_2001, %dma_start3A_2002] : memref<128x128xf32, #tpu.memory_space<vmem>> -> memref<128x128xf32, #tpu.memory_space<vmem>>
      tpu.enqueue_dma source(%dma_start3A_2003 : memref<128x128xf32, #tpu.memory_space<vmem>>) target(%dma_start3A_2000 : memref<128x128xf32, #tpu.memory_space<hbm>>) target_semaphore(%arg38 : memref<!tpu.dma_semaphore, #tpu.memory_space<semaphore_mem>>)
      %mul3A_2004 = arith.constant 5 : i32
      %mul3A_2005 = arith.muli %scan3A_1546, %mul3A_2004 : i32
      %add3A_2006 = arith.constant 2 : i32
      %add3A_2007 = arith.addi %mul3A_2005, %add3A_2006 : i32
      %sub3A_2008 = arith.constant 50 : i32
      %sub3A_2009 = arith.subi %add3A_2007, %sub3A_2008 : i32
      %mul3A_2010 = arith.constant 128 : i32
      %mul3A_2011 = arith.muli %sub3A_2009, %mul3A_2010 : i32
      %add3A_2012 = arith.addi %mul3A_20, %mul3A_2011 : i32
      %add3A_2013 = arith.constant 3 : i32
      %add3A_2014 = arith.addi %add3A_2007, %add3A_2013 : i32
      %dma_wait3A_2015 = arith.constant 0 : i32
      %dma_wait3A_2016 = arith.constant 0 : i32
      %dma_wait3A_2017 = tpu.memref_slice %arg19[%dma_wait3A_2015, %dma_wait3A_2016] : memref<128x128xf32, #tpu.memory_space<vmem>> -> memref<128x128xf32, #tpu.memory_space<vmem>>
      %dma_wait3A_2018 = arith.constant 0 : i32
      %dma_wait3A_2019 = arith.constant 0 : i32
      %dma_wait3A_2020 = tpu.memref_slice %arg8[%dma_wait3A_2018, %dma_wait3A_2019] : memref<100001x128xf32, #tpu.memory_space<hbm>> -> memref<128x128xf32, #tpu.memory_space<hbm>>
      %dma_wait3A_2021 = arith.constant 0 : i32
      %dma_wait3A_2022 = arith.constant 0 : i32
      %dma_wait3A_2023 = tpu.memref_slice %arg19[%dma_wait3A_2021, %dma_wait3A_2022] : memref<128x128xf32, #tpu.memory_space<vmem>> -> memref<128x128xf32, #tpu.memory_space<vmem>>
      %dma_wait3A_2024 = arith.constant 0 : i32
      %dma_wait3A_2025 = arith.constant 0 : i32
      %dma_wait3A_2026 = tpu.memref_slice %arg8[%dma_wait3A_2024, %dma_wait3A_2025] : memref<100001x128xf32, #tpu.memory_space<hbm>> -> memref<128x128xf32, #tpu.memory_space<hbm>>
      tpu.wait_dma2 semaphore(%arg37 : memref<!tpu.dma_semaphore, #tpu.memory_space<semaphore_mem>>) src(%dma_wait3A_2026 : memref<128x128xf32, #tpu.memory_space<hbm>>) dst(%dma_wait3A_2023 : memref<128x128xf32, #tpu.memory_space<vmem>>)
      %mul3A_2027 = arith.constant 128 : i32
      %mul3A_2028 = arith.muli %add3A_2014, %mul3A_2027 : i32
      %dma_start3A_2029 = tpu.memref_slice %arg18[%mul3A_2028] : memref<12800xi32, #tpu.memory_space<vmem>> -> memref<128xi32, #tpu.memory_space<vmem>>
      %dma_start3A_2030 = arith.constant 0 : i32
      %dma_start3A_2031 = arith.constant 0 : i32
      %dma_start3A_2032 = tpu.memref_slice %arg8[%dma_start3A_2030, %dma_start3A_2031] : memref<100001x128xf32, #tpu.memory_space<hbm>> -> memref<100001x128xf32, #tpu.memory_space<hbm>>
      tpu.enqueue_indirect_dma source(%dma_start3A_2032 : memref<100001x128xf32, #tpu.memory_space<hbm>>) target(%arg19 : memref<128x128xf32, #tpu.memory_space<vmem>>) offsets(%dma_start3A_2029 : memref<128xi32, #tpu.memory_space<vmem>>) semaphore(%arg32 : memref<!tpu.dma_semaphore, #tpu.memory_space<semaphore_mem>>)
      %mul3A_2033 = arith.constant 128 : i32
      %mul3A_2034 = arith.muli %add3A_2007, %mul3A_2033 : i32
      %dma_wait3A_2035 = tpu.memref_slice %arg18[%mul3A_2034] : memref<12800xi32, #tpu.memory_space<vmem>> -> memref<128xi32, #tpu.memory_space<vmem>>
      %dma_wait3A_2036 = arith.constant 0 : i32
      %dma_wait3A_2037 = arith.constant 0 : i32
      %dma_wait3A_2038 = tpu.memref_slice %arg8[%dma_wait3A_2036, %dma_wait3A_2037] : memref<100001x128xf32, #tpu.memory_space<hbm>> -> memref<100001x128xf32, #tpu.memory_space<hbm>>
      tpu.wait_indirect_dma semaphore(%arg34 : memref<!tpu.dma_semaphore, #tpu.memory_space<semaphore_mem>>) src(%dma_wait3A_2038 : memref<100001x128xf32, #tpu.memory_space<hbm>>) dst(%arg21 : memref<128x128xf32, #tpu.memory_space<vmem>>)
      %sub3A_2039 = arith.constant 50 : i32
      %sub3A_2040 = arith.subi %add3A_2007, %sub3A_2039 : i32
      %mul3A_2041 = arith.constant 128 : i32
      %mul3A_2042 = arith.muli %sub3A_2040, %mul3A_2041 : i32
      %add3A_2043 = arith.constant 6400 : i32
      %add3A_2044 = arith.addi %add3A_2043, %mul3A_2042 : i32
      %add3A_2045 = arith.constant 0 : i32
      %add3A_2046 = arith.addi %add3A_2044, %add3A_2045 : i32
      %get3A_2047 = arith.index_cast %add3A_2046 : i32 to index
      %get3A_2048 = tpu.vector_load %arg18[%get3A_2047] {strides = array<i32>} : memref<12800xi32, #tpu.memory_space<vmem>>, vector<16xi32>,
      %get3A_2049 = vector.shape_cast %get3A_2048 : vector<16xi32> to vector<16xi32>
      %gt3A_2050 = arith.constant 0 : i32
      %gt3A_2051 = vector.broadcast %gt3A_2050 : i32 to vector<16xi32>
      %gt3A_2052 = arith.cmpi sgt, %get3A_2049, %gt3A_2051 : vector<16xi32>
      %jit3A_2053 = arith.constant 1.000000e+00 : f32
      %jit3A_2054 = arith.constant 0.000000e+00 : f32
      %broadcast_in_dim3A_2055 = vector.broadcast %jit3A_2053 : f32 to vector<16xf32>
      %broadcast_in_dim3A_2056 = vector.broadcast %jit3A_2054 : f32 to vector<16xf32>
      %select_n3A_2057 = arith.select %gt3A_2052, %broadcast_in_dim3A_2055, %broadcast_in_dim3A_2056 : vector<16xi1>, vector<16xf32>
      %swap3A_2058 = arith.index_cast %add3A_2046 : i32 to index
      %swap3A_2059 = tpu.vector_load %arg25[%swap3A_2058] {strides = array<i32>} : memref<12768xf32, #tpu.memory_space<vmem>>, vector<16xf32>,
      %swap3A_2060 = vector.shape_cast %swap3A_2059 : vector<16xf32> to vector<16xf32>
      %swap3A_2061 = vector.shape_cast %select_n3A_2057 : vector<16xf32> to vector<16xf32>
      tpu.vector_store %arg25[%swap3A_2058], %swap3A_2061 {strides = array<i32>} : memref<12768xf32, #tpu.memory_space<vmem>>, vector<16xf32>,
      %sub3A_2062 = arith.constant 50 : i32
      %sub3A_2063 = arith.subi %add3A_2007, %sub3A_2062 : i32
      %mul3A_2064 = arith.constant 128 : i32
      %mul3A_2065 = arith.muli %sub3A_2063, %mul3A_2064 : i32
      %add3A_2066 = arith.constant 6400 : i32
      %add3A_2067 = arith.addi %add3A_2066, %mul3A_2065 : i32
      %add3A_2068 = arith.constant 16 : i32
      %add3A_2069 = arith.addi %add3A_2067, %add3A_2068 : i32
      %get3A_2070 = arith.index_cast %add3A_2069 : i32 to index
      %get3A_2071 = tpu.vector_load %arg18[%get3A_2070] {strides = array<i32>} : memref<12800xi32, #tpu.memory_space<vmem>>, vector<16xi32>,
      %get3A_2072 = vector.shape_cast %get3A_2071 : vector<16xi32> to vector<16xi32>
      %gt3A_2073 = arith.constant 0 : i32
      %gt3A_2074 = vector.broadcast %gt3A_2073 : i32 to vector<16xi32>
      %gt3A_2075 = arith.cmpi sgt, %get3A_2072, %gt3A_2074 : vector<16xi32>
      %jit3A_2076 = arith.constant 1.000000e+00 : f32
      %jit3A_2077 = arith.constant 0.000000e+00 : f32
      %broadcast_in_dim3A_2078 = vector.broadcast %jit3A_2076 : f32 to vector<16xf32>
      %broadcast_in_dim3A_2079 = vector.broadcast %jit3A_2077 : f32 to vector<16xf32>
      %select_n3A_2080 = arith.select %gt3A_2075, %broadcast_in_dim3A_2078, %broadcast_in_dim3A_2079 : vector<16xi1>, vector<16xf32>
      %swap3A_2081 = arith.index_cast %add3A_2069 : i32 to index
      %swap3A_2082 = tpu.vector_load %arg25[%swap3A_2081] {strides = array<i32>} : memref<12768xf32, #tpu.memory_space<vmem>>, vector<16xf32>,
      %swap3A_2083 = vector.shape_cast %swap3A_2082 : vector<16xf32> to vector<16xf32>
      %swap3A_2084 = vector.shape_cast %select_n3A_2080 : vector<16xf32> to vector<16xf32>
      tpu.vector_store %arg25[%swap3A_2081], %swap3A_2084 {strides = array<i32>} : memref<12768xf32, #tpu.memory_space<vmem>>, vector<16xf32>,
      %sub3A_2085 = arith.constant 50 : i32
      %sub3A_2086 = arith.subi %add3A_2007, %sub3A_2085 : i32
      %mul3A_2087 = arith.constant 128 : i32
      %mul3A_2088 = arith.muli %sub3A_2086, %mul3A_2087 : i32
      %add3A_2089 = arith.constant 6400 : i32
      %add3A_2090 = arith.addi %add3A_2089, %mul3A_2088 : i32
      %add3A_2091 = arith.constant 32 : i32
      %add3A_2092 = arith.addi %add3A_2090, %add3A_2091 : i32
      %get3A_2093 = arith.index_cast %add3A_2092 : i32 to index
      %get3A_2094 = tpu.vector_load %arg18[%get3A_2093] {strides = array<i32>} : memref<12800xi32, #tpu.memory_space<vmem>>, vector<16xi32>,
      %get3A_2095 = vector.shape_cast %get3A_2094 : vector<16xi32> to vector<16xi32>
      %gt3A_2096 = arith.constant 0 : i32
      %gt3A_2097 = vector.broadcast %gt3A_2096 : i32 to vector<16xi32>
      %gt3A_2098 = arith.cmpi sgt, %get3A_2095, %gt3A_2097 : vector<16xi32>
      %jit3A_2099 = arith.constant 1.000000e+00 : f32
      %jit3A_2100 = arith.constant 0.000000e+00 : f32
      %broadcast_in_dim3A_2101 = vector.broadcast %jit3A_2099 : f32 to vector<16xf32>
      %broadcast_in_dim3A_2102 = vector.broadcast %jit3A_2100 : f32 to vector<16xf32>
      %select_n3A_2103 = arith.select %gt3A_2098, %broadcast_in_dim3A_2101, %broadcast_in_dim3A_2102 : vector<16xi1>, vector<16xf32>
      %swap3A_2104 = arith.index_cast %add3A_2092 : i32 to index
      %swap3A_2105 = tpu.vector_load %arg25[%swap3A_2104] {strides = array<i32>} : memref<12768xf32, #tpu.memory_space<vmem>>, vector<16xf32>,
      %swap3A_2106 = vector.shape_cast %swap3A_2105 : vector<16xf32> to vector<16xf32>
      %swap3A_2107 = vector.shape_cast %select_n3A_2103 : vector<16xf32> to vector<16xf32>
      tpu.vector_store %arg25[%swap3A_2104], %swap3A_2107 {strides = array<i32>} : memref<12768xf32, #tpu.memory_space<vmem>>, vector<16xf32>,
      %sub3A_2108 = arith.constant 50 : i32
      %sub3A_2109 = arith.subi %add3A_2007, %sub3A_2108 : i32
      %mul3A_2110 = arith.constant 128 : i32
      %mul3A_2111 = arith.muli %sub3A_2109, %mul3A_2110 : i32
      %add3A_2112 = arith.constant 6400 : i32
      %add3A_2113 = arith.addi %add3A_2112, %mul3A_2111 : i32
      %add3A_2114 = arith.constant 48 : i32
      %add3A_2115 = arith.addi %add3A_2113, %add3A_2114 : i32
      %get3A_2116 = arith.index_cast %add3A_2115 : i32 to index
      %get3A_2117 = tpu.vector_load %arg18[%get3A_2116] {strides = array<i32>} : memref<12800xi32, #tpu.memory_space<vmem>>, vector<16xi32>,
      %get3A_2118 = vector.shape_cast %get3A_2117 : vector<16xi32> to vector<16xi32>
      %gt3A_2119 = arith.constant 0 : i32
      %gt3A_2120 = vector.broadcast %gt3A_2119 : i32 to vector<16xi32>
      %gt3A_2121 = arith.cmpi sgt, %get3A_2118, %gt3A_2120 : vector<16xi32>
      %jit3A_2122 = arith.constant 1.000000e+00 : f32
      %jit3A_2123 = arith.constant 0.000000e+00 : f32
      %broadcast_in_dim3A_2124 = vector.broadcast %jit3A_2122 : f32 to vector<16xf32>
      %broadcast_in_dim3A_2125 = vector.broadcast %jit3A_2123 : f32 to vector<16xf32>
      %select_n3A_2126 = arith.select %gt3A_2121, %broadcast_in_dim3A_2124, %broadcast_in_dim3A_2125 : vector<16xi1>, vector<16xf32>
      %swap3A_2127 = arith.index_cast %add3A_2115 : i32 to index
      %swap3A_2128 = tpu.vector_load %arg25[%swap3A_2127] {strides = array<i32>} : memref<12768xf32, #tpu.memory_space<vmem>>, vector<16xf32>,
      %swap3A_2129 = vector.shape_cast %swap3A_2128 : vector<16xf32> to vector<16xf32>
      %swap3A_2130 = vector.shape_cast %select_n3A_2126 : vector<16xf32> to vector<16xf32>
      tpu.vector_store %arg25[%swap3A_2127], %swap3A_2130 {strides = array<i32>} : memref<12768xf32, #tpu.memory_space<vmem>>, vector<16xf32>,
      %sub3A_2131 = arith.constant 50 : i32
      %sub3A_2132 = arith.subi %add3A_2007, %sub3A_2131 : i32
      %mul3A_2133 = arith.constant 128 : i32
      %mul3A_2134 = arith.muli %sub3A_2132, %mul3A_2133 : i32
      %add3A_2135 = arith.constant 6400 : i32
      %add3A_2136 = arith.addi %add3A_2135, %mul3A_2134 : i32
      %add3A_2137 = arith.constant 64 : i32
      %add3A_2138 = arith.addi %add3A_2136, %add3A_2137 : i32
      %get3A_2139 = arith.index_cast %add3A_2138 : i32 to index
      %get3A_2140 = tpu.vector_load %arg18[%get3A_2139] {strides = array<i32>} : memref<12800xi32, #tpu.memory_space<vmem>>, vector<16xi32>,
      %get3A_2141 = vector.shape_cast %get3A_2140 : vector<16xi32> to vector<16xi32>
      %gt3A_2142 = arith.constant 0 : i32
      %gt3A_2143 = vector.broadcast %gt3A_2142 : i32 to vector<16xi32>
      %gt3A_2144 = arith.cmpi sgt, %get3A_2141, %gt3A_2143 : vector<16xi32>
      %jit3A_2145 = arith.constant 1.000000e+00 : f32
      %jit3A_2146 = arith.constant 0.000000e+00 : f32
      %broadcast_in_dim3A_2147 = vector.broadcast %jit3A_2145 : f32 to vector<16xf32>
      %broadcast_in_dim3A_2148 = vector.broadcast %jit3A_2146 : f32 to vector<16xf32>
      %select_n3A_2149 = arith.select %gt3A_2144, %broadcast_in_dim3A_2147, %broadcast_in_dim3A_2148 : vector<16xi1>, vector<16xf32>
      %swap3A_2150 = arith.index_cast %add3A_2138 : i32 to index
      %swap3A_2151 = tpu.vector_load %arg25[%swap3A_2150] {strides = array<i32>} : memref<12768xf32, #tpu.memory_space<vmem>>, vector<16xf32>,
      %swap3A_2152 = vector.shape_cast %swap3A_2151 : vector<16xf32> to vector<16xf32>
      %swap3A_2153 = vector.shape_cast %select_n3A_2149 : vector<16xf32> to vector<16xf32>
      tpu.vector_store %arg25[%swap3A_2150], %swap3A_2153 {strides = array<i32>} : memref<12768xf32, #tpu.memory_space<vmem>>, vector<16xf32>,
      %sub3A_2154 = arith.constant 50 : i32
      %sub3A_2155 = arith.subi %add3A_2007, %sub3A_2154 : i32
      %mul3A_2156 = arith.constant 128 : i32
      %mul3A_2157 = arith.muli %sub3A_2155, %mul3A_2156 : i32
      %add3A_2158 = arith.constant 6400 : i32
      %add3A_2159 = arith.addi %add3A_2158, %mul3A_2157 : i32
      %add3A_2160 = arith.constant 80 : i32
      %add3A_2161 = arith.addi %add3A_2159, %add3A_2160 : i32
      %get3A_2162 = arith.index_cast %add3A_2161 : i32 to index
      %get3A_2163 = tpu.vector_load %arg18[%get3A_2162] {strides = array<i32>} : memref<12800xi32, #tpu.memory_space<vmem>>, vector<16xi32>,
      %get3A_2164 = vector.shape_cast %get3A_2163 : vector<16xi32> to vector<16xi32>
      %gt3A_2165 = arith.constant 0 : i32
      %gt3A_2166 = vector.broadcast %gt3A_2165 : i32 to vector<16xi32>
      %gt3A_2167 = arith.cmpi sgt, %get3A_2164, %gt3A_2166 : vector<16xi32>
      %jit3A_2168 = arith.constant 1.000000e+00 : f32
      %jit3A_2169 = arith.constant 0.000000e+00 : f32
      %broadcast_in_dim3A_2170 = vector.broadcast %jit3A_2168 : f32 to vector<16xf32>
      %broadcast_in_dim3A_2171 = vector.broadcast %jit3A_2169 : f32 to vector<16xf32>
      %select_n3A_2172 = arith.select %gt3A_2167, %broadcast_in_dim3A_2170, %broadcast_in_dim3A_2171 : vector<16xi1>, vector<16xf32>
      %swap3A_2173 = arith.index_cast %add3A_2161 : i32 to index
      %swap3A_2174 = tpu.vector_load %arg25[%swap3A_2173] {strides = array<i32>} : memref<12768xf32, #tpu.memory_space<vmem>>, vector<16xf32>,
      %swap3A_2175 = vector.shape_cast %swap3A_2174 : vector<16xf32> to vector<16xf32>
      %swap3A_2176 = vector.shape_cast %select_n3A_2172 : vector<16xf32> to vector<16xf32>
      tpu.vector_store %arg25[%swap3A_2173], %swap3A_2176 {strides = array<i32>} : memref<12768xf32, #tpu.memory_space<vmem>>, vector<16xf32>,
      %sub3A_2177 = arith.constant 50 : i32
      %sub3A_2178 = arith.subi %add3A_2007, %sub3A_2177 : i32
      %mul3A_2179 = arith.constant 128 : i32
      %mul3A_2180 = arith.muli %sub3A_2178, %mul3A_2179 : i32
      %add3A_2181 = arith.constant 6400 : i32
      %add3A_2182 = arith.addi %add3A_2181, %mul3A_2180 : i32
      %add3A_2183 = arith.constant 96 : i32
      %add3A_2184 = arith.addi %add3A_2182, %add3A_2183 : i32
      %get3A_2185 = arith.index_cast %add3A_2184 : i32 to index
      %get3A_2186 = tpu.vector_load %arg18[%get3A_2185] {strides = array<i32>} : memref<12800xi32, #tpu.memory_space<vmem>>, vector<16xi32>,
      %get3A_2187 = vector.shape_cast %get3A_2186 : vector<16xi32> to vector<16xi32>
      %gt3A_2188 = arith.constant 0 : i32
      %gt3A_2189 = vector.broadcast %gt3A_2188 : i32 to vector<16xi32>
      %gt3A_2190 = arith.cmpi sgt, %get3A_2187, %gt3A_2189 : vector<16xi32>
      %jit3A_2191 = arith.constant 1.000000e+00 : f32
      %jit3A_2192 = arith.constant 0.000000e+00 : f32
      %broadcast_in_dim3A_2193 = vector.broadcast %jit3A_2191 : f32 to vector<16xf32>
      %broadcast_in_dim3A_2194 = vector.broadcast %jit3A_2192 : f32 to vector<16xf32>
      %select_n3A_2195 = arith.select %gt3A_2190, %broadcast_in_dim3A_2193, %broadcast_in_dim3A_2194 : vector<16xi1>, vector<16xf32>
      %swap3A_2196 = arith.index_cast %add3A_2184 : i32 to index
      %swap3A_2197 = tpu.vector_load %arg25[%swap3A_2196] {strides = array<i32>} : memref<12768xf32, #tpu.memory_space<vmem>>, vector<16xf32>,
      %swap3A_2198 = vector.shape_cast %swap3A_2197 : vector<16xf32> to vector<16xf32>
      %swap3A_2199 = vector.shape_cast %select_n3A_2195 : vector<16xf32> to vector<16xf32>
      tpu.vector_store %arg25[%swap3A_2196], %swap3A_2199 {strides = array<i32>} : memref<12768xf32, #tpu.memory_space<vmem>>, vector<16xf32>,
      %sub3A_2200 = arith.constant 50 : i32
      %sub3A_2201 = arith.subi %add3A_2007, %sub3A_2200 : i32
      %mul3A_2202 = arith.constant 128 : i32
      %mul3A_2203 = arith.muli %sub3A_2201, %mul3A_2202 : i32
      %add3A_2204 = arith.constant 6400 : i32
      %add3A_2205 = arith.addi %add3A_2204, %mul3A_2203 : i32
      %add3A_2206 = arith.constant 112 : i32
      %add3A_2207 = arith.addi %add3A_2205, %add3A_2206 : i32
      %get3A_2208 = arith.index_cast %add3A_2207 : i32 to index
      %get3A_2209 = tpu.vector_load %arg18[%get3A_2208] {strides = array<i32>} : memref<12800xi32, #tpu.memory_space<vmem>>, vector<16xi32>,
      %get3A_2210 = vector.shape_cast %get3A_2209 : vector<16xi32> to vector<16xi32>
      %gt3A_2211 = arith.constant 0 : i32
      %gt3A_2212 = vector.broadcast %gt3A_2211 : i32 to vector<16xi32>
      %gt3A_2213 = arith.cmpi sgt, %get3A_2210, %gt3A_2212 : vector<16xi32>
      %jit3A_2214 = arith.constant 1.000000e+00 : f32
      %jit3A_2215 = arith.constant 0.000000e+00 : f32
      %broadcast_in_dim3A_2216 = vector.broadcast %jit3A_2214 : f32 to vector<16xf32>
      %broadcast_in_dim3A_2217 = vector.broadcast %jit3A_2215 : f32 to vector<16xf32>
      %select_n3A_2218 = arith.select %gt3A_2213, %broadcast_in_dim3A_2216, %broadcast_in_dim3A_2217 : vector<16xi1>, vector<16xf32>
      %swap3A_2219 = arith.index_cast %add3A_2207 : i32 to index
      %swap3A_2220 = tpu.vector_load %arg25[%swap3A_2219] {strides = array<i32>} : memref<12768xf32, #tpu.memory_space<vmem>>, vector<16xf32>,
      %swap3A_2221 = vector.shape_cast %swap3A_2220 : vector<16xf32> to vector<16xf32>
      %swap3A_2222 = vector.shape_cast %select_n3A_2218 : vector<16xf32> to vector<16xf32>
      tpu.vector_store %arg25[%swap3A_2219], %swap3A_2222 {strides = array<i32>} : memref<12768xf32, #tpu.memory_space<vmem>>, vector<16xf32>,
      %dma_start3A_2223 = arith.constant 0 : i32
      %dma_start3A_2224 = arith.constant 0 : i32
      %dma_start3A_2225 = tpu.memref_slice %arg21[%dma_start3A_2223, %dma_start3A_2224] : memref<128x128xf32, #tpu.memory_space<vmem>> -> memref<128x128xf32, #tpu.memory_space<vmem>>
      %dma_start3A_2226 = arith.constant 0 : i32
      %dma_start3A_2227 = tpu.memref_slice %arg14[%add3A_2012, %dma_start3A_2226] : memref<203776x128xf32, #tpu.memory_space<hbm>> -> memref<128x128xf32, #tpu.memory_space<hbm>>
      %dma_start3A_2228 = arith.constant 0 : i32
      %dma_start3A_2229 = tpu.memref_slice %arg14[%add3A_2012, %dma_start3A_2228] : memref<203776x128xf32, #tpu.memory_space<hbm>> -> memref<128x128xf32, #tpu.memory_space<hbm>>
      %dma_start3A_2230 = arith.constant 0 : i32
      %dma_start3A_2231 = arith.constant 0 : i32
      %dma_start3A_2232 = tpu.memref_slice %arg21[%dma_start3A_2230, %dma_start3A_2231] : memref<128x128xf32, #tpu.memory_space<vmem>> -> memref<128x128xf32, #tpu.memory_space<vmem>>
      tpu.enqueue_dma source(%dma_start3A_2232 : memref<128x128xf32, #tpu.memory_space<vmem>>) target(%dma_start3A_2229 : memref<128x128xf32, #tpu.memory_space<hbm>>) target_semaphore(%arg39 : memref<!tpu.dma_semaphore, #tpu.memory_space<semaphore_mem>>)
      %mul3A_2233 = arith.constant 5 : i32
      %mul3A_2234 = arith.muli %scan3A_1546, %mul3A_2233 : i32
      %add3A_2235 = arith.constant 3 : i32
      %add3A_2236 = arith.addi %mul3A_2234, %add3A_2235 : i32
      %sub3A_2237 = arith.constant 50 : i32
      %sub3A_2238 = arith.subi %add3A_2236, %sub3A_2237 : i32
      %mul3A_2239 = arith.constant 128 : i32
      %mul3A_2240 = arith.muli %sub3A_2238, %mul3A_2239 : i32
      %add3A_2241 = arith.addi %mul3A_20, %mul3A_2240 : i32
      %add3A_2242 = arith.constant 3 : i32
      %add3A_2243 = arith.addi %add3A_2236, %add3A_2242 : i32
      %dma_wait3A_2244 = arith.constant 0 : i32
      %dma_wait3A_2245 = arith.constant 0 : i32
      %dma_wait3A_2246 = tpu.memref_slice %arg20[%dma_wait3A_2244, %dma_wait3A_2245] : memref<128x128xf32, #tpu.memory_space<vmem>> -> memref<128x128xf32, #tpu.memory_space<vmem>>
      %dma_wait3A_2247 = arith.constant 0 : i32
      %dma_wait3A_2248 = arith.constant 0 : i32
      %dma_wait3A_2249 = tpu.memref_slice %arg8[%dma_wait3A_2247, %dma_wait3A_2248] : memref<100001x128xf32, #tpu.memory_space<hbm>> -> memref<128x128xf32, #tpu.memory_space<hbm>>
      %dma_wait3A_2250 = arith.constant 0 : i32
      %dma_wait3A_2251 = arith.constant 0 : i32
      %dma_wait3A_2252 = tpu.memref_slice %arg20[%dma_wait3A_2250, %dma_wait3A_2251] : memref<128x128xf32, #tpu.memory_space<vmem>> -> memref<128x128xf32, #tpu.memory_space<vmem>>
      %dma_wait3A_2253 = arith.constant 0 : i32
      %dma_wait3A_2254 = arith.constant 0 : i32
      %dma_wait3A_2255 = tpu.memref_slice %arg8[%dma_wait3A_2253, %dma_wait3A_2254] : memref<100001x128xf32, #tpu.memory_space<hbm>> -> memref<128x128xf32, #tpu.memory_space<hbm>>
      tpu.wait_dma2 semaphore(%arg38 : memref<!tpu.dma_semaphore, #tpu.memory_space<semaphore_mem>>) src(%dma_wait3A_2255 : memref<128x128xf32, #tpu.memory_space<hbm>>) dst(%dma_wait3A_2252 : memref<128x128xf32, #tpu.memory_space<vmem>>)
      %mul3A_2256 = arith.constant 128 : i32
      %mul3A_2257 = arith.muli %add3A_2243, %mul3A_2256 : i32
      %dma_start3A_2258 = tpu.memref_slice %arg18[%mul3A_2257] : memref<12800xi32, #tpu.memory_space<vmem>> -> memref<128xi32, #tpu.memory_space<vmem>>
      %dma_start3A_2259 = arith.constant 0 : i32
      %dma_start3A_2260 = arith.constant 0 : i32
      %dma_start3A_2261 = tpu.memref_slice %arg8[%dma_start3A_2259, %dma_start3A_2260] : memref<100001x128xf32, #tpu.memory_space<hbm>> -> memref<100001x128xf32, #tpu.memory_space<hbm>>
      tpu.enqueue_indirect_dma source(%dma_start3A_2261 : memref<100001x128xf32, #tpu.memory_space<hbm>>) target(%arg20 : memref<128x128xf32, #tpu.memory_space<vmem>>) offsets(%dma_start3A_2258 : memref<128xi32, #tpu.memory_space<vmem>>) semaphore(%arg33 : memref<!tpu.dma_semaphore, #tpu.memory_space<semaphore_mem>>)
      %mul3A_2262 = arith.constant 128 : i32
      %mul3A_2263 = arith.muli %add3A_2236, %mul3A_2262 : i32
      %dma_wait3A_2264 = tpu.memref_slice %arg18[%mul3A_2263] : memref<12800xi32, #tpu.memory_space<vmem>> -> memref<128xi32, #tpu.memory_space<vmem>>
      %dma_wait3A_2265 = arith.constant 0 : i32
      %dma_wait3A_2266 = arith.constant 0 : i32
      %dma_wait3A_2267 = tpu.memref_slice %arg8[%dma_wait3A_2265, %dma_wait3A_2266] : memref<100001x128xf32, #tpu.memory_space<hbm>> -> memref<100001x128xf32, #tpu.memory_space<hbm>>
      tpu.wait_indirect_dma semaphore(%arg35 : memref<!tpu.dma_semaphore, #tpu.memory_space<semaphore_mem>>) src(%dma_wait3A_2267 : memref<100001x128xf32, #tpu.memory_space<hbm>>) dst(%arg22 : memref<128x128xf32, #tpu.memory_space<vmem>>)
      %sub3A_2268 = arith.constant 50 : i32
      %sub3A_2269 = arith.subi %add3A_2236, %sub3A_2268 : i32
      %mul3A_2270 = arith.constant 128 : i32
      %mul3A_2271 = arith.muli %sub3A_2269, %mul3A_2270 : i32
      %add3A_2272 = arith.constant 6400 : i32
      %add3A_2273 = arith.addi %add3A_2272, %mul3A_2271 : i32
      %add3A_2274 = arith.constant 0 : i32
      %add3A_2275 = arith.addi %add3A_2273, %add3A_2274 : i32
      %get3A_2276 = arith.index_cast %add3A_2275 : i32 to index
      %get3A_2277 = tpu.vector_load %arg18[%get3A_2276] {strides = array<i32>} : memref<12800xi32, #tpu.memory_space<vmem>>, vector<16xi32>,
      %get3A_2278 = vector.shape_cast %get3A_2277 : vector<16xi32> to vector<16xi32>
      %gt3A_2279 = arith.constant 0 : i32
      %gt3A_2280 = vector.broadcast %gt3A_2279 : i32 to vector<16xi32>
      %gt3A_2281 = arith.cmpi sgt, %get3A_2278, %gt3A_2280 : vector<16xi32>
      %jit3A_2282 = arith.constant 1.000000e+00 : f32
      %jit3A_2283 = arith.constant 0.000000e+00 : f32
      %broadcast_in_dim3A_2284 = vector.broadcast %jit3A_2282 : f32 to vector<16xf32>
      %broadcast_in_dim3A_2285 = vector.broadcast %jit3A_2283 : f32 to vector<16xf32>
      %select_n3A_2286 = arith.select %gt3A_2281, %broadcast_in_dim3A_2284, %broadcast_in_dim3A_2285 : vector<16xi1>, vector<16xf32>
      %swap3A_2287 = arith.index_cast %add3A_2275 : i32 to index
      %swap3A_2288 = tpu.vector_load %arg25[%swap3A_2287] {strides = array<i32>} : memref<12768xf32, #tpu.memory_space<vmem>>, vector<16xf32>,
      %swap3A_2289 = vector.shape_cast %swap3A_2288 : vector<16xf32> to vector<16xf32>
      %swap3A_2290 = vector.shape_cast %select_n3A_2286 : vector<16xf32> to vector<16xf32>
      tpu.vector_store %arg25[%swap3A_2287], %swap3A_2290 {strides = array<i32>} : memref<12768xf32, #tpu.memory_space<vmem>>, vector<16xf32>,
      %sub3A_2291 = arith.constant 50 : i32
      %sub3A_2292 = arith.subi %add3A_2236, %sub3A_2291 : i32
      %mul3A_2293 = arith.constant 128 : i32
      %mul3A_2294 = arith.muli %sub3A_2292, %mul3A_2293 : i32
      %add3A_2295 = arith.constant 6400 : i32
      %add3A_2296 = arith.addi %add3A_2295, %mul3A_2294 : i32
      %add3A_2297 = arith.constant 16 : i32
      %add3A_2298 = arith.addi %add3A_2296, %add3A_2297 : i32
      %get3A_2299 = arith.index_cast %add3A_2298 : i32 to index
      %get3A_2300 = tpu.vector_load %arg18[%get3A_2299] {strides = array<i32>} : memref<12800xi32, #tpu.memory_space<vmem>>, vector<16xi32>,
      %get3A_2301 = vector.shape_cast %get3A_2300 : vector<16xi32> to vector<16xi32>
      %gt3A_2302 = arith.constant 0 : i32
      %gt3A_2303 = vector.broadcast %gt3A_2302 : i32 to vector<16xi32>
      %gt3A_2304 = arith.cmpi sgt, %get3A_2301, %gt3A_2303 : vector<16xi32>
      %jit3A_2305 = arith.constant 1.000000e+00 : f32
      %jit3A_2306 = arith.constant 0.000000e+00 : f32
      %broadcast_in_dim3A_2307 = vector.broadcast %jit3A_2305 : f32 to vector<16xf32>
      %broadcast_in_dim3A_2308 = vector.broadcast %jit3A_2306 : f32 to vector<16xf32>
      %select_n3A_2309 = arith.select %gt3A_2304, %broadcast_in_dim3A_2307, %broadcast_in_dim3A_2308 : vector<16xi1>, vector<16xf32>
      %swap3A_2310 = arith.index_cast %add3A_2298 : i32 to index
      %swap3A_2311 = tpu.vector_load %arg25[%swap3A_2310] {strides = array<i32>} : memref<12768xf32, #tpu.memory_space<vmem>>, vector<16xf32>,
      %swap3A_2312 = vector.shape_cast %swap3A_2311 : vector<16xf32> to vector<16xf32>
      %swap3A_2313 = vector.shape_cast %select_n3A_2309 : vector<16xf32> to vector<16xf32>
      tpu.vector_store %arg25[%swap3A_2310], %swap3A_2313 {strides = array<i32>} : memref<12768xf32, #tpu.memory_space<vmem>>, vector<16xf32>,
      %sub3A_2314 = arith.constant 50 : i32
      %sub3A_2315 = arith.subi %add3A_2236, %sub3A_2314 : i32
      %mul3A_2316 = arith.constant 128 : i32
      %mul3A_2317 = arith.muli %sub3A_2315, %mul3A_2316 : i32
      %add3A_2318 = arith.constant 6400 : i32
      %add3A_2319 = arith.addi %add3A_2318, %mul3A_2317 : i32
      %add3A_2320 = arith.constant 32 : i32
      %add3A_2321 = arith.addi %add3A_2319, %add3A_2320 : i32
      %get3A_2322 = arith.index_cast %add3A_2321 : i32 to index
      %get3A_2323 = tpu.vector_load %arg18[%get3A_2322] {strides = array<i32>} : memref<12800xi32, #tpu.memory_space<vmem>>, vector<16xi32>,
      %get3A_2324 = vector.shape_cast %get3A_2323 : vector<16xi32> to vector<16xi32>
      %gt3A_2325 = arith.constant 0 : i32
      %gt3A_2326 = vector.broadcast %gt3A_2325 : i32 to vector<16xi32>
      %gt3A_2327 = arith.cmpi sgt, %get3A_2324, %gt3A_2326 : vector<16xi32>
      %jit3A_2328 = arith.constant 1.000000e+00 : f32
      %jit3A_2329 = arith.constant 0.000000e+00 : f32
      %broadcast_in_dim3A_2330 = vector.broadcast %jit3A_2328 : f32 to vector<16xf32>
      %broadcast_in_dim3A_2331 = vector.broadcast %jit3A_2329 : f32 to vector<16xf32>
      %select_n3A_2332 = arith.select %gt3A_2327, %broadcast_in_dim3A_2330, %broadcast_in_dim3A_2331 : vector<16xi1>, vector<16xf32>
      %swap3A_2333 = arith.index_cast %add3A_2321 : i32 to index
      %swap3A_2334 = tpu.vector_load %arg25[%swap3A_2333] {strides = array<i32>} : memref<12768xf32, #tpu.memory_space<vmem>>, vector<16xf32>,
      %swap3A_2335 = vector.shape_cast %swap3A_2334 : vector<16xf32> to vector<16xf32>
      %swap3A_2336 = vector.shape_cast %select_n3A_2332 : vector<16xf32> to vector<16xf32>
      tpu.vector_store %arg25[%swap3A_2333], %swap3A_2336 {strides = array<i32>} : memref<12768xf32, #tpu.memory_space<vmem>>, vector<16xf32>,
      %sub3A_2337 = arith.constant 50 : i32
      %sub3A_2338 = arith.subi %add3A_2236, %sub3A_2337 : i32
      %mul3A_2339 = arith.constant 128 : i32
      %mul3A_2340 = arith.muli %sub3A_2338, %mul3A_2339 : i32
      %add3A_2341 = arith.constant 6400 : i32
      %add3A_2342 = arith.addi %add3A_2341, %mul3A_2340 : i32
      %add3A_2343 = arith.constant 48 : i32
      %add3A_2344 = arith.addi %add3A_2342, %add3A_2343 : i32
      %get3A_2345 = arith.index_cast %add3A_2344 : i32 to index
      %get3A_2346 = tpu.vector_load %arg18[%get3A_2345] {strides = array<i32>} : memref<12800xi32, #tpu.memory_space<vmem>>, vector<16xi32>,
      %get3A_2347 = vector.shape_cast %get3A_2346 : vector<16xi32> to vector<16xi32>
      %gt3A_2348 = arith.constant 0 : i32
      %gt3A_2349 = vector.broadcast %gt3A_2348 : i32 to vector<16xi32>
      %gt3A_2350 = arith.cmpi sgt, %get3A_2347, %gt3A_2349 : vector<16xi32>
      %jit3A_2351 = arith.constant 1.000000e+00 : f32
      %jit3A_2352 = arith.constant 0.000000e+00 : f32
      %broadcast_in_dim3A_2353 = vector.broadcast %jit3A_2351 : f32 to vector<16xf32>
      %broadcast_in_dim3A_2354 = vector.broadcast %jit3A_2352 : f32 to vector<16xf32>
      %select_n3A_2355 = arith.select %gt3A_2350, %broadcast_in_dim3A_2353, %broadcast_in_dim3A_2354 : vector<16xi1>, vector<16xf32>
      %swap3A_2356 = arith.index_cast %add3A_2344 : i32 to index
      %swap3A_2357 = tpu.vector_load %arg25[%swap3A_2356] {strides = array<i32>} : memref<12768xf32, #tpu.memory_space<vmem>>, vector<16xf32>,
      %swap3A_2358 = vector.shape_cast %swap3A_2357 : vector<16xf32> to vector<16xf32>
      %swap3A_2359 = vector.shape_cast %select_n3A_2355 : vector<16xf32> to vector<16xf32>
      tpu.vector_store %arg25[%swap3A_2356], %swap3A_2359 {strides = array<i32>} : memref<12768xf32, #tpu.memory_space<vmem>>, vector<16xf32>,
      %sub3A_2360 = arith.constant 50 : i32
      %sub3A_2361 = arith.subi %add3A_2236, %sub3A_2360 : i32
      %mul3A_2362 = arith.constant 128 : i32
      %mul3A_2363 = arith.muli %sub3A_2361, %mul3A_2362 : i32
      %add3A_2364 = arith.constant 6400 : i32
      %add3A_2365 = arith.addi %add3A_2364, %mul3A_2363 : i32
      %add3A_2366 = arith.constant 64 : i32
      %add3A_2367 = arith.addi %add3A_2365, %add3A_2366 : i32
      %get3A_2368 = arith.index_cast %add3A_2367 : i32 to index
      %get3A_2369 = tpu.vector_load %arg18[%get3A_2368] {strides = array<i32>} : memref<12800xi32, #tpu.memory_space<vmem>>, vector<16xi32>,
      %get3A_2370 = vector.shape_cast %get3A_2369 : vector<16xi32> to vector<16xi32>
      %gt3A_2371 = arith.constant 0 : i32
      %gt3A_2372 = vector.broadcast %gt3A_2371 : i32 to vector<16xi32>
      %gt3A_2373 = arith.cmpi sgt, %get3A_2370, %gt3A_2372 : vector<16xi32>
      %jit3A_2374 = arith.constant 1.000000e+00 : f32
      %jit3A_2375 = arith.constant 0.000000e+00 : f32
      %broadcast_in_dim3A_2376 = vector.broadcast %jit3A_2374 : f32 to vector<16xf32>
      %broadcast_in_dim3A_2377 = vector.broadcast %jit3A_2375 : f32 to vector<16xf32>
      %select_n3A_2378 = arith.select %gt3A_2373, %broadcast_in_dim3A_2376, %broadcast_in_dim3A_2377 : vector<16xi1>, vector<16xf32>
      %swap3A_2379 = arith.index_cast %add3A_2367 : i32 to index
      %swap3A_2380 = tpu.vector_load %arg25[%swap3A_2379] {strides = array<i32>} : memref<12768xf32, #tpu.memory_space<vmem>>, vector<16xf32>,
      %swap3A_2381 = vector.shape_cast %swap3A_2380 : vector<16xf32> to vector<16xf32>
      %swap3A_2382 = vector.shape_cast %select_n3A_2378 : vector<16xf32> to vector<16xf32>
      tpu.vector_store %arg25[%swap3A_2379], %swap3A_2382 {strides = array<i32>} : memref<12768xf32, #tpu.memory_space<vmem>>, vector<16xf32>,
      %sub3A_2383 = arith.constant 50 : i32
      %sub3A_2384 = arith.subi %add3A_2236, %sub3A_2383 : i32
      %mul3A_2385 = arith.constant 128 : i32
      %mul3A_2386 = arith.muli %sub3A_2384, %mul3A_2385 : i32
      %add3A_2387 = arith.constant 6400 : i32
      %add3A_2388 = arith.addi %add3A_2387, %mul3A_2386 : i32
      %add3A_2389 = arith.constant 80 : i32
      %add3A_2390 = arith.addi %add3A_2388, %add3A_2389 : i32
      %get3A_2391 = arith.index_cast %add3A_2390 : i32 to index
      %get3A_2392 = tpu.vector_load %arg18[%get3A_2391] {strides = array<i32>} : memref<12800xi32, #tpu.memory_space<vmem>>, vector<16xi32>,
      %get3A_2393 = vector.shape_cast %get3A_2392 : vector<16xi32> to vector<16xi32>
      %gt3A_2394 = arith.constant 0 : i32
      %gt3A_2395 = vector.broadcast %gt3A_2394 : i32 to vector<16xi32>
      %gt3A_2396 = arith.cmpi sgt, %get3A_2393, %gt3A_2395 : vector<16xi32>
      %jit3A_2397 = arith.constant 1.000000e+00 : f32
      %jit3A_2398 = arith.constant 0.000000e+00 : f32
      %broadcast_in_dim3A_2399 = vector.broadcast %jit3A_2397 : f32 to vector<16xf32>
      %broadcast_in_dim3A_2400 = vector.broadcast %jit3A_2398 : f32 to vector<16xf32>
      %select_n3A_2401 = arith.select %gt3A_2396, %broadcast_in_dim3A_2399, %broadcast_in_dim3A_2400 : vector<16xi1>, vector<16xf32>
      %swap3A_2402 = arith.index_cast %add3A_2390 : i32 to index
      %swap3A_2403 = tpu.vector_load %arg25[%swap3A_2402] {strides = array<i32>} : memref<12768xf32, #tpu.memory_space<vmem>>, vector<16xf32>,
      %swap3A_2404 = vector.shape_cast %swap3A_2403 : vector<16xf32> to vector<16xf32>
      %swap3A_2405 = vector.shape_cast %select_n3A_2401 : vector<16xf32> to vector<16xf32>
      tpu.vector_store %arg25[%swap3A_2402], %swap3A_2405 {strides = array<i32>} : memref<12768xf32, #tpu.memory_space<vmem>>, vector<16xf32>,
      %sub3A_2406 = arith.constant 50 : i32
      %sub3A_2407 = arith.subi %add3A_2236, %sub3A_2406 : i32
      %mul3A_2408 = arith.constant 128 : i32
      %mul3A_2409 = arith.muli %sub3A_2407, %mul3A_2408 : i32
      %add3A_2410 = arith.constant 6400 : i32
      %add3A_2411 = arith.addi %add3A_2410, %mul3A_2409 : i32
      %add3A_2412 = arith.constant 96 : i32
      %add3A_2413 = arith.addi %add3A_2411, %add3A_2412 : i32
      %get3A_2414 = arith.index_cast %add3A_2413 : i32 to index
      %get3A_2415 = tpu.vector_load %arg18[%get3A_2414] {strides = array<i32>} : memref<12800xi32, #tpu.memory_space<vmem>>, vector<16xi32>,
      %get3A_2416 = vector.shape_cast %get3A_2415 : vector<16xi32> to vector<16xi32>
      %gt3A_2417 = arith.constant 0 : i32
      %gt3A_2418 = vector.broadcast %gt3A_2417 : i32 to vector<16xi32>
      %gt3A_2419 = arith.cmpi sgt, %get3A_2416, %gt3A_2418 : vector<16xi32>
      %jit3A_2420 = arith.constant 1.000000e+00 : f32
      %jit3A_2421 = arith.constant 0.000000e+00 : f32
      %broadcast_in_dim3A_2422 = vector.broadcast %jit3A_2420 : f32 to vector<16xf32>
      %broadcast_in_dim3A_2423 = vector.broadcast %jit3A_2421 : f32 to vector<16xf32>
      %select_n3A_2424 = arith.select %gt3A_2419, %broadcast_in_dim3A_2422, %broadcast_in_dim3A_2423 : vector<16xi1>, vector<16xf32>
      %swap3A_2425 = arith.index_cast %add3A_2413 : i32 to index
      %swap3A_2426 = tpu.vector_load %arg25[%swap3A_2425] {strides = array<i32>} : memref<12768xf32, #tpu.memory_space<vmem>>, vector<16xf32>,
      %swap3A_2427 = vector.shape_cast %swap3A_2426 : vector<16xf32> to vector<16xf32>
      %swap3A_2428 = vector.shape_cast %select_n3A_2424 : vector<16xf32> to vector<16xf32>
      tpu.vector_store %arg25[%swap3A_2425], %swap3A_2428 {strides = array<i32>} : memref<12768xf32, #tpu.memory_space<vmem>>, vector<16xf32>,
      %sub3A_2429 = arith.constant 50 : i32
      %sub3A_2430 = arith.subi %add3A_2236, %sub3A_2429 : i32
      %mul3A_2431 = arith.constant 128 : i32
      %mul3A_2432 = arith.muli %sub3A_2430, %mul3A_2431 : i32
      %add3A_2433 = arith.constant 6400 : i32
      %add3A_2434 = arith.addi %add3A_2433, %mul3A_2432 : i32
      %add3A_2435 = arith.constant 112 : i32
      %add3A_2436 = arith.addi %add3A_2434, %add3A_2435 : i32
      %get3A_2437 = arith.index_cast %add3A_2436 : i32 to index
      %get3A_2438 = tpu.vector_load %arg18[%get3A_2437] {strides = array<i32>} : memref<12800xi32, #tpu.memory_space<vmem>>, vector<16xi32>,
      %get3A_2439 = vector.shape_cast %get3A_2438 : vector<16xi32> to vector<16xi32>
      %gt3A_2440 = arith.constant 0 : i32
      %gt3A_2441 = vector.broadcast %gt3A_2440 : i32 to vector<16xi32>
      %gt3A_2442 = arith.cmpi sgt, %get3A_2439, %gt3A_2441 : vector<16xi32>
      %jit3A_2443 = arith.constant 1.000000e+00 : f32
      %jit3A_2444 = arith.constant 0.000000e+00 : f32
      %broadcast_in_dim3A_2445 = vector.broadcast %jit3A_2443 : f32 to vector<16xf32>
      %broadcast_in_dim3A_2446 = vector.broadcast %jit3A_2444 : f32 to vector<16xf32>
      %select_n3A_2447 = arith.select %gt3A_2442, %broadcast_in_dim3A_2445, %broadcast_in_dim3A_2446 : vector<16xi1>, vector<16xf32>
      %swap3A_2448 = arith.index_cast %add3A_2436 : i32 to index
      %swap3A_2449 = tpu.vector_load %arg25[%swap3A_2448] {strides = array<i32>} : memref<12768xf32, #tpu.memory_space<vmem>>, vector<16xf32>,
      %swap3A_2450 = vector.shape_cast %swap3A_2449 : vector<16xf32> to vector<16xf32>
      %swap3A_2451 = vector.shape_cast %select_n3A_2447 : vector<16xf32> to vector<16xf32>
      tpu.vector_store %arg25[%swap3A_2448], %swap3A_2451 {strides = array<i32>} : memref<12768xf32, #tpu.memory_space<vmem>>, vector<16xf32>,
      %dma_start3A_2452 = arith.constant 0 : i32
      %dma_start3A_2453 = arith.constant 0 : i32
      %dma_start3A_2454 = tpu.memref_slice %arg22[%dma_start3A_2452, %dma_start3A_2453] : memref<128x128xf32, #tpu.memory_space<vmem>> -> memref<128x128xf32, #tpu.memory_space<vmem>>
      %dma_start3A_2455 = arith.constant 0 : i32
      %dma_start3A_2456 = tpu.memref_slice %arg14[%add3A_2241, %dma_start3A_2455] : memref<203776x128xf32, #tpu.memory_space<hbm>> -> memref<128x128xf32, #tpu.memory_space<hbm>>
      %dma_start3A_2457 = arith.constant 0 : i32
      %dma_start3A_2458 = tpu.memref_slice %arg14[%add3A_2241, %dma_start3A_2457] : memref<203776x128xf32, #tpu.memory_space<hbm>> -> memref<128x128xf32, #tpu.memory_space<hbm>>
      %dma_start3A_2459 = arith.constant 0 : i32
      %dma_start3A_2460 = arith.constant 0 : i32
      %dma_start3A_2461 = tpu.memref_slice %arg22[%dma_start3A_2459, %dma_start3A_2460] : memref<128x128xf32, #tpu.memory_space<vmem>> -> memref<128x128xf32, #tpu.memory_space<vmem>>
      tpu.enqueue_dma source(%dma_start3A_2461 : memref<128x128xf32, #tpu.memory_space<vmem>>) target(%dma_start3A_2458 : memref<128x128xf32, #tpu.memory_space<hbm>>) target_semaphore(%arg40 : memref<!tpu.dma_semaphore, #tpu.memory_space<semaphore_mem>>)
      %mul3A_2462 = arith.constant 5 : i32
      %mul3A_2463 = arith.muli %scan3A_1546, %mul3A_2462 : i32
      %add3A_2464 = arith.constant 4 : i32
      %add3A_2465 = arith.addi %mul3A_2463, %add3A_2464 : i32
      %sub3A_2466 = arith.constant 50 : i32
      %sub3A_2467 = arith.subi %add3A_2465, %sub3A_2466 : i32
      %mul3A_2468 = arith.constant 128 : i32
      %mul3A_2469 = arith.muli %sub3A_2467, %mul3A_2468 : i32
      %add3A_2470 = arith.addi %mul3A_20, %mul3A_2469 : i32
      %add3A_2471 = arith.constant 3 : i32
      %add3A_2472 = arith.addi %add3A_2465, %add3A_2471 : i32
      %dma_wait3A_2473 = arith.constant 0 : i32
      %dma_wait3A_2474 = arith.constant 0 : i32
      %dma_wait3A_2475 = tpu.memref_slice %arg21[%dma_wait3A_2473, %dma_wait3A_2474] : memref<128x128xf32, #tpu.memory_space<vmem>> -> memref<128x128xf32, #tpu.memory_space<vmem>>
      %dma_wait3A_2476 = arith.constant 0 : i32
      %dma_wait3A_2477 = arith.constant 0 : i32
      %dma_wait3A_2478 = tpu.memref_slice %arg8[%dma_wait3A_2476, %dma_wait3A_2477] : memref<100001x128xf32, #tpu.memory_space<hbm>> -> memref<128x128xf32, #tpu.memory_space<hbm>>
      %dma_wait3A_2479 = arith.constant 0 : i32
      %dma_wait3A_2480 = arith.constant 0 : i32
      %dma_wait3A_2481 = tpu.memref_slice %arg21[%dma_wait3A_2479, %dma_wait3A_2480] : memref<128x128xf32, #tpu.memory_space<vmem>> -> memref<128x128xf32, #tpu.memory_space<vmem>>
      %dma_wait3A_2482 = arith.constant 0 : i32
      %dma_wait3A_2483 = arith.constant 0 : i32
      %dma_wait3A_2484 = tpu.memref_slice %arg8[%dma_wait3A_2482, %dma_wait3A_2483] : memref<100001x128xf32, #tpu.memory_space<hbm>> -> memref<128x128xf32, #tpu.memory_space<hbm>>
      tpu.wait_dma2 semaphore(%arg39 : memref<!tpu.dma_semaphore, #tpu.memory_space<semaphore_mem>>) src(%dma_wait3A_2484 : memref<128x128xf32, #tpu.memory_space<hbm>>) dst(%dma_wait3A_2481 : memref<128x128xf32, #tpu.memory_space<vmem>>)
      %mul3A_2485 = arith.constant 128 : i32
      %mul3A_2486 = arith.muli %add3A_2472, %mul3A_2485 : i32
      %dma_start3A_2487 = tpu.memref_slice %arg18[%mul3A_2486] : memref<12800xi32, #tpu.memory_space<vmem>> -> memref<128xi32, #tpu.memory_space<vmem>>
      %dma_start3A_2488 = arith.constant 0 : i32
      %dma_start3A_2489 = arith.constant 0 : i32
      %dma_start3A_2490 = tpu.memref_slice %arg8[%dma_start3A_2488, %dma_start3A_2489] : memref<100001x128xf32, #tpu.memory_space<hbm>> -> memref<100001x128xf32, #tpu.memory_space<hbm>>
      tpu.enqueue_indirect_dma source(%dma_start3A_2490 : memref<100001x128xf32, #tpu.memory_space<hbm>>) target(%arg21 : memref<128x128xf32, #tpu.memory_space<vmem>>) offsets(%dma_start3A_2487 : memref<128xi32, #tpu.memory_space<vmem>>) semaphore(%arg34 : memref<!tpu.dma_semaphore, #tpu.memory_space<semaphore_mem>>)
      %mul3A_2491 = arith.constant 128 : i32
      %mul3A_2492 = arith.muli %add3A_2465, %mul3A_2491 : i32
      %dma_wait3A_2493 = tpu.memref_slice %arg18[%mul3A_2492] : memref<12800xi32, #tpu.memory_space<vmem>> -> memref<128xi32, #tpu.memory_space<vmem>>
      %dma_wait3A_2494 = arith.constant 0 : i32
      %dma_wait3A_2495 = arith.constant 0 : i32
      %dma_wait3A_2496 = tpu.memref_slice %arg8[%dma_wait3A_2494, %dma_wait3A_2495] : memref<100001x128xf32, #tpu.memory_space<hbm>> -> memref<100001x128xf32, #tpu.memory_space<hbm>>
      tpu.wait_indirect_dma semaphore(%arg36 : memref<!tpu.dma_semaphore, #tpu.memory_space<semaphore_mem>>) src(%dma_wait3A_2496 : memref<100001x128xf32, #tpu.memory_space<hbm>>) dst(%arg23 : memref<128x128xf32, #tpu.memory_space<vmem>>)
      %sub3A_2497 = arith.constant 50 : i32
      %sub3A_2498 = arith.subi %add3A_2465, %sub3A_2497 : i32
      %mul3A_2499 = arith.constant 128 : i32
      %mul3A_2500 = arith.muli %sub3A_2498, %mul3A_2499 : i32
      %add3A_2501 = arith.constant 6400 : i32
      %add3A_2502 = arith.addi %add3A_2501, %mul3A_2500 : i32
      %add3A_2503 = arith.constant 0 : i32
      %add3A_2504 = arith.addi %add3A_2502, %add3A_2503 : i32
      %get3A_2505 = arith.index_cast %add3A_2504 : i32 to index
      %get3A_2506 = tpu.vector_load %arg18[%get3A_2505] {strides = array<i32>} : memref<12800xi32, #tpu.memory_space<vmem>>, vector<16xi32>,
      %get3A_2507 = vector.shape_cast %get3A_2506 : vector<16xi32> to vector<16xi32>
      %gt3A_2508 = arith.constant 0 : i32
      %gt3A_2509 = vector.broadcast %gt3A_2508 : i32 to vector<16xi32>
      %gt3A_2510 = arith.cmpi sgt, %get3A_2507, %gt3A_2509 : vector<16xi32>
      %jit3A_2511 = arith.constant 1.000000e+00 : f32
      %jit3A_2512 = arith.constant 0.000000e+00 : f32
      %broadcast_in_dim3A_2513 = vector.broadcast %jit3A_2511 : f32 to vector<16xf32>
      %broadcast_in_dim3A_2514 = vector.broadcast %jit3A_2512 : f32 to vector<16xf32>
      %select_n3A_2515 = arith.select %gt3A_2510, %broadcast_in_dim3A_2513, %broadcast_in_dim3A_2514 : vector<16xi1>, vector<16xf32>
      %swap3A_2516 = arith.index_cast %add3A_2504 : i32 to index
      %swap3A_2517 = tpu.vector_load %arg25[%swap3A_2516] {strides = array<i32>} : memref<12768xf32, #tpu.memory_space<vmem>>, vector<16xf32>,
      %swap3A_2518 = vector.shape_cast %swap3A_2517 : vector<16xf32> to vector<16xf32>
      %swap3A_2519 = vector.shape_cast %select_n3A_2515 : vector<16xf32> to vector<16xf32>
      tpu.vector_store %arg25[%swap3A_2516], %swap3A_2519 {strides = array<i32>} : memref<12768xf32, #tpu.memory_space<vmem>>, vector<16xf32>,
      %sub3A_2520 = arith.constant 50 : i32
      %sub3A_2521 = arith.subi %add3A_2465, %sub3A_2520 : i32
      %mul3A_2522 = arith.constant 128 : i32
      %mul3A_2523 = arith.muli %sub3A_2521, %mul3A_2522 : i32
      %add3A_2524 = arith.constant 6400 : i32
      %add3A_2525 = arith.addi %add3A_2524, %mul3A_2523 : i32
      %add3A_2526 = arith.constant 16 : i32
      %add3A_2527 = arith.addi %add3A_2525, %add3A_2526 : i32
      %get3A_2528 = arith.index_cast %add3A_2527 : i32 to index
      %get3A_2529 = tpu.vector_load %arg18[%get3A_2528] {strides = array<i32>} : memref<12800xi32, #tpu.memory_space<vmem>>, vector<16xi32>,
      %get3A_2530 = vector.shape_cast %get3A_2529 : vector<16xi32> to vector<16xi32>
      %gt3A_2531 = arith.constant 0 : i32
      %gt3A_2532 = vector.broadcast %gt3A_2531 : i32 to vector<16xi32>
      %gt3A_2533 = arith.cmpi sgt, %get3A_2530, %gt3A_2532 : vector<16xi32>
      %jit3A_2534 = arith.constant 1.000000e+00 : f32
      %jit3A_2535 = arith.constant 0.000000e+00 : f32
      %broadcast_in_dim3A_2536 = vector.broadcast %jit3A_2534 : f32 to vector<16xf32>
      %broadcast_in_dim3A_2537 = vector.broadcast %jit3A_2535 : f32 to vector<16xf32>
      %select_n3A_2538 = arith.select %gt3A_2533, %broadcast_in_dim3A_2536, %broadcast_in_dim3A_2537 : vector<16xi1>, vector<16xf32>
      %swap3A_2539 = arith.index_cast %add3A_2527 : i32 to index
      %swap3A_2540 = tpu.vector_load %arg25[%swap3A_2539] {strides = array<i32>} : memref<12768xf32, #tpu.memory_space<vmem>>, vector<16xf32>,
      %swap3A_2541 = vector.shape_cast %swap3A_2540 : vector<16xf32> to vector<16xf32>
      %swap3A_2542 = vector.shape_cast %select_n3A_2538 : vector<16xf32> to vector<16xf32>
      tpu.vector_store %arg25[%swap3A_2539], %swap3A_2542 {strides = array<i32>} : memref<12768xf32, #tpu.memory_space<vmem>>, vector<16xf32>,
      %sub3A_2543 = arith.constant 50 : i32
      %sub3A_2544 = arith.subi %add3A_2465, %sub3A_2543 : i32
      %mul3A_2545 = arith.constant 128 : i32
      %mul3A_2546 = arith.muli %sub3A_2544, %mul3A_2545 : i32
      %add3A_2547 = arith.constant 6400 : i32
      %add3A_2548 = arith.addi %add3A_2547, %mul3A_2546 : i32
      %add3A_2549 = arith.constant 32 : i32
      %add3A_2550 = arith.addi %add3A_2548, %add3A_2549 : i32
      %get3A_2551 = arith.index_cast %add3A_2550 : i32 to index
      %get3A_2552 = tpu.vector_load %arg18[%get3A_2551] {strides = array<i32>} : memref<12800xi32, #tpu.memory_space<vmem>>, vector<16xi32>,
      %get3A_2553 = vector.shape_cast %get3A_2552 : vector<16xi32> to vector<16xi32>
      %gt3A_2554 = arith.constant 0 : i32
      %gt3A_2555 = vector.broadcast %gt3A_2554 : i32 to vector<16xi32>
      %gt3A_2556 = arith.cmpi sgt, %get3A_2553, %gt3A_2555 : vector<16xi32>
      %jit3A_2557 = arith.constant 1.000000e+00 : f32
      %jit3A_2558 = arith.constant 0.000000e+00 : f32
      %broadcast_in_dim3A_2559 = vector.broadcast %jit3A_2557 : f32 to vector<16xf32>
      %broadcast_in_dim3A_2560 = vector.broadcast %jit3A_2558 : f32 to vector<16xf32>
      %select_n3A_2561 = arith.select %gt3A_2556, %broadcast_in_dim3A_2559, %broadcast_in_dim3A_2560 : vector<16xi1>, vector<16xf32>
      %swap3A_2562 = arith.index_cast %add3A_2550 : i32 to index
      %swap3A_2563 = tpu.vector_load %arg25[%swap3A_2562] {strides = array<i32>} : memref<12768xf32, #tpu.memory_space<vmem>>, vector<16xf32>,
      %swap3A_2564 = vector.shape_cast %swap3A_2563 : vector<16xf32> to vector<16xf32>
      %swap3A_2565 = vector.shape_cast %select_n3A_2561 : vector<16xf32> to vector<16xf32>
      tpu.vector_store %arg25[%swap3A_2562], %swap3A_2565 {strides = array<i32>} : memref<12768xf32, #tpu.memory_space<vmem>>, vector<16xf32>,
      %sub3A_2566 = arith.constant 50 : i32
      %sub3A_2567 = arith.subi %add3A_2465, %sub3A_2566 : i32
      %mul3A_2568 = arith.constant 128 : i32
      %mul3A_2569 = arith.muli %sub3A_2567, %mul3A_2568 : i32
      %add3A_2570 = arith.constant 6400 : i32
      %add3A_2571 = arith.addi %add3A_2570, %mul3A_2569 : i32
      %add3A_2572 = arith.constant 48 : i32
      %add3A_2573 = arith.addi %add3A_2571, %add3A_2572 : i32
      %get3A_2574 = arith.index_cast %add3A_2573 : i32 to index
      %get3A_2575 = tpu.vector_load %arg18[%get3A_2574] {strides = array<i32>} : memref<12800xi32, #tpu.memory_space<vmem>>, vector<16xi32>,
      %get3A_2576 = vector.shape_cast %get3A_2575 : vector<16xi32> to vector<16xi32>
      %gt3A_2577 = arith.constant 0 : i32
      %gt3A_2578 = vector.broadcast %gt3A_2577 : i32 to vector<16xi32>
      %gt3A_2579 = arith.cmpi sgt, %get3A_2576, %gt3A_2578 : vector<16xi32>
      %jit3A_2580 = arith.constant 1.000000e+00 : f32
      %jit3A_2581 = arith.constant 0.000000e+00 : f32
      %broadcast_in_dim3A_2582 = vector.broadcast %jit3A_2580 : f32 to vector<16xf32>
      %broadcast_in_dim3A_2583 = vector.broadcast %jit3A_2581 : f32 to vector<16xf32>
      %select_n3A_2584 = arith.select %gt3A_2579, %broadcast_in_dim3A_2582, %broadcast_in_dim3A_2583 : vector<16xi1>, vector<16xf32>
      %swap3A_2585 = arith.index_cast %add3A_2573 : i32 to index
      %swap3A_2586 = tpu.vector_load %arg25[%swap3A_2585] {strides = array<i32>} : memref<12768xf32, #tpu.memory_space<vmem>>, vector<16xf32>,
      %swap3A_2587 = vector.shape_cast %swap3A_2586 : vector<16xf32> to vector<16xf32>
      %swap3A_2588 = vector.shape_cast %select_n3A_2584 : vector<16xf32> to vector<16xf32>
      tpu.vector_store %arg25[%swap3A_2585], %swap3A_2588 {strides = array<i32>} : memref<12768xf32, #tpu.memory_space<vmem>>, vector<16xf32>,
      %sub3A_2589 = arith.constant 50 : i32
      %sub3A_2590 = arith.subi %add3A_2465, %sub3A_2589 : i32
      %mul3A_2591 = arith.constant 128 : i32
      %mul3A_2592 = arith.muli %sub3A_2590, %mul3A_2591 : i32
      %add3A_2593 = arith.constant 6400 : i32
      %add3A_2594 = arith.addi %add3A_2593, %mul3A_2592 : i32
      %add3A_2595 = arith.constant 64 : i32
      %add3A_2596 = arith.addi %add3A_2594, %add3A_2595 : i32
      %get3A_2597 = arith.index_cast %add3A_2596 : i32 to index
      %get3A_2598 = tpu.vector_load %arg18[%get3A_2597] {strides = array<i32>} : memref<12800xi32, #tpu.memory_space<vmem>>, vector<16xi32>,
      %get3A_2599 = vector.shape_cast %get3A_2598 : vector<16xi32> to vector<16xi32>
      %gt3A_2600 = arith.constant 0 : i32
      %gt3A_2601 = vector.broadcast %gt3A_2600 : i32 to vector<16xi32>
      %gt3A_2602 = arith.cmpi sgt, %get3A_2599, %gt3A_2601 : vector<16xi32>
      %jit3A_2603 = arith.constant 1.000000e+00 : f32
      %jit3A_2604 = arith.constant 0.000000e+00 : f32
      %broadcast_in_dim3A_2605 = vector.broadcast %jit3A_2603 : f32 to vector<16xf32>
      %broadcast_in_dim3A_2606 = vector.broadcast %jit3A_2604 : f32 to vector<16xf32>
      %select_n3A_2607 = arith.select %gt3A_2602, %broadcast_in_dim3A_2605, %broadcast_in_dim3A_2606 : vector<16xi1>, vector<16xf32>
      %swap3A_2608 = arith.index_cast %add3A_2596 : i32 to index
      %swap3A_2609 = tpu.vector_load %arg25[%swap3A_2608] {strides = array<i32>} : memref<12768xf32, #tpu.memory_space<vmem>>, vector<16xf32>,
      %swap3A_2610 = vector.shape_cast %swap3A_2609 : vector<16xf32> to vector<16xf32>
      %swap3A_2611 = vector.shape_cast %select_n3A_2607 : vector<16xf32> to vector<16xf32>
      tpu.vector_store %arg25[%swap3A_2608], %swap3A_2611 {strides = array<i32>} : memref<12768xf32, #tpu.memory_space<vmem>>, vector<16xf32>,
      %sub3A_2612 = arith.constant 50 : i32
      %sub3A_2613 = arith.subi %add3A_2465, %sub3A_2612 : i32
      %mul3A_2614 = arith.constant 128 : i32
      %mul3A_2615 = arith.muli %sub3A_2613, %mul3A_2614 : i32
      %add3A_2616 = arith.constant 6400 : i32
      %add3A_2617 = arith.addi %add3A_2616, %mul3A_2615 : i32
      %add3A_2618 = arith.constant 80 : i32
      %add3A_2619 = arith.addi %add3A_2617, %add3A_2618 : i32
      %get3A_2620 = arith.index_cast %add3A_2619 : i32 to index
      %get3A_2621 = tpu.vector_load %arg18[%get3A_2620] {strides = array<i32>} : memref<12800xi32, #tpu.memory_space<vmem>>, vector<16xi32>,
      %get3A_2622 = vector.shape_cast %get3A_2621 : vector<16xi32> to vector<16xi32>
      %gt3A_2623 = arith.constant 0 : i32
      %gt3A_2624 = vector.broadcast %gt3A_2623 : i32 to vector<16xi32>
      %gt3A_2625 = arith.cmpi sgt, %get3A_2622, %gt3A_2624 : vector<16xi32>
      %jit3A_2626 = arith.constant 1.000000e+00 : f32
      %jit3A_2627 = arith.constant 0.000000e+00 : f32
      %broadcast_in_dim3A_2628 = vector.broadcast %jit3A_2626 : f32 to vector<16xf32>
      %broadcast_in_dim3A_2629 = vector.broadcast %jit3A_2627 : f32 to vector<16xf32>
      %select_n3A_2630 = arith.select %gt3A_2625, %broadcast_in_dim3A_2628, %broadcast_in_dim3A_2629 : vector<16xi1>, vector<16xf32>
      %swap3A_2631 = arith.index_cast %add3A_2619 : i32 to index
      %swap3A_2632 = tpu.vector_load %arg25[%swap3A_2631] {strides = array<i32>} : memref<12768xf32, #tpu.memory_space<vmem>>, vector<16xf32>,
      %swap3A_2633 = vector.shape_cast %swap3A_2632 : vector<16xf32> to vector<16xf32>
      %swap3A_2634 = vector.shape_cast %select_n3A_2630 : vector<16xf32> to vector<16xf32>
      tpu.vector_store %arg25[%swap3A_2631], %swap3A_2634 {strides = array<i32>} : memref<12768xf32, #tpu.memory_space<vmem>>, vector<16xf32>,
      %sub3A_2635 = arith.constant 50 : i32
      %sub3A_2636 = arith.subi %add3A_2465, %sub3A_2635 : i32
      %mul3A_2637 = arith.constant 128 : i32
      %mul3A_2638 = arith.muli %sub3A_2636, %mul3A_2637 : i32
      %add3A_2639 = arith.constant 6400 : i32
      %add3A_2640 = arith.addi %add3A_2639, %mul3A_2638 : i32
      %add3A_2641 = arith.constant 96 : i32
      %add3A_2642 = arith.addi %add3A_2640, %add3A_2641 : i32
      %get3A_2643 = arith.index_cast %add3A_2642 : i32 to index
      %get3A_2644 = tpu.vector_load %arg18[%get3A_2643] {strides = array<i32>} : memref<12800xi32, #tpu.memory_space<vmem>>, vector<16xi32>,
      %get3A_2645 = vector.shape_cast %get3A_2644 : vector<16xi32> to vector<16xi32>
      %gt3A_2646 = arith.constant 0 : i32
      %gt3A_2647 = vector.broadcast %gt3A_2646 : i32 to vector<16xi32>
      %gt3A_2648 = arith.cmpi sgt, %get3A_2645, %gt3A_2647 : vector<16xi32>
      %jit3A_2649 = arith.constant 1.000000e+00 : f32
      %jit3A_2650 = arith.constant 0.000000e+00 : f32
      %broadcast_in_dim3A_2651 = vector.broadcast %jit3A_2649 : f32 to vector<16xf32>
      %broadcast_in_dim3A_2652 = vector.broadcast %jit3A_2650 : f32 to vector<16xf32>
      %select_n3A_2653 = arith.select %gt3A_2648, %broadcast_in_dim3A_2651, %broadcast_in_dim3A_2652 : vector<16xi1>, vector<16xf32>
      %swap3A_2654 = arith.index_cast %add3A_2642 : i32 to index
      %swap3A_2655 = tpu.vector_load %arg25[%swap3A_2654] {strides = array<i32>} : memref<12768xf32, #tpu.memory_space<vmem>>, vector<16xf32>,
      %swap3A_2656 = vector.shape_cast %swap3A_2655 : vector<16xf32> to vector<16xf32>
      %swap3A_2657 = vector.shape_cast %select_n3A_2653 : vector<16xf32> to vector<16xf32>
      tpu.vector_store %arg25[%swap3A_2654], %swap3A_2657 {strides = array<i32>} : memref<12768xf32, #tpu.memory_space<vmem>>, vector<16xf32>,
      %sub3A_2658 = arith.constant 50 : i32
      %sub3A_2659 = arith.subi %add3A_2465, %sub3A_2658 : i32
      %mul3A_2660 = arith.constant 128 : i32
      %mul3A_2661 = arith.muli %sub3A_2659, %mul3A_2660 : i32
      %add3A_2662 = arith.constant 6400 : i32
      %add3A_2663 = arith.addi %add3A_2662, %mul3A_2661 : i32
      %add3A_2664 = arith.constant 112 : i32
      %add3A_2665 = arith.addi %add3A_2663, %add3A_2664 : i32
      %get3A_2666 = arith.index_cast %add3A_2665 : i32 to index
      %get3A_2667 = tpu.vector_load %arg18[%get3A_2666] {strides = array<i32>} : memref<12800xi32, #tpu.memory_space<vmem>>, vector<16xi32>,
      %get3A_2668 = vector.shape_cast %get3A_2667 : vector<16xi32> to vector<16xi32>
      %gt3A_2669 = arith.constant 0 : i32
      %gt3A_2670 = vector.broadcast %gt3A_2669 : i32 to vector<16xi32>
      %gt3A_2671 = arith.cmpi sgt, %get3A_2668, %gt3A_2670 : vector<16xi32>
      %jit3A_2672 = arith.constant 1.000000e+00 : f32
      %jit3A_2673 = arith.constant 0.000000e+00 : f32
      %broadcast_in_dim3A_2674 = vector.broadcast %jit3A_2672 : f32 to vector<16xf32>
      %broadcast_in_dim3A_2675 = vector.broadcast %jit3A_2673 : f32 to vector<16xf32>
      %select_n3A_2676 = arith.select %gt3A_2671, %broadcast_in_dim3A_2674, %broadcast_in_dim3A_2675 : vector<16xi1>, vector<16xf32>
      %swap3A_2677 = arith.index_cast %add3A_2665 : i32 to index
      %swap3A_2678 = tpu.vector_load %arg25[%swap3A_2677] {strides = array<i32>} : memref<12768xf32, #tpu.memory_space<vmem>>, vector<16xf32>,
      %swap3A_2679 = vector.shape_cast %swap3A_2678 : vector<16xf32> to vector<16xf32>
      %swap3A_2680 = vector.shape_cast %select_n3A_2676 : vector<16xf32> to vector<16xf32>
      tpu.vector_store %arg25[%swap3A_2677], %swap3A_2680 {strides = array<i32>} : memref<12768xf32, #tpu.memory_space<vmem>>, vector<16xf32>,
      %dma_start3A_2681 = arith.constant 0 : i32
      %dma_start3A_2682 = arith.constant 0 : i32
      %dma_start3A_2683 = tpu.memref_slice %arg23[%dma_start3A_2681, %dma_start3A_2682] : memref<128x128xf32, #tpu.memory_space<vmem>> -> memref<128x128xf32, #tpu.memory_space<vmem>>
      %dma_start3A_2684 = arith.constant 0 : i32
      %dma_start3A_2685 = tpu.memref_slice %arg14[%add3A_2470, %dma_start3A_2684] : memref<203776x128xf32, #tpu.memory_space<hbm>> -> memref<128x128xf32, #tpu.memory_space<hbm>>
      %dma_start3A_2686 = arith.constant 0 : i32
      %dma_start3A_2687 = tpu.memref_slice %arg14[%add3A_2470, %dma_start3A_2686] : memref<203776x128xf32, #tpu.memory_space<hbm>> -> memref<128x128xf32, #tpu.memory_space<hbm>>
      %dma_start3A_2688 = arith.constant 0 : i32
      %dma_start3A_2689 = arith.constant 0 : i32
      %dma_start3A_2690 = tpu.memref_slice %arg23[%dma_start3A_2688, %dma_start3A_2689] : memref<128x128xf32, #tpu.memory_space<vmem>> -> memref<128x128xf32, #tpu.memory_space<vmem>>
      tpu.enqueue_dma source(%dma_start3A_2690 : memref<128x128xf32, #tpu.memory_space<vmem>>) target(%dma_start3A_2687 : memref<128x128xf32, #tpu.memory_space<hbm>>) target_semaphore(%arg41 : memref<!tpu.dma_semaphore, #tpu.memory_space<semaphore_mem>>)
    }
    %scan3A_783 = arith.constant 9 : i32
    %add3A_784 = arith.constant 5760 : i32
    %add3A_785 = arith.addi %mul3A_20, %add3A_784 : i32
    %dma_wait3A_786 = arith.constant 0 : i32
    %dma_wait3A_787 = arith.constant 0 : i32
    %dma_wait3A_788 = tpu.memref_slice %arg22[%dma_wait3A_786, %dma_wait3A_787] : memref<128x128xf32, #tpu.memory_space<vmem>> -> memref<128x128xf32, #tpu.memory_space<vmem>>
    %dma_wait3A_789 = arith.constant 0 : i32
    %dma_wait3A_790 = arith.constant 0 : i32
    %dma_wait3A_791 = tpu.memref_slice %arg8[%dma_wait3A_789, %dma_wait3A_790] : memref<100001x128xf32, #tpu.memory_space<hbm>> -> memref<128x128xf32, #tpu.memory_space<hbm>>
    %dma_wait3A_792 = arith.constant 0 : i32
    %dma_wait3A_793 = arith.constant 0 : i32
    %dma_wait3A_794 = tpu.memref_slice %arg22[%dma_wait3A_792, %dma_wait3A_793] : memref<128x128xf32, #tpu.memory_space<vmem>> -> memref<128x128xf32, #tpu.memory_space<vmem>>
    %dma_wait3A_795 = arith.constant 0 : i32
    %dma_wait3A_796 = arith.constant 0 : i32
    %dma_wait3A_797 = tpu.memref_slice %arg8[%dma_wait3A_795, %dma_wait3A_796] : memref<100001x128xf32, #tpu.memory_space<hbm>> -> memref<128x128xf32, #tpu.memory_space<hbm>>
    tpu.wait_dma2 semaphore(%arg40 : memref<!tpu.dma_semaphore, #tpu.memory_space<semaphore_mem>>) src(%dma_wait3A_797 : memref<128x128xf32, #tpu.memory_space<hbm>>) dst(%dma_wait3A_794 : memref<128x128xf32, #tpu.memory_space<vmem>>)
    %dma_start3A_798 = arith.constant 12544 : i32
    %dma_start3A_799 = tpu.memref_slice %arg18[%dma_start3A_798] : memref<12800xi32, #tpu.memory_space<vmem>> -> memref<128xi32, #tpu.memory_space<vmem>>
    %dma_start3A_800 = arith.constant 0 : i32
    %dma_start3A_801 = arith.constant 0 : i32
    %dma_start3A_802 = tpu.memref_slice %arg8[%dma_start3A_800, %dma_start3A_801] : memref<100001x128xf32, #tpu.memory_space<hbm>> -> memref<100001x128xf32, #tpu.memory_space<hbm>>
    tpu.enqueue_indirect_dma source(%dma_start3A_802 : memref<100001x128xf32, #tpu.memory_space<hbm>>) target(%arg22 : memref<128x128xf32, #tpu.memory_space<vmem>>) offsets(%dma_start3A_799 : memref<128xi32, #tpu.memory_space<vmem>>) semaphore(%arg35 : memref<!tpu.dma_semaphore, #tpu.memory_space<semaphore_mem>>)
    %dma_wait3A_803 = arith.constant 12160 : i32
    %dma_wait3A_804 = tpu.memref_slice %arg18[%dma_wait3A_803] : memref<12800xi32, #tpu.memory_space<vmem>> -> memref<128xi32, #tpu.memory_space<vmem>>
    %dma_wait3A_805 = arith.constant 0 : i32
    %dma_wait3A_806 = arith.constant 0 : i32
    %dma_wait3A_807 = tpu.memref_slice %arg8[%dma_wait3A_805, %dma_wait3A_806] : memref<100001x128xf32, #tpu.memory_space<hbm>> -> memref<100001x128xf32, #tpu.memory_space<hbm>>
    tpu.wait_indirect_dma semaphore(%arg32 : memref<!tpu.dma_semaphore, #tpu.memory_space<semaphore_mem>>) src(%dma_wait3A_807 : memref<100001x128xf32, #tpu.memory_space<hbm>>) dst(%arg19 : memref<128x128xf32, #tpu.memory_space<vmem>>)
    %get3A_808 = arith.constant 12160 : index
    %get3A_809 = tpu.vector_load %arg18[%get3A_808] {strides = array<i32>} : memref<12800xi32, #tpu.memory_space<vmem>>, vector<16xi32>,
    %get3A_810 = vector.shape_cast %get3A_809 : vector<16xi32> to vector<16xi32>
    %gt3A_811 = arith.constant 0 : i32
    %gt3A_812 = vector.broadcast %gt3A_811 : i32 to vector<16xi32>
    %gt3A_813 = arith.cmpi sgt, %get3A_810, %gt3A_812 : vector<16xi32>
    %jit3A_814 = arith.constant 1.000000e+00 : f32
    %jit3A_815 = arith.constant 0.000000e+00 : f32
    %broadcast_in_dim3A_816 = vector.broadcast %jit3A_814 : f32 to vector<16xf32>
    %broadcast_in_dim3A_817 = vector.broadcast %jit3A_815 : f32 to vector<16xf32>
    %select_n3A_818 = arith.select %gt3A_813, %broadcast_in_dim3A_816, %broadcast_in_dim3A_817 : vector<16xi1>, vector<16xf32>
    %swap3A_819 = arith.constant 12160 : index
    %swap3A_820 = tpu.vector_load %arg25[%swap3A_819] {strides = array<i32>} : memref<12768xf32, #tpu.memory_space<vmem>>, vector<16xf32>,
    %swap3A_821 = vector.shape_cast %swap3A_820 : vector<16xf32> to vector<16xf32>
    %swap3A_822 = vector.shape_cast %select_n3A_818 : vector<16xf32> to vector<16xf32>
    tpu.vector_store %arg25[%swap3A_819], %swap3A_822 {strides = array<i32>} : memref<12768xf32, #tpu.memory_space<vmem>>, vector<16xf32>,
    %get3A_823 = arith.constant 12176 : index
    %get3A_824 = tpu.vector_load %arg18[%get3A_823] {strides = array<i32>} : memref<12800xi32, #tpu.memory_space<vmem>>, vector<16xi32>,
    %get3A_825 = vector.shape_cast %get3A_824 : vector<16xi32> to vector<16xi32>
    %gt3A_826 = arith.constant 0 : i32
    %gt3A_827 = vector.broadcast %gt3A_826 : i32 to vector<16xi32>
    %gt3A_828 = arith.cmpi sgt, %get3A_825, %gt3A_827 : vector<16xi32>
    %jit3A_829 = arith.constant 1.000000e+00 : f32
    %jit3A_830 = arith.constant 0.000000e+00 : f32
    %broadcast_in_dim3A_831 = vector.broadcast %jit3A_829 : f32 to vector<16xf32>
    %broadcast_in_dim3A_832 = vector.broadcast %jit3A_830 : f32 to vector<16xf32>
    %select_n3A_833 = arith.select %gt3A_828, %broadcast_in_dim3A_831, %broadcast_in_dim3A_832 : vector<16xi1>, vector<16xf32>
    %swap3A_834 = arith.constant 12176 : index
    %swap3A_835 = tpu.vector_load %arg25[%swap3A_834] {strides = array<i32>} : memref<12768xf32, #tpu.memory_space<vmem>>, vector<16xf32>,
    %swap3A_836 = vector.shape_cast %swap3A_835 : vector<16xf32> to vector<16xf32>
    %swap3A_837 = vector.shape_cast %select_n3A_833 : vector<16xf32> to vector<16xf32>
    tpu.vector_store %arg25[%swap3A_834], %swap3A_837 {strides = array<i32>} : memref<12768xf32, #tpu.memory_space<vmem>>, vector<16xf32>,
    %get3A_838 = arith.constant 12192 : index
    %get3A_839 = tpu.vector_load %arg18[%get3A_838] {strides = array<i32>} : memref<12800xi32, #tpu.memory_space<vmem>>, vector<16xi32>,
    %get3A_840 = vector.shape_cast %get3A_839 : vector<16xi32> to vector<16xi32>
    %gt3A_841 = arith.constant 0 : i32
    %gt3A_842 = vector.broadcast %gt3A_841 : i32 to vector<16xi32>
    %gt3A_843 = arith.cmpi sgt, %get3A_840, %gt3A_842 : vector<16xi32>
    %jit3A_844 = arith.constant 1.000000e+00 : f32
    %jit3A_845 = arith.constant 0.000000e+00 : f32
    %broadcast_in_dim3A_846 = vector.broadcast %jit3A_844 : f32 to vector<16xf32>
    %broadcast_in_dim3A_847 = vector.broadcast %jit3A_845 : f32 to vector<16xf32>
    %select_n3A_848 = arith.select %gt3A_843, %broadcast_in_dim3A_846, %broadcast_in_dim3A_847 : vector<16xi1>, vector<16xf32>
    %swap3A_849 = arith.constant 12192 : index
    %swap3A_850 = tpu.vector_load %arg25[%swap3A_849] {strides = array<i32>} : memref<12768xf32, #tpu.memory_space<vmem>>, vector<16xf32>,
    %swap3A_851 = vector.shape_cast %swap3A_850 : vector<16xf32> to vector<16xf32>
    %swap3A_852 = vector.shape_cast %select_n3A_848 : vector<16xf32> to vector<16xf32>
    tpu.vector_store %arg25[%swap3A_849], %swap3A_852 {strides = array<i32>} : memref<12768xf32, #tpu.memory_space<vmem>>, vector<16xf32>,
    %get3A_853 = arith.constant 12208 : index
    %get3A_854 = tpu.vector_load %arg18[%get3A_853] {strides = array<i32>} : memref<12800xi32, #tpu.memory_space<vmem>>, vector<16xi32>,
    %get3A_855 = vector.shape_cast %get3A_854 : vector<16xi32> to vector<16xi32>
    %gt3A_856 = arith.constant 0 : i32
    %gt3A_857 = vector.broadcast %gt3A_856 : i32 to vector<16xi32>
    %gt3A_858 = arith.cmpi sgt, %get3A_855, %gt3A_857 : vector<16xi32>
    %jit3A_859 = arith.constant 1.000000e+00 : f32
    %jit3A_860 = arith.constant 0.000000e+00 : f32
    %broadcast_in_dim3A_861 = vector.broadcast %jit3A_859 : f32 to vector<16xf32>
    %broadcast_in_dim3A_862 = vector.broadcast %jit3A_860 : f32 to vector<16xf32>
    %select_n3A_863 = arith.select %gt3A_858, %broadcast_in_dim3A_861, %broadcast_in_dim3A_862 : vector<16xi1>, vector<16xf32>
    %swap3A_864 = arith.constant 12208 : index
    %swap3A_865 = tpu.vector_load %arg25[%swap3A_864] {strides = array<i32>} : memref<12768xf32, #tpu.memory_space<vmem>>, vector<16xf32>,
    %swap3A_866 = vector.shape_cast %swap3A_865 : vector<16xf32> to vector<16xf32>
    %swap3A_867 = vector.shape_cast %select_n3A_863 : vector<16xf32> to vector<16xf32>
    tpu.vector_store %arg25[%swap3A_864], %swap3A_867 {strides = array<i32>} : memref<12768xf32, #tpu.memory_space<vmem>>, vector<16xf32>,
    %get3A_868 = arith.constant 12224 : index
    %get3A_869 = tpu.vector_load %arg18[%get3A_868] {strides = array<i32>} : memref<12800xi32, #tpu.memory_space<vmem>>, vector<16xi32>,
    %get3A_870 = vector.shape_cast %get3A_869 : vector<16xi32> to vector<16xi32>
    %gt3A_871 = arith.constant 0 : i32
    %gt3A_872 = vector.broadcast %gt3A_871 : i32 to vector<16xi32>
    %gt3A_873 = arith.cmpi sgt, %get3A_870, %gt3A_872 : vector<16xi32>
    %jit3A_874 = arith.constant 1.000000e+00 : f32
    %jit3A_875 = arith.constant 0.000000e+00 : f32
    %broadcast_in_dim3A_876 = vector.broadcast %jit3A_874 : f32 to vector<16xf32>
    %broadcast_in_dim3A_877 = vector.broadcast %jit3A_875 : f32 to vector<16xf32>
    %select_n3A_878 = arith.select %gt3A_873, %broadcast_in_dim3A_876, %broadcast_in_dim3A_877 : vector<16xi1>, vector<16xf32>
    %swap3A_879 = arith.constant 12224 : index
    %swap3A_880 = tpu.vector_load %arg25[%swap3A_879] {strides = array<i32>} : memref<12768xf32, #tpu.memory_space<vmem>>, vector<16xf32>,
    %swap3A_881 = vector.shape_cast %swap3A_880 : vector<16xf32> to vector<16xf32>
    %swap3A_882 = vector.shape_cast %select_n3A_878 : vector<16xf32> to vector<16xf32>
    tpu.vector_store %arg25[%swap3A_879], %swap3A_882 {strides = array<i32>} : memref<12768xf32, #tpu.memory_space<vmem>>, vector<16xf32>,
    %get3A_883 = arith.constant 12240 : index
    %get3A_884 = tpu.vector_load %arg18[%get3A_883] {strides = array<i32>} : memref<12800xi32, #tpu.memory_space<vmem>>, vector<16xi32>,
    %get3A_885 = vector.shape_cast %get3A_884 : vector<16xi32> to vector<16xi32>
    %gt3A_886 = arith.constant 0 : i32
    %gt3A_887 = vector.broadcast %gt3A_886 : i32 to vector<16xi32>
    %gt3A_888 = arith.cmpi sgt, %get3A_885, %gt3A_887 : vector<16xi32>
    %jit3A_889 = arith.constant 1.000000e+00 : f32
    %jit3A_890 = arith.constant 0.000000e+00 : f32
    %broadcast_in_dim3A_891 = vector.broadcast %jit3A_889 : f32 to vector<16xf32>
    %broadcast_in_dim3A_892 = vector.broadcast %jit3A_890 : f32 to vector<16xf32>
    %select_n3A_893 = arith.select %gt3A_888, %broadcast_in_dim3A_891, %broadcast_in_dim3A_892 : vector<16xi1>, vector<16xf32>
    %swap3A_894 = arith.constant 12240 : index
    %swap3A_895 = tpu.vector_load %arg25[%swap3A_894] {strides = array<i32>} : memref<12768xf32, #tpu.memory_space<vmem>>, vector<16xf32>,
    %swap3A_896 = vector.shape_cast %swap3A_895 : vector<16xf32> to vector<16xf32>
    %swap3A_897 = vector.shape_cast %select_n3A_893 : vector<16xf32> to vector<16xf32>
    tpu.vector_store %arg25[%swap3A_894], %swap3A_897 {strides = array<i32>} : memref<12768xf32, #tpu.memory_space<vmem>>, vector<16xf32>,
    %get3A_898 = arith.constant 12256 : index
    %get3A_899 = tpu.vector_load %arg18[%get3A_898] {strides = array<i32>} : memref<12800xi32, #tpu.memory_space<vmem>>, vector<16xi32>,
    %get3A_900 = vector.shape_cast %get3A_899 : vector<16xi32> to vector<16xi32>
    %gt3A_901 = arith.constant 0 : i32
    %gt3A_902 = vector.broadcast %gt3A_901 : i32 to vector<16xi32>
    %gt3A_903 = arith.cmpi sgt, %get3A_900, %gt3A_902 : vector<16xi32>
    %jit3A_904 = arith.constant 1.000000e+00 : f32
    %jit3A_905 = arith.constant 0.000000e+00 : f32
    %broadcast_in_dim3A_906 = vector.broadcast %jit3A_904 : f32 to vector<16xf32>
    %broadcast_in_dim3A_907 = vector.broadcast %jit3A_905 : f32 to vector<16xf32>
    %select_n3A_908 = arith.select %gt3A_903, %broadcast_in_dim3A_906, %broadcast_in_dim3A_907 : vector<16xi1>, vector<16xf32>
    %swap3A_909 = arith.constant 12256 : index
    %swap3A_910 = tpu.vector_load %arg25[%swap3A_909] {strides = array<i32>} : memref<12768xf32, #tpu.memory_space<vmem>>, vector<16xf32>,
    %swap3A_911 = vector.shape_cast %swap3A_910 : vector<16xf32> to vector<16xf32>
    %swap3A_912 = vector.shape_cast %select_n3A_908 : vector<16xf32> to vector<16xf32>
    tpu.vector_store %arg25[%swap3A_909], %swap3A_912 {strides = array<i32>} : memref<12768xf32, #tpu.memory_space<vmem>>, vector<16xf32>,
    %get3A_913 = arith.constant 12272 : index
    %get3A_914 = tpu.vector_load %arg18[%get3A_913] {strides = array<i32>} : memref<12800xi32, #tpu.memory_space<vmem>>, vector<16xi32>,
    %get3A_915 = vector.shape_cast %get3A_914 : vector<16xi32> to vector<16xi32>
    %gt3A_916 = arith.constant 0 : i32
    %gt3A_917 = vector.broadcast %gt3A_916 : i32 to vector<16xi32>
    %gt3A_918 = arith.cmpi sgt, %get3A_915, %gt3A_917 : vector<16xi32>
    %jit3A_919 = arith.constant 1.000000e+00 : f32
    %jit3A_920 = arith.constant 0.000000e+00 : f32
    %broadcast_in_dim3A_921 = vector.broadcast %jit3A_919 : f32 to vector<16xf32>
    %broadcast_in_dim3A_922 = vector.broadcast %jit3A_920 : f32 to vector<16xf32>
    %select_n3A_923 = arith.select %gt3A_918, %broadcast_in_dim3A_921, %broadcast_in_dim3A_922 : vector<16xi1>, vector<16xf32>
    %swap3A_924 = arith.constant 12272 : index
    %swap3A_925 = tpu.vector_load %arg25[%swap3A_924] {strides = array<i32>} : memref<12768xf32, #tpu.memory_space<vmem>>, vector<16xf32>,
    %swap3A_926 = vector.shape_cast %swap3A_925 : vector<16xf32> to vector<16xf32>
    %swap3A_927 = vector.shape_cast %select_n3A_923 : vector<16xf32> to vector<16xf32>
    tpu.vector_store %arg25[%swap3A_924], %swap3A_927 {strides = array<i32>} : memref<12768xf32, #tpu.memory_space<vmem>>, vector<16xf32>,
    %dma_start3A_928 = arith.constant 0 : i32
    %dma_start3A_929 = arith.constant 0 : i32
    %dma_start3A_930 = tpu.memref_slice %arg19[%dma_start3A_928, %dma_start3A_929] : memref<128x128xf32, #tpu.memory_space<vmem>> -> memref<128x128xf32, #tpu.memory_space<vmem>>
    %dma_start3A_931 = arith.constant 0 : i32
    %dma_start3A_932 = tpu.memref_slice %arg14[%add3A_785, %dma_start3A_931] : memref<203776x128xf32, #tpu.memory_space<hbm>> -> memref<128x128xf32, #tpu.memory_space<hbm>>
    %dma_start3A_933 = arith.constant 0 : i32
    %dma_start3A_934 = tpu.memref_slice %arg14[%add3A_785, %dma_start3A_933] : memref<203776x128xf32, #tpu.memory_space<hbm>> -> memref<128x128xf32, #tpu.memory_space<hbm>>
    %dma_start3A_935 = arith.constant 0 : i32
    %dma_start3A_936 = arith.constant 0 : i32
    %dma_start3A_937 = tpu.memref_slice %arg19[%dma_start3A_935, %dma_start3A_936] : memref<128x128xf32, #tpu.memory_space<vmem>> -> memref<128x128xf32, #tpu.memory_space<vmem>>
    tpu.enqueue_dma source(%dma_start3A_937 : memref<128x128xf32, #tpu.memory_space<vmem>>) target(%dma_start3A_934 : memref<128x128xf32, #tpu.memory_space<hbm>>) target_semaphore(%arg37 : memref<!tpu.dma_semaphore, #tpu.memory_space<semaphore_mem>>)
    %add3A_938 = arith.constant 5888 : i32
    %add3A_939 = arith.addi %mul3A_20, %add3A_938 : i32
    %dma_wait3A_940 = arith.constant 0 : i32
    %dma_wait3A_941 = arith.constant 0 : i32
    %dma_wait3A_942 = tpu.memref_slice %arg23[%dma_wait3A_940, %dma_wait3A_941] : memref<128x128xf32, #tpu.memory_space<vmem>> -> memref<128x128xf32, #tpu.memory_space<vmem>>
    %dma_wait3A_943 = arith.constant 0 : i32
    %dma_wait3A_944 = arith.constant 0 : i32
    %dma_wait3A_945 = tpu.memref_slice %arg8[%dma_wait3A_943, %dma_wait3A_944] : memref<100001x128xf32, #tpu.memory_space<hbm>> -> memref<128x128xf32, #tpu.memory_space<hbm>>
    %dma_wait3A_946 = arith.constant 0 : i32
    %dma_wait3A_947 = arith.constant 0 : i32
    %dma_wait3A_948 = tpu.memref_slice %arg23[%dma_wait3A_946, %dma_wait3A_947] : memref<128x128xf32, #tpu.memory_space<vmem>> -> memref<128x128xf32, #tpu.memory_space<vmem>>
    %dma_wait3A_949 = arith.constant 0 : i32
    %dma_wait3A_950 = arith.constant 0 : i32
    %dma_wait3A_951 = tpu.memref_slice %arg8[%dma_wait3A_949, %dma_wait3A_950] : memref<100001x128xf32, #tpu.memory_space<hbm>> -> memref<128x128xf32, #tpu.memory_space<hbm>>
    tpu.wait_dma2 semaphore(%arg41 : memref<!tpu.dma_semaphore, #tpu.memory_space<semaphore_mem>>) src(%dma_wait3A_951 : memref<128x128xf32, #tpu.memory_space<hbm>>) dst(%dma_wait3A_948 : memref<128x128xf32, #tpu.memory_space<vmem>>)
    %dma_start3A_952 = arith.constant 12672 : i32
    %dma_start3A_953 = tpu.memref_slice %arg18[%dma_start3A_952] : memref<12800xi32, #tpu.memory_space<vmem>> -> memref<128xi32, #tpu.memory_space<vmem>>
    %dma_start3A_954 = arith.constant 0 : i32
    %dma_start3A_955 = arith.constant 0 : i32
    %dma_start3A_956 = tpu.memref_slice %arg8[%dma_start3A_954, %dma_start3A_955] : memref<100001x128xf32, #tpu.memory_space<hbm>> -> memref<100001x128xf32, #tpu.memory_space<hbm>>
    tpu.enqueue_indirect_dma source(%dma_start3A_956 : memref<100001x128xf32, #tpu.memory_space<hbm>>) target(%arg23 : memref<128x128xf32, #tpu.memory_space<vmem>>) offsets(%dma_start3A_953 : memref<128xi32, #tpu.memory_space<vmem>>) semaphore(%arg36 : memref<!tpu.dma_semaphore, #tpu.memory_space<semaphore_mem>>)
    %dma_wait3A_957 = arith.constant 12288 : i32
    %dma_wait3A_958 = tpu.memref_slice %arg18[%dma_wait3A_957] : memref<12800xi32, #tpu.memory_space<vmem>> -> memref<128xi32, #tpu.memory_space<vmem>>
    %dma_wait3A_959 = arith.constant 0 : i32
    %dma_wait3A_960 = arith.constant 0 : i32
    %dma_wait3A_961 = tpu.memref_slice %arg8[%dma_wait3A_959, %dma_wait3A_960] : memref<100001x128xf32, #tpu.memory_space<hbm>> -> memref<100001x128xf32, #tpu.memory_space<hbm>>
    tpu.wait_indirect_dma semaphore(%arg33 : memref<!tpu.dma_semaphore, #tpu.memory_space<semaphore_mem>>) src(%dma_wait3A_961 : memref<100001x128xf32, #tpu.memory_space<hbm>>) dst(%arg20 : memref<128x128xf32, #tpu.memory_space<vmem>>)
    %get3A_962 = arith.constant 12288 : index
    %get3A_963 = tpu.vector_load %arg18[%get3A_962] {strides = array<i32>} : memref<12800xi32, #tpu.memory_space<vmem>>, vector<16xi32>,
    %get3A_964 = vector.shape_cast %get3A_963 : vector<16xi32> to vector<16xi32>
    %gt3A_965 = arith.constant 0 : i32
    %gt3A_966 = vector.broadcast %gt3A_965 : i32 to vector<16xi32>
    %gt3A_967 = arith.cmpi sgt, %get3A_964, %gt3A_966 : vector<16xi32>
    %jit3A_968 = arith.constant 1.000000e+00 : f32
    %jit3A_969 = arith.constant 0.000000e+00 : f32
    %broadcast_in_dim3A_970 = vector.broadcast %jit3A_968 : f32 to vector<16xf32>
    %broadcast_in_dim3A_971 = vector.broadcast %jit3A_969 : f32 to vector<16xf32>
    %select_n3A_972 = arith.select %gt3A_967, %broadcast_in_dim3A_970, %broadcast_in_dim3A_971 : vector<16xi1>, vector<16xf32>
    %swap3A_973 = arith.constant 12288 : index
    %swap3A_974 = tpu.vector_load %arg25[%swap3A_973] {strides = array<i32>} : memref<12768xf32, #tpu.memory_space<vmem>>, vector<16xf32>,
    %swap3A_975 = vector.shape_cast %swap3A_974 : vector<16xf32> to vector<16xf32>
    %swap3A_976 = vector.shape_cast %select_n3A_972 : vector<16xf32> to vector<16xf32>
    tpu.vector_store %arg25[%swap3A_973], %swap3A_976 {strides = array<i32>} : memref<12768xf32, #tpu.memory_space<vmem>>, vector<16xf32>,
    %get3A_977 = arith.constant 12304 : index
    %get3A_978 = tpu.vector_load %arg18[%get3A_977] {strides = array<i32>} : memref<12800xi32, #tpu.memory_space<vmem>>, vector<16xi32>,
    %get3A_979 = vector.shape_cast %get3A_978 : vector<16xi32> to vector<16xi32>
    %gt3A_980 = arith.constant 0 : i32
    %gt3A_981 = vector.broadcast %gt3A_980 : i32 to vector<16xi32>
    %gt3A_982 = arith.cmpi sgt, %get3A_979, %gt3A_981 : vector<16xi32>
    %jit3A_983 = arith.constant 1.000000e+00 : f32
    %jit3A_984 = arith.constant 0.000000e+00 : f32
    %broadcast_in_dim3A_985 = vector.broadcast %jit3A_983 : f32 to vector<16xf32>
    %broadcast_in_dim3A_986 = vector.broadcast %jit3A_984 : f32 to vector<16xf32>
    %select_n3A_987 = arith.select %gt3A_982, %broadcast_in_dim3A_985, %broadcast_in_dim3A_986 : vector<16xi1>, vector<16xf32>
    %swap3A_988 = arith.constant 12304 : index
    %swap3A_989 = tpu.vector_load %arg25[%swap3A_988] {strides = array<i32>} : memref<12768xf32, #tpu.memory_space<vmem>>, vector<16xf32>,
    %swap3A_990 = vector.shape_cast %swap3A_989 : vector<16xf32> to vector<16xf32>
    %swap3A_991 = vector.shape_cast %select_n3A_987 : vector<16xf32> to vector<16xf32>
    tpu.vector_store %arg25[%swap3A_988], %swap3A_991 {strides = array<i32>} : memref<12768xf32, #tpu.memory_space<vmem>>, vector<16xf32>,
    %get3A_992 = arith.constant 12320 : index
    %get3A_993 = tpu.vector_load %arg18[%get3A_992] {strides = array<i32>} : memref<12800xi32, #tpu.memory_space<vmem>>, vector<16xi32>,
    %get3A_994 = vector.shape_cast %get3A_993 : vector<16xi32> to vector<16xi32>
    %gt3A_995 = arith.constant 0 : i32
    %gt3A_996 = vector.broadcast %gt3A_995 : i32 to vector<16xi32>
    %gt3A_997 = arith.cmpi sgt, %get3A_994, %gt3A_996 : vector<16xi32>
    %jit3A_998 = arith.constant 1.000000e+00 : f32
    %jit3A_999 = arith.constant 0.000000e+00 : f32
    %broadcast_in_dim3A_1000 = vector.broadcast %jit3A_998 : f32 to vector<16xf32>
    %broadcast_in_dim3A_1001 = vector.broadcast %jit3A_999 : f32 to vector<16xf32>
    %select_n3A_1002 = arith.select %gt3A_997, %broadcast_in_dim3A_1000, %broadcast_in_dim3A_1001 : vector<16xi1>, vector<16xf32>
    %swap3A_1003 = arith.constant 12320 : index
    %swap3A_1004 = tpu.vector_load %arg25[%swap3A_1003] {strides = array<i32>} : memref<12768xf32, #tpu.memory_space<vmem>>, vector<16xf32>,
    %swap3A_1005 = vector.shape_cast %swap3A_1004 : vector<16xf32> to vector<16xf32>
    %swap3A_1006 = vector.shape_cast %select_n3A_1002 : vector<16xf32> to vector<16xf32>
    tpu.vector_store %arg25[%swap3A_1003], %swap3A_1006 {strides = array<i32>} : memref<12768xf32, #tpu.memory_space<vmem>>, vector<16xf32>,
    %get3A_1007 = arith.constant 12336 : index
    %get3A_1008 = tpu.vector_load %arg18[%get3A_1007] {strides = array<i32>} : memref<12800xi32, #tpu.memory_space<vmem>>, vector<16xi32>,
    %get3A_1009 = vector.shape_cast %get3A_1008 : vector<16xi32> to vector<16xi32>
    %gt3A_1010 = arith.constant 0 : i32
    %gt3A_1011 = vector.broadcast %gt3A_1010 : i32 to vector<16xi32>
    %gt3A_1012 = arith.cmpi sgt, %get3A_1009, %gt3A_1011 : vector<16xi32>
    %jit3A_1013 = arith.constant 1.000000e+00 : f32
    %jit3A_1014 = arith.constant 0.000000e+00 : f32
    %broadcast_in_dim3A_1015 = vector.broadcast %jit3A_1013 : f32 to vector<16xf32>
    %broadcast_in_dim3A_1016 = vector.broadcast %jit3A_1014 : f32 to vector<16xf32>
    %select_n3A_1017 = arith.select %gt3A_1012, %broadcast_in_dim3A_1015, %broadcast_in_dim3A_1016 : vector<16xi1>, vector<16xf32>
    %swap3A_1018 = arith.constant 12336 : index
    %swap3A_1019 = tpu.vector_load %arg25[%swap3A_1018] {strides = array<i32>} : memref<12768xf32, #tpu.memory_space<vmem>>, vector<16xf32>,
    %swap3A_1020 = vector.shape_cast %swap3A_1019 : vector<16xf32> to vector<16xf32>
    %swap3A_1021 = vector.shape_cast %select_n3A_1017 : vector<16xf32> to vector<16xf32>
    tpu.vector_store %arg25[%swap3A_1018], %swap3A_1021 {strides = array<i32>} : memref<12768xf32, #tpu.memory_space<vmem>>, vector<16xf32>,
    %get3A_1022 = arith.constant 12352 : index
    %get3A_1023 = tpu.vector_load %arg18[%get3A_1022] {strides = array<i32>} : memref<12800xi32, #tpu.memory_space<vmem>>, vector<16xi32>,
    %get3A_1024 = vector.shape_cast %get3A_1023 : vector<16xi32> to vector<16xi32>
    %gt3A_1025 = arith.constant 0 : i32
    %gt3A_1026 = vector.broadcast %gt3A_1025 : i32 to vector<16xi32>
    %gt3A_1027 = arith.cmpi sgt, %get3A_1024, %gt3A_1026 : vector<16xi32>
    %jit3A_1028 = arith.constant 1.000000e+00 : f32
    %jit3A_1029 = arith.constant 0.000000e+00 : f32
    %broadcast_in_dim3A_1030 = vector.broadcast %jit3A_1028 : f32 to vector<16xf32>
    %broadcast_in_dim3A_1031 = vector.broadcast %jit3A_1029 : f32 to vector<16xf32>
    %select_n3A_1032 = arith.select %gt3A_1027, %broadcast_in_dim3A_1030, %broadcast_in_dim3A_1031 : vector<16xi1>, vector<16xf32>
    %swap3A_1033 = arith.constant 12352 : index
    %swap3A_1034 = tpu.vector_load %arg25[%swap3A_1033] {strides = array<i32>} : memref<12768xf32, #tpu.memory_space<vmem>>, vector<16xf32>,
    %swap3A_1035 = vector.shape_cast %swap3A_1034 : vector<16xf32> to vector<16xf32>
    %swap3A_1036 = vector.shape_cast %select_n3A_1032 : vector<16xf32> to vector<16xf32>
    tpu.vector_store %arg25[%swap3A_1033], %swap3A_1036 {strides = array<i32>} : memref<12768xf32, #tpu.memory_space<vmem>>, vector<16xf32>,
    %get3A_1037 = arith.constant 12368 : index
    %get3A_1038 = tpu.vector_load %arg18[%get3A_1037] {strides = array<i32>} : memref<12800xi32, #tpu.memory_space<vmem>>, vector<16xi32>,
    %get3A_1039 = vector.shape_cast %get3A_1038 : vector<16xi32> to vector<16xi32>
    %gt3A_1040 = arith.constant 0 : i32
    %gt3A_1041 = vector.broadcast %gt3A_1040 : i32 to vector<16xi32>
    %gt3A_1042 = arith.cmpi sgt, %get3A_1039, %gt3A_1041 : vector<16xi32>
    %jit3A_1043 = arith.constant 1.000000e+00 : f32
    %jit3A_1044 = arith.constant 0.000000e+00 : f32
    %broadcast_in_dim3A_1045 = vector.broadcast %jit3A_1043 : f32 to vector<16xf32>
    %broadcast_in_dim3A_1046 = vector.broadcast %jit3A_1044 : f32 to vector<16xf32>
    %select_n3A_1047 = arith.select %gt3A_1042, %broadcast_in_dim3A_1045, %broadcast_in_dim3A_1046 : vector<16xi1>, vector<16xf32>
    %swap3A_1048 = arith.constant 12368 : index
    %swap3A_1049 = tpu.vector_load %arg25[%swap3A_1048] {strides = array<i32>} : memref<12768xf32, #tpu.memory_space<vmem>>, vector<16xf32>,
    %swap3A_1050 = vector.shape_cast %swap3A_1049 : vector<16xf32> to vector<16xf32>
    %swap3A_1051 = vector.shape_cast %select_n3A_1047 : vector<16xf32> to vector<16xf32>
    tpu.vector_store %arg25[%swap3A_1048], %swap3A_1051 {strides = array<i32>} : memref<12768xf32, #tpu.memory_space<vmem>>, vector<16xf32>,
    %get3A_1052 = arith.constant 12384 : index
    %get3A_1053 = tpu.vector_load %arg18[%get3A_1052] {strides = array<i32>} : memref<12800xi32, #tpu.memory_space<vmem>>, vector<16xi32>,
    %get3A_1054 = vector.shape_cast %get3A_1053 : vector<16xi32> to vector<16xi32>
    %gt3A_1055 = arith.constant 0 : i32
    %gt3A_1056 = vector.broadcast %gt3A_1055 : i32 to vector<16xi32>
    %gt3A_1057 = arith.cmpi sgt, %get3A_1054, %gt3A_1056 : vector<16xi32>
    %jit3A_1058 = arith.constant 1.000000e+00 : f32
    %jit3A_1059 = arith.constant 0.000000e+00 : f32
    %broadcast_in_dim3A_1060 = vector.broadcast %jit3A_1058 : f32 to vector<16xf32>
    %broadcast_in_dim3A_1061 = vector.broadcast %jit3A_1059 : f32 to vector<16xf32>
    %select_n3A_1062 = arith.select %gt3A_1057, %broadcast_in_dim3A_1060, %broadcast_in_dim3A_1061 : vector<16xi1>, vector<16xf32>
    %swap3A_1063 = arith.constant 12384 : index
    %swap3A_1064 = tpu.vector_load %arg25[%swap3A_1063] {strides = array<i32>} : memref<12768xf32, #tpu.memory_space<vmem>>, vector<16xf32>,
    %swap3A_1065 = vector.shape_cast %swap3A_1064 : vector<16xf32> to vector<16xf32>
    %swap3A_1066 = vector.shape_cast %select_n3A_1062 : vector<16xf32> to vector<16xf32>
    tpu.vector_store %arg25[%swap3A_1063], %swap3A_1066 {strides = array<i32>} : memref<12768xf32, #tpu.memory_space<vmem>>, vector<16xf32>,
    %get3A_1067 = arith.constant 12400 : index
    %get3A_1068 = tpu.vector_load %arg18[%get3A_1067] {strides = array<i32>} : memref<12800xi32, #tpu.memory_space<vmem>>, vector<16xi32>,
    %get3A_1069 = vector.shape_cast %get3A_1068 : vector<16xi32> to vector<16xi32>
    %gt3A_1070 = arith.constant 0 : i32
    %gt3A_1071 = vector.broadcast %gt3A_1070 : i32 to vector<16xi32>
    %gt3A_1072 = arith.cmpi sgt, %get3A_1069, %gt3A_1071 : vector<16xi32>
    %jit3A_1073 = arith.constant 1.000000e+00 : f32
    %jit3A_1074 = arith.constant 0.000000e+00 : f32
    %broadcast_in_dim3A_1075 = vector.broadcast %jit3A_1073 : f32 to vector<16xf32>
    %broadcast_in_dim3A_1076 = vector.broadcast %jit3A_1074 : f32 to vector<16xf32>
    %select_n3A_1077 = arith.select %gt3A_1072, %broadcast_in_dim3A_1075, %broadcast_in_dim3A_1076 : vector<16xi1>, vector<16xf32>
    %swap3A_1078 = arith.constant 12400 : index
    %swap3A_1079 = tpu.vector_load %arg25[%swap3A_1078] {strides = array<i32>} : memref<12768xf32, #tpu.memory_space<vmem>>, vector<16xf32>,
    %swap3A_1080 = vector.shape_cast %swap3A_1079 : vector<16xf32> to vector<16xf32>
    %swap3A_1081 = vector.shape_cast %select_n3A_1077 : vector<16xf32> to vector<16xf32>
    tpu.vector_store %arg25[%swap3A_1078], %swap3A_1081 {strides = array<i32>} : memref<12768xf32, #tpu.memory_space<vmem>>, vector<16xf32>,
    %dma_start3A_1082 = arith.constant 0 : i32
    %dma_start3A_1083 = arith.constant 0 : i32
    %dma_start3A_1084 = tpu.memref_slice %arg20[%dma_start3A_1082, %dma_start3A_1083] : memref<128x128xf32, #tpu.memory_space<vmem>> -> memref<128x128xf32, #tpu.memory_space<vmem>>
    %dma_start3A_1085 = arith.constant 0 : i32
    %dma_start3A_1086 = tpu.memref_slice %arg14[%add3A_939, %dma_start3A_1085] : memref<203776x128xf32, #tpu.memory_space<hbm>> -> memref<128x128xf32, #tpu.memory_space<hbm>>
    %dma_start3A_1087 = arith.constant 0 : i32
    %dma_start3A_1088 = tpu.memref_slice %arg14[%add3A_939, %dma_start3A_1087] : memref<203776x128xf32, #tpu.memory_space<hbm>> -> memref<128x128xf32, #tpu.memory_space<hbm>>
    %dma_start3A_1089 = arith.constant 0 : i32
    %dma_start3A_1090 = arith.constant 0 : i32
    %dma_start3A_1091 = tpu.memref_slice %arg20[%dma_start3A_1089, %dma_start3A_1090] : memref<128x128xf32, #tpu.memory_space<vmem>> -> memref<128x128xf32, #tpu.memory_space<vmem>>
    tpu.enqueue_dma source(%dma_start3A_1091 : memref<128x128xf32, #tpu.memory_space<vmem>>) target(%dma_start3A_1088 : memref<128x128xf32, #tpu.memory_space<hbm>>) target_semaphore(%arg38 : memref<!tpu.dma_semaphore, #tpu.memory_space<semaphore_mem>>)
    %add3A_1092 = arith.constant 6016 : i32
    %add3A_1093 = arith.addi %mul3A_20, %add3A_1092 : i32
    %dma_wait3A_1094 = arith.constant 12416 : i32
    %dma_wait3A_1095 = tpu.memref_slice %arg18[%dma_wait3A_1094] : memref<12800xi32, #tpu.memory_space<vmem>> -> memref<128xi32, #tpu.memory_space<vmem>>
    %dma_wait3A_1096 = arith.constant 0 : i32
    %dma_wait3A_1097 = arith.constant 0 : i32
    %dma_wait3A_1098 = tpu.memref_slice %arg8[%dma_wait3A_1096, %dma_wait3A_1097] : memref<100001x128xf32, #tpu.memory_space<hbm>> -> memref<100001x128xf32, #tpu.memory_space<hbm>>
    tpu.wait_indirect_dma semaphore(%arg34 : memref<!tpu.dma_semaphore, #tpu.memory_space<semaphore_mem>>) src(%dma_wait3A_1098 : memref<100001x128xf32, #tpu.memory_space<hbm>>) dst(%arg21 : memref<128x128xf32, #tpu.memory_space<vmem>>)
    %get3A_1099 = arith.constant 12416 : index
    %get3A_1100 = tpu.vector_load %arg18[%get3A_1099] {strides = array<i32>} : memref<12800xi32, #tpu.memory_space<vmem>>, vector<16xi32>,
    %get3A_1101 = vector.shape_cast %get3A_1100 : vector<16xi32> to vector<16xi32>
    %gt3A_1102 = arith.constant 0 : i32
    %gt3A_1103 = vector.broadcast %gt3A_1102 : i32 to vector<16xi32>
    %gt3A_1104 = arith.cmpi sgt, %get3A_1101, %gt3A_1103 : vector<16xi32>
    %jit3A_1105 = arith.constant 1.000000e+00 : f32
    %jit3A_1106 = arith.constant 0.000000e+00 : f32
    %broadcast_in_dim3A_1107 = vector.broadcast %jit3A_1105 : f32 to vector<16xf32>
    %broadcast_in_dim3A_1108 = vector.broadcast %jit3A_1106 : f32 to vector<16xf32>
    %select_n3A_1109 = arith.select %gt3A_1104, %broadcast_in_dim3A_1107, %broadcast_in_dim3A_1108 : vector<16xi1>, vector<16xf32>
    %swap3A_1110 = arith.constant 12416 : index
    %swap3A_1111 = tpu.vector_load %arg25[%swap3A_1110] {strides = array<i32>} : memref<12768xf32, #tpu.memory_space<vmem>>, vector<16xf32>,
    %swap3A_1112 = vector.shape_cast %swap3A_1111 : vector<16xf32> to vector<16xf32>
    %swap3A_1113 = vector.shape_cast %select_n3A_1109 : vector<16xf32> to vector<16xf32>
    tpu.vector_store %arg25[%swap3A_1110], %swap3A_1113 {strides = array<i32>} : memref<12768xf32, #tpu.memory_space<vmem>>, vector<16xf32>,
    %get3A_1114 = arith.constant 12432 : index
    %get3A_1115 = tpu.vector_load %arg18[%get3A_1114] {strides = array<i32>} : memref<12800xi32, #tpu.memory_space<vmem>>, vector<16xi32>,
    %get3A_1116 = vector.shape_cast %get3A_1115 : vector<16xi32> to vector<16xi32>
    %gt3A_1117 = arith.constant 0 : i32
    %gt3A_1118 = vector.broadcast %gt3A_1117 : i32 to vector<16xi32>
    %gt3A_1119 = arith.cmpi sgt, %get3A_1116, %gt3A_1118 : vector<16xi32>
    %jit3A_1120 = arith.constant 1.000000e+00 : f32
    %jit3A_1121 = arith.constant 0.000000e+00 : f32
    %broadcast_in_dim3A_1122 = vector.broadcast %jit3A_1120 : f32 to vector<16xf32>
    %broadcast_in_dim3A_1123 = vector.broadcast %jit3A_1121 : f32 to vector<16xf32>
    %select_n3A_1124 = arith.select %gt3A_1119, %broadcast_in_dim3A_1122, %broadcast_in_dim3A_1123 : vector<16xi1>, vector<16xf32>
    %swap3A_1125 = arith.constant 12432 : index
    %swap3A_1126 = tpu.vector_load %arg25[%swap3A_1125] {strides = array<i32>} : memref<12768xf32, #tpu.memory_space<vmem>>, vector<16xf32>,
    %swap3A_1127 = vector.shape_cast %swap3A_1126 : vector<16xf32> to vector<16xf32>
    %swap3A_1128 = vector.shape_cast %select_n3A_1124 : vector<16xf32> to vector<16xf32>
    tpu.vector_store %arg25[%swap3A_1125], %swap3A_1128 {strides = array<i32>} : memref<12768xf32, #tpu.memory_space<vmem>>, vector<16xf32>,
    %get3A_1129 = arith.constant 12448 : index
    %get3A_1130 = tpu.vector_load %arg18[%get3A_1129] {strides = array<i32>} : memref<12800xi32, #tpu.memory_space<vmem>>, vector<16xi32>,
    %get3A_1131 = vector.shape_cast %get3A_1130 : vector<16xi32> to vector<16xi32>
    %gt3A_1132 = arith.constant 0 : i32
    %gt3A_1133 = vector.broadcast %gt3A_1132 : i32 to vector<16xi32>
    %gt3A_1134 = arith.cmpi sgt, %get3A_1131, %gt3A_1133 : vector<16xi32>
    %jit3A_1135 = arith.constant 1.000000e+00 : f32
    %jit3A_1136 = arith.constant 0.000000e+00 : f32
    %broadcast_in_dim3A_1137 = vector.broadcast %jit3A_1135 : f32 to vector<16xf32>
    %broadcast_in_dim3A_1138 = vector.broadcast %jit3A_1136 : f32 to vector<16xf32>
    %select_n3A_1139 = arith.select %gt3A_1134, %broadcast_in_dim3A_1137, %broadcast_in_dim3A_1138 : vector<16xi1>, vector<16xf32>
    %swap3A_1140 = arith.constant 12448 : index
    %swap3A_1141 = tpu.vector_load %arg25[%swap3A_1140] {strides = array<i32>} : memref<12768xf32, #tpu.memory_space<vmem>>, vector<16xf32>,
    %swap3A_1142 = vector.shape_cast %swap3A_1141 : vector<16xf32> to vector<16xf32>
    %swap3A_1143 = vector.shape_cast %select_n3A_1139 : vector<16xf32> to vector<16xf32>
    tpu.vector_store %arg25[%swap3A_1140], %swap3A_1143 {strides = array<i32>} : memref<12768xf32, #tpu.memory_space<vmem>>, vector<16xf32>,
    %get3A_1144 = arith.constant 12464 : index
    %get3A_1145 = tpu.vector_load %arg18[%get3A_1144] {strides = array<i32>} : memref<12800xi32, #tpu.memory_space<vmem>>, vector<16xi32>,
    %get3A_1146 = vector.shape_cast %get3A_1145 : vector<16xi32> to vector<16xi32>
    %gt3A_1147 = arith.constant 0 : i32
    %gt3A_1148 = vector.broadcast %gt3A_1147 : i32 to vector<16xi32>
    %gt3A_1149 = arith.cmpi sgt, %get3A_1146, %gt3A_1148 : vector<16xi32>
    %jit3A_1150 = arith.constant 1.000000e+00 : f32
    %jit3A_1151 = arith.constant 0.000000e+00 : f32
    %broadcast_in_dim3A_1152 = vector.broadcast %jit3A_1150 : f32 to vector<16xf32>
    %broadcast_in_dim3A_1153 = vector.broadcast %jit3A_1151 : f32 to vector<16xf32>
    %select_n3A_1154 = arith.select %gt3A_1149, %broadcast_in_dim3A_1152, %broadcast_in_dim3A_1153 : vector<16xi1>, vector<16xf32>
    %swap3A_1155 = arith.constant 12464 : index
    %swap3A_1156 = tpu.vector_load %arg25[%swap3A_1155] {strides = array<i32>} : memref<12768xf32, #tpu.memory_space<vmem>>, vector<16xf32>,
    %swap3A_1157 = vector.shape_cast %swap3A_1156 : vector<16xf32> to vector<16xf32>
    %swap3A_1158 = vector.shape_cast %select_n3A_1154 : vector<16xf32> to vector<16xf32>
    tpu.vector_store %arg25[%swap3A_1155], %swap3A_1158 {strides = array<i32>} : memref<12768xf32, #tpu.memory_space<vmem>>, vector<16xf32>,
    %get3A_1159 = arith.constant 12480 : index
    %get3A_1160 = tpu.vector_load %arg18[%get3A_1159] {strides = array<i32>} : memref<12800xi32, #tpu.memory_space<vmem>>, vector<16xi32>,
    %get3A_1161 = vector.shape_cast %get3A_1160 : vector<16xi32> to vector<16xi32>
    %gt3A_1162 = arith.constant 0 : i32
    %gt3A_1163 = vector.broadcast %gt3A_1162 : i32 to vector<16xi32>
    %gt3A_1164 = arith.cmpi sgt, %get3A_1161, %gt3A_1163 : vector<16xi32>
    %jit3A_1165 = arith.constant 1.000000e+00 : f32
    %jit3A_1166 = arith.constant 0.000000e+00 : f32
    %broadcast_in_dim3A_1167 = vector.broadcast %jit3A_1165 : f32 to vector<16xf32>
    %broadcast_in_dim3A_1168 = vector.broadcast %jit3A_1166 : f32 to vector<16xf32>
    %select_n3A_1169 = arith.select %gt3A_1164, %broadcast_in_dim3A_1167, %broadcast_in_dim3A_1168 : vector<16xi1>, vector<16xf32>
    %swap3A_1170 = arith.constant 12480 : index
    %swap3A_1171 = tpu.vector_load %arg25[%swap3A_1170] {strides = array<i32>} : memref<12768xf32, #tpu.memory_space<vmem>>, vector<16xf32>,
    %swap3A_1172 = vector.shape_cast %swap3A_1171 : vector<16xf32> to vector<16xf32>
    %swap3A_1173 = vector.shape_cast %select_n3A_1169 : vector<16xf32> to vector<16xf32>
    tpu.vector_store %arg25[%swap3A_1170], %swap3A_1173 {strides = array<i32>} : memref<12768xf32, #tpu.memory_space<vmem>>, vector<16xf32>,
    %get3A_1174 = arith.constant 12496 : index
    %get3A_1175 = tpu.vector_load %arg18[%get3A_1174] {strides = array<i32>} : memref<12800xi32, #tpu.memory_space<vmem>>, vector<16xi32>,
    %get3A_1176 = vector.shape_cast %get3A_1175 : vector<16xi32> to vector<16xi32>
    %gt3A_1177 = arith.constant 0 : i32
    %gt3A_1178 = vector.broadcast %gt3A_1177 : i32 to vector<16xi32>
    %gt3A_1179 = arith.cmpi sgt, %get3A_1176, %gt3A_1178 : vector<16xi32>
    %jit3A_1180 = arith.constant 1.000000e+00 : f32
    %jit3A_1181 = arith.constant 0.000000e+00 : f32
    %broadcast_in_dim3A_1182 = vector.broadcast %jit3A_1180 : f32 to vector<16xf32>
    %broadcast_in_dim3A_1183 = vector.broadcast %jit3A_1181 : f32 to vector<16xf32>
    %select_n3A_1184 = arith.select %gt3A_1179, %broadcast_in_dim3A_1182, %broadcast_in_dim3A_1183 : vector<16xi1>, vector<16xf32>
    %swap3A_1185 = arith.constant 12496 : index
    %swap3A_1186 = tpu.vector_load %arg25[%swap3A_1185] {strides = array<i32>} : memref<12768xf32, #tpu.memory_space<vmem>>, vector<16xf32>,
    %swap3A_1187 = vector.shape_cast %swap3A_1186 : vector<16xf32> to vector<16xf32>
    %swap3A_1188 = vector.shape_cast %select_n3A_1184 : vector<16xf32> to vector<16xf32>
    tpu.vector_store %arg25[%swap3A_1185], %swap3A_1188 {strides = array<i32>} : memref<12768xf32, #tpu.memory_space<vmem>>, vector<16xf32>,
    %get3A_1189 = arith.constant 12512 : index
    %get3A_1190 = tpu.vector_load %arg18[%get3A_1189] {strides = array<i32>} : memref<12800xi32, #tpu.memory_space<vmem>>, vector<16xi32>,
    %get3A_1191 = vector.shape_cast %get3A_1190 : vector<16xi32> to vector<16xi32>
    %gt3A_1192 = arith.constant 0 : i32
    %gt3A_1193 = vector.broadcast %gt3A_1192 : i32 to vector<16xi32>
    %gt3A_1194 = arith.cmpi sgt, %get3A_1191, %gt3A_1193 : vector<16xi32>
    %jit3A_1195 = arith.constant 1.000000e+00 : f32
    %jit3A_1196 = arith.constant 0.000000e+00 : f32
    %broadcast_in_dim3A_1197 = vector.broadcast %jit3A_1195 : f32 to vector<16xf32>
    %broadcast_in_dim3A_1198 = vector.broadcast %jit3A_1196 : f32 to vector<16xf32>
    %select_n3A_1199 = arith.select %gt3A_1194, %broadcast_in_dim3A_1197, %broadcast_in_dim3A_1198 : vector<16xi1>, vector<16xf32>
    %swap3A_1200 = arith.constant 12512 : index
    %swap3A_1201 = tpu.vector_load %arg25[%swap3A_1200] {strides = array<i32>} : memref<12768xf32, #tpu.memory_space<vmem>>, vector<16xf32>,
    %swap3A_1202 = vector.shape_cast %swap3A_1201 : vector<16xf32> to vector<16xf32>
    %swap3A_1203 = vector.shape_cast %select_n3A_1199 : vector<16xf32> to vector<16xf32>
    tpu.vector_store %arg25[%swap3A_1200], %swap3A_1203 {strides = array<i32>} : memref<12768xf32, #tpu.memory_space<vmem>>, vector<16xf32>,
    %get3A_1204 = arith.constant 12528 : index
    %get3A_1205 = tpu.vector_load %arg18[%get3A_1204] {strides = array<i32>} : memref<12800xi32, #tpu.memory_space<vmem>>, vector<16xi32>,
    %get3A_1206 = vector.shape_cast %get3A_1205 : vector<16xi32> to vector<16xi32>
    %gt3A_1207 = arith.constant 0 : i32
    %gt3A_1208 = vector.broadcast %gt3A_1207 : i32 to vector<16xi32>
    %gt3A_1209 = arith.cmpi sgt, %get3A_1206, %gt3A_1208 : vector<16xi32>
    %jit3A_1210 = arith.constant 1.000000e+00 : f32
    %jit3A_1211 = arith.constant 0.000000e+00 : f32
    %broadcast_in_dim3A_1212 = vector.broadcast %jit3A_1210 : f32 to vector<16xf32>
    %broadcast_in_dim3A_1213 = vector.broadcast %jit3A_1211 : f32 to vector<16xf32>
    %select_n3A_1214 = arith.select %gt3A_1209, %broadcast_in_dim3A_1212, %broadcast_in_dim3A_1213 : vector<16xi1>, vector<16xf32>
    %swap3A_1215 = arith.constant 12528 : index
    %swap3A_1216 = tpu.vector_load %arg25[%swap3A_1215] {strides = array<i32>} : memref<12768xf32, #tpu.memory_space<vmem>>, vector<16xf32>,
    %swap3A_1217 = vector.shape_cast %swap3A_1216 : vector<16xf32> to vector<16xf32>
    %swap3A_1218 = vector.shape_cast %select_n3A_1214 : vector<16xf32> to vector<16xf32>
    tpu.vector_store %arg25[%swap3A_1215], %swap3A_1218 {strides = array<i32>} : memref<12768xf32, #tpu.memory_space<vmem>>, vector<16xf32>,
    %dma_start3A_1219 = arith.constant 0 : i32
    %dma_start3A_1220 = arith.constant 0 : i32
    %dma_start3A_1221 = tpu.memref_slice %arg21[%dma_start3A_1219, %dma_start3A_1220] : memref<128x128xf32, #tpu.memory_space<vmem>> -> memref<128x128xf32, #tpu.memory_space<vmem>>
    %dma_start3A_1222 = arith.constant 0 : i32
    %dma_start3A_1223 = tpu.memref_slice %arg14[%add3A_1093, %dma_start3A_1222] : memref<203776x128xf32, #tpu.memory_space<hbm>> -> memref<128x128xf32, #tpu.memory_space<hbm>>
    %dma_start3A_1224 = arith.constant 0 : i32
    %dma_start3A_1225 = tpu.memref_slice %arg14[%add3A_1093, %dma_start3A_1224] : memref<203776x128xf32, #tpu.memory_space<hbm>> -> memref<128x128xf32, #tpu.memory_space<hbm>>
    %dma_start3A_1226 = arith.constant 0 : i32
    %dma_start3A_1227 = arith.constant 0 : i32
    %dma_start3A_1228 = tpu.memref_slice %arg21[%dma_start3A_1226, %dma_start3A_1227] : memref<128x128xf32, #tpu.memory_space<vmem>> -> memref<128x128xf32, #tpu.memory_space<vmem>>
    tpu.enqueue_dma source(%dma_start3A_1228 : memref<128x128xf32, #tpu.memory_space<vmem>>) target(%dma_start3A_1225 : memref<128x128xf32, #tpu.memory_space<hbm>>) target_semaphore(%arg39 : memref<!tpu.dma_semaphore, #tpu.memory_space<semaphore_mem>>)
    %add3A_1229 = arith.constant 6144 : i32
    %add3A_1230 = arith.addi %mul3A_20, %add3A_1229 : i32
    %dma_wait3A_1231 = arith.constant 12544 : i32
    %dma_wait3A_1232 = tpu.memref_slice %arg18[%dma_wait3A_1231] : memref<12800xi32, #tpu.memory_space<vmem>> -> memref<128xi32, #tpu.memory_space<vmem>>
    %dma_wait3A_1233 = arith.constant 0 : i32
    %dma_wait3A_1234 = arith.constant 0 : i32
    %dma_wait3A_1235 = tpu.memref_slice %arg8[%dma_wait3A_1233, %dma_wait3A_1234] : memref<100001x128xf32, #tpu.memory_space<hbm>> -> memref<100001x128xf32, #tpu.memory_space<hbm>>
    tpu.wait_indirect_dma semaphore(%arg35 : memref<!tpu.dma_semaphore, #tpu.memory_space<semaphore_mem>>) src(%dma_wait3A_1235 : memref<100001x128xf32, #tpu.memory_space<hbm>>) dst(%arg22 : memref<128x128xf32, #tpu.memory_space<vmem>>)
    %get3A_1236 = arith.constant 12544 : index
    %get3A_1237 = tpu.vector_load %arg18[%get3A_1236] {strides = array<i32>} : memref<12800xi32, #tpu.memory_space<vmem>>, vector<16xi32>,
    %get3A_1238 = vector.shape_cast %get3A_1237 : vector<16xi32> to vector<16xi32>
    %gt3A_1239 = arith.constant 0 : i32
    %gt3A_1240 = vector.broadcast %gt3A_1239 : i32 to vector<16xi32>
    %gt3A_1241 = arith.cmpi sgt, %get3A_1238, %gt3A_1240 : vector<16xi32>
    %jit3A_1242 = arith.constant 1.000000e+00 : f32
    %jit3A_1243 = arith.constant 0.000000e+00 : f32
    %broadcast_in_dim3A_1244 = vector.broadcast %jit3A_1242 : f32 to vector<16xf32>
    %broadcast_in_dim3A_1245 = vector.broadcast %jit3A_1243 : f32 to vector<16xf32>
    %select_n3A_1246 = arith.select %gt3A_1241, %broadcast_in_dim3A_1244, %broadcast_in_dim3A_1245 : vector<16xi1>, vector<16xf32>
    %swap3A_1247 = arith.constant 12544 : index
    %swap3A_1248 = tpu.vector_load %arg25[%swap3A_1247] {strides = array<i32>} : memref<12768xf32, #tpu.memory_space<vmem>>, vector<16xf32>,
    %swap3A_1249 = vector.shape_cast %swap3A_1248 : vector<16xf32> to vector<16xf32>
    %swap3A_1250 = vector.shape_cast %select_n3A_1246 : vector<16xf32> to vector<16xf32>
    tpu.vector_store %arg25[%swap3A_1247], %swap3A_1250 {strides = array<i32>} : memref<12768xf32, #tpu.memory_space<vmem>>, vector<16xf32>,
    %get3A_1251 = arith.constant 12560 : index
    %get3A_1252 = tpu.vector_load %arg18[%get3A_1251] {strides = array<i32>} : memref<12800xi32, #tpu.memory_space<vmem>>, vector<16xi32>,
    %get3A_1253 = vector.shape_cast %get3A_1252 : vector<16xi32> to vector<16xi32>
    %gt3A_1254 = arith.constant 0 : i32
    %gt3A_1255 = vector.broadcast %gt3A_1254 : i32 to vector<16xi32>
    %gt3A_1256 = arith.cmpi sgt, %get3A_1253, %gt3A_1255 : vector<16xi32>
    %jit3A_1257 = arith.constant 1.000000e+00 : f32
    %jit3A_1258 = arith.constant 0.000000e+00 : f32
    %broadcast_in_dim3A_1259 = vector.broadcast %jit3A_1257 : f32 to vector<16xf32>
    %broadcast_in_dim3A_1260 = vector.broadcast %jit3A_1258 : f32 to vector<16xf32>
    %select_n3A_1261 = arith.select %gt3A_1256, %broadcast_in_dim3A_1259, %broadcast_in_dim3A_1260 : vector<16xi1>, vector<16xf32>
    %swap3A_1262 = arith.constant 12560 : index
    %swap3A_1263 = tpu.vector_load %arg25[%swap3A_1262] {strides = array<i32>} : memref<12768xf32, #tpu.memory_space<vmem>>, vector<16xf32>,
    %swap3A_1264 = vector.shape_cast %swap3A_1263 : vector<16xf32> to vector<16xf32>
    %swap3A_1265 = vector.shape_cast %select_n3A_1261 : vector<16xf32> to vector<16xf32>
    tpu.vector_store %arg25[%swap3A_1262], %swap3A_1265 {strides = array<i32>} : memref<12768xf32, #tpu.memory_space<vmem>>, vector<16xf32>,
    %get3A_1266 = arith.constant 12576 : index
    %get3A_1267 = tpu.vector_load %arg18[%get3A_1266] {strides = array<i32>} : memref<12800xi32, #tpu.memory_space<vmem>>, vector<16xi32>,
    %get3A_1268 = vector.shape_cast %get3A_1267 : vector<16xi32> to vector<16xi32>
    %gt3A_1269 = arith.constant 0 : i32
    %gt3A_1270 = vector.broadcast %gt3A_1269 : i32 to vector<16xi32>
    %gt3A_1271 = arith.cmpi sgt, %get3A_1268, %gt3A_1270 : vector<16xi32>
    %jit3A_1272 = arith.constant 1.000000e+00 : f32
    %jit3A_1273 = arith.constant 0.000000e+00 : f32
    %broadcast_in_dim3A_1274 = vector.broadcast %jit3A_1272 : f32 to vector<16xf32>
    %broadcast_in_dim3A_1275 = vector.broadcast %jit3A_1273 : f32 to vector<16xf32>
    %select_n3A_1276 = arith.select %gt3A_1271, %broadcast_in_dim3A_1274, %broadcast_in_dim3A_1275 : vector<16xi1>, vector<16xf32>
    %swap3A_1277 = arith.constant 12576 : index
    %swap3A_1278 = tpu.vector_load %arg25[%swap3A_1277] {strides = array<i32>} : memref<12768xf32, #tpu.memory_space<vmem>>, vector<16xf32>,
    %swap3A_1279 = vector.shape_cast %swap3A_1278 : vector<16xf32> to vector<16xf32>
    %swap3A_1280 = vector.shape_cast %select_n3A_1276 : vector<16xf32> to vector<16xf32>
    tpu.vector_store %arg25[%swap3A_1277], %swap3A_1280 {strides = array<i32>} : memref<12768xf32, #tpu.memory_space<vmem>>, vector<16xf32>,
    %get3A_1281 = arith.constant 12592 : index
    %get3A_1282 = tpu.vector_load %arg18[%get3A_1281] {strides = array<i32>} : memref<12800xi32, #tpu.memory_space<vmem>>, vector<16xi32>,
    %get3A_1283 = vector.shape_cast %get3A_1282 : vector<16xi32> to vector<16xi32>
    %gt3A_1284 = arith.constant 0 : i32
    %gt3A_1285 = vector.broadcast %gt3A_1284 : i32 to vector<16xi32>
    %gt3A_1286 = arith.cmpi sgt, %get3A_1283, %gt3A_1285 : vector<16xi32>
    %jit3A_1287 = arith.constant 1.000000e+00 : f32
    %jit3A_1288 = arith.constant 0.000000e+00 : f32
    %broadcast_in_dim3A_1289 = vector.broadcast %jit3A_1287 : f32 to vector<16xf32>
    %broadcast_in_dim3A_1290 = vector.broadcast %jit3A_1288 : f32 to vector<16xf32>
    %select_n3A_1291 = arith.select %gt3A_1286, %broadcast_in_dim3A_1289, %broadcast_in_dim3A_1290 : vector<16xi1>, vector<16xf32>
    %swap3A_1292 = arith.constant 12592 : index
    %swap3A_1293 = tpu.vector_load %arg25[%swap3A_1292] {strides = array<i32>} : memref<12768xf32, #tpu.memory_space<vmem>>, vector<16xf32>,
    %swap3A_1294 = vector.shape_cast %swap3A_1293 : vector<16xf32> to vector<16xf32>
    %swap3A_1295 = vector.shape_cast %select_n3A_1291 : vector<16xf32> to vector<16xf32>
    tpu.vector_store %arg25[%swap3A_1292], %swap3A_1295 {strides = array<i32>} : memref<12768xf32, #tpu.memory_space<vmem>>, vector<16xf32>,
    %get3A_1296 = arith.constant 12608 : index
    %get3A_1297 = tpu.vector_load %arg18[%get3A_1296] {strides = array<i32>} : memref<12800xi32, #tpu.memory_space<vmem>>, vector<16xi32>,
    %get3A_1298 = vector.shape_cast %get3A_1297 : vector<16xi32> to vector<16xi32>
    %gt3A_1299 = arith.constant 0 : i32
    %gt3A_1300 = vector.broadcast %gt3A_1299 : i32 to vector<16xi32>
    %gt3A_1301 = arith.cmpi sgt, %get3A_1298, %gt3A_1300 : vector<16xi32>
    %jit3A_1302 = arith.constant 1.000000e+00 : f32
    %jit3A_1303 = arith.constant 0.000000e+00 : f32
    %broadcast_in_dim3A_1304 = vector.broadcast %jit3A_1302 : f32 to vector<16xf32>
    %broadcast_in_dim3A_1305 = vector.broadcast %jit3A_1303 : f32 to vector<16xf32>
    %select_n3A_1306 = arith.select %gt3A_1301, %broadcast_in_dim3A_1304, %broadcast_in_dim3A_1305 : vector<16xi1>, vector<16xf32>
    %swap3A_1307 = arith.constant 12608 : index
    %swap3A_1308 = tpu.vector_load %arg25[%swap3A_1307] {strides = array<i32>} : memref<12768xf32, #tpu.memory_space<vmem>>, vector<16xf32>,
    %swap3A_1309 = vector.shape_cast %swap3A_1308 : vector<16xf32> to vector<16xf32>
    %swap3A_1310 = vector.shape_cast %select_n3A_1306 : vector<16xf32> to vector<16xf32>
    tpu.vector_store %arg25[%swap3A_1307], %swap3A_1310 {strides = array<i32>} : memref<12768xf32, #tpu.memory_space<vmem>>, vector<16xf32>,
    %get3A_1311 = arith.constant 12624 : index
    %get3A_1312 = tpu.vector_load %arg18[%get3A_1311] {strides = array<i32>} : memref<12800xi32, #tpu.memory_space<vmem>>, vector<16xi32>,
    %get3A_1313 = vector.shape_cast %get3A_1312 : vector<16xi32> to vector<16xi32>
    %gt3A_1314 = arith.constant 0 : i32
    %gt3A_1315 = vector.broadcast %gt3A_1314 : i32 to vector<16xi32>
    %gt3A_1316 = arith.cmpi sgt, %get3A_1313, %gt3A_1315 : vector<16xi32>
    %jit3A_1317 = arith.constant 1.000000e+00 : f32
    %jit3A_1318 = arith.constant 0.000000e+00 : f32
    %broadcast_in_dim3A_1319 = vector.broadcast %jit3A_1317 : f32 to vector<16xf32>
    %broadcast_in_dim3A_1320 = vector.broadcast %jit3A_1318 : f32 to vector<16xf32>
    %select_n3A_1321 = arith.select %gt3A_1316, %broadcast_in_dim3A_1319, %broadcast_in_dim3A_1320 : vector<16xi1>, vector<16xf32>
    %swap3A_1322 = arith.constant 12624 : index
    %swap3A_1323 = tpu.vector_load %arg25[%swap3A_1322] {strides = array<i32>} : memref<12768xf32, #tpu.memory_space<vmem>>, vector<16xf32>,
    %swap3A_1324 = vector.shape_cast %swap3A_1323 : vector<16xf32> to vector<16xf32>
    %swap3A_1325 = vector.shape_cast %select_n3A_1321 : vector<16xf32> to vector<16xf32>
    tpu.vector_store %arg25[%swap3A_1322], %swap3A_1325 {strides = array<i32>} : memref<12768xf32, #tpu.memory_space<vmem>>, vector<16xf32>,
    %get3A_1326 = arith.constant 12640 : index
    %get3A_1327 = tpu.vector_load %arg18[%get3A_1326] {strides = array<i32>} : memref<12800xi32, #tpu.memory_space<vmem>>, vector<16xi32>,
    %get3A_1328 = vector.shape_cast %get3A_1327 : vector<16xi32> to vector<16xi32>
    %gt3A_1329 = arith.constant 0 : i32
    %gt3A_1330 = vector.broadcast %gt3A_1329 : i32 to vector<16xi32>
    %gt3A_1331 = arith.cmpi sgt, %get3A_1328, %gt3A_1330 : vector<16xi32>
    %jit3A_1332 = arith.constant 1.000000e+00 : f32
    %jit3A_1333 = arith.constant 0.000000e+00 : f32
    %broadcast_in_dim3A_1334 = vector.broadcast %jit3A_1332 : f32 to vector<16xf32>
    %broadcast_in_dim3A_1335 = vector.broadcast %jit3A_1333 : f32 to vector<16xf32>
    %select_n3A_1336 = arith.select %gt3A_1331, %broadcast_in_dim3A_1334, %broadcast_in_dim3A_1335 : vector<16xi1>, vector<16xf32>
    %swap3A_1337 = arith.constant 12640 : index
    %swap3A_1338 = tpu.vector_load %arg25[%swap3A_1337] {strides = array<i32>} : memref<12768xf32, #tpu.memory_space<vmem>>, vector<16xf32>,
    %swap3A_1339 = vector.shape_cast %swap3A_1338 : vector<16xf32> to vector<16xf32>
    %swap3A_1340 = vector.shape_cast %select_n3A_1336 : vector<16xf32> to vector<16xf32>
    tpu.vector_store %arg25[%swap3A_1337], %swap3A_1340 {strides = array<i32>} : memref<12768xf32, #tpu.memory_space<vmem>>, vector<16xf32>,
    %get3A_1341 = arith.constant 12656 : index
    %get3A_1342 = tpu.vector_load %arg18[%get3A_1341] {strides = array<i32>} : memref<12800xi32, #tpu.memory_space<vmem>>, vector<16xi32>,
    %get3A_1343 = vector.shape_cast %get3A_1342 : vector<16xi32> to vector<16xi32>
    %gt3A_1344 = arith.constant 0 : i32
    %gt3A_1345 = vector.broadcast %gt3A_1344 : i32 to vector<16xi32>
    %gt3A_1346 = arith.cmpi sgt, %get3A_1343, %gt3A_1345 : vector<16xi32>
    %jit3A_1347 = arith.constant 1.000000e+00 : f32
    %jit3A_1348 = arith.constant 0.000000e+00 : f32
    %broadcast_in_dim3A_1349 = vector.broadcast %jit3A_1347 : f32 to vector<16xf32>
    %broadcast_in_dim3A_1350 = vector.broadcast %jit3A_1348 : f32 to vector<16xf32>
    %select_n3A_1351 = arith.select %gt3A_1346, %broadcast_in_dim3A_1349, %broadcast_in_dim3A_1350 : vector<16xi1>, vector<16xf32>
    %swap3A_1352 = arith.constant 12656 : index
    %swap3A_1353 = tpu.vector_load %arg25[%swap3A_1352] {strides = array<i32>} : memref<12768xf32, #tpu.memory_space<vmem>>, vector<16xf32>,
    %swap3A_1354 = vector.shape_cast %swap3A_1353 : vector<16xf32> to vector<16xf32>
    %swap3A_1355 = vector.shape_cast %select_n3A_1351 : vector<16xf32> to vector<16xf32>
    tpu.vector_store %arg25[%swap3A_1352], %swap3A_1355 {strides = array<i32>} : memref<12768xf32, #tpu.memory_space<vmem>>, vector<16xf32>,
    %dma_start3A_1356 = arith.constant 0 : i32
    %dma_start3A_1357 = arith.constant 0 : i32
    %dma_start3A_1358 = tpu.memref_slice %arg22[%dma_start3A_1356, %dma_start3A_1357] : memref<128x128xf32, #tpu.memory_space<vmem>> -> memref<128x128xf32, #tpu.memory_space<vmem>>
    %dma_start3A_1359 = arith.constant 0 : i32
    %dma_start3A_1360 = tpu.memref_slice %arg14[%add3A_1230, %dma_start3A_1359] : memref<203776x128xf32, #tpu.memory_space<hbm>> -> memref<128x128xf32, #tpu.memory_space<hbm>>
    %dma_start3A_1361 = arith.constant 0 : i32
    %dma_start3A_1362 = tpu.memref_slice %arg14[%add3A_1230, %dma_start3A_1361] : memref<203776x128xf32, #tpu.memory_space<hbm>> -> memref<128x128xf32, #tpu.memory_space<hbm>>
    %dma_start3A_1363 = arith.constant 0 : i32
    %dma_start3A_1364 = arith.constant 0 : i32
    %dma_start3A_1365 = tpu.memref_slice %arg22[%dma_start3A_1363, %dma_start3A_1364] : memref<128x128xf32, #tpu.memory_space<vmem>> -> memref<128x128xf32, #tpu.memory_space<vmem>>
    tpu.enqueue_dma source(%dma_start3A_1365 : memref<128x128xf32, #tpu.memory_space<vmem>>) target(%dma_start3A_1362 : memref<128x128xf32, #tpu.memory_space<hbm>>) target_semaphore(%arg40 : memref<!tpu.dma_semaphore, #tpu.memory_space<semaphore_mem>>)
    %add3A_1366 = arith.constant 6272 : i32
    %add3A_1367 = arith.addi %mul3A_20, %add3A_1366 : i32
    %dma_wait3A_1368 = arith.constant 12672 : i32
    %dma_wait3A_1369 = tpu.memref_slice %arg18[%dma_wait3A_1368] : memref<12800xi32, #tpu.memory_space<vmem>> -> memref<128xi32, #tpu.memory_space<vmem>>
    %dma_wait3A_1370 = arith.constant 0 : i32
    %dma_wait3A_1371 = arith.constant 0 : i32
    %dma_wait3A_1372 = tpu.memref_slice %arg8[%dma_wait3A_1370, %dma_wait3A_1371] : memref<100001x128xf32, #tpu.memory_space<hbm>> -> memref<100001x128xf32, #tpu.memory_space<hbm>>
    tpu.wait_indirect_dma semaphore(%arg36 : memref<!tpu.dma_semaphore, #tpu.memory_space<semaphore_mem>>) src(%dma_wait3A_1372 : memref<100001x128xf32, #tpu.memory_space<hbm>>) dst(%arg23 : memref<128x128xf32, #tpu.memory_space<vmem>>)
    %get3A_1373 = arith.constant 12672 : index
    %get3A_1374 = tpu.vector_load %arg18[%get3A_1373] {strides = array<i32>} : memref<12800xi32, #tpu.memory_space<vmem>>, vector<16xi32>,
    %get3A_1375 = vector.shape_cast %get3A_1374 : vector<16xi32> to vector<16xi32>
    %gt3A_1376 = arith.constant 0 : i32
    %gt3A_1377 = vector.broadcast %gt3A_1376 : i32 to vector<16xi32>
    %gt3A_1378 = arith.cmpi sgt, %get3A_1375, %gt3A_1377 : vector<16xi32>
    %jit3A_1379 = arith.constant 1.000000e+00 : f32
    %jit3A_1380 = arith.constant 0.000000e+00 : f32
    %broadcast_in_dim3A_1381 = vector.broadcast %jit3A_1379 : f32 to vector<16xf32>
    %broadcast_in_dim3A_1382 = vector.broadcast %jit3A_1380 : f32 to vector<16xf32>
    %select_n3A_1383 = arith.select %gt3A_1378, %broadcast_in_dim3A_1381, %broadcast_in_dim3A_1382 : vector<16xi1>, vector<16xf32>
    %swap3A_1384 = arith.constant 12672 : index
    %swap3A_1385 = tpu.vector_load %arg25[%swap3A_1384] {strides = array<i32>} : memref<12768xf32, #tpu.memory_space<vmem>>, vector<16xf32>,
    %swap3A_1386 = vector.shape_cast %swap3A_1385 : vector<16xf32> to vector<16xf32>
    %swap3A_1387 = vector.shape_cast %select_n3A_1383 : vector<16xf32> to vector<16xf32>
    tpu.vector_store %arg25[%swap3A_1384], %swap3A_1387 {strides = array<i32>} : memref<12768xf32, #tpu.memory_space<vmem>>, vector<16xf32>,
    %get3A_1388 = arith.constant 12688 : index
    %get3A_1389 = tpu.vector_load %arg18[%get3A_1388] {strides = array<i32>} : memref<12800xi32, #tpu.memory_space<vmem>>, vector<16xi32>,
    %get3A_1390 = vector.shape_cast %get3A_1389 : vector<16xi32> to vector<16xi32>
    %gt3A_1391 = arith.constant 0 : i32
    %gt3A_1392 = vector.broadcast %gt3A_1391 : i32 to vector<16xi32>
    %gt3A_1393 = arith.cmpi sgt, %get3A_1390, %gt3A_1392 : vector<16xi32>
    %jit3A_1394 = arith.constant 1.000000e+00 : f32
    %jit3A_1395 = arith.constant 0.000000e+00 : f32
    %broadcast_in_dim3A_1396 = vector.broadcast %jit3A_1394 : f32 to vector<16xf32>
    %broadcast_in_dim3A_1397 = vector.broadcast %jit3A_1395 : f32 to vector<16xf32>
    %select_n3A_1398 = arith.select %gt3A_1393, %broadcast_in_dim3A_1396, %broadcast_in_dim3A_1397 : vector<16xi1>, vector<16xf32>
    %swap3A_1399 = arith.constant 12688 : index
    %swap3A_1400 = tpu.vector_load %arg25[%swap3A_1399] {strides = array<i32>} : memref<12768xf32, #tpu.memory_space<vmem>>, vector<16xf32>,
    %swap3A_1401 = vector.shape_cast %swap3A_1400 : vector<16xf32> to vector<16xf32>
    %swap3A_1402 = vector.shape_cast %select_n3A_1398 : vector<16xf32> to vector<16xf32>
    tpu.vector_store %arg25[%swap3A_1399], %swap3A_1402 {strides = array<i32>} : memref<12768xf32, #tpu.memory_space<vmem>>, vector<16xf32>,
    %get3A_1403 = arith.constant 12704 : index
    %get3A_1404 = tpu.vector_load %arg18[%get3A_1403] {strides = array<i32>} : memref<12800xi32, #tpu.memory_space<vmem>>, vector<16xi32>,
    %get3A_1405 = vector.shape_cast %get3A_1404 : vector<16xi32> to vector<16xi32>
    %gt3A_1406 = arith.constant 0 : i32
    %gt3A_1407 = vector.broadcast %gt3A_1406 : i32 to vector<16xi32>
    %gt3A_1408 = arith.cmpi sgt, %get3A_1405, %gt3A_1407 : vector<16xi32>
    %jit3A_1409 = arith.constant 1.000000e+00 : f32
    %jit3A_1410 = arith.constant 0.000000e+00 : f32
    %broadcast_in_dim3A_1411 = vector.broadcast %jit3A_1409 : f32 to vector<16xf32>
    %broadcast_in_dim3A_1412 = vector.broadcast %jit3A_1410 : f32 to vector<16xf32>
    %select_n3A_1413 = arith.select %gt3A_1408, %broadcast_in_dim3A_1411, %broadcast_in_dim3A_1412 : vector<16xi1>, vector<16xf32>
    %swap3A_1414 = arith.constant 12704 : index
    %swap3A_1415 = tpu.vector_load %arg25[%swap3A_1414] {strides = array<i32>} : memref<12768xf32, #tpu.memory_space<vmem>>, vector<16xf32>,
    %swap3A_1416 = vector.shape_cast %swap3A_1415 : vector<16xf32> to vector<16xf32>
    %swap3A_1417 = vector.shape_cast %select_n3A_1413 : vector<16xf32> to vector<16xf32>
    tpu.vector_store %arg25[%swap3A_1414], %swap3A_1417 {strides = array<i32>} : memref<12768xf32, #tpu.memory_space<vmem>>, vector<16xf32>,
    %get3A_1418 = arith.constant 12720 : index
    %get3A_1419 = tpu.vector_load %arg18[%get3A_1418] {strides = array<i32>} : memref<12800xi32, #tpu.memory_space<vmem>>, vector<16xi32>,
    %get3A_1420 = vector.shape_cast %get3A_1419 : vector<16xi32> to vector<16xi32>
    %gt3A_1421 = arith.constant 0 : i32
    %gt3A_1422 = vector.broadcast %gt3A_1421 : i32 to vector<16xi32>
    %gt3A_1423 = arith.cmpi sgt, %get3A_1420, %gt3A_1422 : vector<16xi32>
    %jit3A_1424 = arith.constant 1.000000e+00 : f32
    %jit3A_1425 = arith.constant 0.000000e+00 : f32
    %broadcast_in_dim3A_1426 = vector.broadcast %jit3A_1424 : f32 to vector<16xf32>
    %broadcast_in_dim3A_1427 = vector.broadcast %jit3A_1425 : f32 to vector<16xf32>
    %select_n3A_1428 = arith.select %gt3A_1423, %broadcast_in_dim3A_1426, %broadcast_in_dim3A_1427 : vector<16xi1>, vector<16xf32>
    %swap3A_1429 = arith.constant 12720 : index
    %swap3A_1430 = tpu.vector_load %arg25[%swap3A_1429] {strides = array<i32>} : memref<12768xf32, #tpu.memory_space<vmem>>, vector<16xf32>,
    %swap3A_1431 = vector.shape_cast %swap3A_1430 : vector<16xf32> to vector<16xf32>
    %swap3A_1432 = vector.shape_cast %select_n3A_1428 : vector<16xf32> to vector<16xf32>
    tpu.vector_store %arg25[%swap3A_1429], %swap3A_1432 {strides = array<i32>} : memref<12768xf32, #tpu.memory_space<vmem>>, vector<16xf32>,
    %get3A_1433 = arith.constant 12736 : index
    %get3A_1434 = tpu.vector_load %arg18[%get3A_1433] {strides = array<i32>} : memref<12800xi32, #tpu.memory_space<vmem>>, vector<16xi32>,
    %get3A_1435 = vector.shape_cast %get3A_1434 : vector<16xi32> to vector<16xi32>
    %gt3A_1436 = arith.constant 0 : i32
    %gt3A_1437 = vector.broadcast %gt3A_1436 : i32 to vector<16xi32>
    %gt3A_1438 = arith.cmpi sgt, %get3A_1435, %gt3A_1437 : vector<16xi32>
    %jit3A_1439 = arith.constant 1.000000e+00 : f32
    %jit3A_1440 = arith.constant 0.000000e+00 : f32
    %broadcast_in_dim3A_1441 = vector.broadcast %jit3A_1439 : f32 to vector<16xf32>
    %broadcast_in_dim3A_1442 = vector.broadcast %jit3A_1440 : f32 to vector<16xf32>
    %select_n3A_1443 = arith.select %gt3A_1438, %broadcast_in_dim3A_1441, %broadcast_in_dim3A_1442 : vector<16xi1>, vector<16xf32>
    %swap3A_1444 = arith.constant 12736 : index
    %swap3A_1445 = tpu.vector_load %arg25[%swap3A_1444] {strides = array<i32>} : memref<12768xf32, #tpu.memory_space<vmem>>, vector<16xf32>,
    %swap3A_1446 = vector.shape_cast %swap3A_1445 : vector<16xf32> to vector<16xf32>
    %swap3A_1447 = vector.shape_cast %select_n3A_1443 : vector<16xf32> to vector<16xf32>
    tpu.vector_store %arg25[%swap3A_1444], %swap3A_1447 {strides = array<i32>} : memref<12768xf32, #tpu.memory_space<vmem>>, vector<16xf32>,
    %get3A_1448 = arith.constant 12752 : index
    %get3A_1449 = tpu.vector_load %arg18[%get3A_1448] {strides = array<i32>} : memref<12800xi32, #tpu.memory_space<vmem>>, vector<16xi32>,
    %get3A_1450 = vector.shape_cast %get3A_1449 : vector<16xi32> to vector<16xi32>
    %gt3A_1451 = arith.constant 0 : i32
    %gt3A_1452 = vector.broadcast %gt3A_1451 : i32 to vector<16xi32>
    %gt3A_1453 = arith.cmpi sgt, %get3A_1450, %gt3A_1452 : vector<16xi32>
    %jit3A_1454 = arith.constant 1.000000e+00 : f32
    %jit3A_1455 = arith.constant 0.000000e+00 : f32
    %broadcast_in_dim3A_1456 = vector.broadcast %jit3A_1454 : f32 to vector<16xf32>
    %broadcast_in_dim3A_1457 = vector.broadcast %jit3A_1455 : f32 to vector<16xf32>
    %select_n3A_1458 = arith.select %gt3A_1453, %broadcast_in_dim3A_1456, %broadcast_in_dim3A_1457 : vector<16xi1>, vector<16xf32>
    %swap3A_1459 = arith.constant 12752 : index
    %swap3A_1460 = tpu.vector_load %arg25[%swap3A_1459] {strides = array<i32>} : memref<12768xf32, #tpu.memory_space<vmem>>, vector<16xf32>,
    %swap3A_1461 = vector.shape_cast %swap3A_1460 : vector<16xf32> to vector<16xf32>
    %swap3A_1462 = vector.shape_cast %select_n3A_1458 : vector<16xf32> to vector<16xf32>
    tpu.vector_store %arg25[%swap3A_1459], %swap3A_1462 {strides = array<i32>} : memref<12768xf32, #tpu.memory_space<vmem>>, vector<16xf32>,
    %dma_start3A_1463 = arith.constant 0 : i32
    %dma_start3A_1464 = arith.constant 0 : i32
    %dma_start3A_1465 = tpu.memref_slice %arg23[%dma_start3A_1463, %dma_start3A_1464] : memref<128x128xf32, #tpu.memory_space<vmem>> -> memref<96x128xf32, #tpu.memory_space<vmem>>
    %dma_start3A_1466 = arith.constant 0 : i32
    %dma_start3A_1467 = tpu.memref_slice %arg14[%add3A_1367, %dma_start3A_1466] : memref<203776x128xf32, #tpu.memory_space<hbm>> -> memref<96x128xf32, #tpu.memory_space<hbm>>
    %dma_start3A_1468 = arith.constant 0 : i32
    %dma_start3A_1469 = tpu.memref_slice %arg14[%add3A_1367, %dma_start3A_1468] : memref<203776x128xf32, #tpu.memory_space<hbm>> -> memref<96x128xf32, #tpu.memory_space<hbm>>
    %dma_start3A_1470 = arith.constant 0 : i32
    %dma_start3A_1471 = arith.constant 0 : i32
    %dma_start3A_1472 = tpu.memref_slice %arg23[%dma_start3A_1470, %dma_start3A_1471] : memref<128x128xf32, #tpu.memory_space<vmem>> -> memref<96x128xf32, #tpu.memory_space<vmem>>
    tpu.enqueue_dma source(%dma_start3A_1472 : memref<96x128xf32, #tpu.memory_space<vmem>>) target(%dma_start3A_1469 : memref<96x128xf32, #tpu.memory_space<hbm>>) target_semaphore(%arg41 : memref<!tpu.dma_semaphore, #tpu.memory_space<semaphore_mem>>)
    %mul3A_1473 = arith.constant 6400 : i32
    %mul3A_1474 = arith.muli %add3A, %mul3A_1473 : i32
    "tpu.region"() ({
      %run_scoped3A = tpu.sem_alloc : memref<!tpu.dma_semaphore, #tpu.memory_space<semaphore_mem>>
      %dma_start3A_1546 = arith.constant 0 : i32
      %dma_start3A_1547 = tpu.memref_slice %arg25[%dma_start3A_1546] : memref<12768xf32, #tpu.memory_space<vmem>> -> memref<6400xf32, #tpu.memory_space<vmem>>
      %dma_start3A_1548 = tpu.memref_slice %arg13[%mul3A_1474] : memref<204800xf32, #tpu.memory_space<hbm>> -> memref<6400xf32, #tpu.memory_space<hbm>>
      %dma_start3A_1549 = tpu.memref_slice %arg13[%mul3A_1474] : memref<204800xf32, #tpu.memory_space<hbm>> -> memref<6400xf32, #tpu.memory_space<hbm>>
      %dma_start3A_1550 = arith.constant 0 : i32
      %dma_start3A_1551 = tpu.memref_slice %arg25[%dma_start3A_1550] : memref<12768xf32, #tpu.memory_space<vmem>> -> memref<6400xf32, #tpu.memory_space<vmem>>
      tpu.enqueue_dma source(%dma_start3A_1551 : memref<6400xf32, #tpu.memory_space<vmem>>) target(%dma_start3A_1549 : memref<6400xf32, #tpu.memory_space<hbm>>) target_semaphore(%run_scoped3A : memref<!tpu.dma_semaphore, #tpu.memory_space<semaphore_mem>>)
      %dma_wait3A_1552 = arith.constant 0 : i32
      %dma_wait3A_1553 = tpu.memref_slice %arg25[%dma_wait3A_1552] : memref<12768xf32, #tpu.memory_space<vmem>> -> memref<6400xf32, #tpu.memory_space<vmem>>
      %dma_wait3A_1554 = tpu.memref_slice %arg13[%mul3A_1474] : memref<204800xf32, #tpu.memory_space<hbm>> -> memref<6400xf32, #tpu.memory_space<hbm>>
      %dma_wait3A_1555 = tpu.memref_slice %arg13[%mul3A_1474] : memref<204800xf32, #tpu.memory_space<hbm>> -> memref<6400xf32, #tpu.memory_space<hbm>>
      %dma_wait3A_1556 = arith.constant 0 : i32
      %dma_wait3A_1557 = tpu.memref_slice %arg25[%dma_wait3A_1556] : memref<12768xf32, #tpu.memory_space<vmem>> -> memref<6400xf32, #tpu.memory_space<vmem>>
      tpu.wait_dma2 semaphore(%run_scoped3A : memref<!tpu.dma_semaphore, #tpu.memory_space<semaphore_mem>>) src(%dma_wait3A_1557 : memref<6400xf32, #tpu.memory_space<vmem>>) dst(%dma_wait3A_1555 : memref<6400xf32, #tpu.memory_space<hbm>>)
      tpu.yield
    }) : () -> ()
    %mul3A_1475 = arith.constant 6368 : i32
    %mul3A_1476 = arith.muli %add3A, %mul3A_1475 : i32
    "tpu.region"() ({
      %run_scoped3A = tpu.sem_alloc : memref<!tpu.dma_semaphore, #tpu.memory_space<semaphore_mem>>
      %dma_start3A_1546 = arith.constant 6400 : i32
      %dma_start3A_1547 = tpu.memref_slice %arg25[%dma_start3A_1546] : memref<12768xf32, #tpu.memory_space<vmem>> -> memref<6368xf32, #tpu.memory_space<vmem>>
      %dma_start3A_1548 = tpu.memref_slice %arg15[%mul3A_1476] : memref<203776xf32, #tpu.memory_space<hbm>> -> memref<6368xf32, #tpu.memory_space<hbm>>
      %dma_start3A_1549 = tpu.memref_slice %arg15[%mul3A_1476] : memref<203776xf32, #tpu.memory_space<hbm>> -> memref<6368xf32, #tpu.memory_space<hbm>>
      %dma_start3A_1550 = arith.constant 6400 : i32
      %dma_start3A_1551 = tpu.memref_slice %arg25[%dma_start3A_1550] : memref<12768xf32, #tpu.memory_space<vmem>> -> memref<6368xf32, #tpu.memory_space<vmem>>
      tpu.enqueue_dma source(%dma_start3A_1551 : memref<6368xf32, #tpu.memory_space<vmem>>) target(%dma_start3A_1549 : memref<6368xf32, #tpu.memory_space<hbm>>) target_semaphore(%run_scoped3A : memref<!tpu.dma_semaphore, #tpu.memory_space<semaphore_mem>>)
      %dma_wait3A_1552 = arith.constant 6400 : i32
      %dma_wait3A_1553 = tpu.memref_slice %arg25[%dma_wait3A_1552] : memref<12768xf32, #tpu.memory_space<vmem>> -> memref<6368xf32, #tpu.memory_space<vmem>>
      %dma_wait3A_1554 = tpu.memref_slice %arg15[%mul3A_1476] : memref<203776xf32, #tpu.memory_space<hbm>> -> memref<6368xf32, #tpu.memory_space<hbm>>
      %dma_wait3A_1555 = tpu.memref_slice %arg15[%mul3A_1476] : memref<203776xf32, #tpu.memory_space<hbm>> -> memref<6368xf32, #tpu.memory_space<hbm>>
      %dma_wait3A_1556 = arith.constant 6400 : i32
      %dma_wait3A_1557 = tpu.memref_slice %arg25[%dma_wait3A_1556] : memref<12768xf32, #tpu.memory_space<vmem>> -> memref<6368xf32, #tpu.memory_space<vmem>>
      tpu.wait_dma2 semaphore(%run_scoped3A : memref<!tpu.dma_semaphore, #tpu.memory_space<semaphore_mem>>) src(%dma_wait3A_1557 : memref<6368xf32, #tpu.memory_space<vmem>>) dst(%dma_wait3A_1555 : memref<6368xf32, #tpu.memory_space<hbm>>)
      tpu.yield
    }) : () -> ()
    %dma_wait3A_1477 = arith.constant 0 : i32
    %dma_wait3A_1478 = arith.constant 0 : i32
    %dma_wait3A_1479 = tpu.memref_slice %arg19[%dma_wait3A_1477, %dma_wait3A_1478] : memref<128x128xf32, #tpu.memory_space<vmem>> -> memref<128x128xf32, #tpu.memory_space<vmem>>
    %dma_wait3A_1480 = arith.constant 0 : i32
    %dma_wait3A_1481 = arith.constant 0 : i32
    %dma_wait3A_1482 = tpu.memref_slice %arg8[%dma_wait3A_1480, %dma_wait3A_1481] : memref<100001x128xf32, #tpu.memory_space<hbm>> -> memref<128x128xf32, #tpu.memory_space<hbm>>
    %dma_wait3A_1483 = arith.constant 0 : i32
    %dma_wait3A_1484 = arith.constant 0 : i32
    %dma_wait3A_1485 = tpu.memref_slice %arg19[%dma_wait3A_1483, %dma_wait3A_1484] : memref<128x128xf32, #tpu.memory_space<vmem>> -> memref<128x128xf32, #tpu.memory_space<vmem>>
    %dma_wait3A_1486 = arith.constant 0 : i32
    %dma_wait3A_1487 = arith.constant 0 : i32
    %dma_wait3A_1488 = tpu.memref_slice %arg8[%dma_wait3A_1486, %dma_wait3A_1487] : memref<100001x128xf32, #tpu.memory_space<hbm>> -> memref<128x128xf32, #tpu.memory_space<hbm>>
    tpu.wait_dma2 semaphore(%arg37 : memref<!tpu.dma_semaphore, #tpu.memory_space<semaphore_mem>>) src(%dma_wait3A_1488 : memref<128x128xf32, #tpu.memory_space<hbm>>) dst(%dma_wait3A_1485 : memref<128x128xf32, #tpu.memory_space<vmem>>)
    %dma_wait3A_1489 = arith.constant 0 : i32
    %dma_wait3A_1490 = arith.constant 0 : i32
    %dma_wait3A_1491 = tpu.memref_slice %arg20[%dma_wait3A_1489, %dma_wait3A_1490] : memref<128x128xf32, #tpu.memory_space<vmem>> -> memref<128x128xf32, #tpu.memory_space<vmem>>
    %dma_wait3A_1492 = arith.constant 0 : i32
    %dma_wait3A_1493 = arith.constant 0 : i32
    %dma_wait3A_1494 = tpu.memref_slice %arg8[%dma_wait3A_1492, %dma_wait3A_1493] : memref<100001x128xf32, #tpu.memory_space<hbm>> -> memref<128x128xf32, #tpu.memory_space<hbm>>
    %dma_wait3A_1495 = arith.constant 0 : i32
    %dma_wait3A_1496 = arith.constant 0 : i32
    %dma_wait3A_1497 = tpu.memref_slice %arg20[%dma_wait3A_1495, %dma_wait3A_1496] : memref<128x128xf32, #tpu.memory_space<vmem>> -> memref<128x128xf32, #tpu.memory_space<vmem>>
    %dma_wait3A_1498 = arith.constant 0 : i32
    %dma_wait3A_1499 = arith.constant 0 : i32
    %dma_wait3A_1500 = tpu.memref_slice %arg8[%dma_wait3A_1498, %dma_wait3A_1499] : memref<100001x128xf32, #tpu.memory_space<hbm>> -> memref<128x128xf32, #tpu.memory_space<hbm>>
    tpu.wait_dma2 semaphore(%arg38 : memref<!tpu.dma_semaphore, #tpu.memory_space<semaphore_mem>>) src(%dma_wait3A_1500 : memref<128x128xf32, #tpu.memory_space<hbm>>) dst(%dma_wait3A_1497 : memref<128x128xf32, #tpu.memory_space<vmem>>)
    %dma_wait3A_1501 = arith.constant 0 : i32
    %dma_wait3A_1502 = arith.constant 0 : i32
    %dma_wait3A_1503 = tpu.memref_slice %arg21[%dma_wait3A_1501, %dma_wait3A_1502] : memref<128x128xf32, #tpu.memory_space<vmem>> -> memref<128x128xf32, #tpu.memory_space<vmem>>
    %dma_wait3A_1504 = arith.constant 0 : i32
    %dma_wait3A_1505 = arith.constant 0 : i32
    %dma_wait3A_1506 = tpu.memref_slice %arg8[%dma_wait3A_1504, %dma_wait3A_1505] : memref<100001x128xf32, #tpu.memory_space<hbm>> -> memref<128x128xf32, #tpu.memory_space<hbm>>
    %dma_wait3A_1507 = arith.constant 0 : i32
    %dma_wait3A_1508 = arith.constant 0 : i32
    %dma_wait3A_1509 = tpu.memref_slice %arg21[%dma_wait3A_1507, %dma_wait3A_1508] : memref<128x128xf32, #tpu.memory_space<vmem>> -> memref<128x128xf32, #tpu.memory_space<vmem>>
    %dma_wait3A_1510 = arith.constant 0 : i32
    %dma_wait3A_1511 = arith.constant 0 : i32
    %dma_wait3A_1512 = tpu.memref_slice %arg8[%dma_wait3A_1510, %dma_wait3A_1511] : memref<100001x128xf32, #tpu.memory_space<hbm>> -> memref<128x128xf32, #tpu.memory_space<hbm>>
    tpu.wait_dma2 semaphore(%arg39 : memref<!tpu.dma_semaphore, #tpu.memory_space<semaphore_mem>>) src(%dma_wait3A_1512 : memref<128x128xf32, #tpu.memory_space<hbm>>) dst(%dma_wait3A_1509 : memref<128x128xf32, #tpu.memory_space<vmem>>)
    %dma_wait3A_1513 = arith.constant 0 : i32
    %dma_wait3A_1514 = arith.constant 0 : i32
    %dma_wait3A_1515 = tpu.memref_slice %arg22[%dma_wait3A_1513, %dma_wait3A_1514] : memref<128x128xf32, #tpu.memory_space<vmem>> -> memref<128x128xf32, #tpu.memory_space<vmem>>
    %dma_wait3A_1516 = arith.constant 0 : i32
    %dma_wait3A_1517 = arith.constant 0 : i32
    %dma_wait3A_1518 = tpu.memref_slice %arg8[%dma_wait3A_1516, %dma_wait3A_1517] : memref<100001x128xf32, #tpu.memory_space<hbm>> -> memref<128x128xf32, #tpu.memory_space<hbm>>
    %dma_wait3A_1519 = arith.constant 0 : i32
    %dma_wait3A_1520 = arith.constant 0 : i32
    %dma_wait3A_1521 = tpu.memref_slice %arg22[%dma_wait3A_1519, %dma_wait3A_1520] : memref<128x128xf32, #tpu.memory_space<vmem>> -> memref<128x128xf32, #tpu.memory_space<vmem>>
    %dma_wait3A_1522 = arith.constant 0 : i32
    %dma_wait3A_1523 = arith.constant 0 : i32
    %dma_wait3A_1524 = tpu.memref_slice %arg8[%dma_wait3A_1522, %dma_wait3A_1523] : memref<100001x128xf32, #tpu.memory_space<hbm>> -> memref<128x128xf32, #tpu.memory_space<hbm>>
    tpu.wait_dma2 semaphore(%arg40 : memref<!tpu.dma_semaphore, #tpu.memory_space<semaphore_mem>>) src(%dma_wait3A_1524 : memref<128x128xf32, #tpu.memory_space<hbm>>) dst(%dma_wait3A_1521 : memref<128x128xf32, #tpu.memory_space<vmem>>)
    %dma_wait3A_1525 = arith.constant 0 : i32
    %dma_wait3A_1526 = arith.constant 0 : i32
    %dma_wait3A_1527 = tpu.memref_slice %arg23[%dma_wait3A_1525, %dma_wait3A_1526] : memref<128x128xf32, #tpu.memory_space<vmem>> -> memref<96x128xf32, #tpu.memory_space<vmem>>
    %dma_wait3A_1528 = arith.constant 0 : i32
    %dma_wait3A_1529 = arith.constant 0 : i32
    %dma_wait3A_1530 = tpu.memref_slice %arg8[%dma_wait3A_1528, %dma_wait3A_1529] : memref<100001x128xf32, #tpu.memory_space<hbm>> -> memref<96x128xf32, #tpu.memory_space<hbm>>
    %dma_wait3A_1531 = arith.constant 0 : i32
    %dma_wait3A_1532 = arith.constant 0 : i32
    %dma_wait3A_1533 = tpu.memref_slice %arg23[%dma_wait3A_1531, %dma_wait3A_1532] : memref<128x128xf32, #tpu.memory_space<vmem>> -> memref<96x128xf32, #tpu.memory_space<vmem>>
    %dma_wait3A_1534 = arith.constant 0 : i32
    %dma_wait3A_1535 = arith.constant 0 : i32
    %dma_wait3A_1536 = tpu.memref_slice %arg8[%dma_wait3A_1534, %dma_wait3A_1535] : memref<100001x128xf32, #tpu.memory_space<hbm>> -> memref<96x128xf32, #tpu.memory_space<hbm>>
    tpu.wait_dma2 semaphore(%arg41 : memref<!tpu.dma_semaphore, #tpu.memory_space<semaphore_mem>>) src(%dma_wait3A_1536 : memref<96x128xf32, #tpu.memory_space<hbm>>) dst(%dma_wait3A_1533 : memref<96x128xf32, #tpu.memory_space<vmem>>)
    %dma_wait3A_1537 = arith.constant 0 : i32
    %dma_wait3A_1538 = arith.constant 0 : i32
    %dma_wait3A_1539 = tpu.memref_slice %arg8[%dma_wait3A_1537, %dma_wait3A_1538] : memref<100001x128xf32, #tpu.memory_space<hbm>> -> memref<100001x128xf32, #tpu.memory_space<hbm>>
    tpu.wait_indirect_dma semaphore(%arg42 : memref<!tpu.dma_semaphore, #tpu.memory_space<semaphore_mem>>) src(%dma_wait3A_1539 : memref<100001x128xf32, #tpu.memory_space<hbm>>) dst(%arg27 : memref<32x128xf32, #tpu.memory_space<vmem>>)
    %dma_wait3A_1540 = arith.constant 0 : i32
    %dma_wait3A_1541 = arith.constant 0 : i32
    %dma_wait3A_1542 = tpu.memref_slice %arg9[%dma_wait3A_1540, %dma_wait3A_1541] : memref<100000x128xf32, #tpu.memory_space<hbm>> -> memref<100000x128xf32, #tpu.memory_space<hbm>>
    tpu.wait_indirect_dma semaphore(%arg43 : memref<!tpu.dma_semaphore, #tpu.memory_space<semaphore_mem>>) src(%dma_wait3A_1542 : memref<100000x128xf32, #tpu.memory_space<hbm>>) dst(%arg29 : memref<32x128xf32, #tpu.memory_space<vmem>>)
    %dma_wait3A_1543 = arith.constant 0 : i32
    %dma_wait3A_1544 = arith.constant 0 : i32
    %dma_wait3A_1545 = tpu.memref_slice %arg10[%dma_wait3A_1543, %dma_wait3A_1544] : memref<100000x128xf32, #tpu.memory_space<hbm>> -> memref<100000x128xf32, #tpu.memory_space<hbm>>
    tpu.wait_indirect_dma semaphore(%arg44 : memref<!tpu.dma_semaphore, #tpu.memory_space<semaphore_mem>>) src(%dma_wait3A_1545 : memref<100000x128xf32, #tpu.memory_space<hbm>>) dst(%arg31 : memref<32x128xf32, #tpu.memory_space<vmem>>)
    "tpu.region"() ({
      %run_scoped3A = tpu.sem_alloc : memref<!tpu.dma_semaphore, #tpu.memory_space<semaphore_mem>>
      %dma_start3A_1546 = arith.constant 0 : i32
      %dma_start3A_1547 = tpu.memref_slice %arg11[%mul3A_2, %dma_start3A_1546] : memref<1024x128xf32, #tpu.memory_space<hbm>> -> memref<32x128xf32, #tpu.memory_space<hbm>>
      %dma_start3A_1548 = arith.constant 0 : i32
      %dma_start3A_1549 = tpu.memref_slice %arg11[%mul3A_2, %dma_start3A_1548] : memref<1024x128xf32, #tpu.memory_space<hbm>> -> memref<32x128xf32, #tpu.memory_space<hbm>>
      tpu.enqueue_dma source(%arg27 : memref<32x128xf32, #tpu.memory_space<vmem>>) target(%dma_start3A_1549 : memref<32x128xf32, #tpu.memory_space<hbm>>) target_semaphore(%run_scoped3A : memref<!tpu.dma_semaphore, #tpu.memory_space<semaphore_mem>>)
      %dma_wait3A_1550 = arith.constant 0 : i32
      %dma_wait3A_1551 = tpu.memref_slice %arg11[%mul3A_2, %dma_wait3A_1550] : memref<1024x128xf32, #tpu.memory_space<hbm>> -> memref<32x128xf32, #tpu.memory_space<hbm>>
      %dma_wait3A_1552 = arith.constant 0 : i32
      %dma_wait3A_1553 = tpu.memref_slice %arg11[%mul3A_2, %dma_wait3A_1552] : memref<1024x128xf32, #tpu.memory_space<hbm>> -> memref<32x128xf32, #tpu.memory_space<hbm>>
      tpu.wait_dma2 semaphore(%run_scoped3A : memref<!tpu.dma_semaphore, #tpu.memory_space<semaphore_mem>>) src(%arg27 : memref<32x128xf32, #tpu.memory_space<vmem>>) dst(%dma_wait3A_1553 : memref<32x128xf32, #tpu.memory_space<hbm>>)
      tpu.yield
    }) : () -> ()
    "tpu.region"() ({
      %run_scoped3A = tpu.sem_alloc : memref<!tpu.dma_semaphore, #tpu.memory_space<semaphore_mem>>
      %dma_start3A_1546 = arith.constant 0 : i32
      %dma_start3A_1547 = tpu.memref_slice %arg16[%mul3A_2, %dma_start3A_1546] : memref<1024x128xf32, #tpu.memory_space<hbm>> -> memref<32x128xf32, #tpu.memory_space<hbm>>
      %dma_start3A_1548 = arith.constant 0 : i32
      %dma_start3A_1549 = tpu.memref_slice %arg16[%mul3A_2, %dma_start3A_1548] : memref<1024x128xf32, #tpu.memory_space<hbm>> -> memref<32x128xf32, #tpu.memory_space<hbm>>
      tpu.enqueue_dma source(%arg29 : memref<32x128xf32, #tpu.memory_space<vmem>>) target(%dma_start3A_1549 : memref<32x128xf32, #tpu.memory_space<hbm>>) target_semaphore(%run_scoped3A : memref<!tpu.dma_semaphore, #tpu.memory_space<semaphore_mem>>)
      %dma_wait3A_1550 = arith.constant 0 : i32
      %dma_wait3A_1551 = tpu.memref_slice %arg16[%mul3A_2, %dma_wait3A_1550] : memref<1024x128xf32, #tpu.memory_space<hbm>> -> memref<32x128xf32, #tpu.memory_space<hbm>>
      %dma_wait3A_1552 = arith.constant 0 : i32
      %dma_wait3A_1553 = tpu.memref_slice %arg16[%mul3A_2, %dma_wait3A_1552] : memref<1024x128xf32, #tpu.memory_space<hbm>> -> memref<32x128xf32, #tpu.memory_space<hbm>>
      tpu.wait_dma2 semaphore(%run_scoped3A : memref<!tpu.dma_semaphore, #tpu.memory_space<semaphore_mem>>) src(%arg29 : memref<32x128xf32, #tpu.memory_space<vmem>>) dst(%dma_wait3A_1553 : memref<32x128xf32, #tpu.memory_space<hbm>>)
      tpu.yield
    }) : () -> ()
    "tpu.region"() ({
      %run_scoped3A = tpu.sem_alloc : memref<!tpu.dma_semaphore, #tpu.memory_space<semaphore_mem>>
      %dma_start3A_1546 = arith.constant 0 : i32
      %dma_start3A_1547 = tpu.memref_slice %arg17[%mul3A_2, %dma_start3A_1546] : memref<1024x128xf32, #tpu.memory_space<hbm>> -> memref<32x128xf32, #tpu.memory_space<hbm>>
      %dma_start3A_1548 = arith.constant 0 : i32
      %dma_start3A_1549 = tpu.memref_slice %arg17[%mul3A_2, %dma_start3A_1548] : memref<1024x128xf32, #tpu.memory_space<hbm>> -> memref<32x128xf32, #tpu.memory_space<hbm>>
      tpu.enqueue_dma source(%arg31 : memref<32x128xf32, #tpu.memory_space<vmem>>) target(%dma_start3A_1549 : memref<32x128xf32, #tpu.memory_space<hbm>>) target_semaphore(%run_scoped3A : memref<!tpu.dma_semaphore, #tpu.memory_space<semaphore_mem>>)
      %dma_wait3A_1550 = arith.constant 0 : i32
      %dma_wait3A_1551 = tpu.memref_slice %arg17[%mul3A_2, %dma_wait3A_1550] : memref<1024x128xf32, #tpu.memory_space<hbm>> -> memref<32x128xf32, #tpu.memory_space<hbm>>
      %dma_wait3A_1552 = arith.constant 0 : i32
      %dma_wait3A_1553 = tpu.memref_slice %arg17[%mul3A_2, %dma_wait3A_1552] : memref<1024x128xf32, #tpu.memory_space<hbm>> -> memref<32x128xf32, #tpu.memory_space<hbm>>
      tpu.wait_dma2 semaphore(%run_scoped3A : memref<!tpu.dma_semaphore, #tpu.memory_space<semaphore_mem>>) src(%arg31 : memref<32x128xf32, #tpu.memory_space<vmem>>) dst(%dma_wait3A_1553 : memref<32x128xf32, #tpu.memory_space<hbm>>)
      tpu.yield
    }) : () -> ()
    return
  }
}

</mosaic_0001>

<sc_bundles>
// kernel: _run.3.cloned.1.call-start
scs
__scs_entry_jumppad:
0x0: {  	(pc) =	sbr.rel $0x88, $3  }
0x1: {  	(tag) =	ssettag $0x0;
	lr =	simm.s32 $0x1  }
0x2: {  	[smem:$0x3F98] =	sst lr;
	_ =	strace $0xD0000000  }
0x3: {  	_ = 	snop  }
0x4: {  	_ = 	snop  }
0x5: {  	_ = 	snop  }
0x6: {  	_ = 	snop  }
0x7: {  	_ = 	snop  }
__scs_overlays_trampoline_lowered:
0x8: {  	[smem:$0x3FA7] =	sst s0  }
0x9: {  	[smem:$0x3FA8] =	sst s1  }
0xa: {  	[smem:$0x3FA9] =	sst s2  }
0xb: {  	[smem:$0x3FAA] =	sst s3  }
0xc: {  	[smem:$0x3FAB] =	sst s4  }
0xd: {  	[smem:$0x3FAC] =	sst s5  }
0xe: {  	[smem:$0x3FAD] =	sst s6  }
0xf: {  	[smem:$0x3FAE] =	sst s7  }
0x10: {  	[smem:$0x3FAF] =	sst s8  }
0x11: {  	[smem:$0x3FB0] =	sst s9;
	s0 =	simm.s32 @!p0 $0x0  }
0x12: {  	s1 =	sld [smem:$0x3F96];
	s0 =	simm.s32 @p0 $0x1  }
0x13: {  	[smem:$0x3FB1] =	sst s0;
	s0 =	simm.s32 @!p1 $0x0  }
0x14: {  	s2 =	sld [smem:$0x3F95];
	s0 =	simm.s32 @p1 $0x1  }
0x15: {  	[smem:$0x3FB2] =	sst s0;
	s0 =	simm.s32 @!p2 $0x0  }
0x16: {  	s3 =	sld [smem:$0x3FDB];
	s0 =	simm.s32 @p2 $0x1  }
0x17: {  	s4 =	simm.s32 $0x1BF5;
	[smem:$0x3FB4] =	sst s0  }
0x18: {  	s0 =	sld [smem:$0x3F97];
	_ =	swait.ge [sflag:s4], $0x0  }
0x19: {  	s7 =	sld [smem:$0x3F98]  }
0x1a: {  	s8 =	sadd.s32 $0xFFFFE003, lr  }
0x1b: {  	s9 =	sadd.s32 $0xFFFFFEF7, lr;
	s5 =	simm.s32 $0xFFFFFFFF;
	p2 =	slt.u32 s8, $0xFFFFF086  }
0x1c: {  	p1 =	slt.u32 s9, $0xF7A;
	s5 =	simm.s32 @!p2 $0x0  }
0x1d: {  	s5 =	simm.s32 @p1 $0x1;
	p0 =	seq.s32 s7, s2  }
0x1e: {  	s7 =	smul.u32 @!p0 $0xF7A, s2;
	p2 =	seq.s32 @!p0 s5, $0x0  }
0x1f: {  	s9 =	smul.u32 $0xF7A, s1;
	s8 =	simm.s32 @!p0 $0x1BF5;
	p2 =	por !p2, p0  }
0x20: {  	[sflag:s8] =	ssyncset.s32 @!p0 $0xFFFFF086;
	s6 =	sadd.s32 @!p0 s3, s7;
	s7 =	simm.s32 @!p0 $0x108  }
0x21: {  	s3 =	sadd.s32 s3, s9;
	s6 =	sadd.s32 @!p0 $0x88, s6;
	s7 =	simm.s32 @p2 $0x1082  }
0x22: {  	[simem:s7], [sflag:s8] =	dma.local @!p0 [hbm:s6], $0xF7A  }
0x23: {  	s9 =	sor.u32 $0xD0000000, s2;
	s6 =	simm.s32 $0x108;
	_ =	swait.ge @!p0 [sflag:s8], $0x0  }
0x24: {  	s3 =	sadd.s32 $0x88, s3;
	s6 =	simm.s32 @!p1 $0x1082;
	[sflag:s4] =	ssyncset.s32 $0xFFFFF086  }
0x25: {  	[simem:s6], [sflag:s4] =	dma.local [hbm:s3], $0xF7A  }
0x26: {  	[smem:$0x3F98] =	sst s1;
	(tag) =	ssettag s2;
	_ =	strace s9  }
0x27: {  	s1 =	sld [smem:$0x3FA8]  }
0x28: {  	s2 =	sld [smem:$0x3FA9]  }
0x29: {  	s4 =	sld [smem:$0x3FAB]  }
0x2a: {  	p0 =	seq.s32 s5, $0x0;
	s5 =	sld [smem:$0x3FAC]  }
0x2b: {  	s6 =	sld [smem:$0x3FAD]  }
0x2c: {  	s7 =	sld [smem:$0x3FAE]  }
0x2d: {  	s3 =	simm.s32 $0x108;
	s8 =	sld [smem:$0x3FAF]  }
0x2e: {  	s3 =	simm.s32 @!p0 $0x1082;
	s9 =	sld [smem:$0x3FB0]  }
0x2f: {  	lr =	sadd.s32 s0, s3;
	s0 =	sld [smem:$0x3FA7]  }
0x30: {  	s3 =	sld [smem:$0x3FAA]  }
0x31: {  	[smem:$0x3FB3] =	sst s10  }
0x32: {  	s10 =	sld [smem:$0x3FB1];
	_ =	sdelay $0x3  }
0x33: {  	p0 =	seq.s32 s10, $0x1;
	s10 =	sld [smem:$0x3FB3];
	_ =	sdelay $0x3  }
0x34: {  	[smem:$0x3FB3] =	sst s10  }
0x35: {  	s10 =	sld [smem:$0x3FB2];
	_ =	sdelay $0x3  }
0x36: {  	p1 =	seq.s32 s10, $0x1;
	s10 =	sld [smem:$0x3FB3];
	_ =	sdelay $0x3  }
0x37: {  	[smem:$0x3FB3] =	sst s10  }
0x38: {  	s10 =	sld [smem:$0x3FB4]  }
0x39: {  	_ = 	snop;
	(pc) =	sbr.ind lr, $3  }
0x3a: {  	_ = 	snop  }
0x3b: {  	_ = 	snop  }
0x3c: {  	p2 =	seq.s32 s10, $0x1;
	s10 =	sld [smem:$0x3FB3]  }
0x3d: {  	_ =	shalt  }
0x3e: {  	_ =	shalt  }
0x3f: {  	_ =	shalt  }
0x40: {  	_ =	shalt  }
0x41: {  	_ =	shalt  }
0x42: {  	_ =	shalt  }
0x43: {  	_ =	shalt  }
0x44: {  	_ =	shalt  }
0x45: {  	_ =	shalt  }
0x46: {  	_ =	shalt  }
0x47: {  	_ =	shalt  }
0x48: {  	_ =	shalt  }
0x49: {  	_ =	shalt  }
0x4a: {  	_ =	shalt  }
0x4b: {  	_ =	shalt  }
0x4c: {  	_ =	shalt  }
0x4d: {  	_ =	shalt  }
0x4e: {  	_ =	shalt  }
0x4f: {  	_ =	shalt  }
0x50: {  	_ =	shalt  }
0x51: {  	_ =	shalt  }
0x52: {  	_ =	shalt  }
0x53: {  	_ =	shalt  }
0x54: {  	_ =	shalt  }
0x55: {  	_ =	shalt  }
0x56: {  	_ =	shalt  }
0x57: {  	_ =	shalt  }
0x58: {  	_ =	shalt  }
0x59: {  	_ =	shalt  }
0x5a: {  	_ =	shalt  }
0x5b: {  	_ =	shalt  }
0x5c: {  	_ =	shalt  }
0x5d: {  	_ =	shalt  }
0x5e: {  	_ =	shalt  }
0x5f: {  	_ =	shalt  }
0x60: {  	_ =	shalt  }
0x61: {  	_ =	shalt  }
0x62: {  	_ =	shalt  }
0x63: {  	_ =	shalt  }
0x64: {  	_ =	shalt  }
0x65: {  	_ =	shalt  }
0x66: {  	_ =	shalt  }
0x67: {  	_ =	shalt  }
0x68: {  	_ =	shalt  }
0x69: {  	_ =	shalt  }
0x6a: {  	_ =	shalt  }
0x6b: {  	_ =	shalt  }
0x6c: {  	_ =	shalt  }
0x6d: {  	_ =	shalt  }
0x6e: {  	_ =	shalt  }
0x6f: {  	_ =	shalt  }
0x70: {  	_ =	shalt  }
0x71: {  	_ =	shalt  }
0x72: {  	_ =	shalt  }
0x73: {  	_ =	shalt  }
0x74: {  	_ =	shalt  }
0x75: {  	_ =	shalt  }
0x76: {  	_ =	shalt  }
0x77: {  	_ =	shalt  }
0x78: {  	_ =	shalt  }
0x79: {  	_ =	shalt  }
0x7a: {  	_ =	shalt  }
0x7b: {  	_ =	shalt  }
0x7c: {  	_ =	shalt  }
0x7d: {  	_ =	shalt  }
0x7e: {  	_ =	shalt  }
0x7f: {  	_ =	shalt  }
0x80: {  	_ =	shalt  }
0x81: {  	_ =	shalt  }
0x82: {  	_ =	shalt  }
0x83: {  	_ =	shalt  }
0x84: {  	_ =	shalt  }
0x85: {  	_ =	shalt  }
0x86: {  	_ =	shalt  }
0x87: {  	_ =	shalt  }
.Lfunc_end0:
.L_simem_size_0:
called_computation_lowered:
.L_overlay_start_0:
0x88: {  	s2 =	sld [smem:$0x3FD9]  }
0x89: {  	s3 =	sld [smem:$0x3FFE];
	_ =	sdelay $0x1  }
0x8a: {  	s1 =	srdreg.scid  }
0x8b: {  	s0 =	sand.u32 $0x1, s1  }
0x8c: {  	s22 =	sshll.u32 s0, $0xA;
	s2 =	sadd.s32 s3, s2  }
0x8d: {  	s2 =	sadd.s32 s2, s22  }
0x8e: {  	[smem:$0x3FBF] =	sst s2  }
0x8f: {  	_ = 	snop  }
0x90: {  	s2 =	sld [smem:$0x3FC9]  }
0x91: {  	s3 =	sld [smem:$0x3FC8]  }
0x92: {  	s4 =	sld [smem:$0x3FC7]  }
0x93: {  	s5 =	sld [smem:$0x3FC6]  }
0x94: {  	s6 =	sld [smem:$0x3FC5]  }
0x95: {  	s7 =	sld [smem:$0x3FC4]  }
0x96: {  	s11 =	sld [smem:$0x3FD0]  }
0x97: {  	s8 =	sld [smem:$0x3FC3]  }
0x98: {  	s9 =	sld [smem:$0x3FC2]  }
0x99: {  	s16 =	simm.s32 $0xA;
	s12 =	simm.s32 $0x10;
	s10 =	sld [smem:$0x3FC1]  }
0x9a: {  	[smem:s12], [sflag:s16] =	dma.local [hbm:s11], $0x1  }
0x9b: {  	_ =	swait.eq [sflag:s16], $0x1  }
0x9c: {  	s11 =	sld [smem:$0x10]  }
0x9d: {  	s12 =	sld [smem:$0x11]  }
0x9e: {  	s13 =	sld [smem:$0x12]  }
0x9f: {  	s14 =	sld [smem:$0x13]  }
0xa0: {  	s15 =	sld [smem:$0x14];
	[sflag:s16] =	ssyncset.done $0x0  }
0xa1: {  	s17 =	sld [smem:$0x15];
	[sflag:s16] =	ssyncadd.s32 $0xFFFFFFFF  }
0xa2: {  	s18 =	sld [smem:$0x16];
	(tm) =	ssettm $0x1  }
0xa3: {  	s23 =	sld [smem:$0x3FFB];
	_ =	sdelay $0x3  }
0xa4: {  	_ =	strace s23  }
0xa5: {  	s16 =	sld [smem:$0x3FFC];
	_ =	sdelay $0x3  }
0xa6: {  	_ =	strace s16  }
0xa7: {  	s16 =	sld [smem:$0x3FFD];
	_ =	sdelay $0x3  }
0xa8: {  	_ =	strace s16  }
0xa9: {  	_ =	strace $0x8FFFFFFF  }
0xaa: {  	s24 =	sld [smem:$0x3FDB];
	_ =	sdelay $0x1  }
0xab: {  	s19 =	simm.s32 $_scs_section_size  }
0xac: {  	s20 =	simm.s32 $_size__tile_task_arg_handler_lowered;
	s21 =	simm.s32 $_tile_task_arg_handler_lowered  }
0xad: {  	s28 =	simm.s32 $0x1BFF;
	s26 =	sshll.u32 s21, $0x1;
	s19 =	sadd.s32 s19, s24  }
0xae: {  	s25 =	sshll.u32 s20, $0x1;
	s22 =	simm.s32 $0x60;
	s20 =	sadd.s32 s26, s19  }
0xaf: {  	[timem:s22], [sflag:s28] =	dma.local [hbm:s20], s25  }
0xb0: {  	_ =	swait.ge [sflag:s28], s25  }
0xb1: {  	s29 =	simm.s32 $_tile_overlayer_lowered;
	s16 =	ssub.s32 $0x0, s25;
	[sflag:s28] =	ssyncset.done $0x0  }
0xb2: {  	s30 =	simm.s32 $_size__tile_overlayer_lowered;
	s20 =	sshll.u32 s29, $0x1;
	[sflag:s28] =	ssyncadd.s32 s16  }
0xb3: {  	s31 =	sshll.u32 s30, $0x1;
	s20 =	sadd.s32 s20, s19;
	s16 =	simm.s32 $0x0  }
0xb4: {  	[timem:s16], [sflag:s28] =	dma.local [hbm:s20], s31  }
0xb5: {  	_ =	swait.ge [sflag:s28], s31  }
0xb6: {  	s23 =	ssub.s32 $0x0, s31;
	[sflag:s28] =	ssyncset.done $0x0  }
0xb7: {  	[sflag:s28] =	ssyncadd.s32 s23;
	_ =	sdelay $0x1  }
0xb8: {  	s24 =	simm.s32 $0x1B8B  }
0xb9: {  	_ =	swait.ge [sflag:s24], $0x1  }
0xba: {  	[sflag:s24] =	ssyncset.done $0x0  }
0xbb: {  	s25 =	simm.s32 $0x1B8E;
	[sflag:s24] =	ssyncadd.s32 $0xFFFFFFFF  }
0xbc: {  	s26 =	simm.s32 $execute0_lowered;
	[smem:$0x3FD2] =	sst s25  }
0xbd: {  	s20 =	sshll.u32 s26, $0x1;
	_ =	strace $0x80000046;
	[dreg:$0x1] =	wrdreg $0xFFFFFFFF  }
0xbe: {  	s19 =	sadd.s32 s19, s20;
	s28 =	simm.s32 $_size_execute0_lowered;
	[dreg:$0x0] =	wrdreg $0x0  }
0xbf: {  	s20 =	sshll.u32 s28, $0x1;
	[dreg:$0x2] =	wrdreg s19  }
0xc0: {  	[dreg:$0x3] =	wrdreg s20  }
0xc1: {  	[dreg:$0x4] =	wrdreg $0xC0  }
0xc2: {  	_ =	task [dreg:s16], $0x5FFFF  }
0xc3: {  	[dreg:$0x1] =	wrdreg $0xFFFFFFFF  }
0xc4: {  	[dreg:$0x0] =	wrdreg $0x30  }
0xc5: {  	[dreg:$0x2] =	wrdreg $0x0  }
0xc6: {  	[dreg:$0x3] =	wrdreg s17  }
0xc7: {  	[dreg:$0x4] =	wrdreg s18  }
0xc8: {  	[dreg:$0x5] =	wrdreg $0x9  }
0xc9: {  	_ =	task [dreg:s16], $0x6FFFF  }
0xca: {  	[dreg:$0x1] =	wrdreg $0xFFFFFFFF  }
0xcb: {  	[dreg:$0x0] =	wrdreg $0x60  }
0xcc: {  	[dreg:$0x2] =	wrdreg s2  }
0xcd: {  	[dreg:$0x3] =	wrdreg s3  }
0xce: {  	[dreg:$0x4] =	wrdreg s4  }
0xcf: {  	[dreg:$0x5] =	wrdreg s5  }
0xd0: {  	[dreg:$0x6] =	wrdreg s6  }
0xd1: {  	[dreg:$0x7] =	wrdreg s7  }
0xd2: {  	[dreg:$0x8] =	wrdreg s8  }
0xd3: {  	[dreg:$0x9] =	wrdreg s9  }
0xd4: {  	[dreg:$0xa] =	wrdreg s10  }
0xd5: {  	[dreg:$0xb] =	wrdreg s11  }
0xd6: {  	[dreg:$0xc] =	wrdreg s12  }
0xd7: {  	[dreg:$0xd] =	wrdreg s13  }
0xd8: {  	[dreg:$0xe] =	wrdreg s14  }
0xd9: {  	[dreg:$0xf] =	wrdreg s15  }
0xda: {  	_ =	task.clear_ibuf [dreg:s16], $0x10FFFF;
	_ =	strace $0x90000046  }
0xdb: {  	s29 =	simm.s32 $0x9;
	_ =	strace $0x80000048  }
0xdc: {  	_ =	swait.ge [sflag:s29], $0x1  }
0xdd: {  	[sflag:s29] =	ssyncadd.s32 $0xFFFFFFFF  }
0xde: {  	_ =	strace $0x90000048  }
0xdf: {  	_ =	sfence  }
0xe0: {  	s30 =	sld [smem:$0x0];
	_ =	sdelay $0x2  }
0xe1: {  	s31 =	sshll.u32 s1, $0xD;
	s1 =	sshrl.u32 s1, $0x2  }
0xe2: {  	s3 =	sand.u32 $0x4000, s31;
	s1 =	sadd.s32 s1, s30  }
0xe3: {  	s0 =	sor.u32 s3, s0;
	s1 =	sshll.u32 s1, $0x11  }
0xe4: {  	s0 =	sor.u32 s1, s0  }
0xe5: {  	s0 =	sadd.s32 $0x8F2B, s0  }
0xe6: {  	[sflag:s0] =	ssyncadd.remote.s32 $0x1  }
0xe7: {  	_ =	sfence.sel $0xFFFF  }
0xe8: {  	[dreg:$0x0] =	wrdreg $0xFFFFFFFF;
	(pc) =	sbr.abs _section_cstart, $3  }
0xe9: {  	[dreg:$0x1] =	wrdreg $0xFFFFFFFF  }
0xea: {  	_ =	task.clear_ibuf [dreg:s16], $0x2FFFF;
	_ =	strace $0x9FFFFFFF  }
0xeb: {  	(tm) =	ssettm $0x7FFFFFFF  }
tec
_tile_task_arg_handler_lowered:
.L_overlay_start_1:
0x0: {  	(tag) =	ssettag $0x1  }
0x1: {  	s0 =	rddreg [dreg:$0x0]  }
0x2: {  	s1 =	rddreg [dreg:$0x1]  }
0x3: {  	s2 =	rddreg [dreg:$0x2]  }
0x4: {  	s3 =	rddreg [dreg:$0x3]  }
0x5: {  	s4 =	rddreg [dreg:$0x4]  }
0x6: {  	s5 =	rddreg [dreg:$0x5]  }
0x7: {  	s6 =	rddreg [dreg:$0x6]  }
0x8: {  	s7 =	rddreg [dreg:$0x7]  }
0x9: {  	s8 =	rddreg [dreg:$0x8]  }
0xa: {  	s9 =	rddreg [dreg:$0x9]  }
0xb: {  	s10 =	rddreg [dreg:$0xa]  }
0xc: {  	s11 =	rddreg [dreg:$0xb]  }
0xd: {  	s12 =	rddreg [dreg:$0xc]  }
0xe: {  	s13 =	rddreg [dreg:$0xd]  }
0xf: {  	[smem:s0] =	sst s1  }
0x10: {  	[smem:s0+$0x1] =	sst s2  }
0x11: {  	[smem:s0+$0x2] =	sst s3  }
0x12: {  	[smem:s0+$0x3] =	sst s4  }
0x13: {  	[smem:s0+$0x4] =	sst s5  }
0x14: {  	[smem:s0+$0x5] =	sst s6  }
0x15: {  	[smem:s0+$0x6] =	sst s7  }
0x16: {  	[smem:s0+$0x7] =	sst s8  }
0x17: {  	[smem:s0+$0x8] =	sst s9  }
0x18: {  	[smem:s0+$0x9] =	sst s10  }
0x19: {  	[smem:s0+$0xA] =	sst s11  }
0x1a: {  	[smem:s0+$0xB] =	sst s12  }
0x1b: {  	[smem:s0+$0xC] =	sst s13;
	_ =	shalt  }
.Lfunc_end2:
execute0_lowered:
.L_overlay_start_2:
0x1c: {  	(tag) =	ssettag $0x2  }
0x1d: {  	s1 =	rddreg [dreg:$0x0]  }
0x1e: {  	s2 =	rddreg [dreg:$0x1]  }
0x1f: {  	s3 =	rddreg [dreg:$0x2]  }
0x20: {  	s5 =	rddreg [dreg:$0x3]  }
0x21: {  	s6 =	rddreg [dreg:$0x4]  }
0x22: {  	s7 =	rddreg [dreg:$0x5]  }
0x23: {  	s0 =	rddreg [dreg:$0x6]  }
0x24: {  	s8 =	rddreg [dreg:$0x9]  }
0x25: {  	s9 =	rddreg [dreg:$0xa]  }
0x26: {  	s10 =	rddreg [dreg:$0xb]  }
0x27: {  	s11 =	rddreg [dreg:$0xc]  }
0x28: {  	s12 =	rddreg [dreg:$0xd];
	s4 =	simm.s32 $0x0  }
0x29: {  	[smem:$0x7FF] =	sst s4  }
0x2a: {  	s16 =	sld [smem:$0x2]  }
0x2b: {  	s13 =	srdreg.scid;
	s21 =	stileid.u32  }
0x2c: {  	s30 =	simm.s32 $0x1BD80;
	s31 =	simm.s32 $0x3;
	s14 =	sld [smem:$0x0]  }
0x2d: {  	s28 =	sshll.u32 s21, $0x1;
	[dreg:$0xe] =	wrdreg s16;
	s16 =	sand.u32 $0x1, s13  }
0x2e: {  	s15 =	sld [smem:$0x1];
	_ =	strace $0x80000047;
	s18 =	sor.u32 s16, s28  }
0x2f: {  	s17 =	ssub.s32 $0x2, s16;
	s28 =	smul.u32 $0x32000, s21;
	s19 =	sshll.u32 s18, $0x2  }
0x30: {  	s29 =	sshrl.u32 s17, $0x1;
	s20 =	smul.u32 $0x1900, s18;
	s5 =	sadd.s32 s5, s19  }
0x31: {  	s23 =	smul.u32 $0x18E0, s18;
	s6 =	sadd.s32 s6, s19;
	[dreg:$0xf] =	wrdreg s5  }
0x32: {  	s25 =	smul.u32 $0x19000, s18;
	s13 =	sadd.s32 s7, s19;
	[dreg:$0x10] =	wrdreg s6  }
0x33: {  	s17 =	ssub.s32 s17, s29;
	[dreg:$0x11] =	wrdreg s13;
	s19 =	sshrl.u32 s20, $0x3  }
0x34: {  	s20 =	smul.u32 $0xC8000, s18;
	s7 =	sadd.s32 s9, s25;
	s1 =	sadd.s32 s1, s19  }
0x35: {  	s6 =	smul.u32 $0x19000, s16;
	s22 =	sadd.s32 s2, s19;
	[dreg:$0x12] =	wrdreg s1  }
0x36: {  	s13 =	smul.u32 $0x31C00, s21;
	s24 =	sadd.s32 s3, s19;
	[dreg:$0x13] =	wrdreg s22  }
0x37: {  	s5 =	sadd.s32 s10, s19;
	s3 =	sshll.u32 s18, $0x9;
	[dreg:$0x14] =	wrdreg s24  }
0x38: {  	s26 =	sshrl.u32 s20, $0x3;
	[dreg:$0x15] =	wrdreg s5;
	s1 =	sshrl.u32 s23, $0x3  }
0x39: {  	s5 =	sadd.s32 s28, s9;
	s8 =	sadd.s32 s8, s3;
	s10 =	sadd.s32 s14, s3  }
0x3a: {  	s29 =	sadd.s32 s9, s26;
	s1 =	sadd.s32 s12, s1;
	[dreg:$0x17] =	wrdreg s8  }
0x3b: {  	s9 =	smul.u32 $0xC7000, s18;
	[dreg:$0x18] =	wrdreg s10;
	s12 =	sadd.s32 s6, s5  }
0x3c: {  	s18 =	smul.u32 $0x18E00, s16;
	s26 =	smax.u32 s17, $0x1;
	s10 =	simm.s32 $0x3200  }
0x3d: {  	s16 =	simm.s32 $0x13200;
	s17 =	simm.s32 $0x2;
	[dreg:$0x16] =	wrdreg s1  }
0x3e: {  	s6 =	simm.s32 $0x9;
	s1 =	sadd.s32 s15, s3;
	[smem:$0x7FA] =	sst s26  }
0x3f: {  	s8 =	simm.s32 $0xD;
	s14 =	sadd.s32 $0x1000, s29;
	[dreg:$0x19] =	wrdreg s1  }
0x40: {  	s3 =	sadd.s32 s13, s11;
	s19 =	sadd.s32 $0x1800, s29;
	[dreg:$0x1a] =	wrdreg s14  }
0x41: {  	s2 =	sadd.s32 $0x2000, s29;
	s29 =	sadd.s32 $0x800, s7;
	[dreg:$0x1b] =	wrdreg s19  }
0x42: {  	s15 =	sshrl.u32 s9, $0x3;
	[dreg:$0x1c] =	wrdreg s2;
	s20 =	sadd.s32 s18, s3  }
0x43: {  	s1 =	sadd.s32 $0x4800, s12;
	[smem:$0x7FD] =	sst s29;
	s3 =	simm.s32 $0xE  }
0x44: {  	s2 =	simm.s32 $0x20;
	s9 =	simm.s32 $0x80;
	s12 =	simm.s32 $0xB200  }
0x45: {  	s14 =	simm.s32 $0xF200;
	s18 =	simm.s32 $0x6;
	s19 =	simm.s32 $0x4  }
0x46: {  	s5 =	sadd.s32 s11, s15;
	[smem:$0x7FB] =	sst s1;
	s28 =	sadd.s32 $0x2000, s20  }
0x47: {  	s11 =	simm.s32 $0x7200;
	s21 =	sadd.s32 $0x16800, s5;
	[smem:$0x7FC] =	sst s28  }
0x48: {  	s15 =	simm.s32 $0x1;
	s22 =	sadd.s32 $0x17000, s5;
	[dreg:$0x1d] =	wrdreg s21  }
0x49: {  	s1 =	simm.s32 $0x8;
	s23 =	sadd.s32 $0x17800, s5;
	[dreg:$0x1e] =	wrdreg s22  }
0x4a: {  	s20 =	simm.s32 $0x5;
	s24 =	sadd.s32 $0x18000, s5;
	[dreg:$0x1f] =	wrdreg s23  }
0x4b: {  	s25 =	sadd.s32 $0x18800, s5;
	s5 =	simm.s32 $0x7;
	[smem:$0x7F8] =	sst s24  }
0x4c: {  	[smem:$0x7F9] =	sst s25;
	s25 =	smov.u32 s7;
	s21 =	simm.s32 $0xA  }
0x4d: {  	v0 =	vimm.f32 $0.0e+00;
	s7 =	simm.s32 $0xB;
	s22 =	simm.s32 $0xC;
	s23 =	simm.s32 $0x0  }
.LBB3_1:
0x4e: {  	s13 =	rddreg [dreg:$0xf];
	s24 =	simm.s32 $0x1BD00  }
0x4f: {  	[tilespmem:s24], [sflag:$0xE] =	stream.linear.gather [hbm4b:s13+s4], $0x20, $0x38;
	[tilespmem:$0x1EE80] =	vst v63  }
0x50: {  	_ =	swait.ge [sflag:s3], $0x20  }
0x51: {  	[sflag:s3] =	ssyncset.done $0x0  }
0x52: {  	s26 =	simm.s32 $0x1CD80;
	s13 =	rddreg [dreg:$0x10];
	[sflag:s3] =	ssyncadd.s32 $0xFFFFFFE0  }
0x53: {  	[tilespmem:s26], [sflag:$0xE] =	stream.linear.gather [hbm4b:s13+s4], $0x20, $0x38;
	[tilespmem:$0x1EE80] =	vst v63  }
0x54: {  	_ =	swait.ge [sflag:s3], $0x20  }
0x55: {  	[sflag:s3] =	ssyncset.done $0x0  }
0x56: {  	s28 =	simm.s32 $0x1DE00;
	s13 =	rddreg [dreg:$0x11];
	[sflag:s3] =	ssyncadd.s32 $0xFFFFFFE0  }
0x57: {  	[tilespmem:s28], [sflag:$0xE] =	stream.linear.gather [hbm4b:s13+s4], $0x20, $0x38;
	[tilespmem:$0x1EE80] =	vst v63  }
0x58: {  	_ =	swait.ge [sflag:s3], $0x20  }
0x59: {  	[sflag:s3] =	ssyncset.done $0x0  }
0x5a: {  	[sflag:s3] =	ssyncadd.s32 $0xFFFFFFE0  }
0x5b: {  	[tilespmem:s30], [sflag:$0xB] =	stream.indirect.gather [hbm4b:s0+s2], $0x80, s24, s2, $0xb8;
	[tilespmem:$0x1EE80] =	vst v63  }
0x5c: {  	s29 =	simm.s32 $0x1CE00;
	s24 =	rddreg [dreg:$0x7]  }
0x5d: {  	[tilespmem:s29], [sflag:$0xC] =	stream.indirect.gather [hbm4b:s24+s2], $0x80, s26, s2, $0xb8;
	[tilespmem:$0x1EE80] =	vst v63  }
0x5e: {  	s30 =	rddreg [dreg:$0x8];
	s29 =	simm.s32 $0x1DE80  }
0x5f: {  	[tilespmem:s29], [sflag:$0xD] =	stream.indirect.gather [hbm4b:s30+s2], $0x80, s28, s2, $0xb8;
	[tilespmem:$0x1EE80] =	vst v63  }
0x60: {  	s24 =	rddreg [dreg:$0x12]  }
0x61: {  	[tilespmem:s4], [sflag:$0xE] =	stream.linear.gather [hbm4b:s24+s4], $0x1900, $0x38;
	[tilespmem:$0x1EE80] =	vst v63  }
0x62: {  	_ =	swait.ge [sflag:s3], $0x1900  }
0x63: {  	[sflag:s3] =	ssyncset.done $0x0  }
0x64: {  	s30 =	simm.s32 $0x1900;
	s26 =	rddreg [dreg:$0x13];
	[sflag:s3] =	ssyncadd.s32 $0xFFFFE700  }
0x65: {  	[tilespmem:s30], [sflag:$0xE] =	stream.linear.gather [hbm4b:s26+s4], $0x1900, $0x38;
	[tilespmem:$0x1EE80] =	vst v63  }
0x66: {  	_ =	swait.ge [sflag:s3], $0x1900  }
0x67: {  	[sflag:s3] =	ssyncset.done $0x0  }
0x68: {  	s26 =	simm.s32 $0x17200;
	s24 =	rddreg [dreg:$0x14];
	[sflag:s3] =	ssyncadd.s32 $0xFFFFE700  }
0x69: {  	[tilespmem:s26], [sflag:$0xE] =	stream.linear.gather [hbm4b:s24+s4], $0x1900, $0x38;
	[tilespmem:$0x1EE80] =	vst v63  }
0x6a: {  	_ =	swait.ge [sflag:s3], $0x1900  }
0x6b: {  	[sflag:s3] =	ssyncset.done $0x0  }
0x6c: {  	[sflag:s3] =	ssyncadd.s32 $0xFFFFE700  }
0x6d: {  	[tilespmem:s10], [sflag:$0x1] =	stream.indirect.gather [hbm4b:s0+s9], $0x80, s4, s9, $0xb8;
	[tilespmem:$0x1EE80] =	vst v63  }
0x6e: {  	_ = 	snop  }
0x6f: {  	[tilespmem:s11], [sflag:$0x2] =	stream.indirect.gather [hbm4b:s0+s9], $0x80, s9, s9, $0xb8;
	[tilespmem:$0x1EE80] =	vst v63  }
0x70: {  	s30 =	simm.s32 $0x100  }
0x71: {  	[tilespmem:s12], [sflag:$0x3] =	stream.indirect.gather [hbm4b:s0+s9], $0x80, s30, s9, $0xb8;
	[tilespmem:$0x1EE80] =	vst v63  }
0x72: {  	s24 =	simm.s32 $0x180  }
0x73: {  	[tilespmem:s14], [sflag:$0x4] =	stream.indirect.gather [hbm4b:s0+s9], $0x80, s24, s9, $0xb8;
	[tilespmem:$0x1EE80] =	vst v63  }
0x74: {  	_ =	swait.ge [sflag:s15], $0x4000  }
0x75: {  	[sflag:s15] =	ssyncset.done $0x0  }
0x76: {  	[sflag:s15] =	ssyncadd.s32 $0xFFFFC000  }
0x77: {  	v1 =	vld [tilespmem:$0x17200]  }
0x78: {  	v2 =	vld [tilespmem:$0x17210]  }
0x79: {  	v3 =	vld [tilespmem:$0x17220]  }
0x7a: {  	v4 =	vld [tilespmem:$0x17230]  }
0x7b: {  	v5 =	vld [tilespmem:$0x17240]  }
0x7c: {  	vm0 =	vgt.s32 v1, $0x0;
	v1 =	vld [tilespmem:$0x17250]  }
0x7d: {  	vm13 =	vgt.s32 v2, $0x0;
	v2 =	vld [tilespmem:$0x17260];
	v6 =	vsel vm0, $0x3F800000, v0  }
0x7e: {  	vm14 =	vgt.s32 v3, $0x0;
	v3 =	vld [tilespmem:$0x17270];
	v37 =	vsel vm13, $0x3F800000, v0;
	[tilespmem:$0x18B00] =	vst v6  }
0x7f: {  	vm15 =	vgt.s32 v4, $0x0;
	v38 =	vsel vm14, $0x3F800000, v0;
	[tilespmem:$0x18B10] =	vst v37  }
0x80: {  	vm4 =	vgt.s32 v5, $0x0;
	v4 =	vsel vm15, $0x3F800000, v0;
	[tilespmem:$0x18B20] =	vst v38  }
0x81: {  	v39 =	vsel vm4, $0x3F800000, v0;
	[tilespmem:$0x18B30] =	vst v4;
	vm5 =	vgt.s32 v1, $0x0  }
0x82: {  	[tilespmem:$0x18B40] =	vst v39;
	vm6 =	vgt.s32 v2, $0x0;
	v1 =	vsel vm5, $0x3F800000, v0  }
0x83: {  	vm7 =	vgt.s32 v3, $0x0;
	[tilespmem:$0x18B50] =	vst v1;
	v1 =	vsel vm6, $0x3F800000, v0  }
0x84: {  	[tilespmem:$0x18B60] =	vst v1;
	v1 =	vsel vm7, $0x3F800000, v0  }
0x85: {  	[tilespmem:$0x18B70] =	vst v1  }
0x86: {  	[hbm4b:s25+s4] =	stream.linear.scatter [tilespmem:s10], [sflag:$0x6], $0x4000, $0x38;
	[tilespmem:$0x1EE80] =	vst v63  }
0x87: {  	s26 =	simm.s32 $0x200  }
0x88: {  	[tilespmem:s16], [sflag:$0x5] =	stream.indirect.gather [hbm4b:s0+s9], $0x80, s26, s9, $0xb8;
	[tilespmem:$0x1EE80] =	vst v63  }
0x89: {  	_ =	swait.ge [sflag:s17], $0x4000  }
0x8a: {  	[sflag:s17] =	ssyncset.done $0x0  }
0x8b: {  	[sflag:s17] =	ssyncadd.s32 $0xFFFFC000  }
0x8c: {  	v1 =	vld [tilespmem:$0x17280]  }
0x8d: {  	v2 =	vld [tilespmem:$0x17290]  }
0x8e: {  	v3 =	vld [tilespmem:$0x172A0]  }
0x8f: {  	v40 =	vld [tilespmem:$0x172B0]  }
0x90: {  	v41 =	vld [tilespmem:$0x172C0]  }
0x91: {  	vm8 =	vgt.s32 v1, $0x0;
	v1 =	vld [tilespmem:$0x172D0]  }
0x92: {  	vm9 =	vgt.s32 v2, $0x0;
	v2 =	vld [tilespmem:$0x172E0];
	v42 =	vsel vm8, $0x3F800000, v0  }
0x93: {  	vm10 =	vgt.s32 v3, $0x0;
	v3 =	vld [tilespmem:$0x172F0];
	v43 =	vsel vm9, $0x3F800000, v0;
	[tilespmem:$0x18B80] =	vst v42  }
0x94: {  	vm11 =	vgt.s32 v40, $0x0;
	v44 =	vsel vm10, $0x3F800000, v0;
	[tilespmem:$0x18B90] =	vst v43  }
0x95: {  	vm12 =	vgt.s32 v41, $0x0;
	v4 =	vsel vm11, $0x3F800000, v0;
	[tilespmem:$0x18BA0] =	vst v44  }
0x96: {  	v45 =	vsel vm12, $0x3F800000, v0;
	[tilespmem:$0x18BB0] =	vst v4;
	vm13 =	vgt.s32 v1, $0x0  }
0x97: {  	[tilespmem:$0x18BC0] =	vst v45;
	vm14 =	vgt.s32 v2, $0x0;
	v1 =	vsel vm13, $0x3F800000, v0  }
0x98: {  	s30 =	sld [smem:$0x7FD];
	vm15 =	vgt.s32 v3, $0x0;
	[tilespmem:$0x18BD0] =	vst v1;
	v1 =	vsel vm14, $0x3F800000, v0  }
0x99: {  	[tilespmem:$0x18BE0] =	vst v1;
	v1 =	vsel vm15, $0x3F800000, v0  }
0x9a: {  	[tilespmem:$0x18BF0] =	vst v1  }
0x9b: {  	[hbm4b:s30+s4] =	stream.linear.scatter [tilespmem:s11], [sflag:$0x7], $0x4000, $0x38;
	[tilespmem:$0x1EE80] =	vst v63  }
0x9c: {  	_ =	swait.ge [sflag:s18], $0x4000  }
0x9d: {  	[sflag:s18] =	ssyncset.done $0x0  }
0x9e: {  	s24 =	simm.s32 $0x280;
	[sflag:s18] =	ssyncadd.s32 $0xFFFFC000  }
0x9f: {  	[tilespmem:s10], [sflag:$0x1] =	stream.indirect.gather [hbm4b:s0+s9], $0x80, s24, s9, $0xb8;
	[tilespmem:$0x1EE80] =	vst v63  }
0xa0: {  	_ =	swait.ge [sflag:s31], $0x4000  }
0xa1: {  	[sflag:s31] =	ssyncset.done $0x0  }
0xa2: {  	[sflag:s31] =	ssyncadd.s32 $0xFFFFC000  }
0xa3: {  	v1 =	vld [tilespmem:$0x17300]  }
0xa4: {  	v2 =	vld [tilespmem:$0x17310]  }
0xa5: {  	v3 =	vld [tilespmem:$0x17320]  }
0xa6: {  	v46 =	vld [tilespmem:$0x17330]  }
0xa7: {  	v47 =	vld [tilespmem:$0x17340]  }
0xa8: {  	vm4 =	vgt.s32 v1, $0x0;
	v1 =	vld [tilespmem:$0x17350]  }
0xa9: {  	vm5 =	vgt.s32 v2, $0x0;
	v2 =	vld [tilespmem:$0x17360];
	v48 =	vsel vm4, $0x3F800000, v0  }
0xaa: {  	vm6 =	vgt.s32 v3, $0x0;
	v3 =	vld [tilespmem:$0x17370];
	v49 =	vsel vm5, $0x3F800000, v0;
	[tilespmem:$0x18C00] =	vst v48  }
0xab: {  	vm7 =	vgt.s32 v46, $0x0;
	v50 =	vsel vm6, $0x3F800000, v0;
	[tilespmem:$0x18C10] =	vst v49  }
0xac: {  	vm8 =	vgt.s32 v47, $0x0;
	v4 =	vsel vm7, $0x3F800000, v0;
	[tilespmem:$0x18C20] =	vst v50  }
0xad: {  	v51 =	vsel vm8, $0x3F800000, v0;
	[tilespmem:$0x18C30] =	vst v4;
	vm9 =	vgt.s32 v1, $0x0  }
0xae: {  	[tilespmem:$0x18C40] =	vst v51;
	vm10 =	vgt.s32 v2, $0x0;
	v1 =	vsel vm9, $0x3F800000, v0  }
0xaf: {  	vm11 =	vgt.s32 v3, $0x0;
	[tilespmem:$0x18C50] =	vst v1;
	v1 =	vsel vm10, $0x3F800000, v0  }
0xb0: {  	[tilespmem:$0x18C60] =	vst v1;
	v1 =	vsel vm11, $0x3F800000, v0  }
0xb1: {  	s26 =	rddreg [dreg:$0x1a];
	[tilespmem:$0x18C70] =	vst v1  }
0xb2: {  	[hbm4b:s26+s4] =	stream.linear.scatter [tilespmem:s12], [sflag:$0x8], $0x4000, $0x38;
	[tilespmem:$0x1EE80] =	vst v63  }
0xb3: {  	_ =	swait.ge [sflag:s5], $0x4000  }
0xb4: {  	[sflag:s5] =	ssyncset.done $0x0  }
0xb5: {  	s30 =	simm.s32 $0x300;
	[sflag:s5] =	ssyncadd.s32 $0xFFFFC000  }
0xb6: {  	[tilespmem:s11], [sflag:$0x2] =	stream.indirect.gather [hbm4b:s0+s9], $0x80, s30, s9, $0xb8;
	[tilespmem:$0x1EE80] =	vst v63  }
0xb7: {  	_ =	swait.ge [sflag:s19], $0x4000  }
0xb8: {  	[sflag:s19] =	ssyncset.done $0x0  }
0xb9: {  	[sflag:s19] =	ssyncadd.s32 $0xFFFFC000  }
0xba: {  	v1 =	vld [tilespmem:$0x17380]  }
0xbb: {  	v2 =	vld [tilespmem:$0x17390]  }
0xbc: {  	v3 =	vld [tilespmem:$0x173A0]  }
0xbd: {  	v52 =	vld [tilespmem:$0x173B0]  }
0xbe: {  	v53 =	vld [tilespmem:$0x173C0]  }
0xbf: {  	vm12 =	vgt.s32 v1, $0x0;
	v1 =	vld [tilespmem:$0x173D0]  }
0xc0: {  	vm13 =	vgt.s32 v2, $0x0;
	v2 =	vld [tilespmem:$0x173E0];
	v54 =	vsel vm12, $0x3F800000, v0  }
0xc1: {  	vm14 =	vgt.s32 v3, $0x0;
	v3 =	vld [tilespmem:$0x173F0];
	v55 =	vsel vm13, $0x3F800000, v0;
	[tilespmem:$0x18C80] =	vst v54  }
0xc2: {  	vm15 =	vgt.s32 v52, $0x0;
	v56 =	vsel vm14, $0x3F800000, v0;
	[tilespmem:$0x18C90] =	vst v55  }
0xc3: {  	vm4 =	vgt.s32 v53, $0x0;
	v4 =	vsel vm15, $0x3F800000, v0;
	[tilespmem:$0x18CA0] =	vst v56  }
0xc4: {  	v57 =	vsel vm4, $0x3F800000, v0;
	[tilespmem:$0x18CB0] =	vst v4;
	vm5 =	vgt.s32 v1, $0x0  }
0xc5: {  	[tilespmem:$0x18CC0] =	vst v57;
	vm6 =	vgt.s32 v2, $0x0;
	v1 =	vsel vm5, $0x3F800000, v0  }
0xc6: {  	vm7 =	vgt.s32 v3, $0x0;
	[tilespmem:$0x18CD0] =	vst v1;
	v1 =	vsel vm6, $0x3F800000, v0  }
0xc7: {  	[tilespmem:$0x18CE0] =	vst v1;
	v1 =	vsel vm7, $0x3F800000, v0  }
0xc8: {  	s24 =	rddreg [dreg:$0x1b];
	[tilespmem:$0x18CF0] =	vst v1  }
0xc9: {  	[hbm4b:s24+s4] =	stream.linear.scatter [tilespmem:s14], [sflag:$0x9], $0x4000, $0x38;
	[tilespmem:$0x1EE80] =	vst v63  }
0xca: {  	_ =	swait.ge [sflag:s1], $0x4000  }
0xcb: {  	[sflag:s1] =	ssyncset.done $0x0  }
0xcc: {  	s26 =	simm.s32 $0x380;
	[sflag:s1] =	ssyncadd.s32 $0xFFFFC000  }
0xcd: {  	[tilespmem:s12], [sflag:$0x3] =	stream.indirect.gather [hbm4b:s0+s9], $0x80, s26, s9, $0xb8;
	[tilespmem:$0x1EE80] =	vst v63  }
0xce: {  	_ =	swait.ge [sflag:s20], $0x4000  }
0xcf: {  	[sflag:s20] =	ssyncset.done $0x0  }
0xd0: {  	[sflag:s20] =	ssyncadd.s32 $0xFFFFC000  }
0xd1: {  	v1 =	vld [tilespmem:$0x17400]  }
0xd2: {  	v2 =	vld [tilespmem:$0x17410]  }
0xd3: {  	v3 =	vld [tilespmem:$0x17420]  }
0xd4: {  	v58 =	vld [tilespmem:$0x17430]  }
0xd5: {  	v59 =	vld [tilespmem:$0x17440]  }
0xd6: {  	vm8 =	vgt.s32 v1, $0x0;
	v1 =	vld [tilespmem:$0x17450]  }
0xd7: {  	vm9 =	vgt.s32 v2, $0x0;
	v2 =	vld [tilespmem:$0x17460];
	v60 =	vsel vm8, $0x3F800000, v0  }
0xd8: {  	vm10 =	vgt.s32 v3, $0x0;
	v3 =	vld [tilespmem:$0x17470];
	v61 =	vsel vm9, $0x3F800000, v0;
	[tilespmem:$0x18D00] =	vst v60  }
0xd9: {  	vm11 =	vgt.s32 v58, $0x0;
	v62 =	vsel vm10, $0x3F800000, v0;
	[tilespmem:$0x18D10] =	vst v61  }
0xda: {  	vm12 =	vgt.s32 v59, $0x0;
	v4 =	vsel vm11, $0x3F800000, v0;
	[tilespmem:$0x18D20] =	vst v62  }
0xdb: {  	v63 =	vsel vm12, $0x3F800000, v0;
	[tilespmem:$0x18D30] =	vst v4;
	vm13 =	vgt.s32 v1, $0x0  }
0xdc: {  	[tilespmem:$0x18D40] =	vst v63;
	vm14 =	vgt.s32 v2, $0x0;
	v1 =	vsel vm13, $0x3F800000, v0  }
0xdd: {  	vm15 =	vgt.s32 v3, $0x0;
	[tilespmem:$0x18D50] =	vst v1;
	v1 =	vsel vm14, $0x3F800000, v0  }
0xde: {  	s30 =	rddreg [dreg:$0x1c];
	[tilespmem:$0x18D60] =	vst v1;
	v1 =	vsel vm15, $0x3F800000, v0  }
0xdf: {  	s26 =	simm.s32 $0x0;
	s28 =	sld [smem:$0x7FB];
	[tilespmem:$0x18D70] =	vst v1  }
0xe0: {  	[hbm4b:s30+s4] =	stream.linear.scatter [tilespmem:s16], [sflag:$0xA], $0x4000, $0x38;
	[tilespmem:$0x1EE80] =	vst v63  }
.LBB3_2:
0xe1: {  	_ =	swait.ge [sflag:s6], $0x4000  }
0xe2: {  	s30 =	sshra.s32 s26, $0x2;
	[sflag:s6] =	ssyncset.done $0x0  }
0xe3: {  	s24 =	sadd.s32 $0x400, s30;
	[sflag:s6] =	ssyncadd.s32 $0xFFFFC000  }
0xe4: {  	[tilespmem:s14], [sflag:$0x4] =	stream.indirect.gather [hbm4b:s0+s9], $0x80, s24, s9, $0xb8;
	[tilespmem:$0x1EE80] =	vst v63  }
0xe5: {  	_ =	swait.ge [sflag:s15], $0x4000  }
0xe6: {  	[sflag:s15] =	ssyncset.done $0x0  }
0xe7: {  	[sflag:s15] =	ssyncadd.s32 $0xFFFFC000  }
0xe8: {  	v1 =	vld [tilespmem:s30+$0x17480]  }
0xe9: {  	v2 =	vld [tilespmem:s30+$0x17490]  }
0xea: {  	v3 =	vld [tilespmem:s30+$0x174A0]  }
0xeb: {  	v4 =	vld [tilespmem:s30+$0x174B0]  }
0xec: {  	v5 =	vld [tilespmem:s30+$0x174C0]  }
0xed: {  	vm0 =	vgt.s32 v1, $0x0;
	v1 =	vld [tilespmem:s30+$0x174D0]  }
0xee: {  	vm13 =	vgt.s32 v2, $0x0;
	v2 =	vld [tilespmem:s30+$0x174E0];
	v6 =	vsel vm0, $0x3F800000, v0  }
0xef: {  	vm14 =	vgt.s32 v3, $0x0;
	v3 =	vld [tilespmem:s30+$0x174F0];
	v37 =	vsel vm13, $0x3F800000, v0;
	[tilespmem:s30+$0x18D80] =	vst v6  }
0xf0: {  	vm15 =	vgt.s32 v4, $0x0;
	v38 =	vsel vm14, $0x3F800000, v0;
	[tilespmem:s30+$0x18D90] =	vst v37  }
0xf1: {  	vm4 =	vgt.s32 v5, $0x0;
	v4 =	vsel vm15, $0x3F800000, v0;
	[tilespmem:s30+$0x18DA0] =	vst v38  }
0xf2: {  	v39 =	vsel vm4, $0x3F800000, v0;
	[tilespmem:s30+$0x18DB0] =	vst v4;
	vm5 =	vgt.s32 v1, $0x0  }
0xf3: {  	[tilespmem:s30+$0x18DC0] =	vst v39;
	vm6 =	vgt.s32 v2, $0x0;
	v1 =	vsel vm5, $0x3F800000, v0  }
0xf4: {  	vm7 =	vgt.s32 v3, $0x0;
	[tilespmem:s30+$0x18DD0] =	vst v1;
	v1 =	vsel vm6, $0x3F800000, v0  }
0xf5: {  	[tilespmem:s30+$0x18DE0] =	vst v1;
	v1 =	vsel vm7, $0x3F800000, v0  }
0xf6: {  	s13 =	sadd.s32 $0xFFFFE000, s28;
	s24 =	simm.s32 $0x0;
	[tilespmem:s30+$0x18DF0] =	vst v1  }
0xf7: {  	[hbm4b:s13+s24] =	stream.linear.scatter [tilespmem:s10], [sflag:$0x6], $0x4000, $0x38;
	[tilespmem:$0x1EE80] =	vst v63  }
0xf8: {  	_ =	swait.ge [sflag:s21], $0x4000  }
0xf9: {  	[sflag:s21] =	ssyncset.done $0x0  }
0xfa: {  	s13 =	sadd.s32 $0x480, s30;
	[sflag:s21] =	ssyncadd.s32 $0xFFFFC000  }
0xfb: {  	[tilespmem:s16], [sflag:$0x5] =	stream.indirect.gather [hbm4b:s0+s9], $0x80, s13, s9, $0xb8;
	[tilespmem:$0x1EE80] =	vst v63  }
0xfc: {  	_ =	swait.ge [sflag:s17], $0x4000  }
0xfd: {  	[sflag:s17] =	ssyncset.done $0x0  }
0xfe: {  	[sflag:s17] =	ssyncadd.s32 $0xFFFFC000  }
0xff: {  	v1 =	vld [tilespmem:s30+$0x17500]  }
0x100: {  	v2 =	vld [tilespmem:s30+$0x17510]  }
0x101: {  	v3 =	vld [tilespmem:s30+$0x17520]  }
0x102: {  	v40 =	vld [tilespmem:s30+$0x17530]  }
0x103: {  	v41 =	vld [tilespmem:s30+$0x17540]  }
0x104: {  	vm8 =	vgt.s32 v1, $0x0;
	v1 =	vld [tilespmem:s30+$0x17550]  }
0x105: {  	vm9 =	vgt.s32 v2, $0x0;
	v2 =	vld [tilespmem:s30+$0x17560];
	v42 =	vsel vm8, $0x3F800000, v0  }
0x106: {  	vm10 =	vgt.s32 v3, $0x0;
	v3 =	vld [tilespmem:s30+$0x17570];
	v43 =	vsel vm9, $0x3F800000, v0;
	[tilespmem:s30+$0x18E00] =	vst v42  }
0x107: {  	vm11 =	vgt.s32 v40, $0x0;
	v44 =	vsel vm10, $0x3F800000, v0;
	[tilespmem:s30+$0x18E10] =	vst v43  }
0x108: {  	vm12 =	vgt.s32 v41, $0x0;
	v4 =	vsel vm11, $0x3F800000, v0;
	[tilespmem:s30+$0x18E20] =	vst v44  }
0x109: {  	v45 =	vsel vm12, $0x3F800000, v0;
	[tilespmem:s30+$0x18E30] =	vst v4;
	vm13 =	vgt.s32 v1, $0x0  }
0x10a: {  	[tilespmem:s30+$0x18E40] =	vst v45;
	vm14 =	vgt.s32 v2, $0x0;
	v1 =	vsel vm13, $0x3F800000, v0  }
0x10b: {  	vm15 =	vgt.s32 v3, $0x0;
	[tilespmem:s30+$0x18E50] =	vst v1;
	v1 =	vsel vm14, $0x3F800000, v0  }
0x10c: {  	[tilespmem:s30+$0x18E60] =	vst v1;
	v1 =	vsel vm15, $0x3F800000, v0  }
0x10d: {  	s13 =	sadd.s32 $0xFFFFE800, s28;
	[tilespmem:s30+$0x18E70] =	vst v1  }
0x10e: {  	[hbm4b:s13+s24] =	stream.linear.scatter [tilespmem:s11], [sflag:$0x7], $0x4000, $0x38;
	[tilespmem:$0x1EE80] =	vst v63  }
0x10f: {  	_ =	swait.ge [sflag:s18], $0x4000  }
0x110: {  	[sflag:s18] =	ssyncset.done $0x0  }
0x111: {  	s13 =	sadd.s32 $0x500, s30;
	[sflag:s18] =	ssyncadd.s32 $0xFFFFC000  }
0x112: {  	[tilespmem:s10], [sflag:$0x1] =	stream.indirect.gather [hbm4b:s0+s9], $0x80, s13, s9, $0xb8;
	[tilespmem:$0x1EE80] =	vst v63  }
0x113: {  	_ =	swait.ge [sflag:s31], $0x4000  }
0x114: {  	[sflag:s31] =	ssyncset.done $0x0  }
0x115: {  	[sflag:s31] =	ssyncadd.s32 $0xFFFFC000  }
0x116: {  	v1 =	vld [tilespmem:s30+$0x17580]  }
0x117: {  	v2 =	vld [tilespmem:s30+$0x17590]  }
0x118: {  	v3 =	vld [tilespmem:s30+$0x175A0]  }
0x119: {  	v46 =	vld [tilespmem:s30+$0x175B0]  }
0x11a: {  	v47 =	vld [tilespmem:s30+$0x175C0]  }
0x11b: {  	vm4 =	vgt.s32 v1, $0x0;
	v1 =	vld [tilespmem:s30+$0x175D0]  }
0x11c: {  	vm5 =	vgt.s32 v2, $0x0;
	v2 =	vld [tilespmem:s30+$0x175E0];
	v48 =	vsel vm4, $0x3F800000, v0  }
0x11d: {  	vm6 =	vgt.s32 v3, $0x0;
	v3 =	vld [tilespmem:s30+$0x175F0];
	v49 =	vsel vm5, $0x3F800000, v0;
	[tilespmem:s30+$0x18E80] =	vst v48  }
0x11e: {  	vm7 =	vgt.s32 v46, $0x0;
	v50 =	vsel vm6, $0x3F800000, v0;
	[tilespmem:s30+$0x18E90] =	vst v49  }
0x11f: {  	vm8 =	vgt.s32 v47, $0x0;
	v4 =	vsel vm7, $0x3F800000, v0;
	[tilespmem:s30+$0x18EA0] =	vst v50  }
0x120: {  	v51 =	vsel vm8, $0x3F800000, v0;
	[tilespmem:s30+$0x18EB0] =	vst v4;
	vm9 =	vgt.s32 v1, $0x0  }
0x121: {  	[tilespmem:s30+$0x18EC0] =	vst v51;
	vm10 =	vgt.s32 v2, $0x0;
	v1 =	vsel vm9, $0x3F800000, v0  }
0x122: {  	vm11 =	vgt.s32 v3, $0x0;
	[tilespmem:s30+$0x18ED0] =	vst v1;
	v1 =	vsel vm10, $0x3F800000, v0  }
0x123: {  	[tilespmem:s30+$0x18EE0] =	vst v1;
	v1 =	vsel vm11, $0x3F800000, v0  }
0x124: {  	s13 =	sadd.s32 $0xFFFFF000, s28;
	[tilespmem:s30+$0x18EF0] =	vst v1  }
0x125: {  	[hbm4b:s13+s24] =	stream.linear.scatter [tilespmem:s12], [sflag:$0x8], $0x4000, $0x38;
	[tilespmem:$0x1EE80] =	vst v63  }
0x126: {  	_ =	swait.ge [sflag:s5], $0x4000  }
0x127: {  	[sflag:s5] =	ssyncset.done $0x0  }
0x128: {  	s13 =	sadd.s32 $0x580, s30;
	[sflag:s5] =	ssyncadd.s32 $0xFFFFC000  }
0x129: {  	[tilespmem:s11], [sflag:$0x2] =	stream.indirect.gather [hbm4b:s0+s9], $0x80, s13, s9, $0xb8;
	[tilespmem:$0x1EE80] =	vst v63  }
0x12a: {  	_ =	swait.ge [sflag:s19], $0x4000  }
0x12b: {  	[sflag:s19] =	ssyncset.done $0x0  }
0x12c: {  	[sflag:s19] =	ssyncadd.s32 $0xFFFFC000  }
0x12d: {  	v1 =	vld [tilespmem:s30+$0x17600]  }
0x12e: {  	v2 =	vld [tilespmem:s30+$0x17610]  }
0x12f: {  	v3 =	vld [tilespmem:s30+$0x17620]  }
0x130: {  	v52 =	vld [tilespmem:s30+$0x17630]  }
0x131: {  	v53 =	vld [tilespmem:s30+$0x17640]  }
0x132: {  	vm12 =	vgt.s32 v1, $0x0;
	v1 =	vld [tilespmem:s30+$0x17650]  }
0x133: {  	vm13 =	vgt.s32 v2, $0x0;
	v2 =	vld [tilespmem:s30+$0x17660];
	v54 =	vsel vm12, $0x3F800000, v0  }
0x134: {  	vm14 =	vgt.s32 v3, $0x0;
	v3 =	vld [tilespmem:s30+$0x17670];
	v55 =	vsel vm13, $0x3F800000, v0;
	[tilespmem:s30+$0x18F00] =	vst v54  }
0x135: {  	vm15 =	vgt.s32 v52, $0x0;
	v56 =	vsel vm14, $0x3F800000, v0;
	[tilespmem:s30+$0x18F10] =	vst v55  }
0x136: {  	vm4 =	vgt.s32 v53, $0x0;
	v4 =	vsel vm15, $0x3F800000, v0;
	[tilespmem:s30+$0x18F20] =	vst v56  }
0x137: {  	v57 =	vsel vm4, $0x3F800000, v0;
	[tilespmem:s30+$0x18F30] =	vst v4;
	vm5 =	vgt.s32 v1, $0x0  }
0x138: {  	[tilespmem:s30+$0x18F40] =	vst v57;
	vm6 =	vgt.s32 v2, $0x0;
	v1 =	vsel vm5, $0x3F800000, v0  }
0x139: {  	vm7 =	vgt.s32 v3, $0x0;
	[tilespmem:s30+$0x18F50] =	vst v1;
	v1 =	vsel vm6, $0x3F800000, v0  }
0x13a: {  	[tilespmem:s30+$0x18F60] =	vst v1;
	v1 =	vsel vm7, $0x3F800000, v0  }
0x13b: {  	s13 =	sadd.s32 $0xFFFFF800, s28;
	[tilespmem:s30+$0x18F70] =	vst v1  }
0x13c: {  	[hbm4b:s13+s24] =	stream.linear.scatter [tilespmem:s14], [sflag:$0x9], $0x4000, $0x38;
	[tilespmem:$0x1EE80] =	vst v63  }
0x13d: {  	_ =	swait.ge [sflag:s1], $0x4000  }
0x13e: {  	[sflag:s1] =	ssyncset.done $0x0  }
0x13f: {  	s13 =	sadd.s32 $0x600, s30;
	[sflag:s1] =	ssyncadd.s32 $0xFFFFC000  }
0x140: {  	[tilespmem:s12], [sflag:$0x3] =	stream.indirect.gather [hbm4b:s0+s9], $0x80, s13, s9, $0xb8;
	[tilespmem:$0x1EE80] =	vst v63  }
0x141: {  	_ =	swait.ge [sflag:s20], $0x4000  }
0x142: {  	[sflag:s20] =	ssyncset.done $0x0  }
0x143: {  	[sflag:s20] =	ssyncadd.s32 $0xFFFFC000  }
0x144: {  	v1 =	vld [tilespmem:s30+$0x17680]  }
0x145: {  	v2 =	vld [tilespmem:s30+$0x17690]  }
0x146: {  	v3 =	vld [tilespmem:s30+$0x176A0]  }
0x147: {  	v58 =	vld [tilespmem:s30+$0x176B0]  }
0x148: {  	v59 =	vld [tilespmem:s30+$0x176C0]  }
0x149: {  	vm8 =	vgt.s32 v1, $0x0;
	v1 =	vld [tilespmem:s30+$0x176D0]  }
0x14a: {  	vm9 =	vgt.s32 v2, $0x0;
	v2 =	vld [tilespmem:s30+$0x176E0];
	v60 =	vsel vm8, $0x3F800000, v0  }
0x14b: {  	vm10 =	vgt.s32 v3, $0x0;
	v3 =	vld [tilespmem:s30+$0x176F0];
	v61 =	vsel vm9, $0x3F800000, v0;
	[tilespmem:s30+$0x18F80] =	vst v60  }
0x14c: {  	vm11 =	vgt.s32 v58, $0x0;
	v62 =	vsel vm10, $0x3F800000, v0;
	[tilespmem:s30+$0x18F90] =	vst v61  }
0x14d: {  	vm12 =	vgt.s32 v59, $0x0;
	v4 =	vsel vm11, $0x3F800000, v0;
	[tilespmem:s30+$0x18FA0] =	vst v62  }
0x14e: {  	v63 =	vsel vm12, $0x3F800000, v0;
	[tilespmem:s30+$0x18FB0] =	vst v4;
	vm13 =	vgt.s32 v1, $0x0  }
0x14f: {  	p0 =	sne.s32 s26, $0x5000;
	[tilespmem:s30+$0x18FC0] =	vst v63;
	vm14 =	vgt.s32 v2, $0x0;
	v1 =	vsel vm13, $0x3F800000, v0  }
.Ltmp0:
0x150: {  	vm15 =	vgt.s32 v3, $0x0;
	[tilespmem:s30+$0x18FD0] =	vst v1;
	v1 =	vsel vm14, $0x3F800000, v0;
	(pc) =	sbr.rel @p0 .LBB3_2-.Ltmp0, $4  }
0x151: {  	[tilespmem:s30+$0x18FE0] =	vst v1;
	v1 =	vsel vm15, $0x3F800000, v0  }
0x152: {  	[tilespmem:s30+$0x18FF0] =	vst v1  }
0x153: {  	[hbm4b:s28+s24] =	stream.linear.scatter [tilespmem:s16], [sflag:$0xA], $0x4000, $0x38;
	[tilespmem:$0x1EE80] =	vst v63  }
0x154: {  	s26 =	sadd.s32 $0xA00, s26;
	s28 =	sadd.s32 $0x2800, s28  }
0x155: {  	s26 =	sld [smem:$0x7FC]  }
.LBB3_4:
0x156: {  	_ =	swait.ge [sflag:s6], $0x4000  }
0x157: {  	s28 =	sshra.s32 s24, $0x2;
	[sflag:s6] =	ssyncset.done $0x0  }
0x158: {  	s13 =	sadd.s32 $0x1A80, s28;
	[sflag:s6] =	ssyncadd.s32 $0xFFFFC000  }
0x159: {  	[tilespmem:s14], [sflag:$0x4] =	stream.indirect.gather [hbm4b:s0+s9], $0x80, s13, s9, $0xb8;
	[tilespmem:$0x1EE80] =	vst v63  }
0x15a: {  	_ =	swait.ge [sflag:s15], $0x4000  }
0x15b: {  	[sflag:s15] =	ssyncset.done $0x0  }
0x15c: {  	[sflag:s15] =	ssyncadd.s32 $0xFFFFC000  }
0x15d: {  	v1 =	vld [tilespmem:s28+$0x1900]  }
0x15e: {  	v2 =	vld [tilespmem:s28+$0x1910]  }
0x15f: {  	v3 =	vld [tilespmem:s28+$0x1920]  }
0x160: {  	v4 =	vld [tilespmem:s28+$0x1930]  }
0x161: {  	v5 =	vld [tilespmem:s28+$0x1940]  }
0x162: {  	vm0 =	vgt.s32 v1, $0x0;
	v1 =	vld [tilespmem:s28+$0x1950]  }
0x163: {  	vm13 =	vgt.s32 v2, $0x0;
	v2 =	vld [tilespmem:s28+$0x1960];
	v6 =	vsel vm0, $0x3F800000, v0  }
0x164: {  	vm14 =	vgt.s32 v3, $0x0;
	v3 =	vld [tilespmem:s28+$0x1970];
	v37 =	vsel vm13, $0x3F800000, v0;
	[tilespmem:s28+$0x1A400] =	vst v6  }
0x165: {  	vm15 =	vgt.s32 v4, $0x0;
	v38 =	vsel vm14, $0x3F800000, v0;
	[tilespmem:s28+$0x1A410] =	vst v37  }
0x166: {  	vm4 =	vgt.s32 v5, $0x0;
	v4 =	vsel vm15, $0x3F800000, v0;
	[tilespmem:s28+$0x1A420] =	vst v38  }
0x167: {  	v39 =	vsel vm4, $0x3F800000, v0;
	[tilespmem:s28+$0x1A430] =	vst v4;
	vm5 =	vgt.s32 v1, $0x0  }
0x168: {  	[tilespmem:s28+$0x1A440] =	vst v39;
	vm6 =	vgt.s32 v2, $0x0;
	v1 =	vsel vm5, $0x3F800000, v0  }
0x169: {  	vm7 =	vgt.s32 v3, $0x0;
	[tilespmem:s28+$0x1A450] =	vst v1;
	v1 =	vsel vm6, $0x3F800000, v0  }
0x16a: {  	[tilespmem:s28+$0x1A460] =	vst v1;
	v1 =	vsel vm7, $0x3F800000, v0  }
0x16b: {  	s30 =	sadd.s32 $0xFFFFE000, s26;
	[tilespmem:s28+$0x1A470] =	vst v1  }
0x16c: {  	[hbm4b:s30+s4] =	stream.linear.scatter [tilespmem:s10], [sflag:$0x6], $0x4000, $0x38;
	[tilespmem:$0x1EE80] =	vst v63  }
0x16d: {  	_ =	swait.ge [sflag:s21], $0x4000  }
0x16e: {  	[sflag:s21] =	ssyncset.done $0x0  }
0x16f: {  	s30 =	sadd.s32 $0x1B00, s28;
	[sflag:s21] =	ssyncadd.s32 $0xFFFFC000  }
0x170: {  	[tilespmem:s16], [sflag:$0x5] =	stream.indirect.gather [hbm4b:s0+s9], $0x80, s30, s9, $0xb8;
	[tilespmem:$0x1EE80] =	vst v63  }
0x171: {  	_ =	swait.ge [sflag:s17], $0x4000  }
0x172: {  	[sflag:s17] =	ssyncset.done $0x0  }
0x173: {  	[sflag:s17] =	ssyncadd.s32 $0xFFFFC000  }
0x174: {  	v1 =	vld [tilespmem:s28+$0x1980]  }
0x175: {  	v2 =	vld [tilespmem:s28+$0x1990]  }
0x176: {  	v3 =	vld [tilespmem:s28+$0x19A0]  }
0x177: {  	v40 =	vld [tilespmem:s28+$0x19B0]  }
0x178: {  	v41 =	vld [tilespmem:s28+$0x19C0]  }
0x179: {  	vm8 =	vgt.s32 v1, $0x0;
	v1 =	vld [tilespmem:s28+$0x19D0]  }
0x17a: {  	vm9 =	vgt.s32 v2, $0x0;
	v2 =	vld [tilespmem:s28+$0x19E0];
	v42 =	vsel vm8, $0x3F800000, v0  }
0x17b: {  	vm10 =	vgt.s32 v3, $0x0;
	v3 =	vld [tilespmem:s28+$0x19F0];
	v43 =	vsel vm9, $0x3F800000, v0;
	[tilespmem:s28+$0x1A480] =	vst v42  }
0x17c: {  	vm11 =	vgt.s32 v40, $0x0;
	v44 =	vsel vm10, $0x3F800000, v0;
	[tilespmem:s28+$0x1A490] =	vst v43  }
0x17d: {  	vm12 =	vgt.s32 v41, $0x0;
	v4 =	vsel vm11, $0x3F800000, v0;
	[tilespmem:s28+$0x1A4A0] =	vst v44  }
0x17e: {  	v45 =	vsel vm12, $0x3F800000, v0;
	[tilespmem:s28+$0x1A4B0] =	vst v4;
	vm13 =	vgt.s32 v1, $0x0  }
0x17f: {  	[tilespmem:s28+$0x1A4C0] =	vst v45;
	vm14 =	vgt.s32 v2, $0x0;
	v1 =	vsel vm13, $0x3F800000, v0  }
0x180: {  	vm15 =	vgt.s32 v3, $0x0;
	[tilespmem:s28+$0x1A4D0] =	vst v1;
	v1 =	vsel vm14, $0x3F800000, v0  }
0x181: {  	[tilespmem:s28+$0x1A4E0] =	vst v1;
	v1 =	vsel vm15, $0x3F800000, v0  }
0x182: {  	s30 =	sadd.s32 $0xFFFFE800, s26;
	[tilespmem:s28+$0x1A4F0] =	vst v1  }
0x183: {  	[hbm4b:s30+s4] =	stream.linear.scatter [tilespmem:s11], [sflag:$0x7], $0x4000, $0x38;
	[tilespmem:$0x1EE80] =	vst v63  }
0x184: {  	_ =	swait.ge [sflag:s18], $0x4000  }
0x185: {  	[sflag:s18] =	ssyncset.done $0x0  }
0x186: {  	s30 =	sadd.s32 $0x1B80, s28;
	[sflag:s18] =	ssyncadd.s32 $0xFFFFC000  }
0x187: {  	[tilespmem:s10], [sflag:$0x1] =	stream.indirect.gather [hbm4b:s0+s9], $0x80, s30, s9, $0xb8;
	[tilespmem:$0x1EE80] =	vst v63  }
0x188: {  	_ =	swait.ge [sflag:s31], $0x4000  }
0x189: {  	[sflag:s31] =	ssyncset.done $0x0  }
0x18a: {  	[sflag:s31] =	ssyncadd.s32 $0xFFFFC000  }
0x18b: {  	v1 =	vld [tilespmem:s28+$0x1A00]  }
0x18c: {  	v2 =	vld [tilespmem:s28+$0x1A10]  }
0x18d: {  	v3 =	vld [tilespmem:s28+$0x1A20]  }
0x18e: {  	v46 =	vld [tilespmem:s28+$0x1A30]  }
0x18f: {  	v47 =	vld [tilespmem:s28+$0x1A40]  }
0x190: {  	vm4 =	vgt.s32 v1, $0x0;
	v1 =	vld [tilespmem:s28+$0x1A50]  }
0x191: {  	vm5 =	vgt.s32 v2, $0x0;
	v2 =	vld [tilespmem:s28+$0x1A60];
	v48 =	vsel vm4, $0x3F800000, v0  }
0x192: {  	vm6 =	vgt.s32 v3, $0x0;
	v3 =	vld [tilespmem:s28+$0x1A70];
	v49 =	vsel vm5, $0x3F800000, v0;
	[tilespmem:s28+$0x1A500] =	vst v48  }
0x193: {  	vm7 =	vgt.s32 v46, $0x0;
	v50 =	vsel vm6, $0x3F800000, v0;
	[tilespmem:s28+$0x1A510] =	vst v49  }
0x194: {  	vm8 =	vgt.s32 v47, $0x0;
	v4 =	vsel vm7, $0x3F800000, v0;
	[tilespmem:s28+$0x1A520] =	vst v50  }
0x195: {  	v51 =	vsel vm8, $0x3F800000, v0;
	[tilespmem:s28+$0x1A530] =	vst v4;
	vm9 =	vgt.s32 v1, $0x0  }
0x196: {  	[tilespmem:s28+$0x1A540] =	vst v51;
	vm10 =	vgt.s32 v2, $0x0;
	v1 =	vsel vm9, $0x3F800000, v0  }
0x197: {  	vm11 =	vgt.s32 v3, $0x0;
	[tilespmem:s28+$0x1A550] =	vst v1;
	v1 =	vsel vm10, $0x3F800000, v0  }
0x198: {  	[tilespmem:s28+$0x1A560] =	vst v1;
	v1 =	vsel vm11, $0x3F800000, v0  }
0x199: {  	s30 =	sadd.s32 $0xFFFFF000, s26;
	[tilespmem:s28+$0x1A570] =	vst v1  }
0x19a: {  	[hbm4b:s30+s4] =	stream.linear.scatter [tilespmem:s12], [sflag:$0x8], $0x4000, $0x38;
	[tilespmem:$0x1EE80] =	vst v63  }
0x19b: {  	_ =	swait.ge [sflag:s5], $0x4000  }
0x19c: {  	[sflag:s5] =	ssyncset.done $0x0  }
0x19d: {  	s30 =	sadd.s32 $0x1C00, s28;
	[sflag:s5] =	ssyncadd.s32 $0xFFFFC000  }
0x19e: {  	[tilespmem:s11], [sflag:$0x2] =	stream.indirect.gather [hbm4b:s0+s9], $0x80, s30, s9, $0xb8;
	[tilespmem:$0x1EE80] =	vst v63  }
0x19f: {  	_ =	swait.ge [sflag:s19], $0x4000  }
0x1a0: {  	[sflag:s19] =	ssyncset.done $0x0  }
0x1a1: {  	[sflag:s19] =	ssyncadd.s32 $0xFFFFC000  }
0x1a2: {  	v1 =	vld [tilespmem:s28+$0x1A80]  }
0x1a3: {  	v2 =	vld [tilespmem:s28+$0x1A90]  }
0x1a4: {  	v3 =	vld [tilespmem:s28+$0x1AA0]  }
0x1a5: {  	v52 =	vld [tilespmem:s28+$0x1AB0]  }
0x1a6: {  	v53 =	vld [tilespmem:s28+$0x1AC0]  }
0x1a7: {  	vm12 =	vgt.s32 v1, $0x0;
	v1 =	vld [tilespmem:s28+$0x1AD0]  }
0x1a8: {  	vm13 =	vgt.s32 v2, $0x0;
	v2 =	vld [tilespmem:s28+$0x1AE0];
	v54 =	vsel vm12, $0x3F800000, v0  }
0x1a9: {  	vm14 =	vgt.s32 v3, $0x0;
	v3 =	vld [tilespmem:s28+$0x1AF0];
	v55 =	vsel vm13, $0x3F800000, v0;
	[tilespmem:s28+$0x1A580] =	vst v54  }
0x1aa: {  	vm15 =	vgt.s32 v52, $0x0;
	v56 =	vsel vm14, $0x3F800000, v0;
	[tilespmem:s28+$0x1A590] =	vst v55  }
0x1ab: {  	vm4 =	vgt.s32 v53, $0x0;
	v4 =	vsel vm15, $0x3F800000, v0;
	[tilespmem:s28+$0x1A5A0] =	vst v56  }
0x1ac: {  	v57 =	vsel vm4, $0x3F800000, v0;
	[tilespmem:s28+$0x1A5B0] =	vst v4;
	vm5 =	vgt.s32 v1, $0x0  }
0x1ad: {  	[tilespmem:s28+$0x1A5C0] =	vst v57;
	vm6 =	vgt.s32 v2, $0x0;
	v1 =	vsel vm5, $0x3F800000, v0  }
0x1ae: {  	vm7 =	vgt.s32 v3, $0x0;
	[tilespmem:s28+$0x1A5D0] =	vst v1;
	v1 =	vsel vm6, $0x3F800000, v0  }
0x1af: {  	[tilespmem:s28+$0x1A5E0] =	vst v1;
	v1 =	vsel vm7, $0x3F800000, v0  }
0x1b0: {  	s30 =	sadd.s32 $0xFFFFF800, s26;
	[tilespmem:s28+$0x1A5F0] =	vst v1  }
0x1b1: {  	[hbm4b:s30+s4] =	stream.linear.scatter [tilespmem:s14], [sflag:$0x9], $0x4000, $0x38;
	[tilespmem:$0x1EE80] =	vst v63  }
0x1b2: {  	_ =	swait.ge [sflag:s1], $0x4000  }
0x1b3: {  	[sflag:s1] =	ssyncset.done $0x0  }
0x1b4: {  	s30 =	sadd.s32 $0x1C80, s28;
	[sflag:s1] =	ssyncadd.s32 $0xFFFFC000  }
0x1b5: {  	[tilespmem:s12], [sflag:$0x3] =	stream.indirect.gather [hbm4b:s0+s9], $0x80, s30, s9, $0xb8;
	[tilespmem:$0x1EE80] =	vst v63  }
0x1b6: {  	_ =	swait.ge [sflag:s20], $0x4000  }
0x1b7: {  	[sflag:s20] =	ssyncset.done $0x0  }
0x1b8: {  	[sflag:s20] =	ssyncadd.s32 $0xFFFFC000  }
0x1b9: {  	v1 =	vld [tilespmem:s28+$0x1B00]  }
0x1ba: {  	v2 =	vld [tilespmem:s28+$0x1B10]  }
0x1bb: {  	v3 =	vld [tilespmem:s28+$0x1B20]  }
0x1bc: {  	v58 =	vld [tilespmem:s28+$0x1B30]  }
0x1bd: {  	v59 =	vld [tilespmem:s28+$0x1B40]  }
0x1be: {  	vm8 =	vgt.s32 v1, $0x0;
	v1 =	vld [tilespmem:s28+$0x1B50]  }
0x1bf: {  	vm9 =	vgt.s32 v2, $0x0;
	v2 =	vld [tilespmem:s28+$0x1B60];
	v60 =	vsel vm8, $0x3F800000, v0  }
0x1c0: {  	vm10 =	vgt.s32 v3, $0x0;
	v3 =	vld [tilespmem:s28+$0x1B70];
	v61 =	vsel vm9, $0x3F800000, v0;
	[tilespmem:s28+$0x1A600] =	vst v60  }
0x1c1: {  	vm11 =	vgt.s32 v58, $0x0;
	v62 =	vsel vm10, $0x3F800000, v0;
	[tilespmem:s28+$0x1A610] =	vst v61  }
0x1c2: {  	vm12 =	vgt.s32 v59, $0x0;
	v4 =	vsel vm11, $0x3F800000, v0;
	[tilespmem:s28+$0x1A620] =	vst v62  }
0x1c3: {  	v63 =	vsel vm12, $0x3F800000, v0;
	[tilespmem:s28+$0x1A630] =	vst v4;
	vm13 =	vgt.s32 v1, $0x0  }
0x1c4: {  	p0 =	sne.s32 s24, $0x5000;
	[tilespmem:s28+$0x1A640] =	vst v63;
	vm14 =	vgt.s32 v2, $0x0;
	v1 =	vsel vm13, $0x3F800000, v0  }
.Ltmp1:
0x1c5: {  	vm15 =	vgt.s32 v3, $0x0;
	[tilespmem:s28+$0x1A650] =	vst v1;
	v1 =	vsel vm14, $0x3F800000, v0;
	(pc) =	sbr.rel @p0 .LBB3_4-.Ltmp1, $4  }
0x1c6: {  	[tilespmem:s28+$0x1A660] =	vst v1;
	v1 =	vsel vm15, $0x3F800000, v0  }
0x1c7: {  	[tilespmem:s28+$0x1A670] =	vst v1  }
0x1c8: {  	[hbm4b:s26+s4] =	stream.linear.scatter [tilespmem:s16], [sflag:$0xA], $0x4000, $0x38;
	[tilespmem:$0x1EE80] =	vst v63  }
0x1c9: {  	s24 =	sadd.s32 $0xA00, s24;
	s26 =	sadd.s32 $0x2800, s26  }
0x1ca: {  	_ =	swait.ge [sflag:s6], $0x4000  }
0x1cb: {  	[sflag:s6] =	ssyncset.done $0x0  }
0x1cc: {  	s13 =	simm.s32 $0x3100;
	[sflag:s6] =	ssyncadd.s32 $0xFFFFC000  }
0x1cd: {  	[tilespmem:s14], [sflag:$0x4] =	stream.indirect.gather [hbm4b:s0+s9], $0x80, s13, s9, $0xb8;
	[tilespmem:$0x1EE80] =	vst v63  }
0x1ce: {  	_ =	swait.ge [sflag:s15], $0x4000  }
0x1cf: {  	[sflag:s15] =	ssyncset.done $0x0  }
0x1d0: {  	[sflag:s15] =	ssyncadd.s32 $0xFFFFC000  }
0x1d1: {  	v1 =	vld [tilespmem:$0x2F80]  }
0x1d2: {  	v2 =	vld [tilespmem:$0x2F90]  }
0x1d3: {  	v3 =	vld [tilespmem:$0x2FA0]  }
0x1d4: {  	v4 =	vld [tilespmem:$0x2FB0]  }
0x1d5: {  	v5 =	vld [tilespmem:$0x2FC0]  }
0x1d6: {  	vm0 =	vgt.s32 v1, $0x0;
	v1 =	vld [tilespmem:$0x2FD0]  }
0x1d7: {  	vm15 =	vgt.s32 v2, $0x0;
	v2 =	vld [tilespmem:$0x2FE0];
	v6 =	vsel vm0, $0x3F800000, v0  }
0x1d8: {  	vm4 =	vgt.s32 v3, $0x0;
	v3 =	vld [tilespmem:$0x2FF0];
	v40 =	vsel vm15, $0x3F800000, v0;
	[tilespmem:$0x1BA80] =	vst v6  }
0x1d9: {  	vm5 =	vgt.s32 v4, $0x0;
	v41 =	vsel vm4, $0x3F800000, v0;
	[tilespmem:$0x1BA90] =	vst v40  }
0x1da: {  	vm6 =	vgt.s32 v5, $0x0;
	v4 =	vsel vm5, $0x3F800000, v0;
	[tilespmem:$0x1BAA0] =	vst v41  }
0x1db: {  	v42 =	vsel vm6, $0x3F800000, v0;
	[tilespmem:$0x1BAB0] =	vst v4;
	vm7 =	vgt.s32 v1, $0x0  }
0x1dc: {  	[tilespmem:$0x1BAC0] =	vst v42;
	vm8 =	vgt.s32 v2, $0x0;
	v1 =	vsel vm7, $0x3F800000, v0  }
0x1dd: {  	vm9 =	vgt.s32 v3, $0x0;
	[tilespmem:$0x1BAD0] =	vst v1;
	v1 =	vsel vm8, $0x3F800000, v0  }
0x1de: {  	[tilespmem:$0x1BAE0] =	vst v1;
	v1 =	vsel vm9, $0x3F800000, v0  }
0x1df: {  	s28 =	rddreg [dreg:$0x1d];
	[tilespmem:$0x1BAF0] =	vst v1  }
0x1e0: {  	[hbm4b:s28+s4] =	stream.linear.scatter [tilespmem:s10], [sflag:$0x6], $0x4000, $0x38;
	[tilespmem:$0x1EE80] =	vst v63  }
0x1e1: {  	_ =	swait.ge [sflag:s21], $0x4000  }
0x1e2: {  	[sflag:s21] =	ssyncset.done $0x0  }
0x1e3: {  	s24 =	simm.s32 $0x3180;
	[sflag:s21] =	ssyncadd.s32 $0xFFFFC000  }
0x1e4: {  	[tilespmem:s16], [sflag:$0x5] =	stream.indirect.gather [hbm4b:s0+s9], $0x80, s24, s9, $0xb8;
	[tilespmem:$0x1EE80] =	vst v63  }
0x1e5: {  	_ =	swait.ge [sflag:s17], $0x4000  }
0x1e6: {  	[sflag:s17] =	ssyncset.done $0x0  }
0x1e7: {  	[sflag:s17] =	ssyncadd.s32 $0xFFFFC000  }
0x1e8: {  	v1 =	vld [tilespmem:$0x3000]  }
0x1e9: {  	v2 =	vld [tilespmem:$0x3010]  }
0x1ea: {  	v3 =	vld [tilespmem:$0x3020]  }
0x1eb: {  	v43 =	vld [tilespmem:$0x3030]  }
0x1ec: {  	v44 =	vld [tilespmem:$0x3040]  }
0x1ed: {  	vm10 =	vgt.s32 v1, $0x0;
	v1 =	vld [tilespmem:$0x3050]  }
0x1ee: {  	vm11 =	vgt.s32 v2, $0x0;
	v2 =	vld [tilespmem:$0x3060];
	v45 =	vsel vm10, $0x3F800000, v0  }
0x1ef: {  	vm12 =	vgt.s32 v3, $0x0;
	v3 =	vld [tilespmem:$0x3070];
	v46 =	vsel vm11, $0x3F800000, v0;
	[tilespmem:$0x1BB00] =	vst v45  }
0x1f0: {  	vm13 =	vgt.s32 v43, $0x0;
	v47 =	vsel vm12, $0x3F800000, v0;
	[tilespmem:$0x1BB10] =	vst v46  }
0x1f1: {  	vm14 =	vgt.s32 v44, $0x0;
	v4 =	vsel vm13, $0x3F800000, v0;
	[tilespmem:$0x1BB20] =	vst v47  }
0x1f2: {  	v48 =	vsel vm14, $0x3F800000, v0;
	[tilespmem:$0x1BB30] =	vst v4;
	vm15 =	vgt.s32 v1, $0x0  }
0x1f3: {  	[tilespmem:$0x1BB40] =	vst v48;
	vm4 =	vgt.s32 v2, $0x0;
	v1 =	vsel vm15, $0x3F800000, v0  }
0x1f4: {  	vm5 =	vgt.s32 v3, $0x0;
	[tilespmem:$0x1BB50] =	vst v1;
	v1 =	vsel vm4, $0x3F800000, v0  }
0x1f5: {  	[tilespmem:$0x1BB60] =	vst v1;
	v1 =	vsel vm5, $0x3F800000, v0  }
0x1f6: {  	s26 =	rddreg [dreg:$0x1e];
	[tilespmem:$0x1BB70] =	vst v1  }
0x1f7: {  	[hbm4b:s26+s4] =	stream.linear.scatter [tilespmem:s11], [sflag:$0x7], $0x4000, $0x38;
	[tilespmem:$0x1EE80] =	vst v63  }
0x1f8: {  	_ =	swait.ge [sflag:s31], $0x4000  }
0x1f9: {  	[sflag:s31] =	ssyncset.done $0x0  }
0x1fa: {  	[sflag:s31] =	ssyncadd.s32 $0xFFFFC000  }
0x1fb: {  	v1 =	vld [tilespmem:$0x3080]  }
0x1fc: {  	v2 =	vld [tilespmem:$0x3090]  }
0x1fd: {  	v3 =	vld [tilespmem:$0x30A0]  }
0x1fe: {  	v49 =	vld [tilespmem:$0x30B0]  }
0x1ff: {  	v50 =	vld [tilespmem:$0x30C0]  }
0x200: {  	vm6 =	vgt.s32 v1, $0x0;
	v1 =	vld [tilespmem:$0x30D0]  }
0x201: {  	vm7 =	vgt.s32 v2, $0x0;
	v2 =	vld [tilespmem:$0x30E0];
	v51 =	vsel vm6, $0x3F800000, v0  }
0x202: {  	vm8 =	vgt.s32 v3, $0x0;
	v3 =	vld [tilespmem:$0x30F0];
	v52 =	vsel vm7, $0x3F800000, v0;
	[tilespmem:$0x1BB80] =	vst v51  }
0x203: {  	vm9 =	vgt.s32 v49, $0x0;
	v53 =	vsel vm8, $0x3F800000, v0;
	[tilespmem:$0x1BB90] =	vst v52  }
0x204: {  	vm10 =	vgt.s32 v50, $0x0;
	v4 =	vsel vm9, $0x3F800000, v0;
	[tilespmem:$0x1BBA0] =	vst v53  }
0x205: {  	v54 =	vsel vm10, $0x3F800000, v0;
	[tilespmem:$0x1BBB0] =	vst v4;
	vm11 =	vgt.s32 v1, $0x0  }
0x206: {  	[tilespmem:$0x1BBC0] =	vst v54;
	vm12 =	vgt.s32 v2, $0x0;
	v1 =	vsel vm11, $0x3F800000, v0  }
0x207: {  	vm13 =	vgt.s32 v3, $0x0;
	[tilespmem:$0x1BBD0] =	vst v1;
	v1 =	vsel vm12, $0x3F800000, v0  }
0x208: {  	[tilespmem:$0x1BBE0] =	vst v1;
	v1 =	vsel vm13, $0x3F800000, v0  }
0x209: {  	s28 =	rddreg [dreg:$0x1f];
	[tilespmem:$0x1BBF0] =	vst v1  }
0x20a: {  	[hbm4b:s28+s4] =	stream.linear.scatter [tilespmem:s12], [sflag:$0x8], $0x4000, $0x38;
	[tilespmem:$0x1EE80] =	vst v63  }
0x20b: {  	_ =	swait.ge [sflag:s19], $0x4000  }
0x20c: {  	[sflag:s19] =	ssyncset.done $0x0  }
0x20d: {  	[sflag:s19] =	ssyncadd.s32 $0xFFFFC000  }
0x20e: {  	v1 =	vld [tilespmem:$0x3100]  }
0x20f: {  	v2 =	vld [tilespmem:$0x3110]  }
0x210: {  	v3 =	vld [tilespmem:$0x3120]  }
0x211: {  	v55 =	vld [tilespmem:$0x3130]  }
0x212: {  	v56 =	vld [tilespmem:$0x3140]  }
0x213: {  	vm14 =	vgt.s32 v1, $0x0;
	v1 =	vld [tilespmem:$0x3150]  }
0x214: {  	vm15 =	vgt.s32 v2, $0x0;
	v2 =	vld [tilespmem:$0x3160];
	v57 =	vsel vm14, $0x3F800000, v0  }
0x215: {  	vm4 =	vgt.s32 v3, $0x0;
	v3 =	vld [tilespmem:$0x3170];
	v58 =	vsel vm15, $0x3F800000, v0;
	[tilespmem:$0x1BC00] =	vst v57  }
0x216: {  	vm5 =	vgt.s32 v55, $0x0;
	v59 =	vsel vm4, $0x3F800000, v0;
	[tilespmem:$0x1BC10] =	vst v58  }
0x217: {  	vm6 =	vgt.s32 v56, $0x0;
	v4 =	vsel vm5, $0x3F800000, v0;
	[tilespmem:$0x1BC20] =	vst v59  }
0x218: {  	v60 =	vsel vm6, $0x3F800000, v0;
	[tilespmem:$0x1BC30] =	vst v4;
	vm7 =	vgt.s32 v1, $0x0  }
0x219: {  	[tilespmem:$0x1BC40] =	vst v60;
	vm8 =	vgt.s32 v2, $0x0;
	v1 =	vsel vm7, $0x3F800000, v0  }
0x21a: {  	s24 =	sld [smem:$0x7F8];
	vm9 =	vgt.s32 v3, $0x0;
	[tilespmem:$0x1BC50] =	vst v1;
	v1 =	vsel vm8, $0x3F800000, v0  }
0x21b: {  	[tilespmem:$0x1BC60] =	vst v1;
	v1 =	vsel vm9, $0x3F800000, v0  }
0x21c: {  	[tilespmem:$0x1BC70] =	vst v1  }
0x21d: {  	[hbm4b:s24+s4] =	stream.linear.scatter [tilespmem:s14], [sflag:$0x9], $0x4000, $0x38;
	[tilespmem:$0x1EE80] =	vst v63  }
0x21e: {  	_ =	swait.ge [sflag:s20], $0x4000  }
0x21f: {  	[sflag:s20] =	ssyncset.done $0x0  }
0x220: {  	[sflag:s20] =	ssyncadd.s32 $0xFFFFC000  }
0x221: {  	v1 =	vld [tilespmem:$0x3180]  }
0x222: {  	v2 =	vld [tilespmem:$0x3190]  }
0x223: {  	v3 =	vld [tilespmem:$0x31A0]  }
0x224: {  	v61 =	vld [tilespmem:$0x31B0]  }
0x225: {  	v62 =	vld [tilespmem:$0x31C0]  }
0x226: {  	vm10 =	vgt.s32 v1, $0x0;
	v1 =	vld [tilespmem:$0x31D0]  }
0x227: {  	vm11 =	vgt.s32 v2, $0x0;
	v63 =	vsel vm10, $0x3F800000, v0  }
0x228: {  	vm12 =	vgt.s32 v3, $0x0;
	v2 =	vsel vm11, $0x3F800000, v0;
	[tilespmem:$0x1BC80] =	vst v63  }
0x229: {  	vm13 =	vgt.s32 v61, $0x0;
	[tilespmem:$0x1BC90] =	vst v2;
	v2 =	vsel vm12, $0x3F800000, v0  }
0x22a: {  	vm14 =	vgt.s32 v62, $0x0;
	[tilespmem:$0x1BCA0] =	vst v2;
	v2 =	vsel vm13, $0x3F800000, v0  }
0x22b: {  	s26 =	sld [smem:$0x7F9];
	[tilespmem:$0x1BCB0] =	vst v2;
	v2 =	vsel vm14, $0x3F800000, v0;
	vm15 =	vgt.s32 v1, $0x0  }
0x22c: {  	[tilespmem:$0x1BCC0] =	vst v2;
	v1 =	vsel vm15, $0x3F800000, v0  }
0x22d: {  	[tilespmem:$0x1BCD0] =	vst v1  }
0x22e: {  	[hbm4b:s26+s4] =	stream.linear.scatter [tilespmem:s16], [sflag:$0xA], $0x3000, $0x38;
	[tilespmem:$0x1EE80] =	vst v63  }
0x22f: {  	s24 =	simm.s32 $0x18B00;
	s28 =	rddreg [dreg:$0x15]  }
0x230: {  	[hbm4b:s28+s4] =	stream.linear.scatter [tilespmem:s24], [sflag:$0xE], $0x1900, $0x38;
	[tilespmem:$0x1EE80] =	vst v63  }
0x231: {  	_ =	swait.ge [sflag:s3], $0x1900  }
0x232: {  	[sflag:s3] =	ssyncset.done $0x0  }
0x233: {  	s26 =	simm.s32 $0x1A400;
	s24 =	rddreg [dreg:$0x16];
	[sflag:s3] =	ssyncadd.s32 $0xFFFFE700  }
0x234: {  	[hbm4b:s24+s4] =	stream.linear.scatter [tilespmem:s26], [sflag:$0xE], $0x18E0, $0x38;
	[tilespmem:$0x1EE80] =	vst v63  }
0x235: {  	_ =	swait.ge [sflag:s3], $0x18E0  }
0x236: {  	[sflag:s3] =	ssyncset.done $0x0  }
0x237: {  	[sflag:s3] =	ssyncadd.s32 $0xFFFFE720  }
0x238: {  	_ =	swait.ge [sflag:s18], $0x4000  }
0x239: {  	[sflag:s18] =	ssyncset.done $0x0  }
0x23a: {  	[sflag:s18] =	ssyncadd.s32 $0xFFFFC000  }
0x23b: {  	_ =	swait.ge [sflag:s5], $0x4000  }
0x23c: {  	[sflag:s5] =	ssyncset.done $0x0  }
0x23d: {  	[sflag:s5] =	ssyncadd.s32 $0xFFFFC000  }
0x23e: {  	_ =	swait.ge [sflag:s1], $0x4000  }
0x23f: {  	[sflag:s1] =	ssyncset.done $0x0  }
0x240: {  	[sflag:s1] =	ssyncadd.s32 $0xFFFFC000  }
0x241: {  	_ =	swait.ge [sflag:s6], $0x4000  }
0x242: {  	[sflag:s6] =	ssyncset.done $0x0  }
0x243: {  	[sflag:s6] =	ssyncadd.s32 $0xFFFFC000  }
0x244: {  	_ =	swait.ge [sflag:s21], $0x3000  }
0x245: {  	[sflag:s21] =	ssyncset.done $0x0  }
0x246: {  	[sflag:s21] =	ssyncadd.s32 $0xFFFFD000  }
0x247: {  	_ =	swait.ge [sflag:s7], $0x1000  }
0x248: {  	[sflag:s7] =	ssyncset.done $0x0  }
0x249: {  	[sflag:s7] =	ssyncadd.s32 $0xFFFFF000  }
0x24a: {  	_ =	swait.ge [sflag:s22], $0x1000  }
0x24b: {  	[sflag:s22] =	ssyncset.done $0x0  }
0x24c: {  	[sflag:s22] =	ssyncadd.s32 $0xFFFFF000  }
0x24d: {  	_ =	swait.ge [sflag:s8], $0x1000  }
0x24e: {  	[sflag:s8] =	ssyncset.done $0x0  }
0x24f: {  	s30 =	simm.s32 $0x1BD80;
	s28 =	rddreg [dreg:$0x17];
	[sflag:s8] =	ssyncadd.s32 $0xFFFFF000  }
0x250: {  	[hbm4b:s28+s4] =	stream.linear.scatter [tilespmem:s30], [sflag:$0xE], $0x1000, $0x38;
	[tilespmem:$0x1EE80] =	vst v63  }
0x251: {  	_ =	swait.ge [sflag:s3], $0x1000  }
0x252: {  	[sflag:s3] =	ssyncset.done $0x0  }
0x253: {  	s26 =	simm.s32 $0x1CE00;
	s24 =	rddreg [dreg:$0x18];
	[sflag:s3] =	ssyncadd.s32 $0xFFFFF000  }
0x254: {  	[hbm4b:s24+s4] =	stream.linear.scatter [tilespmem:s26], [sflag:$0xE], $0x1000, $0x38;
	[tilespmem:$0x1EE80] =	vst v63  }
0x255: {  	_ =	swait.ge [sflag:s3], $0x1000  }
0x256: {  	[sflag:s3] =	ssyncset.done $0x0  }
0x257: {  	s28 =	rddreg [dreg:$0x19];
	[sflag:s3] =	ssyncadd.s32 $0xFFFFF000  }
0x258: {  	[hbm4b:s28+s4] =	stream.linear.scatter [tilespmem:s29], [sflag:$0xE], $0x1000, $0x38;
	[tilespmem:$0x1EE80] =	vst v63  }
0x259: {  	_ =	swait.ge [sflag:s3], $0x1000  }
0x25a: {  	s29 =	sld [smem:$0x7FA];
	_ =	sdelay $0x1  }
0x25b: {  	s23 =	sadd.s32 $0x1, s23  }
0x25c: {  	p0 =	sne.s32 s23, s29  }
.Ltmp2:
0x25d: {  	_ = 	snop;
	(pc) =	sbr.rel @p0 .LBB3_1-.Ltmp2, $3  }
0x25e: {  	_ =	sdelay $0x1  }
0x25f: {  	[sflag:s3] =	ssyncset.done $0x0  }
0x260: {  	[sflag:s3] =	ssyncadd.s32 $0xFFFFF000  }
0x261: {  	_ =	sfence.sel $0x180000  }
0x262: {  	[bflag:$0x0] =	sbarrier.arrive $0xFFFF  }
0x263: {  	_ =	strace $0x90000047  }
0x264: {  	s0 =	stileid.u32;
	[bflag:$0x2] =	sbarrier.arrive $0xFFFF  }
0x265: {  	p0 =	sne.s32 s0, $0x0;
	s0 =	rddreg [dreg:$0xe]  }
0x266: {  	s0 =	sadd.s32 @!p0 $0x100000, s0  }
0x267: {  	[sflag:s0] =	ssyncadd.tile.s32 @!p0 $0x1;
	_ =	shalt  }
.Lfunc_end3:
_tile_overlayer_lowered:
.L_overlay_start_3:
0x268: {  	(tag) =	ssettag $0x3  }
0x269: {  	s0 =	rddreg [dreg:$0x0];
	s2 =	stileid.u32  }
0x26a: {  	s1 =	rddreg [dreg:$0x1];
	p0 =	sne.s32 s2, $0x0  }
0x26b: {  	s3 =	rddreg [dreg:$0x2];
	[bflag:$0x3] =	sbarrier.arrive $0xFFFF;
	s2 =	simm.s32 @!p0 $0x1C0E  }
0x26c: {  	[timem:s3], [sflag:s2] =	dma.local @!p0 [hbm:s0], s1  }
0x26d: {  	s0 =	simm.s32 @!p0 $0xE  }
0x26e: {  	_ =	swait.ge @!p0 [sflag:s0], s1  }
0x26f: {  	s1 =	ssub.s32 @!p0 $0x0, s1;
	[sflag:s0] =	ssyncset.done @!p0 $0x0  }
0x270: {  	[sflag:s0] =	ssyncadd.s32 @!p0 s1  }
0x271: {  	[bflag:$0x3] =	sbarrier.arrive $0xFFFF  }
0x272: {  	_ =	shalt  }

</sc_bundles>
